<compile_context>
chip_gen: v7x
topology: tpu7x:2x2x1
jax: 0.10.2.dev20260603
libtpu: 0.0.44.dev20260713+nightly
codegen_flags: <defaults>
</compile_context>

<pallas_src>
import jax
import jax.numpy as jnp
from jax import lax
from jax.experimental import pallas as pl
from jax.experimental.pallas import tpu as pltpu
from jax.experimental.pallas import tpu_sc as plsc

N = 10000
D = 128
E = 320000
NPAD = N + 16
NC = 2
NS = 16
NW = NC * NS
K = 120
C = 84
EPAD = NW * C * K
NACC = 10112
RPT = NACC // NS

_PIECES = [(k * K, K) for k in range(RPT // K)]
if RPT % K:
    _PIECES.append((RPT - RPT % K, RPT % K))

_MESH = dict(core_axis_name="c", subcore_axis_name="s",
             num_cores=NC, num_subcores=NS)


def _worker():
    c = lax.axis_index("c")
    s = lax.axis_index("s")
    wid = c * NS + s
    return c, s * RPT, wid * C * K


def _make_agg_kernel(with_deg: bool = False):
    scratch = [
        pltpu.VMEM_SHARED((NACC, D), jnp.float32),
        pltpu.VMEM((K, D), jnp.float32),
        pltpu.VMEM((K, D), jnp.float32),
        pltpu.SemaphoreType.DMA,
        pltpu.SemaphoreType.DMA,
    ] + [pltpu.VMEM((K,), jnp.int32) for _ in range(8)] \
      + [pltpu.SemaphoreType.DMA for _ in range(4)]

    def body(feat, srcc, dstc, *rest):
        if with_deg:
            (out, outd, acc, r0, r1, sem0, sem1,
             si0, di0, si1, di1, si2, di2, si3, di3,
             smi0, smi1, smi2, smi3) = rest
        else:
            (out, acc, r0, r1, sem0, sem1,
             si0, di0, si1, di1, si2, di2, si3, di3,
             smi0, smi1, smi2, smi3) = rest
            outd = None
        c, rowbase, base = _worker()
        rows = (r0, r1)
        gsem = (sem0, sem1)
        sidx = (si0, si1, si2, si3)
        didx = (di0, di1, di2, di3)
        isem = (smi0, smi1, smi2, smi3)

        def idx_start(jc, p):
            pltpu.async_copy(srcc.at[pl.ds(base + jc * K, K)], sidx[p],
                             isem[p])
            pltpu.async_copy(dstc.at[pl.ds(base + jc * K, K)], didx[p],
                             isem[p])

        def idx_wait(jc, p):
            pltpu.make_async_copy(srcc.at[pl.ds(base + jc * K, K)], sidx[p],
                                  isem[p]).wait()
            pltpu.make_async_copy(dstc.at[pl.ds(base + jc * K, K)], didx[p],
                                  isem[p]).wait()

        for p in range(4):
            idx_start(p, p)

        def fill_body(i, carry):
            zero = jnp.zeros((16,), jnp.float32)
            for l in range(D // 16):
                r0[i, pl.ds(l * 16, 16)] = zero
            return carry

        lax.fori_loop(0, K, fill_body, 0)
        for off, sz in _PIECES:
            pltpu.sync_copy(r0.at[pl.ds(0, sz)],
                            acc.at[pl.ds(rowbase + off, sz)])
        idx_wait(0, 0)
        pltpu.async_copy(feat.at[sidx[0]], r0, sem0)
        idx_wait(1, 1)
        pltpu.async_copy(feat.at[sidx[1]], r1, sem1)
        plsc.subcore_barrier()

        def step(jc, b, p, prefetch_idx, start_next):
            pltpu.make_async_copy(feat.at[sidx[p]], rows[b], gsem[b]).wait()
            pltpu.sync_copy(rows[b], acc.at[didx[p]], add=True)
            if prefetch_idx:
                idx_start(jc + 4, p)
            if start_next:
                pn = (p + 2) % 4
                idx_wait(jc + 2, pn)
                pltpu.async_copy(feat.at[sidx[pn]], rows[b], gsem[b])

        def loop_body(j4, carry):
            for b4 in range(4):
                step(4 * j4 + b4, b4 % 2, b4, True, True)
            return carry

        lax.fori_loop(0, (C - 4) // 4, loop_body, 0)
        for b4 in range(4):
            step(C - 4 + b4, b4 % 2, b4, False, b4 < 2)

        plsc.subcore_barrier()
        for off, sz in _PIECES:
            pltpu.sync_copy(acc.at[pl.ds(rowbase + off, sz)],
                            r0.at[pl.ds(0, sz)])
            pltpu.sync_copy(r0.at[pl.ds(0, sz)],
                            out.at[c, pl.ds(rowbase + off, sz)])

        if not with_deg:
            return

        def fill2_body(i, carry):
            zero = jnp.zeros((16,), jnp.float32)
            one = jnp.full((16,), 1.0, dtype=jnp.float32)
            for l in range(D // 16):
                r0[i, pl.ds(l * 16, 16)] = zero
                r1[i, pl.ds(l * 16, 16)] = one
            return carry

        lax.fori_loop(0, K, fill2_body, 0)

        def didx_start(jc, p):
            pltpu.async_copy(dstc.at[pl.ds(base + jc * K, K)], didx[p],
                             isem[p])

        def didx_wait(jc, p):
            pltpu.make_async_copy(dstc.at[pl.ds(base + jc * K, K)], didx[p],
                                  isem[p]).wait()

        didx_start(0, 0)
        didx_start(1, 1)
        for off, sz in _PIECES:
            pltpu.sync_copy(r0.at[pl.ds(0, sz)],
                            acc.at[pl.ds(rowbase + off, sz)])
        plsc.subcore_barrier()

        def dstep(jc, p, prefetch_idx):
            didx_wait(jc, p)
            pltpu.sync_copy(r1, acc.at[didx[p]], add=True)
            if prefetch_idx:
                didx_start(jc + 2, p)

        def dloop_body(j2, carry):
            for b2 in range(2):
                dstep(2 * j2 + b2, b2, True)
            return carry

        lax.fori_loop(0, (C - 2) // 2, dloop_body, 0)
        dstep(C - 2, 0, False)
        dstep(C - 1, 1, False)

        plsc.subcore_barrier()
        for off, sz in _PIECES:
            pltpu.sync_copy(acc.at[pl.ds(rowbase + off, sz)],
                            r0.at[pl.ds(0, sz)])
            pltpu.sync_copy(r0.at[pl.ds(0, sz)],
                            outd.at[c, pl.ds(rowbase + off, sz)])

    out_type = jax.ShapeDtypeStruct((NC, NACC, D), jnp.float32)
    return pl.kernel(
        body,
        out_type=(out_type, out_type) if with_deg else out_type,
        mesh=plsc.VectorSubcoreMesh(**_MESH), scratch_types=scratch,
        name="sage_agg_deg" if with_deg else "sage_agg")


_R = 2000


def _make_lin_kernel(relu: bool):

    def body(p0, p1, d0, d1, xb, wl, wr, bb, ob):
        deg = jnp.maximum(d0[0, :, 0:1] + d1[0, :, 0:1], 1.0)
        mean = (p0[0] + p1[0]) / deg
        acc = jnp.dot(mean, wl[...], preferred_element_type=jnp.float32)
        acc = acc + jnp.dot(xb[...], wr[...],
                            preferred_element_type=jnp.float32)
        acc = acc + bb[...]
        if relu:
            acc = jnp.maximum(acc, 0.0)
        ob[...] = acc

    c0 = lambda i: (0, i, 0)
    c1 = lambda i: (1, i, 0)
    row = lambda i: (i, 0)
    full = lambda i: (0, 0)
    return pl.pallas_call(
        body,
        grid=(N // _R,),
        in_specs=[
            pl.BlockSpec((1, _R, D), c0),
            pl.BlockSpec((1, _R, D), c1),
            pl.BlockSpec((1, _R, D), c0),
            pl.BlockSpec((1, _R, D), c1),
            pl.BlockSpec((_R, D), row),
            pl.BlockSpec((D, D), full),
            pl.BlockSpec((D, D), full),
            pl.BlockSpec((1, D), full),
        ],
        out_specs=pl.BlockSpec((_R, D), row),
        out_shape=jax.ShapeDtypeStruct((N, D), jnp.float32),
        name="sage_lin_relu" if relu else "sage_lin",
    )


_agg = _make_agg_kernel()
_agg_deg = _make_agg_kernel(with_deg=True)
_lin_relu = _make_lin_kernel(relu=True)
_lin = _make_lin_kernel(relu=False)


def kernel(x, edge_index, W_l1, W_r1, b1, W_l2, W_r2, b2):
    src = edge_index[0].astype(jnp.int32)
    dst = edge_index[1].astype(jnp.int32)
    npd = EPAD - E
    pad_src = jnp.arange(npd, dtype=jnp.int32) % 4096
    pad_dst = N + (jnp.arange(npd, dtype=jnp.int32) % (NACC - N))
    srcc = jnp.concatenate([src, pad_src])
    dstc = jnp.concatenate([dst, pad_dst])

    part1, degp = _agg_deg(x, srcc, dstc)
    h = _lin_relu(part1, part1, degp, degp, x,
                  W_l1, W_r1, b1.reshape(1, D))
    part2 = _agg(h, srcc, dstc)
    out = _lin(part2, part2, degp, degp, h,
               W_l2, W_r2, b2.reshape(1, D))
    return out

# --- scband reference (transcript-rebuilt; emitter-appended) ---
"""Pipeline reference for scband-graph-sage-6176162971851 (READ-ONLY COPY).

The authoritative reference and input builder live on the scoring server;
editing this copy changes nothing except your own understanding.
"""

import jax, jax.numpy as jnp
import numpy as np

N_NODES = 10000
N_EDGES = 320000
D = 128
D_OUT = 128


def _sage_conv(x, edge_index, W_l, W_r, b):
    # PyG SAGEConv with mean aggregation:
    # out = lin_l(mean_{j in N(i)} x_j) + lin_r(x_i)
    src = edge_index[0]
    dst = edge_index[1]
    msgs = jnp.take(x, src, axis=0)
    agg = jax.ops.segment_sum(msgs, dst, num_segments=x.shape[0])
    deg = jax.ops.segment_sum(jnp.ones((edge_index.shape[1],), dtype=x.dtype), dst, num_segments=x.shape[0])
    mean = agg / jnp.clip(deg, 1.0, None)[:, None]
    return mean @ W_l + x @ W_r + b


def setup_inputs(seed: int = 0) -> dict:
    key = jax.random.key(seed)
    k = jax.random.split(key, 8)
    x = jax.random.normal(k[0], (N_NODES, D), dtype=jnp.float32)
    edge_index = jax.random.randint(k[1], (2, N_EDGES), 0, N_NODES, dtype=jnp.int64)
    s1 = 1.0 / np.sqrt(D)
    W_l1 = jax.random.uniform(k[2], (D, D), dtype=jnp.float32, minval=-s1, maxval=s1)
    W_r1 = jax.random.uniform(k[3], (D, D), dtype=jnp.float32, minval=-s1, maxval=s1)
    b1 = jnp.zeros((D,), dtype=jnp.float32)
    W_l2 = jax.random.uniform(k[4], (D, D_OUT), dtype=jnp.float32, minval=-s1, maxval=s1)
    W_r2 = jax.random.uniform(k[5], (D, D_OUT), dtype=jnp.float32, minval=-s1, maxval=s1)
    b2 = jnp.zeros((D_OUT,), dtype=jnp.float32)
    return {"x": x, "edge_index": edge_index, "W_l1": W_l1, "W_r1": W_r1, "b1": b1, "W_l2": W_l2, "W_r2": W_r2, "b2": b2}


def reference(x, edge_index, W_l1, W_r1, b1, W_l2, W_r2, b2):
    h = _sage_conv(x, edge_index, W_l1, W_r1, b1)
    # F.dropout in eval mode is identity
    h = jax.nn.relu(h)
    out = _sage_conv(h, edge_index, W_l2, W_r2, b2)
    return out

if __name__ == "__main__":
    import jax
    _d = setup_inputs()
    print(jax.jit(kernel)(*tuple(_d.values())))

</pallas_src>

<mosaic_0001>
#map = affine_map<(d0, d1) -> (0, 0)>
#map1 = affine_map<(d0, d1) -> (0)>
#map2 = affine_map<(d0, d1) -> (0, 0, 0)>
module attributes {stable_mosaic.version = 14 : i64} {
  func.func @sage_agg(%arg0: i32, %arg1: i32, %arg2: memref<10000x128xf32, #tpu.memory_space<hbm>>, %arg3: memref<322560xi32, #tpu.memory_space<hbm>>, %arg4: memref<322560xi32, #tpu.memory_space<hbm>>, %arg5: memref<2x10112x128xf32, #tpu.memory_space<hbm>>, %arg6: memref<10112x128xf32, #tpu.memory_space<vmem_shared>>, %arg7: memref<120x128xf32, #tpu.memory_space<vmem>>, %arg8: memref<120x128xf32, #tpu.memory_space<vmem>>, %arg9: memref<!tpu.dma_semaphore, #tpu.memory_space<semaphore_mem>>, %arg10: memref<!tpu.dma_semaphore, #tpu.memory_space<semaphore_mem>>, %arg11: memref<120xi32, #tpu.memory_space<vmem>>, %arg12: memref<120xi32, #tpu.memory_space<vmem>>, %arg13: memref<120xi32, #tpu.memory_space<vmem>>, %arg14: memref<120xi32, #tpu.memory_space<vmem>>, %arg15: memref<120xi32, #tpu.memory_space<vmem>>, %arg16: memref<120xi32, #tpu.memory_space<vmem>>, %arg17: memref<120xi32, #tpu.memory_space<vmem>>, %arg18: memref<120xi32, #tpu.memory_space<vmem>>, %arg19: memref<!tpu.dma_semaphore, #tpu.memory_space<semaphore_mem>>, %arg20: memref<!tpu.dma_semaphore, #tpu.memory_space<semaphore_mem>>, %arg21: memref<!tpu.dma_semaphore, #tpu.memory_space<semaphore_mem>>, %arg22: memref<!tpu.dma_semaphore, #tpu.memory_space<semaphore_mem>>) attributes {dimension_semantics = [#tpu.dimension_semantics<core_parallel>, #tpu.dimension_semantics<subcore_parallel>], iteration_bounds = array<i64: 2, 16>, scalar_prefetch = 0 : i64, scratch_operands = 17 : i64, tpu.core_type = #tpu.core_type<sc_vector_subcore>, window_params = [{transform_indices = #map}, {transform_indices = #map1}, {transform_indices = #map1}, {transform_indices = #map2}]} {
    %mul3A = arith.constant 16 : i32
    %mul3A_0 = arith.muli %arg0, %mul3A : i32
    %add3A = arith.addi %mul3A_0, %arg1 : i32
    %mul3A_1 = arith.constant 632 : i32
    %mul3A_2 = arith.muli %arg1, %mul3A_1 : i32
    %mul3A_3 = arith.constant 84 : i32
    %mul3A_4 = arith.muli %add3A, %mul3A_3 : i32
    %mul3A_5 = arith.constant 120 : i32
    %mul3A_6 = arith.muli %mul3A_4, %mul3A_5 : i32
    %add3A_7 = arith.constant 0 : i32
    %add3A_8 = arith.addi %mul3A_6, %add3A_7 : i32
    %dma_start3A = tpu.memref_slice %arg3[%add3A_8] : memref<322560xi32, #tpu.memory_space<hbm>> -> memref<120xi32, #tpu.memory_space<hbm>>
    %dma_start3A_9 = tpu.memref_slice %arg3[%add3A_8] : memref<322560xi32, #tpu.memory_space<hbm>> -> memref<120xi32, #tpu.memory_space<hbm>>
    tpu.enqueue_dma source(%dma_start3A_9 : memref<120xi32, #tpu.memory_space<hbm>>) target(%arg11 : memref<120xi32, #tpu.memory_space<vmem>>) target_semaphore(%arg19 : memref<!tpu.dma_semaphore, #tpu.memory_space<semaphore_mem>>)
    %add3A_10 = arith.constant 0 : i32
    %add3A_11 = arith.addi %mul3A_6, %add3A_10 : i32
    %dma_start3A_12 = tpu.memref_slice %arg4[%add3A_11] : memref<322560xi32, #tpu.memory_space<hbm>> -> memref<120xi32, #tpu.memory_space<hbm>>
    %dma_start3A_13 = tpu.memref_slice %arg4[%add3A_11] : memref<322560xi32, #tpu.memory_space<hbm>> -> memref<120xi32, #tpu.memory_space<hbm>>
    tpu.enqueue_dma source(%dma_start3A_13 : memref<120xi32, #tpu.memory_space<hbm>>) target(%arg12 : memref<120xi32, #tpu.memory_space<vmem>>) target_semaphore(%arg19 : memref<!tpu.dma_semaphore, #tpu.memory_space<semaphore_mem>>)
    %add3A_14 = arith.constant 120 : i32
    %add3A_15 = arith.addi %mul3A_6, %add3A_14 : i32
    %dma_start3A_16 = tpu.memref_slice %arg3[%add3A_15] : memref<322560xi32, #tpu.memory_space<hbm>> -> memref<120xi32, #tpu.memory_space<hbm>>
    %dma_start3A_17 = tpu.memref_slice %arg3[%add3A_15] : memref<322560xi32, #tpu.memory_space<hbm>> -> memref<120xi32, #tpu.memory_space<hbm>>
    tpu.enqueue_dma source(%dma_start3A_17 : memref<120xi32, #tpu.memory_space<hbm>>) target(%arg13 : memref<120xi32, #tpu.memory_space<vmem>>) target_semaphore(%arg20 : memref<!tpu.dma_semaphore, #tpu.memory_space<semaphore_mem>>)
    %add3A_18 = arith.constant 120 : i32
    %add3A_19 = arith.addi %mul3A_6, %add3A_18 : i32
    %dma_start3A_20 = tpu.memref_slice %arg4[%add3A_19] : memref<322560xi32, #tpu.memory_space<hbm>> -> memref<120xi32, #tpu.memory_space<hbm>>
    %dma_start3A_21 = tpu.memref_slice %arg4[%add3A_19] : memref<322560xi32, #tpu.memory_space<hbm>> -> memref<120xi32, #tpu.memory_space<hbm>>
    tpu.enqueue_dma source(%dma_start3A_21 : memref<120xi32, #tpu.memory_space<hbm>>) target(%arg14 : memref<120xi32, #tpu.memory_space<vmem>>) target_semaphore(%arg20 : memref<!tpu.dma_semaphore, #tpu.memory_space<semaphore_mem>>)
    %add3A_22 = arith.constant 240 : i32
    %add3A_23 = arith.addi %mul3A_6, %add3A_22 : i32
    %dma_start3A_24 = tpu.memref_slice %arg3[%add3A_23] : memref<322560xi32, #tpu.memory_space<hbm>> -> memref<120xi32, #tpu.memory_space<hbm>>
    %dma_start3A_25 = tpu.memref_slice %arg3[%add3A_23] : memref<322560xi32, #tpu.memory_space<hbm>> -> memref<120xi32, #tpu.memory_space<hbm>>
    tpu.enqueue_dma source(%dma_start3A_25 : memref<120xi32, #tpu.memory_space<hbm>>) target(%arg15 : memref<120xi32, #tpu.memory_space<vmem>>) target_semaphore(%arg21 : memref<!tpu.dma_semaphore, #tpu.memory_space<semaphore_mem>>)
    %add3A_26 = arith.constant 240 : i32
    %add3A_27 = arith.addi %mul3A_6, %add3A_26 : i32
    %dma_start3A_28 = tpu.memref_slice %arg4[%add3A_27] : memref<322560xi32, #tpu.memory_space<hbm>> -> memref<120xi32, #tpu.memory_space<hbm>>
    %dma_start3A_29 = tpu.memref_slice %arg4[%add3A_27] : memref<322560xi32, #tpu.memory_space<hbm>> -> memref<120xi32, #tpu.memory_space<hbm>>
    tpu.enqueue_dma source(%dma_start3A_29 : memref<120xi32, #tpu.memory_space<hbm>>) target(%arg16 : memref<120xi32, #tpu.memory_space<vmem>>) target_semaphore(%arg21 : memref<!tpu.dma_semaphore, #tpu.memory_space<semaphore_mem>>)
    %add3A_30 = arith.constant 360 : i32
    %add3A_31 = arith.addi %mul3A_6, %add3A_30 : i32
    %dma_start3A_32 = tpu.memref_slice %arg3[%add3A_31] : memref<322560xi32, #tpu.memory_space<hbm>> -> memref<120xi32, #tpu.memory_space<hbm>>
    %dma_start3A_33 = tpu.memref_slice %arg3[%add3A_31] : memref<322560xi32, #tpu.memory_space<hbm>> -> memref<120xi32, #tpu.memory_space<hbm>>
    tpu.enqueue_dma source(%dma_start3A_33 : memref<120xi32, #tpu.memory_space<hbm>>) target(%arg17 : memref<120xi32, #tpu.memory_space<vmem>>) target_semaphore(%arg22 : memref<!tpu.dma_semaphore, #tpu.memory_space<semaphore_mem>>)
    %add3A_34 = arith.constant 360 : i32
    %add3A_35 = arith.addi %mul3A_6, %add3A_34 : i32
    %dma_start3A_36 = tpu.memref_slice %arg4[%add3A_35] : memref<322560xi32, #tpu.memory_space<hbm>> -> memref<120xi32, #tpu.memory_space<hbm>>
    %dma_start3A_37 = tpu.memref_slice %arg4[%add3A_35] : memref<322560xi32, #tpu.memory_space<hbm>> -> memref<120xi32, #tpu.memory_space<hbm>>
    tpu.enqueue_dma source(%dma_start3A_37 : memref<120xi32, #tpu.memory_space<hbm>>) target(%arg18 : memref<120xi32, #tpu.memory_space<vmem>>) target_semaphore(%arg22 : memref<!tpu.dma_semaphore, #tpu.memory_space<semaphore_mem>>)
    %scan3A = arith.constant 0 : i32
    %scan3A_38 = arith.constant 0 : i32
    %scan3A_39 = arith.constant 120 : i32
    %scan3A_40 = arith.addi %scan3A_38, %scan3A_39 : i32
    %scan3A_41 = arith.constant 1 : i32
    scf.for %scan3A_141 = %scan3A_38 to %scan3A_40 step %scan3A_41  : i32 {
      %broadcast_in_dim3A = arith.constant 0.000000e+00 : f32
      %broadcast_in_dim3A_142 = vector.broadcast %broadcast_in_dim3A : f32 to vector<16xf32>
      %swap3A = arith.index_cast %scan3A_141 : i32 to index
      %swap3A_143 = arith.constant 0 : index
      %swap3A_144 = tpu.vector_load %arg7[%swap3A, %swap3A_143] {strides = array<i32>} : memref<120x128xf32, #tpu.memory_space<vmem>>, vector<1x16xf32>,
      %swap3A_145 = vector.shape_cast %swap3A_144 : vector<1x16xf32> to vector<16xf32>
      %swap3A_146 = vector.shape_cast %broadcast_in_dim3A_142 : vector<16xf32> to vector<1x16xf32>
      tpu.vector_store %arg7[%swap3A, %swap3A_143], %swap3A_146 {strides = array<i32>} : memref<120x128xf32, #tpu.memory_space<vmem>>, vector<1x16xf32>,
      %swap3A_147 = arith.index_cast %scan3A_141 : i32 to index
      %swap3A_148 = arith.constant 16 : index
      %swap3A_149 = tpu.vector_load %arg7[%swap3A_147, %swap3A_148] {strides = array<i32>} : memref<120x128xf32, #tpu.memory_space<vmem>>, vector<1x16xf32>,
      %swap3A_150 = vector.shape_cast %swap3A_149 : vector<1x16xf32> to vector<16xf32>
      %swap3A_151 = vector.shape_cast %broadcast_in_dim3A_142 : vector<16xf32> to vector<1x16xf32>
      tpu.vector_store %arg7[%swap3A_147, %swap3A_148], %swap3A_151 {strides = array<i32>} : memref<120x128xf32, #tpu.memory_space<vmem>>, vector<1x16xf32>,
      %swap3A_152 = arith.index_cast %scan3A_141 : i32 to index
      %swap3A_153 = arith.constant 32 : index
      %swap3A_154 = tpu.vector_load %arg7[%swap3A_152, %swap3A_153] {strides = array<i32>} : memref<120x128xf32, #tpu.memory_space<vmem>>, vector<1x16xf32>,
      %swap3A_155 = vector.shape_cast %swap3A_154 : vector<1x16xf32> to vector<16xf32>
      %swap3A_156 = vector.shape_cast %broadcast_in_dim3A_142 : vector<16xf32> to vector<1x16xf32>
      tpu.vector_store %arg7[%swap3A_152, %swap3A_153], %swap3A_156 {strides = array<i32>} : memref<120x128xf32, #tpu.memory_space<vmem>>, vector<1x16xf32>,
      %swap3A_157 = arith.index_cast %scan3A_141 : i32 to index
      %swap3A_158 = arith.constant 48 : index
      %swap3A_159 = tpu.vector_load %arg7[%swap3A_157, %swap3A_158] {strides = array<i32>} : memref<120x128xf32, #tpu.memory_space<vmem>>, vector<1x16xf32>,
      %swap3A_160 = vector.shape_cast %swap3A_159 : vector<1x16xf32> to vector<16xf32>
      %swap3A_161 = vector.shape_cast %broadcast_in_dim3A_142 : vector<16xf32> to vector<1x16xf32>
      tpu.vector_store %arg7[%swap3A_157, %swap3A_158], %swap3A_161 {strides = array<i32>} : memref<120x128xf32, #tpu.memory_space<vmem>>, vector<1x16xf32>,
      %swap3A_162 = arith.index_cast %scan3A_141 : i32 to index
      %swap3A_163 = arith.constant 64 : index
      %swap3A_164 = tpu.vector_load %arg7[%swap3A_162, %swap3A_163] {strides = array<i32>} : memref<120x128xf32, #tpu.memory_space<vmem>>, vector<1x16xf32>,
      %swap3A_165 = vector.shape_cast %swap3A_164 : vector<1x16xf32> to vector<16xf32>
      %swap3A_166 = vector.shape_cast %broadcast_in_dim3A_142 : vector<16xf32> to vector<1x16xf32>
      tpu.vector_store %arg7[%swap3A_162, %swap3A_163], %swap3A_166 {strides = array<i32>} : memref<120x128xf32, #tpu.memory_space<vmem>>, vector<1x16xf32>,
      %swap3A_167 = arith.index_cast %scan3A_141 : i32 to index
      %swap3A_168 = arith.constant 80 : index
      %swap3A_169 = tpu.vector_load %arg7[%swap3A_167, %swap3A_168] {strides = array<i32>} : memref<120x128xf32, #tpu.memory_space<vmem>>, vector<1x16xf32>,
      %swap3A_170 = vector.shape_cast %swap3A_169 : vector<1x16xf32> to vector<16xf32>
      %swap3A_171 = vector.shape_cast %broadcast_in_dim3A_142 : vector<16xf32> to vector<1x16xf32>
      tpu.vector_store %arg7[%swap3A_167, %swap3A_168], %swap3A_171 {strides = array<i32>} : memref<120x128xf32, #tpu.memory_space<vmem>>, vector<1x16xf32>,
      %swap3A_172 = arith.index_cast %scan3A_141 : i32 to index
      %swap3A_173 = arith.constant 96 : index
      %swap3A_174 = tpu.vector_load %arg7[%swap3A_172, %swap3A_173] {strides = array<i32>} : memref<120x128xf32, #tpu.memory_space<vmem>>, vector<1x16xf32>,
      %swap3A_175 = vector.shape_cast %swap3A_174 : vector<1x16xf32> to vector<16xf32>
      %swap3A_176 = vector.shape_cast %broadcast_in_dim3A_142 : vector<16xf32> to vector<1x16xf32>
      tpu.vector_store %arg7[%swap3A_172, %swap3A_173], %swap3A_176 {strides = array<i32>} : memref<120x128xf32, #tpu.memory_space<vmem>>, vector<1x16xf32>,
      %swap3A_177 = arith.index_cast %scan3A_141 : i32 to index
      %swap3A_178 = arith.constant 112 : index
      %swap3A_179 = tpu.vector_load %arg7[%swap3A_177, %swap3A_178] {strides = array<i32>} : memref<120x128xf32, #tpu.memory_space<vmem>>, vector<1x16xf32>,
      %swap3A_180 = vector.shape_cast %swap3A_179 : vector<1x16xf32> to vector<16xf32>
      %swap3A_181 = vector.shape_cast %broadcast_in_dim3A_142 : vector<16xf32> to vector<1x16xf32>
      tpu.vector_store %arg7[%swap3A_177, %swap3A_178], %swap3A_181 {strides = array<i32>} : memref<120x128xf32, #tpu.memory_space<vmem>>, vector<1x16xf32>,
    }
    %scan3A_42 = arith.constant 120 : i32
    %add3A_43 = arith.constant 0 : i32
    %add3A_44 = arith.addi %mul3A_2, %add3A_43 : i32
    "tpu.region"() ({
      %run_scoped3A = tpu.sem_alloc : memref<!tpu.dma_semaphore, #tpu.memory_space<semaphore_mem>>
      %dma_start3A_141 = arith.constant 0 : i32
      %dma_start3A_142 = arith.constant 0 : i32
      %dma_start3A_143 = tpu.memref_slice %arg7[%dma_start3A_141, %dma_start3A_142] : memref<120x128xf32, #tpu.memory_space<vmem>> -> memref<120x128xf32, #tpu.memory_space<vmem>>
      %dma_start3A_144 = arith.constant 0 : i32
      %dma_start3A_145 = tpu.memref_slice %arg6[%add3A_44, %dma_start3A_144] : memref<10112x128xf32, #tpu.memory_space<vmem_shared>> -> memref<120x128xf32, #tpu.memory_space<vmem_shared>>
      %dma_start3A_146 = arith.constant 0 : i32
      %dma_start3A_147 = tpu.memref_slice %arg6[%add3A_44, %dma_start3A_146] : memref<10112x128xf32, #tpu.memory_space<vmem_shared>> -> memref<120x128xf32, #tpu.memory_space<vmem_shared>>
      %dma_start3A_148 = arith.constant 0 : i32
      %dma_start3A_149 = arith.constant 0 : i32
      %dma_start3A_150 = tpu.memref_slice %arg7[%dma_start3A_148, %dma_start3A_149] : memref<120x128xf32, #tpu.memory_space<vmem>> -> memref<120x128xf32, #tpu.memory_space<vmem>>
      tpu.enqueue_dma source(%dma_start3A_150 : memref<120x128xf32, #tpu.memory_space<vmem>>) target(%dma_start3A_147 : memref<120x128xf32, #tpu.memory_space<vmem_shared>>) target_semaphore(%run_scoped3A : memref<!tpu.dma_semaphore, #tpu.memory_space<semaphore_mem>>)
      %dma_wait3A_151 = arith.constant 0 : i32
      %dma_wait3A_152 = arith.constant 0 : i32
      %dma_wait3A_153 = tpu.memref_slice %arg7[%dma_wait3A_151, %dma_wait3A_152] : memref<120x128xf32, #tpu.memory_space<vmem>> -> memref<120x128xf32, #tpu.memory_space<vmem>>
      %dma_wait3A_154 = arith.constant 0 : i32
      %dma_wait3A_155 = tpu.memref_slice %arg6[%add3A_44, %dma_wait3A_154] : memref<10112x128xf32, #tpu.memory_space<vmem_shared>> -> memref<120x128xf32, #tpu.memory_space<vmem_shared>>
      %dma_wait3A_156 = arith.constant 0 : i32
      %dma_wait3A_157 = tpu.memref_slice %arg6[%add3A_44, %dma_wait3A_156] : memref<10112x128xf32, #tpu.memory_space<vmem_shared>> -> memref<120x128xf32, #tpu.memory_space<vmem_shared>>
      %dma_wait3A_158 = arith.constant 0 : i32
      %dma_wait3A_159 = arith.constant 0 : i32
      %dma_wait3A_160 = tpu.memref_slice %arg7[%dma_wait3A_158, %dma_wait3A_159] : memref<120x128xf32, #tpu.memory_space<vmem>> -> memref<120x128xf32, #tpu.memory_space<vmem>>
      tpu.wait_dma2 semaphore(%run_scoped3A : memref<!tpu.dma_semaphore, #tpu.memory_space<semaphore_mem>>) src(%dma_wait3A_160 : memref<120x128xf32, #tpu.memory_space<vmem>>) dst(%dma_wait3A_157 : memref<120x128xf32, #tpu.memory_space<vmem_shared>>)
      tpu.yield
    }) : () -> ()
    %add3A_45 = arith.constant 120 : i32
    %add3A_46 = arith.addi %mul3A_2, %add3A_45 : i32
    "tpu.region"() ({
      %run_scoped3A = tpu.sem_alloc : memref<!tpu.dma_semaphore, #tpu.memory_space<semaphore_mem>>
      %dma_start3A_141 = arith.constant 0 : i32
      %dma_start3A_142 = arith.constant 0 : i32
      %dma_start3A_143 = tpu.memref_slice %arg7[%dma_start3A_141, %dma_start3A_142] : memref<120x128xf32, #tpu.memory_space<vmem>> -> memref<120x128xf32, #tpu.memory_space<vmem>>
      %dma_start3A_144 = arith.constant 0 : i32
      %dma_start3A_145 = tpu.memref_slice %arg6[%add3A_46, %dma_start3A_144] : memref<10112x128xf32, #tpu.memory_space<vmem_shared>> -> memref<120x128xf32, #tpu.memory_space<vmem_shared>>
      %dma_start3A_146 = arith.constant 0 : i32
      %dma_start3A_147 = tpu.memref_slice %arg6[%add3A_46, %dma_start3A_146] : memref<10112x128xf32, #tpu.memory_space<vmem_shared>> -> memref<120x128xf32, #tpu.memory_space<vmem_shared>>
      %dma_start3A_148 = arith.constant 0 : i32
      %dma_start3A_149 = arith.constant 0 : i32
      %dma_start3A_150 = tpu.memref_slice %arg7[%dma_start3A_148, %dma_start3A_149] : memref<120x128xf32, #tpu.memory_space<vmem>> -> memref<120x128xf32, #tpu.memory_space<vmem>>
      tpu.enqueue_dma source(%dma_start3A_150 : memref<120x128xf32, #tpu.memory_space<vmem>>) target(%dma_start3A_147 : memref<120x128xf32, #tpu.memory_space<vmem_shared>>) target_semaphore(%run_scoped3A : memref<!tpu.dma_semaphore, #tpu.memory_space<semaphore_mem>>)
      %dma_wait3A_151 = arith.constant 0 : i32
      %dma_wait3A_152 = arith.constant 0 : i32
      %dma_wait3A_153 = tpu.memref_slice %arg7[%dma_wait3A_151, %dma_wait3A_152] : memref<120x128xf32, #tpu.memory_space<vmem>> -> memref<120x128xf32, #tpu.memory_space<vmem>>
      %dma_wait3A_154 = arith.constant 0 : i32
      %dma_wait3A_155 = tpu.memref_slice %arg6[%add3A_46, %dma_wait3A_154] : memref<10112x128xf32, #tpu.memory_space<vmem_shared>> -> memref<120x128xf32, #tpu.memory_space<vmem_shared>>
      %dma_wait3A_156 = arith.constant 0 : i32
      %dma_wait3A_157 = tpu.memref_slice %arg6[%add3A_46, %dma_wait3A_156] : memref<10112x128xf32, #tpu.memory_space<vmem_shared>> -> memref<120x128xf32, #tpu.memory_space<vmem_shared>>
      %dma_wait3A_158 = arith.constant 0 : i32
      %dma_wait3A_159 = arith.constant 0 : i32
      %dma_wait3A_160 = tpu.memref_slice %arg7[%dma_wait3A_158, %dma_wait3A_159] : memref<120x128xf32, #tpu.memory_space<vmem>> -> memref<120x128xf32, #tpu.memory_space<vmem>>
      tpu.wait_dma2 semaphore(%run_scoped3A : memref<!tpu.dma_semaphore, #tpu.memory_space<semaphore_mem>>) src(%dma_wait3A_160 : memref<120x128xf32, #tpu.memory_space<vmem>>) dst(%dma_wait3A_157 : memref<120x128xf32, #tpu.memory_space<vmem_shared>>)
      tpu.yield
    }) : () -> ()
    %add3A_47 = arith.constant 240 : i32
    %add3A_48 = arith.addi %mul3A_2, %add3A_47 : i32
    "tpu.region"() ({
      %run_scoped3A = tpu.sem_alloc : memref<!tpu.dma_semaphore, #tpu.memory_space<semaphore_mem>>
      %dma_start3A_141 = arith.constant 0 : i32
      %dma_start3A_142 = arith.constant 0 : i32
      %dma_start3A_143 = tpu.memref_slice %arg7[%dma_start3A_141, %dma_start3A_142] : memref<120x128xf32, #tpu.memory_space<vmem>> -> memref<120x128xf32, #tpu.memory_space<vmem>>
      %dma_start3A_144 = arith.constant 0 : i32
      %dma_start3A_145 = tpu.memref_slice %arg6[%add3A_48, %dma_start3A_144] : memref<10112x128xf32, #tpu.memory_space<vmem_shared>> -> memref<120x128xf32, #tpu.memory_space<vmem_shared>>
      %dma_start3A_146 = arith.constant 0 : i32
      %dma_start3A_147 = tpu.memref_slice %arg6[%add3A_48, %dma_start3A_146] : memref<10112x128xf32, #tpu.memory_space<vmem_shared>> -> memref<120x128xf32, #tpu.memory_space<vmem_shared>>
      %dma_start3A_148 = arith.constant 0 : i32
      %dma_start3A_149 = arith.constant 0 : i32
      %dma_start3A_150 = tpu.memref_slice %arg7[%dma_start3A_148, %dma_start3A_149] : memref<120x128xf32, #tpu.memory_space<vmem>> -> memref<120x128xf32, #tpu.memory_space<vmem>>
      tpu.enqueue_dma source(%dma_start3A_150 : memref<120x128xf32, #tpu.memory_space<vmem>>) target(%dma_start3A_147 : memref<120x128xf32, #tpu.memory_space<vmem_shared>>) target_semaphore(%run_scoped3A : memref<!tpu.dma_semaphore, #tpu.memory_space<semaphore_mem>>)
      %dma_wait3A_151 = arith.constant 0 : i32
      %dma_wait3A_152 = arith.constant 0 : i32
      %dma_wait3A_153 = tpu.memref_slice %arg7[%dma_wait3A_151, %dma_wait3A_152] : memref<120x128xf32, #tpu.memory_space<vmem>> -> memref<120x128xf32, #tpu.memory_space<vmem>>
      %dma_wait3A_154 = arith.constant 0 : i32
      %dma_wait3A_155 = tpu.memref_slice %arg6[%add3A_48, %dma_wait3A_154] : memref<10112x128xf32, #tpu.memory_space<vmem_shared>> -> memref<120x128xf32, #tpu.memory_space<vmem_shared>>
      %dma_wait3A_156 = arith.constant 0 : i32
      %dma_wait3A_157 = tpu.memref_slice %arg6[%add3A_48, %dma_wait3A_156] : memref<10112x128xf32, #tpu.memory_space<vmem_shared>> -> memref<120x128xf32, #tpu.memory_space<vmem_shared>>
      %dma_wait3A_158 = arith.constant 0 : i32
      %dma_wait3A_159 = arith.constant 0 : i32
      %dma_wait3A_160 = tpu.memref_slice %arg7[%dma_wait3A_158, %dma_wait3A_159] : memref<120x128xf32, #tpu.memory_space<vmem>> -> memref<120x128xf32, #tpu.memory_space<vmem>>
      tpu.wait_dma2 semaphore(%run_scoped3A : memref<!tpu.dma_semaphore, #tpu.memory_space<semaphore_mem>>) src(%dma_wait3A_160 : memref<120x128xf32, #tpu.memory_space<vmem>>) dst(%dma_wait3A_157 : memref<120x128xf32, #tpu.memory_space<vmem_shared>>)
      tpu.yield
    }) : () -> ()
    %add3A_49 = arith.constant 360 : i32
    %add3A_50 = arith.addi %mul3A_2, %add3A_49 : i32
    "tpu.region"() ({
      %run_scoped3A = tpu.sem_alloc : memref<!tpu.dma_semaphore, #tpu.memory_space<semaphore_mem>>
      %dma_start3A_141 = arith.constant 0 : i32
      %dma_start3A_142 = arith.constant 0 : i32
      %dma_start3A_143 = tpu.memref_slice %arg7[%dma_start3A_141, %dma_start3A_142] : memref<120x128xf32, #tpu.memory_space<vmem>> -> memref<120x128xf32, #tpu.memory_space<vmem>>
      %dma_start3A_144 = arith.constant 0 : i32
      %dma_start3A_145 = tpu.memref_slice %arg6[%add3A_50, %dma_start3A_144] : memref<10112x128xf32, #tpu.memory_space<vmem_shared>> -> memref<120x128xf32, #tpu.memory_space<vmem_shared>>
      %dma_start3A_146 = arith.constant 0 : i32
      %dma_start3A_147 = tpu.memref_slice %arg6[%add3A_50, %dma_start3A_146] : memref<10112x128xf32, #tpu.memory_space<vmem_shared>> -> memref<120x128xf32, #tpu.memory_space<vmem_shared>>
      %dma_start3A_148 = arith.constant 0 : i32
      %dma_start3A_149 = arith.constant 0 : i32
      %dma_start3A_150 = tpu.memref_slice %arg7[%dma_start3A_148, %dma_start3A_149] : memref<120x128xf32, #tpu.memory_space<vmem>> -> memref<120x128xf32, #tpu.memory_space<vmem>>
      tpu.enqueue_dma source(%dma_start3A_150 : memref<120x128xf32, #tpu.memory_space<vmem>>) target(%dma_start3A_147 : memref<120x128xf32, #tpu.memory_space<vmem_shared>>) target_semaphore(%run_scoped3A : memref<!tpu.dma_semaphore, #tpu.memory_space<semaphore_mem>>)
      %dma_wait3A_151 = arith.constant 0 : i32
      %dma_wait3A_152 = arith.constant 0 : i32
      %dma_wait3A_153 = tpu.memref_slice %arg7[%dma_wait3A_151, %dma_wait3A_152] : memref<120x128xf32, #tpu.memory_space<vmem>> -> memref<120x128xf32, #tpu.memory_space<vmem>>
      %dma_wait3A_154 = arith.constant 0 : i32
      %dma_wait3A_155 = tpu.memref_slice %arg6[%add3A_50, %dma_wait3A_154] : memref<10112x128xf32, #tpu.memory_space<vmem_shared>> -> memref<120x128xf32, #tpu.memory_space<vmem_shared>>
      %dma_wait3A_156 = arith.constant 0 : i32
      %dma_wait3A_157 = tpu.memref_slice %arg6[%add3A_50, %dma_wait3A_156] : memref<10112x128xf32, #tpu.memory_space<vmem_shared>> -> memref<120x128xf32, #tpu.memory_space<vmem_shared>>
      %dma_wait3A_158 = arith.constant 0 : i32
      %dma_wait3A_159 = arith.constant 0 : i32
      %dma_wait3A_160 = tpu.memref_slice %arg7[%dma_wait3A_158, %dma_wait3A_159] : memref<120x128xf32, #tpu.memory_space<vmem>> -> memref<120x128xf32, #tpu.memory_space<vmem>>
      tpu.wait_dma2 semaphore(%run_scoped3A : memref<!tpu.dma_semaphore, #tpu.memory_space<semaphore_mem>>) src(%dma_wait3A_160 : memref<120x128xf32, #tpu.memory_space<vmem>>) dst(%dma_wait3A_157 : memref<120x128xf32, #tpu.memory_space<vmem_shared>>)
      tpu.yield
    }) : () -> ()
    %add3A_51 = arith.constant 480 : i32
    %add3A_52 = arith.addi %mul3A_2, %add3A_51 : i32
    "tpu.region"() ({
      %run_scoped3A = tpu.sem_alloc : memref<!tpu.dma_semaphore, #tpu.memory_space<semaphore_mem>>
      %dma_start3A_141 = arith.constant 0 : i32
      %dma_start3A_142 = arith.constant 0 : i32
      %dma_start3A_143 = tpu.memref_slice %arg7[%dma_start3A_141, %dma_start3A_142] : memref<120x128xf32, #tpu.memory_space<vmem>> -> memref<120x128xf32, #tpu.memory_space<vmem>>
      %dma_start3A_144 = arith.constant 0 : i32
      %dma_start3A_145 = tpu.memref_slice %arg6[%add3A_52, %dma_start3A_144] : memref<10112x128xf32, #tpu.memory_space<vmem_shared>> -> memref<120x128xf32, #tpu.memory_space<vmem_shared>>
      %dma_start3A_146 = arith.constant 0 : i32
      %dma_start3A_147 = tpu.memref_slice %arg6[%add3A_52, %dma_start3A_146] : memref<10112x128xf32, #tpu.memory_space<vmem_shared>> -> memref<120x128xf32, #tpu.memory_space<vmem_shared>>
      %dma_start3A_148 = arith.constant 0 : i32
      %dma_start3A_149 = arith.constant 0 : i32
      %dma_start3A_150 = tpu.memref_slice %arg7[%dma_start3A_148, %dma_start3A_149] : memref<120x128xf32, #tpu.memory_space<vmem>> -> memref<120x128xf32, #tpu.memory_space<vmem>>
      tpu.enqueue_dma source(%dma_start3A_150 : memref<120x128xf32, #tpu.memory_space<vmem>>) target(%dma_start3A_147 : memref<120x128xf32, #tpu.memory_space<vmem_shared>>) target_semaphore(%run_scoped3A : memref<!tpu.dma_semaphore, #tpu.memory_space<semaphore_mem>>)
      %dma_wait3A_151 = arith.constant 0 : i32
      %dma_wait3A_152 = arith.constant 0 : i32
      %dma_wait3A_153 = tpu.memref_slice %arg7[%dma_wait3A_151, %dma_wait3A_152] : memref<120x128xf32, #tpu.memory_space<vmem>> -> memref<120x128xf32, #tpu.memory_space<vmem>>
      %dma_wait3A_154 = arith.constant 0 : i32
      %dma_wait3A_155 = tpu.memref_slice %arg6[%add3A_52, %dma_wait3A_154] : memref<10112x128xf32, #tpu.memory_space<vmem_shared>> -> memref<120x128xf32, #tpu.memory_space<vmem_shared>>
      %dma_wait3A_156 = arith.constant 0 : i32
      %dma_wait3A_157 = tpu.memref_slice %arg6[%add3A_52, %dma_wait3A_156] : memref<10112x128xf32, #tpu.memory_space<vmem_shared>> -> memref<120x128xf32, #tpu.memory_space<vmem_shared>>
      %dma_wait3A_158 = arith.constant 0 : i32
      %dma_wait3A_159 = arith.constant 0 : i32
      %dma_wait3A_160 = tpu.memref_slice %arg7[%dma_wait3A_158, %dma_wait3A_159] : memref<120x128xf32, #tpu.memory_space<vmem>> -> memref<120x128xf32, #tpu.memory_space<vmem>>
      tpu.wait_dma2 semaphore(%run_scoped3A : memref<!tpu.dma_semaphore, #tpu.memory_space<semaphore_mem>>) src(%dma_wait3A_160 : memref<120x128xf32, #tpu.memory_space<vmem>>) dst(%dma_wait3A_157 : memref<120x128xf32, #tpu.memory_space<vmem_shared>>)
      tpu.yield
    }) : () -> ()
    %add3A_53 = arith.constant 600 : i32
    %add3A_54 = arith.addi %mul3A_2, %add3A_53 : i32
    "tpu.region"() ({
      %run_scoped3A = tpu.sem_alloc : memref<!tpu.dma_semaphore, #tpu.memory_space<semaphore_mem>>
      %dma_start3A_141 = arith.constant 0 : i32
      %dma_start3A_142 = arith.constant 0 : i32
      %dma_start3A_143 = tpu.memref_slice %arg7[%dma_start3A_141, %dma_start3A_142] : memref<120x128xf32, #tpu.memory_space<vmem>> -> memref<32x128xf32, #tpu.memory_space<vmem>>
      %dma_start3A_144 = arith.constant 0 : i32
      %dma_start3A_145 = tpu.memref_slice %arg6[%add3A_54, %dma_start3A_144] : memref<10112x128xf32, #tpu.memory_space<vmem_shared>> -> memref<32x128xf32, #tpu.memory_space<vmem_shared>>
      %dma_start3A_146 = arith.constant 0 : i32
      %dma_start3A_147 = tpu.memref_slice %arg6[%add3A_54, %dma_start3A_146] : memref<10112x128xf32, #tpu.memory_space<vmem_shared>> -> memref<32x128xf32, #tpu.memory_space<vmem_shared>>
      %dma_start3A_148 = arith.constant 0 : i32
      %dma_start3A_149 = arith.constant 0 : i32
      %dma_start3A_150 = tpu.memref_slice %arg7[%dma_start3A_148, %dma_start3A_149] : memref<120x128xf32, #tpu.memory_space<vmem>> -> memref<32x128xf32, #tpu.memory_space<vmem>>
      tpu.enqueue_dma source(%dma_start3A_150 : memref<32x128xf32, #tpu.memory_space<vmem>>) target(%dma_start3A_147 : memref<32x128xf32, #tpu.memory_space<vmem_shared>>) target_semaphore(%run_scoped3A : memref<!tpu.dma_semaphore, #tpu.memory_space<semaphore_mem>>)
      %dma_wait3A_151 = arith.constant 0 : i32
      %dma_wait3A_152 = arith.constant 0 : i32
      %dma_wait3A_153 = tpu.memref_slice %arg7[%dma_wait3A_151, %dma_wait3A_152] : memref<120x128xf32, #tpu.memory_space<vmem>> -> memref<32x128xf32, #tpu.memory_space<vmem>>
      %dma_wait3A_154 = arith.constant 0 : i32
      %dma_wait3A_155 = tpu.memref_slice %arg6[%add3A_54, %dma_wait3A_154] : memref<10112x128xf32, #tpu.memory_space<vmem_shared>> -> memref<32x128xf32, #tpu.memory_space<vmem_shared>>
      %dma_wait3A_156 = arith.constant 0 : i32
      %dma_wait3A_157 = tpu.memref_slice %arg6[%add3A_54, %dma_wait3A_156] : memref<10112x128xf32, #tpu.memory_space<vmem_shared>> -> memref<32x128xf32, #tpu.memory_space<vmem_shared>>
      %dma_wait3A_158 = arith.constant 0 : i32
      %dma_wait3A_159 = arith.constant 0 : i32
      %dma_wait3A_160 = tpu.memref_slice %arg7[%dma_wait3A_158, %dma_wait3A_159] : memref<120x128xf32, #tpu.memory_space<vmem>> -> memref<32x128xf32, #tpu.memory_space<vmem>>
      tpu.wait_dma2 semaphore(%run_scoped3A : memref<!tpu.dma_semaphore, #tpu.memory_space<semaphore_mem>>) src(%dma_wait3A_160 : memref<32x128xf32, #tpu.memory_space<vmem>>) dst(%dma_wait3A_157 : memref<32x128xf32, #tpu.memory_space<vmem_shared>>)
      tpu.yield
    }) : () -> ()
    %add3A_55 = arith.constant 0 : i32
    %add3A_56 = arith.addi %mul3A_6, %add3A_55 : i32
    %dma_wait3A = tpu.memref_slice %arg3[%add3A_56] : memref<322560xi32, #tpu.memory_space<hbm>> -> memref<120xi32, #tpu.memory_space<hbm>>
    %dma_wait3A_57 = tpu.memref_slice %arg3[%add3A_56] : memref<322560xi32, #tpu.memory_space<hbm>> -> memref<120xi32, #tpu.memory_space<hbm>>
    tpu.wait_dma2 semaphore(%arg19 : memref<!tpu.dma_semaphore, #tpu.memory_space<semaphore_mem>>) src(%dma_wait3A_57 : memref<120xi32, #tpu.memory_space<hbm>>) dst(%arg11 : memref<120xi32, #tpu.memory_space<vmem>>)
    %add3A_58 = arith.constant 0 : i32
    %add3A_59 = arith.addi %mul3A_6, %add3A_58 : i32
    %dma_wait3A_60 = tpu.memref_slice %arg4[%add3A_59] : memref<322560xi32, #tpu.memory_space<hbm>> -> memref<120xi32, #tpu.memory_space<hbm>>
    %dma_wait3A_61 = tpu.memref_slice %arg4[%add3A_59] : memref<322560xi32, #tpu.memory_space<hbm>> -> memref<120xi32, #tpu.memory_space<hbm>>
    tpu.wait_dma2 semaphore(%arg19 : memref<!tpu.dma_semaphore, #tpu.memory_space<semaphore_mem>>) src(%dma_wait3A_61 : memref<120xi32, #tpu.memory_space<hbm>>) dst(%arg12 : memref<120xi32, #tpu.memory_space<vmem>>)
    %dma_start3A_62 = arith.constant 0 : i32
    %dma_start3A_63 = arith.constant 0 : i32
    %dma_start3A_64 = tpu.memref_slice %arg2[%dma_start3A_62, %dma_start3A_63] : memref<10000x128xf32, #tpu.memory_space<hbm>> -> memref<10000x128xf32, #tpu.memory_space<hbm>>
    tpu.enqueue_indirect_dma source(%dma_start3A_64 : memref<10000x128xf32, #tpu.memory_space<hbm>>) target(%arg7 : memref<120x128xf32, #tpu.memory_space<vmem>>) offsets(%arg11 : memref<120xi32, #tpu.memory_space<vmem>>) semaphore(%arg9 : memref<!tpu.dma_semaphore, #tpu.memory_space<semaphore_mem>>)
    %add3A_65 = arith.constant 120 : i32
    %add3A_66 = arith.addi %mul3A_6, %add3A_65 : i32
    %dma_wait3A_67 = tpu.memref_slice %arg3[%add3A_66] : memref<322560xi32, #tpu.memory_space<hbm>> -> memref<120xi32, #tpu.memory_space<hbm>>
    %dma_wait3A_68 = tpu.memref_slice %arg3[%add3A_66] : memref<322560xi32, #tpu.memory_space<hbm>> -> memref<120xi32, #tpu.memory_space<hbm>>
    tpu.wait_dma2 semaphore(%arg20 : memref<!tpu.dma_semaphore, #tpu.memory_space<semaphore_mem>>) src(%dma_wait3A_68 : memref<120xi32, #tpu.memory_space<hbm>>) dst(%arg13 : memref<120xi32, #tpu.memory_space<vmem>>)
    %add3A_69 = arith.constant 120 : i32
    %add3A_70 = arith.addi %mul3A_6, %add3A_69 : i32
    %dma_wait3A_71 = tpu.memref_slice %arg4[%add3A_70] : memref<322560xi32, #tpu.memory_space<hbm>> -> memref<120xi32, #tpu.memory_space<hbm>>
    %dma_wait3A_72 = tpu.memref_slice %arg4[%add3A_70] : memref<322560xi32, #tpu.memory_space<hbm>> -> memref<120xi32, #tpu.memory_space<hbm>>
    tpu.wait_dma2 semaphore(%arg20 : memref<!tpu.dma_semaphore, #tpu.memory_space<semaphore_mem>>) src(%dma_wait3A_72 : memref<120xi32, #tpu.memory_space<hbm>>) dst(%arg14 : memref<120xi32, #tpu.memory_space<vmem>>)
    %dma_start3A_73 = arith.constant 0 : i32
    %dma_start3A_74 = arith.constant 0 : i32
    %dma_start3A_75 = tpu.memref_slice %arg2[%dma_start3A_73, %dma_start3A_74] : memref<10000x128xf32, #tpu.memory_space<hbm>> -> memref<10000x128xf32, #tpu.memory_space<hbm>>
    tpu.enqueue_indirect_dma source(%dma_start3A_75 : memref<10000x128xf32, #tpu.memory_space<hbm>>) target(%arg8 : memref<120x128xf32, #tpu.memory_space<vmem>>) offsets(%arg13 : memref<120xi32, #tpu.memory_space<vmem>>) semaphore(%arg10 : memref<!tpu.dma_semaphore, #tpu.memory_space<semaphore_mem>>)
    %barrier3A = arith.constant 0 : index
    tpu.barrier barrier_id(%barrier3A)
    %scan3A_76 = arith.constant 0 : i32
    %scan3A_77 = arith.constant 0 : i32
    %scan3A_78 = arith.constant 20 : i32
    %scan3A_79 = arith.addi %scan3A_77, %scan3A_78 : i32
    %scan3A_80 = arith.constant 1 : i32
    scf.for %scan3A_141 = %scan3A_77 to %scan3A_79 step %scan3A_80  : i32 {
      %mul3A_142 = arith.constant 4 : i32
      %mul3A_143 = arith.muli %mul3A_142, %scan3A_141 : i32
      %add3A_144 = arith.constant 0 : i32
      %add3A_145 = arith.addi %mul3A_143, %add3A_144 : i32
      %dma_wait3A_146 = arith.constant 0 : i32
      %dma_wait3A_147 = arith.constant 0 : i32
      %dma_wait3A_148 = tpu.memref_slice %arg2[%dma_wait3A_146, %dma_wait3A_147] : memref<10000x128xf32, #tpu.memory_space<hbm>> -> memref<10000x128xf32, #tpu.memory_space<hbm>>
      tpu.wait_indirect_dma semaphore(%arg9 : memref<!tpu.dma_semaphore, #tpu.memory_space<semaphore_mem>>) src(%dma_wait3A_148 : memref<10000x128xf32, #tpu.memory_space<hbm>>) dst(%arg7 : memref<120x128xf32, #tpu.memory_space<vmem>>)
      "tpu.region"() ({
        %run_scoped3A = tpu.sem_alloc : memref<!tpu.dma_semaphore, #tpu.memory_space<semaphore_mem>>
        %dma_start3A_278 = arith.constant 0 : i32
        %dma_start3A_279 = arith.constant 0 : i32
        %dma_start3A_280 = tpu.memref_slice %arg6[%dma_start3A_278, %dma_start3A_279] : memref<10112x128xf32, #tpu.memory_space<vmem_shared>> -> memref<10112x128xf32, #tpu.memory_space<vmem_shared>>
        tpu.enqueue_indirect_dma source(%arg7 : memref<120x128xf32, #tpu.memory_space<vmem>>) target(%dma_start3A_280 : memref<10112x128xf32, #tpu.memory_space<vmem_shared>>) offsets(%arg12 : memref<120xi32, #tpu.memory_space<vmem>>) semaphore(%run_scoped3A : memref<!tpu.dma_semaphore, #tpu.memory_space<semaphore_mem>>) {add = true}
        %dma_wait3A_281 = arith.constant 0 : i32
        %dma_wait3A_282 = arith.constant 0 : i32
        %dma_wait3A_283 = tpu.memref_slice %arg6[%dma_wait3A_281, %dma_wait3A_282] : memref<10112x128xf32, #tpu.memory_space<vmem_shared>> -> memref<10112x128xf32, #tpu.memory_space<vmem_shared>>
        tpu.wait_indirect_dma semaphore(%run_scoped3A : memref<!tpu.dma_semaphore, #tpu.memory_space<semaphore_mem>>) src(%arg7 : memref<120x128xf32, #tpu.memory_space<vmem>>) dst(%dma_wait3A_283 : memref<10112x128xf32, #tpu.memory_space<vmem_shared>>)
        tpu.yield
      }) : () -> ()
      %add3A_149 = arith.constant 4 : i32
      %add3A_150 = arith.addi %add3A_145, %add3A_149 : i32
      %mul3A_151 = arith.constant 120 : i32
      %mul3A_152 = arith.muli %add3A_150, %mul3A_151 : i32
      %add3A_153 = arith.addi %mul3A_6, %mul3A_152 : i32
      %dma_start3A_154 = tpu.memref_slice %arg3[%add3A_153] : memref<322560xi32, #tpu.memory_space<hbm>> -> memref<120xi32, #tpu.memory_space<hbm>>
      %dma_start3A_155 = tpu.memref_slice %arg3[%add3A_153] : memref<322560xi32, #tpu.memory_space<hbm>> -> memref<120xi32, #tpu.memory_space<hbm>>
      tpu.enqueue_dma source(%dma_start3A_155 : memref<120xi32, #tpu.memory_space<hbm>>) target(%arg11 : memref<120xi32, #tpu.memory_space<vmem>>) target_semaphore(%arg19 : memref<!tpu.dma_semaphore, #tpu.memory_space<semaphore_mem>>)
      %mul3A_156 = arith.constant 120 : i32
      %mul3A_157 = arith.muli %add3A_150, %mul3A_156 : i32
      %add3A_158 = arith.addi %mul3A_6, %mul3A_157 : i32
      %dma_start3A_159 = tpu.memref_slice %arg4[%add3A_158] : memref<322560xi32, #tpu.memory_space<hbm>> -> memref<120xi32, #tpu.memory_space<hbm>>
      %dma_start3A_160 = tpu.memref_slice %arg4[%add3A_158] : memref<322560xi32, #tpu.memory_space<hbm>> -> memref<120xi32, #tpu.memory_space<hbm>>
      tpu.enqueue_dma source(%dma_start3A_160 : memref<120xi32, #tpu.memory_space<hbm>>) target(%arg12 : memref<120xi32, #tpu.memory_space<vmem>>) target_semaphore(%arg19 : memref<!tpu.dma_semaphore, #tpu.memory_space<semaphore_mem>>)
      %add3A_161 = arith.constant 2 : i32
      %add3A_162 = arith.addi %add3A_145, %add3A_161 : i32
      %mul3A_163 = arith.constant 120 : i32
      %mul3A_164 = arith.muli %add3A_162, %mul3A_163 : i32
      %add3A_165 = arith.addi %mul3A_6, %mul3A_164 : i32
      %dma_wait3A_166 = tpu.memref_slice %arg3[%add3A_165] : memref<322560xi32, #tpu.memory_space<hbm>> -> memref<120xi32, #tpu.memory_space<hbm>>
      %dma_wait3A_167 = tpu.memref_slice %arg3[%add3A_165] : memref<322560xi32, #tpu.memory_space<hbm>> -> memref<120xi32, #tpu.memory_space<hbm>>
      tpu.wait_dma2 semaphore(%arg21 : memref<!tpu.dma_semaphore, #tpu.memory_space<semaphore_mem>>) src(%dma_wait3A_167 : memref<120xi32, #tpu.memory_space<hbm>>) dst(%arg15 : memref<120xi32, #tpu.memory_space<vmem>>)
      %mul3A_168 = arith.constant 120 : i32
      %mul3A_169 = arith.muli %add3A_162, %mul3A_168 : i32
      %add3A_170 = arith.addi %mul3A_6, %mul3A_169 : i32
      %dma_wait3A_171 = tpu.memref_slice %arg4[%add3A_170] : memref<322560xi32, #tpu.memory_space<hbm>> -> memref<120xi32, #tpu.memory_space<hbm>>
      %dma_wait3A_172 = tpu.memref_slice %arg4[%add3A_170] : memref<322560xi32, #tpu.memory_space<hbm>> -> memref<120xi32, #tpu.memory_space<hbm>>
      tpu.wait_dma2 semaphore(%arg21 : memref<!tpu.dma_semaphore, #tpu.memory_space<semaphore_mem>>) src(%dma_wait3A_172 : memref<120xi32, #tpu.memory_space<hbm>>) dst(%arg16 : memref<120xi32, #tpu.memory_space<vmem>>)
      %dma_start3A_173 = arith.constant 0 : i32
      %dma_start3A_174 = arith.constant 0 : i32
      %dma_start3A_175 = tpu.memref_slice %arg2[%dma_start3A_173, %dma_start3A_174] : memref<10000x128xf32, #tpu.memory_space<hbm>> -> memref<10000x128xf32, #tpu.memory_space<hbm>>
      tpu.enqueue_indirect_dma source(%dma_start3A_175 : memref<10000x128xf32, #tpu.memory_space<hbm>>) target(%arg7 : memref<120x128xf32, #tpu.memory_space<vmem>>) offsets(%arg15 : memref<120xi32, #tpu.memory_space<vmem>>) semaphore(%arg9 : memref<!tpu.dma_semaphore, #tpu.memory_space<semaphore_mem>>)
      %mul3A_176 = arith.constant 4 : i32
      %mul3A_177 = arith.muli %mul3A_176, %scan3A_141 : i32
      %add3A_178 = arith.constant 1 : i32
      %add3A_179 = arith.addi %mul3A_177, %add3A_178 : i32
      %dma_wait3A_180 = arith.constant 0 : i32
      %dma_wait3A_181 = arith.constant 0 : i32
      %dma_wait3A_182 = tpu.memref_slice %arg2[%dma_wait3A_180, %dma_wait3A_181] : memref<10000x128xf32, #tpu.memory_space<hbm>> -> memref<10000x128xf32, #tpu.memory_space<hbm>>
      tpu.wait_indirect_dma semaphore(%arg10 : memref<!tpu.dma_semaphore, #tpu.memory_space<semaphore_mem>>) src(%dma_wait3A_182 : memref<10000x128xf32, #tpu.memory_space<hbm>>) dst(%arg8 : memref<120x128xf32, #tpu.memory_space<vmem>>)
      "tpu.region"() ({
        %run_scoped3A = tpu.sem_alloc : memref<!tpu.dma_semaphore, #tpu.memory_space<semaphore_mem>>
        %dma_start3A_278 = arith.constant 0 : i32
        %dma_start3A_279 = arith.constant 0 : i32
        %dma_start3A_280 = tpu.memref_slice %arg6[%dma_start3A_278, %dma_start3A_279] : memref<10112x128xf32, #tpu.memory_space<vmem_shared>> -> memref<10112x128xf32, #tpu.memory_space<vmem_shared>>
        tpu.enqueue_indirect_dma source(%arg8 : memref<120x128xf32, #tpu.memory_space<vmem>>) target(%dma_start3A_280 : memref<10112x128xf32, #tpu.memory_space<vmem_shared>>) offsets(%arg14 : memref<120xi32, #tpu.memory_space<vmem>>) semaphore(%run_scoped3A : memref<!tpu.dma_semaphore, #tpu.memory_space<semaphore_mem>>) {add = true}
        %dma_wait3A_281 = arith.constant 0 : i32
        %dma_wait3A_282 = arith.constant 0 : i32
        %dma_wait3A_283 = tpu.memref_slice %arg6[%dma_wait3A_281, %dma_wait3A_282] : memref<10112x128xf32, #tpu.memory_space<vmem_shared>> -> memref<10112x128xf32, #tpu.memory_space<vmem_shared>>
        tpu.wait_indirect_dma semaphore(%run_scoped3A : memref<!tpu.dma_semaphore, #tpu.memory_space<semaphore_mem>>) src(%arg8 : memref<120x128xf32, #tpu.memory_space<vmem>>) dst(%dma_wait3A_283 : memref<10112x128xf32, #tpu.memory_space<vmem_shared>>)
        tpu.yield
      }) : () -> ()
      %add3A_183 = arith.constant 4 : i32
      %add3A_184 = arith.addi %add3A_179, %add3A_183 : i32
      %mul3A_185 = arith.constant 120 : i32
      %mul3A_186 = arith.muli %add3A_184, %mul3A_185 : i32
      %add3A_187 = arith.addi %mul3A_6, %mul3A_186 : i32
      %dma_start3A_188 = tpu.memref_slice %arg3[%add3A_187] : memref<322560xi32, #tpu.memory_space<hbm>> -> memref<120xi32, #tpu.memory_space<hbm>>
      %dma_start3A_189 = tpu.memref_slice %arg3[%add3A_187] : memref<322560xi32, #tpu.memory_space<hbm>> -> memref<120xi32, #tpu.memory_space<hbm>>
      tpu.enqueue_dma source(%dma_start3A_189 : memref<120xi32, #tpu.memory_space<hbm>>) target(%arg13 : memref<120xi32, #tpu.memory_space<vmem>>) target_semaphore(%arg20 : memref<!tpu.dma_semaphore, #tpu.memory_space<semaphore_mem>>)
      %mul3A_190 = arith.constant 120 : i32
      %mul3A_191 = arith.muli %add3A_184, %mul3A_190 : i32
      %add3A_192 = arith.addi %mul3A_6, %mul3A_191 : i32
      %dma_start3A_193 = tpu.memref_slice %arg4[%add3A_192] : memref<322560xi32, #tpu.memory_space<hbm>> -> memref<120xi32, #tpu.memory_space<hbm>>
      %dma_start3A_194 = tpu.memref_slice %arg4[%add3A_192] : memref<322560xi32, #tpu.memory_space<hbm>> -> memref<120xi32, #tpu.memory_space<hbm>>
      tpu.enqueue_dma source(%dma_start3A_194 : memref<120xi32, #tpu.memory_space<hbm>>) target(%arg14 : memref<120xi32, #tpu.memory_space<vmem>>) target_semaphore(%arg20 : memref<!tpu.dma_semaphore, #tpu.memory_space<semaphore_mem>>)
      %add3A_195 = arith.constant 2 : i32
      %add3A_196 = arith.addi %add3A_179, %add3A_195 : i32
      %mul3A_197 = arith.constant 120 : i32
      %mul3A_198 = arith.muli %add3A_196, %mul3A_197 : i32
      %add3A_199 = arith.addi %mul3A_6, %mul3A_198 : i32
      %dma_wait3A_200 = tpu.memref_slice %arg3[%add3A_199] : memref<322560xi32, #tpu.memory_space<hbm>> -> memref<120xi32, #tpu.memory_space<hbm>>
      %dma_wait3A_201 = tpu.memref_slice %arg3[%add3A_199] : memref<322560xi32, #tpu.memory_space<hbm>> -> memref<120xi32, #tpu.memory_space<hbm>>
      tpu.wait_dma2 semaphore(%arg22 : memref<!tpu.dma_semaphore, #tpu.memory_space<semaphore_mem>>) src(%dma_wait3A_201 : memref<120xi32, #tpu.memory_space<hbm>>) dst(%arg17 : memref<120xi32, #tpu.memory_space<vmem>>)
      %mul3A_202 = arith.constant 120 : i32
      %mul3A_203 = arith.muli %add3A_196, %mul3A_202 : i32
      %add3A_204 = arith.addi %mul3A_6, %mul3A_203 : i32
      %dma_wait3A_205 = tpu.memref_slice %arg4[%add3A_204] : memref<322560xi32, #tpu.memory_space<hbm>> -> memref<120xi32, #tpu.memory_space<hbm>>
      %dma_wait3A_206 = tpu.memref_slice %arg4[%add3A_204] : memref<322560xi32, #tpu.memory_space<hbm>> -> memref<120xi32, #tpu.memory_space<hbm>>
      tpu.wait_dma2 semaphore(%arg22 : memref<!tpu.dma_semaphore, #tpu.memory_space<semaphore_mem>>) src(%dma_wait3A_206 : memref<120xi32, #tpu.memory_space<hbm>>) dst(%arg18 : memref<120xi32, #tpu.memory_space<vmem>>)
      %dma_start3A_207 = arith.constant 0 : i32
      %dma_start3A_208 = arith.constant 0 : i32
      %dma_start3A_209 = tpu.memref_slice %arg2[%dma_start3A_207, %dma_start3A_208] : memref<10000x128xf32, #tpu.memory_space<hbm>> -> memref<10000x128xf32, #tpu.memory_space<hbm>>
      tpu.enqueue_indirect_dma source(%dma_start3A_209 : memref<10000x128xf32, #tpu.memory_space<hbm>>) target(%arg8 : memref<120x128xf32, #tpu.memory_space<vmem>>) offsets(%arg17 : memref<120xi32, #tpu.memory_space<vmem>>) semaphore(%arg10 : memref<!tpu.dma_semaphore, #tpu.memory_space<semaphore_mem>>)
      %mul3A_210 = arith.constant 4 : i32
      %mul3A_211 = arith.muli %mul3A_210, %scan3A_141 : i32
      %add3A_212 = arith.constant 2 : i32
      %add3A_213 = arith.addi %mul3A_211, %add3A_212 : i32
      %dma_wait3A_214 = arith.constant 0 : i32
      %dma_wait3A_215 = arith.constant 0 : i32
      %dma_wait3A_216 = tpu.memref_slice %arg2[%dma_wait3A_214, %dma_wait3A_215] : memref<10000x128xf32, #tpu.memory_space<hbm>> -> memref<10000x128xf32, #tpu.memory_space<hbm>>
      tpu.wait_indirect_dma semaphore(%arg9 : memref<!tpu.dma_semaphore, #tpu.memory_space<semaphore_mem>>) src(%dma_wait3A_216 : memref<10000x128xf32, #tpu.memory_space<hbm>>) dst(%arg7 : memref<120x128xf32, #tpu.memory_space<vmem>>)
      "tpu.region"() ({
        %run_scoped3A = tpu.sem_alloc : memref<!tpu.dma_semaphore, #tpu.memory_space<semaphore_mem>>
        %dma_start3A_278 = arith.constant 0 : i32
        %dma_start3A_279 = arith.constant 0 : i32
        %dma_start3A_280 = tpu.memref_slice %arg6[%dma_start3A_278, %dma_start3A_279] : memref<10112x128xf32, #tpu.memory_space<vmem_shared>> -> memref<10112x128xf32, #tpu.memory_space<vmem_shared>>
        tpu.enqueue_indirect_dma source(%arg7 : memref<120x128xf32, #tpu.memory_space<vmem>>) target(%dma_start3A_280 : memref<10112x128xf32, #tpu.memory_space<vmem_shared>>) offsets(%arg16 : memref<120xi32, #tpu.memory_space<vmem>>) semaphore(%run_scoped3A : memref<!tpu.dma_semaphore, #tpu.memory_space<semaphore_mem>>) {add = true}
        %dma_wait3A_281 = arith.constant 0 : i32
        %dma_wait3A_282 = arith.constant 0 : i32
        %dma_wait3A_283 = tpu.memref_slice %arg6[%dma_wait3A_281, %dma_wait3A_282] : memref<10112x128xf32, #tpu.memory_space<vmem_shared>> -> memref<10112x128xf32, #tpu.memory_space<vmem_shared>>
        tpu.wait_indirect_dma semaphore(%run_scoped3A : memref<!tpu.dma_semaphore, #tpu.memory_space<semaphore_mem>>) src(%arg7 : memref<120x128xf32, #tpu.memory_space<vmem>>) dst(%dma_wait3A_283 : memref<10112x128xf32, #tpu.memory_space<vmem_shared>>)
        tpu.yield
      }) : () -> ()
      %add3A_217 = arith.constant 4 : i32
      %add3A_218 = arith.addi %add3A_213, %add3A_217 : i32
      %mul3A_219 = arith.constant 120 : i32
      %mul3A_220 = arith.muli %add3A_218, %mul3A_219 : i32
      %add3A_221 = arith.addi %mul3A_6, %mul3A_220 : i32
      %dma_start3A_222 = tpu.memref_slice %arg3[%add3A_221] : memref<322560xi32, #tpu.memory_space<hbm>> -> memref<120xi32, #tpu.memory_space<hbm>>
      %dma_start3A_223 = tpu.memref_slice %arg3[%add3A_221] : memref<322560xi32, #tpu.memory_space<hbm>> -> memref<120xi32, #tpu.memory_space<hbm>>
      tpu.enqueue_dma source(%dma_start3A_223 : memref<120xi32, #tpu.memory_space<hbm>>) target(%arg15 : memref<120xi32, #tpu.memory_space<vmem>>) target_semaphore(%arg21 : memref<!tpu.dma_semaphore, #tpu.memory_space<semaphore_mem>>)
      %mul3A_224 = arith.constant 120 : i32
      %mul3A_225 = arith.muli %add3A_218, %mul3A_224 : i32
      %add3A_226 = arith.addi %mul3A_6, %mul3A_225 : i32
      %dma_start3A_227 = tpu.memref_slice %arg4[%add3A_226] : memref<322560xi32, #tpu.memory_space<hbm>> -> memref<120xi32, #tpu.memory_space<hbm>>
      %dma_start3A_228 = tpu.memref_slice %arg4[%add3A_226] : memref<322560xi32, #tpu.memory_space<hbm>> -> memref<120xi32, #tpu.memory_space<hbm>>
      tpu.enqueue_dma source(%dma_start3A_228 : memref<120xi32, #tpu.memory_space<hbm>>) target(%arg16 : memref<120xi32, #tpu.memory_space<vmem>>) target_semaphore(%arg21 : memref<!tpu.dma_semaphore, #tpu.memory_space<semaphore_mem>>)
      %add3A_229 = arith.constant 2 : i32
      %add3A_230 = arith.addi %add3A_213, %add3A_229 : i32
      %mul3A_231 = arith.constant 120 : i32
      %mul3A_232 = arith.muli %add3A_230, %mul3A_231 : i32
      %add3A_233 = arith.addi %mul3A_6, %mul3A_232 : i32
      %dma_wait3A_234 = tpu.memref_slice %arg3[%add3A_233] : memref<322560xi32, #tpu.memory_space<hbm>> -> memref<120xi32, #tpu.memory_space<hbm>>
      %dma_wait3A_235 = tpu.memref_slice %arg3[%add3A_233] : memref<322560xi32, #tpu.memory_space<hbm>> -> memref<120xi32, #tpu.memory_space<hbm>>
      tpu.wait_dma2 semaphore(%arg19 : memref<!tpu.dma_semaphore, #tpu.memory_space<semaphore_mem>>) src(%dma_wait3A_235 : memref<120xi32, #tpu.memory_space<hbm>>) dst(%arg11 : memref<120xi32, #tpu.memory_space<vmem>>)
      %mul3A_236 = arith.constant 120 : i32
      %mul3A_237 = arith.muli %add3A_230, %mul3A_236 : i32
      %add3A_238 = arith.addi %mul3A_6, %mul3A_237 : i32
      %dma_wait3A_239 = tpu.memref_slice %arg4[%add3A_238] : memref<322560xi32, #tpu.memory_space<hbm>> -> memref<120xi32, #tpu.memory_space<hbm>>
      %dma_wait3A_240 = tpu.memref_slice %arg4[%add3A_238] : memref<322560xi32, #tpu.memory_space<hbm>> -> memref<120xi32, #tpu.memory_space<hbm>>
      tpu.wait_dma2 semaphore(%arg19 : memref<!tpu.dma_semaphore, #tpu.memory_space<semaphore_mem>>) src(%dma_wait3A_240 : memref<120xi32, #tpu.memory_space<hbm>>) dst(%arg12 : memref<120xi32, #tpu.memory_space<vmem>>)
      %dma_start3A_241 = arith.constant 0 : i32
      %dma_start3A_242 = arith.constant 0 : i32
      %dma_start3A_243 = tpu.memref_slice %arg2[%dma_start3A_241, %dma_start3A_242] : memref<10000x128xf32, #tpu.memory_space<hbm>> -> memref<10000x128xf32, #tpu.memory_space<hbm>>
      tpu.enqueue_indirect_dma source(%dma_start3A_243 : memref<10000x128xf32, #tpu.memory_space<hbm>>) target(%arg7 : memref<120x128xf32, #tpu.memory_space<vmem>>) offsets(%arg11 : memref<120xi32, #tpu.memory_space<vmem>>) semaphore(%arg9 : memref<!tpu.dma_semaphore, #tpu.memory_space<semaphore_mem>>)
      %mul3A_244 = arith.constant 4 : i32
      %mul3A_245 = arith.muli %mul3A_244, %scan3A_141 : i32
      %add3A_246 = arith.constant 3 : i32
      %add3A_247 = arith.addi %mul3A_245, %add3A_246 : i32
      %dma_wait3A_248 = arith.constant 0 : i32
      %dma_wait3A_249 = arith.constant 0 : i32
      %dma_wait3A_250 = tpu.memref_slice %arg2[%dma_wait3A_248, %dma_wait3A_249] : memref<10000x128xf32, #tpu.memory_space<hbm>> -> memref<10000x128xf32, #tpu.memory_space<hbm>>
      tpu.wait_indirect_dma semaphore(%arg10 : memref<!tpu.dma_semaphore, #tpu.memory_space<semaphore_mem>>) src(%dma_wait3A_250 : memref<10000x128xf32, #tpu.memory_space<hbm>>) dst(%arg8 : memref<120x128xf32, #tpu.memory_space<vmem>>)
      "tpu.region"() ({
        %run_scoped3A = tpu.sem_alloc : memref<!tpu.dma_semaphore, #tpu.memory_space<semaphore_mem>>
        %dma_start3A_278 = arith.constant 0 : i32
        %dma_start3A_279 = arith.constant 0 : i32
        %dma_start3A_280 = tpu.memref_slice %arg6[%dma_start3A_278, %dma_start3A_279] : memref<10112x128xf32, #tpu.memory_space<vmem_shared>> -> memref<10112x128xf32, #tpu.memory_space<vmem_shared>>
        tpu.enqueue_indirect_dma source(%arg8 : memref<120x128xf32, #tpu.memory_space<vmem>>) target(%dma_start3A_280 : memref<10112x128xf32, #tpu.memory_space<vmem_shared>>) offsets(%arg18 : memref<120xi32, #tpu.memory_space<vmem>>) semaphore(%run_scoped3A : memref<!tpu.dma_semaphore, #tpu.memory_space<semaphore_mem>>) {add = true}
        %dma_wait3A_281 = arith.constant 0 : i32
        %dma_wait3A_282 = arith.constant 0 : i32
        %dma_wait3A_283 = tpu.memref_slice %arg6[%dma_wait3A_281, %dma_wait3A_282] : memref<10112x128xf32, #tpu.memory_space<vmem_shared>> -> memref<10112x128xf32, #tpu.memory_space<vmem_shared>>
        tpu.wait_indirect_dma semaphore(%run_scoped3A : memref<!tpu.dma_semaphore, #tpu.memory_space<semaphore_mem>>) src(%arg8 : memref<120x128xf32, #tpu.memory_space<vmem>>) dst(%dma_wait3A_283 : memref<10112x128xf32, #tpu.memory_space<vmem_shared>>)
        tpu.yield
      }) : () -> ()
      %add3A_251 = arith.constant 4 : i32
      %add3A_252 = arith.addi %add3A_247, %add3A_251 : i32
      %mul3A_253 = arith.constant 120 : i32
      %mul3A_254 = arith.muli %add3A_252, %mul3A_253 : i32
      %add3A_255 = arith.addi %mul3A_6, %mul3A_254 : i32
      %dma_start3A_256 = tpu.memref_slice %arg3[%add3A_255] : memref<322560xi32, #tpu.memory_space<hbm>> -> memref<120xi32, #tpu.memory_space<hbm>>
      %dma_start3A_257 = tpu.memref_slice %arg3[%add3A_255] : memref<322560xi32, #tpu.memory_space<hbm>> -> memref<120xi32, #tpu.memory_space<hbm>>
      tpu.enqueue_dma source(%dma_start3A_257 : memref<120xi32, #tpu.memory_space<hbm>>) target(%arg17 : memref<120xi32, #tpu.memory_space<vmem>>) target_semaphore(%arg22 : memref<!tpu.dma_semaphore, #tpu.memory_space<semaphore_mem>>)
      %mul3A_258 = arith.constant 120 : i32
      %mul3A_259 = arith.muli %add3A_252, %mul3A_258 : i32
      %add3A_260 = arith.addi %mul3A_6, %mul3A_259 : i32
      %dma_start3A_261 = tpu.memref_slice %arg4[%add3A_260] : memref<322560xi32, #tpu.memory_space<hbm>> -> memref<120xi32, #tpu.memory_space<hbm>>
      %dma_start3A_262 = tpu.memref_slice %arg4[%add3A_260] : memref<322560xi32, #tpu.memory_space<hbm>> -> memref<120xi32, #tpu.memory_space<hbm>>
      tpu.enqueue_dma source(%dma_start3A_262 : memref<120xi32, #tpu.memory_space<hbm>>) target(%arg18 : memref<120xi32, #tpu.memory_space<vmem>>) target_semaphore(%arg22 : memref<!tpu.dma_semaphore, #tpu.memory_space<semaphore_mem>>)
      %add3A_263 = arith.constant 2 : i32
      %add3A_264 = arith.addi %add3A_247, %add3A_263 : i32
      %mul3A_265 = arith.constant 120 : i32
      %mul3A_266 = arith.muli %add3A_264, %mul3A_265 : i32
      %add3A_267 = arith.addi %mul3A_6, %mul3A_266 : i32
      %dma_wait3A_268 = tpu.memref_slice %arg3[%add3A_267] : memref<322560xi32, #tpu.memory_space<hbm>> -> memref<120xi32, #tpu.memory_space<hbm>>
      %dma_wait3A_269 = tpu.memref_slice %arg3[%add3A_267] : memref<322560xi32, #tpu.memory_space<hbm>> -> memref<120xi32, #tpu.memory_space<hbm>>
      tpu.wait_dma2 semaphore(%arg20 : memref<!tpu.dma_semaphore, #tpu.memory_space<semaphore_mem>>) src(%dma_wait3A_269 : memref<120xi32, #tpu.memory_space<hbm>>) dst(%arg13 : memref<120xi32, #tpu.memory_space<vmem>>)
      %mul3A_270 = arith.constant 120 : i32
      %mul3A_271 = arith.muli %add3A_264, %mul3A_270 : i32
      %add3A_272 = arith.addi %mul3A_6, %mul3A_271 : i32
      %dma_wait3A_273 = tpu.memref_slice %arg4[%add3A_272] : memref<322560xi32, #tpu.memory_space<hbm>> -> memref<120xi32, #tpu.memory_space<hbm>>
      %dma_wait3A_274 = tpu.memref_slice %arg4[%add3A_272] : memref<322560xi32, #tpu.memory_space<hbm>> -> memref<120xi32, #tpu.memory_space<hbm>>
      tpu.wait_dma2 semaphore(%arg20 : memref<!tpu.dma_semaphore, #tpu.memory_space<semaphore_mem>>) src(%dma_wait3A_274 : memref<120xi32, #tpu.memory_space<hbm>>) dst(%arg14 : memref<120xi32, #tpu.memory_space<vmem>>)
      %dma_start3A_275 = arith.constant 0 : i32
      %dma_start3A_276 = arith.constant 0 : i32
      %dma_start3A_277 = tpu.memref_slice %arg2[%dma_start3A_275, %dma_start3A_276] : memref<10000x128xf32, #tpu.memory_space<hbm>> -> memref<10000x128xf32, #tpu.memory_space<hbm>>
      tpu.enqueue_indirect_dma source(%dma_start3A_277 : memref<10000x128xf32, #tpu.memory_space<hbm>>) target(%arg8 : memref<120x128xf32, #tpu.memory_space<vmem>>) offsets(%arg13 : memref<120xi32, #tpu.memory_space<vmem>>) semaphore(%arg10 : memref<!tpu.dma_semaphore, #tpu.memory_space<semaphore_mem>>)
    }
    %scan3A_81 = arith.constant 20 : i32
    %dma_wait3A_82 = arith.constant 0 : i32
    %dma_wait3A_83 = arith.constant 0 : i32
    %dma_wait3A_84 = tpu.memref_slice %arg2[%dma_wait3A_82, %dma_wait3A_83] : memref<10000x128xf32, #tpu.memory_space<hbm>> -> memref<10000x128xf32, #tpu.memory_space<hbm>>
    tpu.wait_indirect_dma semaphore(%arg9 : memref<!tpu.dma_semaphore, #tpu.memory_space<semaphore_mem>>) src(%dma_wait3A_84 : memref<10000x128xf32, #tpu.memory_space<hbm>>) dst(%arg7 : memref<120x128xf32, #tpu.memory_space<vmem>>)
    "tpu.region"() ({
      %run_scoped3A = tpu.sem_alloc : memref<!tpu.dma_semaphore, #tpu.memory_space<semaphore_mem>>
      %dma_start3A_141 = arith.constant 0 : i32
      %dma_start3A_142 = arith.constant 0 : i32
      %dma_start3A_143 = tpu.memref_slice %arg6[%dma_start3A_141, %dma_start3A_142] : memref<10112x128xf32, #tpu.memory_space<vmem_shared>> -> memref<10112x128xf32, #tpu.memory_space<vmem_shared>>
      tpu.enqueue_indirect_dma source(%arg7 : memref<120x128xf32, #tpu.memory_space<vmem>>) target(%dma_start3A_143 : memref<10112x128xf32, #tpu.memory_space<vmem_shared>>) offsets(%arg12 : memref<120xi32, #tpu.memory_space<vmem>>) semaphore(%run_scoped3A : memref<!tpu.dma_semaphore, #tpu.memory_space<semaphore_mem>>) {add = true}
      %dma_wait3A_144 = arith.constant 0 : i32
      %dma_wait3A_145 = arith.constant 0 : i32
      %dma_wait3A_146 = tpu.memref_slice %arg6[%dma_wait3A_144, %dma_wait3A_145] : memref<10112x128xf32, #tpu.memory_space<vmem_shared>> -> memref<10112x128xf32, #tpu.memory_space<vmem_shared>>
      tpu.wait_indirect_dma semaphore(%run_scoped3A : memref<!tpu.dma_semaphore, #tpu.memory_space<semaphore_mem>>) src(%arg7 : memref<120x128xf32, #tpu.memory_space<vmem>>) dst(%dma_wait3A_146 : memref<10112x128xf32, #tpu.memory_space<vmem_shared>>)
      tpu.yield
    }) : () -> ()
    %add3A_85 = arith.constant 9840 : i32
    %add3A_86 = arith.addi %mul3A_6, %add3A_85 : i32
    %dma_wait3A_87 = tpu.memref_slice %arg3[%add3A_86] : memref<322560xi32, #tpu.memory_space<hbm>> -> memref<120xi32, #tpu.memory_space<hbm>>
    %dma_wait3A_88 = tpu.memref_slice %arg3[%add3A_86] : memref<322560xi32, #tpu.memory_space<hbm>> -> memref<120xi32, #tpu.memory_space<hbm>>
    tpu.wait_dma2 semaphore(%arg21 : memref<!tpu.dma_semaphore, #tpu.memory_space<semaphore_mem>>) src(%dma_wait3A_88 : memref<120xi32, #tpu.memory_space<hbm>>) dst(%arg15 : memref<120xi32, #tpu.memory_space<vmem>>)
    %add3A_89 = arith.constant 9840 : i32
    %add3A_90 = arith.addi %mul3A_6, %add3A_89 : i32
    %dma_wait3A_91 = tpu.memref_slice %arg4[%add3A_90] : memref<322560xi32, #tpu.memory_space<hbm>> -> memref<120xi32, #tpu.memory_space<hbm>>
    %dma_wait3A_92 = tpu.memref_slice %arg4[%add3A_90] : memref<322560xi32, #tpu.memory_space<hbm>> -> memref<120xi32, #tpu.memory_space<hbm>>
    tpu.wait_dma2 semaphore(%arg21 : memref<!tpu.dma_semaphore, #tpu.memory_space<semaphore_mem>>) src(%dma_wait3A_92 : memref<120xi32, #tpu.memory_space<hbm>>) dst(%arg16 : memref<120xi32, #tpu.memory_space<vmem>>)
    %dma_start3A_93 = arith.constant 0 : i32
    %dma_start3A_94 = arith.constant 0 : i32
    %dma_start3A_95 = tpu.memref_slice %arg2[%dma_start3A_93, %dma_start3A_94] : memref<10000x128xf32, #tpu.memory_space<hbm>> -> memref<10000x128xf32, #tpu.memory_space<hbm>>
    tpu.enqueue_indirect_dma source(%dma_start3A_95 : memref<10000x128xf32, #tpu.memory_space<hbm>>) target(%arg7 : memref<120x128xf32, #tpu.memory_space<vmem>>) offsets(%arg15 : memref<120xi32, #tpu.memory_space<vmem>>) semaphore(%arg9 : memref<!tpu.dma_semaphore, #tpu.memory_space<semaphore_mem>>)
    %dma_wait3A_96 = arith.constant 0 : i32
    %dma_wait3A_97 = arith.constant 0 : i32
    %dma_wait3A_98 = tpu.memref_slice %arg2[%dma_wait3A_96, %dma_wait3A_97] : memref<10000x128xf32, #tpu.memory_space<hbm>> -> memref<10000x128xf32, #tpu.memory_space<hbm>>
    tpu.wait_indirect_dma semaphore(%arg10 : memref<!tpu.dma_semaphore, #tpu.memory_space<semaphore_mem>>) src(%dma_wait3A_98 : memref<10000x128xf32, #tpu.memory_space<hbm>>) dst(%arg8 : memref<120x128xf32, #tpu.memory_space<vmem>>)
    "tpu.region"() ({
      %run_scoped3A = tpu.sem_alloc : memref<!tpu.dma_semaphore, #tpu.memory_space<semaphore_mem>>
      %dma_start3A_141 = arith.constant 0 : i32
      %dma_start3A_142 = arith.constant 0 : i32
      %dma_start3A_143 = tpu.memref_slice %arg6[%dma_start3A_141, %dma_start3A_142] : memref<10112x128xf32, #tpu.memory_space<vmem_shared>> -> memref<10112x128xf32, #tpu.memory_space<vmem_shared>>
      tpu.enqueue_indirect_dma source(%arg8 : memref<120x128xf32, #tpu.memory_space<vmem>>) target(%dma_start3A_143 : memref<10112x128xf32, #tpu.memory_space<vmem_shared>>) offsets(%arg14 : memref<120xi32, #tpu.memory_space<vmem>>) semaphore(%run_scoped3A : memref<!tpu.dma_semaphore, #tpu.memory_space<semaphore_mem>>) {add = true}
      %dma_wait3A_144 = arith.constant 0 : i32
      %dma_wait3A_145 = arith.constant 0 : i32
      %dma_wait3A_146 = tpu.memref_slice %arg6[%dma_wait3A_144, %dma_wait3A_145] : memref<10112x128xf32, #tpu.memory_space<vmem_shared>> -> memref<10112x128xf32, #tpu.memory_space<vmem_shared>>
      tpu.wait_indirect_dma semaphore(%run_scoped3A : memref<!tpu.dma_semaphore, #tpu.memory_space<semaphore_mem>>) src(%arg8 : memref<120x128xf32, #tpu.memory_space<vmem>>) dst(%dma_wait3A_146 : memref<10112x128xf32, #tpu.memory_space<vmem_shared>>)
      tpu.yield
    }) : () -> ()
    %add3A_99 = arith.constant 9960 : i32
    %add3A_100 = arith.addi %mul3A_6, %add3A_99 : i32
    %dma_wait3A_101 = tpu.memref_slice %arg3[%add3A_100] : memref<322560xi32, #tpu.memory_space<hbm>> -> memref<120xi32, #tpu.memory_space<hbm>>
    %dma_wait3A_102 = tpu.memref_slice %arg3[%add3A_100] : memref<322560xi32, #tpu.memory_space<hbm>> -> memref<120xi32, #tpu.memory_space<hbm>>
    tpu.wait_dma2 semaphore(%arg22 : memref<!tpu.dma_semaphore, #tpu.memory_space<semaphore_mem>>) src(%dma_wait3A_102 : memref<120xi32, #tpu.memory_space<hbm>>) dst(%arg17 : memref<120xi32, #tpu.memory_space<vmem>>)
    %add3A_103 = arith.constant 9960 : i32
    %add3A_104 = arith.addi %mul3A_6, %add3A_103 : i32
    %dma_wait3A_105 = tpu.memref_slice %arg4[%add3A_104] : memref<322560xi32, #tpu.memory_space<hbm>> -> memref<120xi32, #tpu.memory_space<hbm>>
    %dma_wait3A_106 = tpu.memref_slice %arg4[%add3A_104] : memref<322560xi32, #tpu.memory_space<hbm>> -> memref<120xi32, #tpu.memory_space<hbm>>
    tpu.wait_dma2 semaphore(%arg22 : memref<!tpu.dma_semaphore, #tpu.memory_space<semaphore_mem>>) src(%dma_wait3A_106 : memref<120xi32, #tpu.memory_space<hbm>>) dst(%arg18 : memref<120xi32, #tpu.memory_space<vmem>>)
    %dma_start3A_107 = arith.constant 0 : i32
    %dma_start3A_108 = arith.constant 0 : i32
    %dma_start3A_109 = tpu.memref_slice %arg2[%dma_start3A_107, %dma_start3A_108] : memref<10000x128xf32, #tpu.memory_space<hbm>> -> memref<10000x128xf32, #tpu.memory_space<hbm>>
    tpu.enqueue_indirect_dma source(%dma_start3A_109 : memref<10000x128xf32, #tpu.memory_space<hbm>>) target(%arg8 : memref<120x128xf32, #tpu.memory_space<vmem>>) offsets(%arg17 : memref<120xi32, #tpu.memory_space<vmem>>) semaphore(%arg10 : memref<!tpu.dma_semaphore, #tpu.memory_space<semaphore_mem>>)
    %dma_wait3A_110 = arith.constant 0 : i32
    %dma_wait3A_111 = arith.constant 0 : i32
    %dma_wait3A_112 = tpu.memref_slice %arg2[%dma_wait3A_110, %dma_wait3A_111] : memref<10000x128xf32, #tpu.memory_space<hbm>> -> memref<10000x128xf32, #tpu.memory_space<hbm>>
    tpu.wait_indirect_dma semaphore(%arg9 : memref<!tpu.dma_semaphore, #tpu.memory_space<semaphore_mem>>) src(%dma_wait3A_112 : memref<10000x128xf32, #tpu.memory_space<hbm>>) dst(%arg7 : memref<120x128xf32, #tpu.memory_space<vmem>>)
    "tpu.region"() ({
      %run_scoped3A = tpu.sem_alloc : memref<!tpu.dma_semaphore, #tpu.memory_space<semaphore_mem>>
      %dma_start3A_141 = arith.constant 0 : i32
      %dma_start3A_142 = arith.constant 0 : i32
      %dma_start3A_143 = tpu.memref_slice %arg6[%dma_start3A_141, %dma_start3A_142] : memref<10112x128xf32, #tpu.memory_space<vmem_shared>> -> memref<10112x128xf32, #tpu.memory_space<vmem_shared>>
      tpu.enqueue_indirect_dma source(%arg7 : memref<120x128xf32, #tpu.memory_space<vmem>>) target(%dma_start3A_143 : memref<10112x128xf32, #tpu.memory_space<vmem_shared>>) offsets(%arg16 : memref<120xi32, #tpu.memory_space<vmem>>) semaphore(%run_scoped3A : memref<!tpu.dma_semaphore, #tpu.memory_space<semaphore_mem>>) {add = true}
      %dma_wait3A_144 = arith.constant 0 : i32
      %dma_wait3A_145 = arith.constant 0 : i32
      %dma_wait3A_146 = tpu.memref_slice %arg6[%dma_wait3A_144, %dma_wait3A_145] : memref<10112x128xf32, #tpu.memory_space<vmem_shared>> -> memref<10112x128xf32, #tpu.memory_space<vmem_shared>>
      tpu.wait_indirect_dma semaphore(%run_scoped3A : memref<!tpu.dma_semaphore, #tpu.memory_space<semaphore_mem>>) src(%arg7 : memref<120x128xf32, #tpu.memory_space<vmem>>) dst(%dma_wait3A_146 : memref<10112x128xf32, #tpu.memory_space<vmem_shared>>)
      tpu.yield
    }) : () -> ()
    %dma_wait3A_113 = arith.constant 0 : i32
    %dma_wait3A_114 = arith.constant 0 : i32
    %dma_wait3A_115 = tpu.memref_slice %arg2[%dma_wait3A_113, %dma_wait3A_114] : memref<10000x128xf32, #tpu.memory_space<hbm>> -> memref<10000x128xf32, #tpu.memory_space<hbm>>
    tpu.wait_indirect_dma semaphore(%arg10 : memref<!tpu.dma_semaphore, #tpu.memory_space<semaphore_mem>>) src(%dma_wait3A_115 : memref<10000x128xf32, #tpu.memory_space<hbm>>) dst(%arg8 : memref<120x128xf32, #tpu.memory_space<vmem>>)
    "tpu.region"() ({
      %run_scoped3A = tpu.sem_alloc : memref<!tpu.dma_semaphore, #tpu.memory_space<semaphore_mem>>
      %dma_start3A_141 = arith.constant 0 : i32
      %dma_start3A_142 = arith.constant 0 : i32
      %dma_start3A_143 = tpu.memref_slice %arg6[%dma_start3A_141, %dma_start3A_142] : memref<10112x128xf32, #tpu.memory_space<vmem_shared>> -> memref<10112x128xf32, #tpu.memory_space<vmem_shared>>
      tpu.enqueue_indirect_dma source(%arg8 : memref<120x128xf32, #tpu.memory_space<vmem>>) target(%dma_start3A_143 : memref<10112x128xf32, #tpu.memory_space<vmem_shared>>) offsets(%arg18 : memref<120xi32, #tpu.memory_space<vmem>>) semaphore(%run_scoped3A : memref<!tpu.dma_semaphore, #tpu.memory_space<semaphore_mem>>) {add = true}
      %dma_wait3A_144 = arith.constant 0 : i32
      %dma_wait3A_145 = arith.constant 0 : i32
      %dma_wait3A_146 = tpu.memref_slice %arg6[%dma_wait3A_144, %dma_wait3A_145] : memref<10112x128xf32, #tpu.memory_space<vmem_shared>> -> memref<10112x128xf32, #tpu.memory_space<vmem_shared>>
      tpu.wait_indirect_dma semaphore(%run_scoped3A : memref<!tpu.dma_semaphore, #tpu.memory_space<semaphore_mem>>) src(%arg8 : memref<120x128xf32, #tpu.memory_space<vmem>>) dst(%dma_wait3A_146 : memref<10112x128xf32, #tpu.memory_space<vmem_shared>>)
      tpu.yield
    }) : () -> ()
    %barrier3A_116 = arith.constant 0 : index
    tpu.barrier barrier_id(%barrier3A_116)
    %add3A_117 = arith.constant 0 : i32
    %add3A_118 = arith.addi %mul3A_2, %add3A_117 : i32
    "tpu.region"() ({
      %run_scoped3A = tpu.sem_alloc : memref<!tpu.dma_semaphore, #tpu.memory_space<semaphore_mem>>
      %dma_start3A_141 = arith.constant 0 : i32
      %dma_start3A_142 = arith.constant 0 : i32
      %dma_start3A_143 = tpu.memref_slice %arg7[%dma_start3A_141, %dma_start3A_142] : memref<120x128xf32, #tpu.memory_space<vmem>> -> memref<120x128xf32, #tpu.memory_space<vmem>>
      %dma_start3A_144 = arith.constant 0 : i32
      %dma_start3A_145 = tpu.memref_slice %arg6[%add3A_118, %dma_start3A_144] : memref<10112x128xf32, #tpu.memory_space<vmem_shared>> -> memref<120x128xf32, #tpu.memory_space<vmem_shared>>
      %dma_start3A_146 = arith.constant 0 : i32
      %dma_start3A_147 = arith.constant 0 : i32
      %dma_start3A_148 = tpu.memref_slice %arg7[%dma_start3A_146, %dma_start3A_147] : memref<120x128xf32, #tpu.memory_space<vmem>> -> memref<120x128xf32, #tpu.memory_space<vmem>>
      %dma_start3A_149 = arith.constant 0 : i32
      %dma_start3A_150 = tpu.memref_slice %arg6[%add3A_118, %dma_start3A_149] : memref<10112x128xf32, #tpu.memory_space<vmem_shared>> -> memref<120x128xf32, #tpu.memory_space<vmem_shared>>
      tpu.enqueue_dma source(%dma_start3A_150 : memref<120x128xf32, #tpu.memory_space<vmem_shared>>) target(%dma_start3A_148 : memref<120x128xf32, #tpu.memory_space<vmem>>) target_semaphore(%run_scoped3A : memref<!tpu.dma_semaphore, #tpu.memory_space<semaphore_mem>>)
      %dma_wait3A_151 = arith.constant 0 : i32
      %dma_wait3A_152 = arith.constant 0 : i32
      %dma_wait3A_153 = tpu.memref_slice %arg7[%dma_wait3A_151, %dma_wait3A_152] : memref<120x128xf32, #tpu.memory_space<vmem>> -> memref<120x128xf32, #tpu.memory_space<vmem>>
      %dma_wait3A_154 = arith.constant 0 : i32
      %dma_wait3A_155 = tpu.memref_slice %arg6[%add3A_118, %dma_wait3A_154] : memref<10112x128xf32, #tpu.memory_space<vmem_shared>> -> memref<120x128xf32, #tpu.memory_space<vmem_shared>>
      %dma_wait3A_156 = arith.constant 0 : i32
      %dma_wait3A_157 = arith.constant 0 : i32
      %dma_wait3A_158 = tpu.memref_slice %arg7[%dma_wait3A_156, %dma_wait3A_157] : memref<120x128xf32, #tpu.memory_space<vmem>> -> memref<120x128xf32, #tpu.memory_space<vmem>>
      %dma_wait3A_159 = arith.constant 0 : i32
      %dma_wait3A_160 = tpu.memref_slice %arg6[%add3A_118, %dma_wait3A_159] : memref<10112x128xf32, #tpu.memory_space<vmem_shared>> -> memref<120x128xf32, #tpu.memory_space<vmem_shared>>
      tpu.wait_dma2 semaphore(%run_scoped3A : memref<!tpu.dma_semaphore, #tpu.memory_space<semaphore_mem>>) src(%dma_wait3A_160 : memref<120x128xf32, #tpu.memory_space<vmem_shared>>) dst(%dma_wait3A_158 : memref<120x128xf32, #tpu.memory_space<vmem>>)
      tpu.yield
    }) : () -> ()
    %add3A_119 = arith.constant 0 : i32
    %add3A_120 = arith.addi %mul3A_2, %add3A_119 : i32
    "tpu.region"() ({
      %run_scoped3A = tpu.sem_alloc : memref<!tpu.dma_semaphore, #tpu.memory_space<semaphore_mem>>
      %dma_start3A_141 = arith.constant 0 : i32
      %dma_start3A_142 = arith.constant 0 : i32
      %dma_start3A_143 = tpu.memref_slice %arg7[%dma_start3A_141, %dma_start3A_142] : memref<120x128xf32, #tpu.memory_space<vmem>> -> memref<120x128xf32, #tpu.memory_space<vmem>>
      %dma_start3A_144 = arith.constant 0 : i32
      %dma_start3A_145 = tpu.memref_slice %arg5[%arg0, %add3A_120, %dma_start3A_144] : memref<2x10112x128xf32, #tpu.memory_space<hbm>> -> memref<1x120x128xf32, #tpu.memory_space<hbm>>
      %dma_start3A_146 = tpu.memref_squeeze %dma_start3A_145 : memref<1x120x128xf32, #tpu.memory_space<hbm>> -> memref<120x128xf32, #tpu.memory_space<hbm>>
      %dma_start3A_147 = arith.constant 0 : i32
      %dma_start3A_148 = tpu.memref_slice %arg5[%arg0, %add3A_120, %dma_start3A_147] : memref<2x10112x128xf32, #tpu.memory_space<hbm>> -> memref<1x120x128xf32, #tpu.memory_space<hbm>>
      %dma_start3A_149 = tpu.memref_squeeze %dma_start3A_148 : memref<1x120x128xf32, #tpu.memory_space<hbm>> -> memref<120x128xf32, #tpu.memory_space<hbm>>
      %dma_start3A_150 = arith.constant 0 : i32
      %dma_start3A_151 = arith.constant 0 : i32
      %dma_start3A_152 = tpu.memref_slice %arg7[%dma_start3A_150, %dma_start3A_151] : memref<120x128xf32, #tpu.memory_space<vmem>> -> memref<120x128xf32, #tpu.memory_space<vmem>>
      tpu.enqueue_dma source(%dma_start3A_152 : memref<120x128xf32, #tpu.memory_space<vmem>>) target(%dma_start3A_149 : memref<120x128xf32, #tpu.memory_space<hbm>>) target_semaphore(%run_scoped3A : memref<!tpu.dma_semaphore, #tpu.memory_space<semaphore_mem>>)
      %dma_wait3A_153 = arith.constant 0 : i32
      %dma_wait3A_154 = arith.constant 0 : i32
      %dma_wait3A_155 = tpu.memref_slice %arg7[%dma_wait3A_153, %dma_wait3A_154] : memref<120x128xf32, #tpu.memory_space<vmem>> -> memref<120x128xf32, #tpu.memory_space<vmem>>
      %dma_wait3A_156 = arith.constant 0 : i32
      %dma_wait3A_157 = tpu.memref_slice %arg5[%arg0, %add3A_120, %dma_wait3A_156] : memref<2x10112x128xf32, #tpu.memory_space<hbm>> -> memref<1x120x128xf32, #tpu.memory_space<hbm>>
      %dma_wait3A_158 = tpu.memref_squeeze %dma_wait3A_157 : memref<1x120x128xf32, #tpu.memory_space<hbm>> -> memref<120x128xf32, #tpu.memory_space<hbm>>
      %dma_wait3A_159 = arith.constant 0 : i32
      %dma_wait3A_160 = tpu.memref_slice %arg5[%arg0, %add3A_120, %dma_wait3A_159] : memref<2x10112x128xf32, #tpu.memory_space<hbm>> -> memref<1x120x128xf32, #tpu.memory_space<hbm>>
      %dma_wait3A_161 = tpu.memref_squeeze %dma_wait3A_160 : memref<1x120x128xf32, #tpu.memory_space<hbm>> -> memref<120x128xf32, #tpu.memory_space<hbm>>
      %dma_wait3A_162 = arith.constant 0 : i32
      %dma_wait3A_163 = arith.constant 0 : i32
      %dma_wait3A_164 = tpu.memref_slice %arg7[%dma_wait3A_162, %dma_wait3A_163] : memref<120x128xf32, #tpu.memory_space<vmem>> -> memref<120x128xf32, #tpu.memory_space<vmem>>
      tpu.wait_dma2 semaphore(%run_scoped3A : memref<!tpu.dma_semaphore, #tpu.memory_space<semaphore_mem>>) src(%dma_wait3A_164 : memref<120x128xf32, #tpu.memory_space<vmem>>) dst(%dma_wait3A_161 : memref<120x128xf32, #tpu.memory_space<hbm>>)
      tpu.yield
    }) : () -> ()
    %add3A_121 = arith.constant 120 : i32
    %add3A_122 = arith.addi %mul3A_2, %add3A_121 : i32
    "tpu.region"() ({
      %run_scoped3A = tpu.sem_alloc : memref<!tpu.dma_semaphore, #tpu.memory_space<semaphore_mem>>
      %dma_start3A_141 = arith.constant 0 : i32
      %dma_start3A_142 = arith.constant 0 : i32
      %dma_start3A_143 = tpu.memref_slice %arg7[%dma_start3A_141, %dma_start3A_142] : memref<120x128xf32, #tpu.memory_space<vmem>> -> memref<120x128xf32, #tpu.memory_space<vmem>>
      %dma_start3A_144 = arith.constant 0 : i32
      %dma_start3A_145 = tpu.memref_slice %arg6[%add3A_122, %dma_start3A_144] : memref<10112x128xf32, #tpu.memory_space<vmem_shared>> -> memref<120x128xf32, #tpu.memory_space<vmem_shared>>
      %dma_start3A_146 = arith.constant 0 : i32
      %dma_start3A_147 = arith.constant 0 : i32
      %dma_start3A_148 = tpu.memref_slice %arg7[%dma_start3A_146, %dma_start3A_147] : memref<120x128xf32, #tpu.memory_space<vmem>> -> memref<120x128xf32, #tpu.memory_space<vmem>>
      %dma_start3A_149 = arith.constant 0 : i32
      %dma_start3A_150 = tpu.memref_slice %arg6[%add3A_122, %dma_start3A_149] : memref<10112x128xf32, #tpu.memory_space<vmem_shared>> -> memref<120x128xf32, #tpu.memory_space<vmem_shared>>
      tpu.enqueue_dma source(%dma_start3A_150 : memref<120x128xf32, #tpu.memory_space<vmem_shared>>) target(%dma_start3A_148 : memref<120x128xf32, #tpu.memory_space<vmem>>) target_semaphore(%run_scoped3A : memref<!tpu.dma_semaphore, #tpu.memory_space<semaphore_mem>>)
      %dma_wait3A_151 = arith.constant 0 : i32
      %dma_wait3A_152 = arith.constant 0 : i32
      %dma_wait3A_153 = tpu.memref_slice %arg7[%dma_wait3A_151, %dma_wait3A_152] : memref<120x128xf32, #tpu.memory_space<vmem>> -> memref<120x128xf32, #tpu.memory_space<vmem>>
      %dma_wait3A_154 = arith.constant 0 : i32
      %dma_wait3A_155 = tpu.memref_slice %arg6[%add3A_122, %dma_wait3A_154] : memref<10112x128xf32, #tpu.memory_space<vmem_shared>> -> memref<120x128xf32, #tpu.memory_space<vmem_shared>>
      %dma_wait3A_156 = arith.constant 0 : i32
      %dma_wait3A_157 = arith.constant 0 : i32
      %dma_wait3A_158 = tpu.memref_slice %arg7[%dma_wait3A_156, %dma_wait3A_157] : memref<120x128xf32, #tpu.memory_space<vmem>> -> memref<120x128xf32, #tpu.memory_space<vmem>>
      %dma_wait3A_159 = arith.constant 0 : i32
      %dma_wait3A_160 = tpu.memref_slice %arg6[%add3A_122, %dma_wait3A_159] : memref<10112x128xf32, #tpu.memory_space<vmem_shared>> -> memref<120x128xf32, #tpu.memory_space<vmem_shared>>
      tpu.wait_dma2 semaphore(%run_scoped3A : memref<!tpu.dma_semaphore, #tpu.memory_space<semaphore_mem>>) src(%dma_wait3A_160 : memref<120x128xf32, #tpu.memory_space<vmem_shared>>) dst(%dma_wait3A_158 : memref<120x128xf32, #tpu.memory_space<vmem>>)
      tpu.yield
    }) : () -> ()
    %add3A_123 = arith.constant 120 : i32
    %add3A_124 = arith.addi %mul3A_2, %add3A_123 : i32
    "tpu.region"() ({
      %run_scoped3A = tpu.sem_alloc : memref<!tpu.dma_semaphore, #tpu.memory_space<semaphore_mem>>
      %dma_start3A_141 = arith.constant 0 : i32
      %dma_start3A_142 = arith.constant 0 : i32
      %dma_start3A_143 = tpu.memref_slice %arg7[%dma_start3A_141, %dma_start3A_142] : memref<120x128xf32, #tpu.memory_space<vmem>> -> memref<120x128xf32, #tpu.memory_space<vmem>>
      %dma_start3A_144 = arith.constant 0 : i32
      %dma_start3A_145 = tpu.memref_slice %arg5[%arg0, %add3A_124, %dma_start3A_144] : memref<2x10112x128xf32, #tpu.memory_space<hbm>> -> memref<1x120x128xf32, #tpu.memory_space<hbm>>
      %dma_start3A_146 = tpu.memref_squeeze %dma_start3A_145 : memref<1x120x128xf32, #tpu.memory_space<hbm>> -> memref<120x128xf32, #tpu.memory_space<hbm>>
      %dma_start3A_147 = arith.constant 0 : i32
      %dma_start3A_148 = tpu.memref_slice %arg5[%arg0, %add3A_124, %dma_start3A_147] : memref<2x10112x128xf32, #tpu.memory_space<hbm>> -> memref<1x120x128xf32, #tpu.memory_space<hbm>>
      %dma_start3A_149 = tpu.memref_squeeze %dma_start3A_148 : memref<1x120x128xf32, #tpu.memory_space<hbm>> -> memref<120x128xf32, #tpu.memory_space<hbm>>
      %dma_start3A_150 = arith.constant 0 : i32
      %dma_start3A_151 = arith.constant 0 : i32
      %dma_start3A_152 = tpu.memref_slice %arg7[%dma_start3A_150, %dma_start3A_151] : memref<120x128xf32, #tpu.memory_space<vmem>> -> memref<120x128xf32, #tpu.memory_space<vmem>>
      tpu.enqueue_dma source(%dma_start3A_152 : memref<120x128xf32, #tpu.memory_space<vmem>>) target(%dma_start3A_149 : memref<120x128xf32, #tpu.memory_space<hbm>>) target_semaphore(%run_scoped3A : memref<!tpu.dma_semaphore, #tpu.memory_space<semaphore_mem>>)
      %dma_wait3A_153 = arith.constant 0 : i32
      %dma_wait3A_154 = arith.constant 0 : i32
      %dma_wait3A_155 = tpu.memref_slice %arg7[%dma_wait3A_153, %dma_wait3A_154] : memref<120x128xf32, #tpu.memory_space<vmem>> -> memref<120x128xf32, #tpu.memory_space<vmem>>
      %dma_wait3A_156 = arith.constant 0 : i32
      %dma_wait3A_157 = tpu.memref_slice %arg5[%arg0, %add3A_124, %dma_wait3A_156] : memref<2x10112x128xf32, #tpu.memory_space<hbm>> -> memref<1x120x128xf32, #tpu.memory_space<hbm>>
      %dma_wait3A_158 = tpu.memref_squeeze %dma_wait3A_157 : memref<1x120x128xf32, #tpu.memory_space<hbm>> -> memref<120x128xf32, #tpu.memory_space<hbm>>
      %dma_wait3A_159 = arith.constant 0 : i32
      %dma_wait3A_160 = tpu.memref_slice %arg5[%arg0, %add3A_124, %dma_wait3A_159] : memref<2x10112x128xf32, #tpu.memory_space<hbm>> -> memref<1x120x128xf32, #tpu.memory_space<hbm>>
      %dma_wait3A_161 = tpu.memref_squeeze %dma_wait3A_160 : memref<1x120x128xf32, #tpu.memory_space<hbm>> -> memref<120x128xf32, #tpu.memory_space<hbm>>
      %dma_wait3A_162 = arith.constant 0 : i32
      %dma_wait3A_163 = arith.constant 0 : i32
      %dma_wait3A_164 = tpu.memref_slice %arg7[%dma_wait3A_162, %dma_wait3A_163] : memref<120x128xf32, #tpu.memory_space<vmem>> -> memref<120x128xf32, #tpu.memory_space<vmem>>
      tpu.wait_dma2 semaphore(%run_scoped3A : memref<!tpu.dma_semaphore, #tpu.memory_space<semaphore_mem>>) src(%dma_wait3A_164 : memref<120x128xf32, #tpu.memory_space<vmem>>) dst(%dma_wait3A_161 : memref<120x128xf32, #tpu.memory_space<hbm>>)
      tpu.yield
    }) : () -> ()
    %add3A_125 = arith.constant 240 : i32
    %add3A_126 = arith.addi %mul3A_2, %add3A_125 : i32
    "tpu.region"() ({
      %run_scoped3A = tpu.sem_alloc : memref<!tpu.dma_semaphore, #tpu.memory_space<semaphore_mem>>
      %dma_start3A_141 = arith.constant 0 : i32
      %dma_start3A_142 = arith.constant 0 : i32
      %dma_start3A_143 = tpu.memref_slice %arg7[%dma_start3A_141, %dma_start3A_142] : memref<120x128xf32, #tpu.memory_space<vmem>> -> memref<120x128xf32, #tpu.memory_space<vmem>>
      %dma_start3A_144 = arith.constant 0 : i32
      %dma_start3A_145 = tpu.memref_slice %arg6[%add3A_126, %dma_start3A_144] : memref<10112x128xf32, #tpu.memory_space<vmem_shared>> -> memref<120x128xf32, #tpu.memory_space<vmem_shared>>
      %dma_start3A_146 = arith.constant 0 : i32
      %dma_start3A_147 = arith.constant 0 : i32
      %dma_start3A_148 = tpu.memref_slice %arg7[%dma_start3A_146, %dma_start3A_147] : memref<120x128xf32, #tpu.memory_space<vmem>> -> memref<120x128xf32, #tpu.memory_space<vmem>>
      %dma_start3A_149 = arith.constant 0 : i32
      %dma_start3A_150 = tpu.memref_slice %arg6[%add3A_126, %dma_start3A_149] : memref<10112x128xf32, #tpu.memory_space<vmem_shared>> -> memref<120x128xf32, #tpu.memory_space<vmem_shared>>
      tpu.enqueue_dma source(%dma_start3A_150 : memref<120x128xf32, #tpu.memory_space<vmem_shared>>) target(%dma_start3A_148 : memref<120x128xf32, #tpu.memory_space<vmem>>) target_semaphore(%run_scoped3A : memref<!tpu.dma_semaphore, #tpu.memory_space<semaphore_mem>>)
      %dma_wait3A_151 = arith.constant 0 : i32
      %dma_wait3A_152 = arith.constant 0 : i32
      %dma_wait3A_153 = tpu.memref_slice %arg7[%dma_wait3A_151, %dma_wait3A_152] : memref<120x128xf32, #tpu.memory_space<vmem>> -> memref<120x128xf32, #tpu.memory_space<vmem>>
      %dma_wait3A_154 = arith.constant 0 : i32
      %dma_wait3A_155 = tpu.memref_slice %arg6[%add3A_126, %dma_wait3A_154] : memref<10112x128xf32, #tpu.memory_space<vmem_shared>> -> memref<120x128xf32, #tpu.memory_space<vmem_shared>>
      %dma_wait3A_156 = arith.constant 0 : i32
      %dma_wait3A_157 = arith.constant 0 : i32
      %dma_wait3A_158 = tpu.memref_slice %arg7[%dma_wait3A_156, %dma_wait3A_157] : memref<120x128xf32, #tpu.memory_space<vmem>> -> memref<120x128xf32, #tpu.memory_space<vmem>>
      %dma_wait3A_159 = arith.constant 0 : i32
      %dma_wait3A_160 = tpu.memref_slice %arg6[%add3A_126, %dma_wait3A_159] : memref<10112x128xf32, #tpu.memory_space<vmem_shared>> -> memref<120x128xf32, #tpu.memory_space<vmem_shared>>
      tpu.wait_dma2 semaphore(%run_scoped3A : memref<!tpu.dma_semaphore, #tpu.memory_space<semaphore_mem>>) src(%dma_wait3A_160 : memref<120x128xf32, #tpu.memory_space<vmem_shared>>) dst(%dma_wait3A_158 : memref<120x128xf32, #tpu.memory_space<vmem>>)
      tpu.yield
    }) : () -> ()
    %add3A_127 = arith.constant 240 : i32
    %add3A_128 = arith.addi %mul3A_2, %add3A_127 : i32
    "tpu.region"() ({
      %run_scoped3A = tpu.sem_alloc : memref<!tpu.dma_semaphore, #tpu.memory_space<semaphore_mem>>
      %dma_start3A_141 = arith.constant 0 : i32
      %dma_start3A_142 = arith.constant 0 : i32
      %dma_start3A_143 = tpu.memref_slice %arg7[%dma_start3A_141, %dma_start3A_142] : memref<120x128xf32, #tpu.memory_space<vmem>> -> memref<120x128xf32, #tpu.memory_space<vmem>>
      %dma_start3A_144 = arith.constant 0 : i32
      %dma_start3A_145 = tpu.memref_slice %arg5[%arg0, %add3A_128, %dma_start3A_144] : memref<2x10112x128xf32, #tpu.memory_space<hbm>> -> memref<1x120x128xf32, #tpu.memory_space<hbm>>
      %dma_start3A_146 = tpu.memref_squeeze %dma_start3A_145 : memref<1x120x128xf32, #tpu.memory_space<hbm>> -> memref<120x128xf32, #tpu.memory_space<hbm>>
      %dma_start3A_147 = arith.constant 0 : i32
      %dma_start3A_148 = tpu.memref_slice %arg5[%arg0, %add3A_128, %dma_start3A_147] : memref<2x10112x128xf32, #tpu.memory_space<hbm>> -> memref<1x120x128xf32, #tpu.memory_space<hbm>>
      %dma_start3A_149 = tpu.memref_squeeze %dma_start3A_148 : memref<1x120x128xf32, #tpu.memory_space<hbm>> -> memref<120x128xf32, #tpu.memory_space<hbm>>
      %dma_start3A_150 = arith.constant 0 : i32
      %dma_start3A_151 = arith.constant 0 : i32
      %dma_start3A_152 = tpu.memref_slice %arg7[%dma_start3A_150, %dma_start3A_151] : memref<120x128xf32, #tpu.memory_space<vmem>> -> memref<120x128xf32, #tpu.memory_space<vmem>>
      tpu.enqueue_dma source(%dma_start3A_152 : memref<120x128xf32, #tpu.memory_space<vmem>>) target(%dma_start3A_149 : memref<120x128xf32, #tpu.memory_space<hbm>>) target_semaphore(%run_scoped3A : memref<!tpu.dma_semaphore, #tpu.memory_space<semaphore_mem>>)
      %dma_wait3A_153 = arith.constant 0 : i32
      %dma_wait3A_154 = arith.constant 0 : i32
      %dma_wait3A_155 = tpu.memref_slice %arg7[%dma_wait3A_153, %dma_wait3A_154] : memref<120x128xf32, #tpu.memory_space<vmem>> -> memref<120x128xf32, #tpu.memory_space<vmem>>
      %dma_wait3A_156 = arith.constant 0 : i32
      %dma_wait3A_157 = tpu.memref_slice %arg5[%arg0, %add3A_128, %dma_wait3A_156] : memref<2x10112x128xf32, #tpu.memory_space<hbm>> -> memref<1x120x128xf32, #tpu.memory_space<hbm>>
      %dma_wait3A_158 = tpu.memref_squeeze %dma_wait3A_157 : memref<1x120x128xf32, #tpu.memory_space<hbm>> -> memref<120x128xf32, #tpu.memory_space<hbm>>
      %dma_wait3A_159 = arith.constant 0 : i32
      %dma_wait3A_160 = tpu.memref_slice %arg5[%arg0, %add3A_128, %dma_wait3A_159] : memref<2x10112x128xf32, #tpu.memory_space<hbm>> -> memref<1x120x128xf32, #tpu.memory_space<hbm>>
      %dma_wait3A_161 = tpu.memref_squeeze %dma_wait3A_160 : memref<1x120x128xf32, #tpu.memory_space<hbm>> -> memref<120x128xf32, #tpu.memory_space<hbm>>
      %dma_wait3A_162 = arith.constant 0 : i32
      %dma_wait3A_163 = arith.constant 0 : i32
      %dma_wait3A_164 = tpu.memref_slice %arg7[%dma_wait3A_162, %dma_wait3A_163] : memref<120x128xf32, #tpu.memory_space<vmem>> -> memref<120x128xf32, #tpu.memory_space<vmem>>
      tpu.wait_dma2 semaphore(%run_scoped3A : memref<!tpu.dma_semaphore, #tpu.memory_space<semaphore_mem>>) src(%dma_wait3A_164 : memref<120x128xf32, #tpu.memory_space<vmem>>) dst(%dma_wait3A_161 : memref<120x128xf32, #tpu.memory_space<hbm>>)
      tpu.yield
    }) : () -> ()
    %add3A_129 = arith.constant 360 : i32
    %add3A_130 = arith.addi %mul3A_2, %add3A_129 : i32
    "tpu.region"() ({
      %run_scoped3A = tpu.sem_alloc : memref<!tpu.dma_semaphore, #tpu.memory_space<semaphore_mem>>
      %dma_start3A_141 = arith.constant 0 : i32
      %dma_start3A_142 = arith.constant 0 : i32
      %dma_start3A_143 = tpu.memref_slice %arg7[%dma_start3A_141, %dma_start3A_142] : memref<120x128xf32, #tpu.memory_space<vmem>> -> memref<120x128xf32, #tpu.memory_space<vmem>>
      %dma_start3A_144 = arith.constant 0 : i32
      %dma_start3A_145 = tpu.memref_slice %arg6[%add3A_130, %dma_start3A_144] : memref<10112x128xf32, #tpu.memory_space<vmem_shared>> -> memref<120x128xf32, #tpu.memory_space<vmem_shared>>
      %dma_start3A_146 = arith.constant 0 : i32
      %dma_start3A_147 = arith.constant 0 : i32
      %dma_start3A_148 = tpu.memref_slice %arg7[%dma_start3A_146, %dma_start3A_147] : memref<120x128xf32, #tpu.memory_space<vmem>> -> memref<120x128xf32, #tpu.memory_space<vmem>>
      %dma_start3A_149 = arith.constant 0 : i32
      %dma_start3A_150 = tpu.memref_slice %arg6[%add3A_130, %dma_start3A_149] : memref<10112x128xf32, #tpu.memory_space<vmem_shared>> -> memref<120x128xf32, #tpu.memory_space<vmem_shared>>
      tpu.enqueue_dma source(%dma_start3A_150 : memref<120x128xf32, #tpu.memory_space<vmem_shared>>) target(%dma_start3A_148 : memref<120x128xf32, #tpu.memory_space<vmem>>) target_semaphore(%run_scoped3A : memref<!tpu.dma_semaphore, #tpu.memory_space<semaphore_mem>>)
      %dma_wait3A_151 = arith.constant 0 : i32
      %dma_wait3A_152 = arith.constant 0 : i32
      %dma_wait3A_153 = tpu.memref_slice %arg7[%dma_wait3A_151, %dma_wait3A_152] : memref<120x128xf32, #tpu.memory_space<vmem>> -> memref<120x128xf32, #tpu.memory_space<vmem>>
      %dma_wait3A_154 = arith.constant 0 : i32
      %dma_wait3A_155 = tpu.memref_slice %arg6[%add3A_130, %dma_wait3A_154] : memref<10112x128xf32, #tpu.memory_space<vmem_shared>> -> memref<120x128xf32, #tpu.memory_space<vmem_shared>>
      %dma_wait3A_156 = arith.constant 0 : i32
      %dma_wait3A_157 = arith.constant 0 : i32
      %dma_wait3A_158 = tpu.memref_slice %arg7[%dma_wait3A_156, %dma_wait3A_157] : memref<120x128xf32, #tpu.memory_space<vmem>> -> memref<120x128xf32, #tpu.memory_space<vmem>>
      %dma_wait3A_159 = arith.constant 0 : i32
      %dma_wait3A_160 = tpu.memref_slice %arg6[%add3A_130, %dma_wait3A_159] : memref<10112x128xf32, #tpu.memory_space<vmem_shared>> -> memref<120x128xf32, #tpu.memory_space<vmem_shared>>
      tpu.wait_dma2 semaphore(%run_scoped3A : memref<!tpu.dma_semaphore, #tpu.memory_space<semaphore_mem>>) src(%dma_wait3A_160 : memref<120x128xf32, #tpu.memory_space<vmem_shared>>) dst(%dma_wait3A_158 : memref<120x128xf32, #tpu.memory_space<vmem>>)
      tpu.yield
    }) : () -> ()
    %add3A_131 = arith.constant 360 : i32
    %add3A_132 = arith.addi %mul3A_2, %add3A_131 : i32
    "tpu.region"() ({
      %run_scoped3A = tpu.sem_alloc : memref<!tpu.dma_semaphore, #tpu.memory_space<semaphore_mem>>
      %dma_start3A_141 = arith.constant 0 : i32
      %dma_start3A_142 = arith.constant 0 : i32
      %dma_start3A_143 = tpu.memref_slice %arg7[%dma_start3A_141, %dma_start3A_142] : memref<120x128xf32, #tpu.memory_space<vmem>> -> memref<120x128xf32, #tpu.memory_space<vmem>>
      %dma_start3A_144 = arith.constant 0 : i32
      %dma_start3A_145 = tpu.memref_slice %arg5[%arg0, %add3A_132, %dma_start3A_144] : memref<2x10112x128xf32, #tpu.memory_space<hbm>> -> memref<1x120x128xf32, #tpu.memory_space<hbm>>
      %dma_start3A_146 = tpu.memref_squeeze %dma_start3A_145 : memref<1x120x128xf32, #tpu.memory_space<hbm>> -> memref<120x128xf32, #tpu.memory_space<hbm>>
      %dma_start3A_147 = arith.constant 0 : i32
      %dma_start3A_148 = tpu.memref_slice %arg5[%arg0, %add3A_132, %dma_start3A_147] : memref<2x10112x128xf32, #tpu.memory_space<hbm>> -> memref<1x120x128xf32, #tpu.memory_space<hbm>>
      %dma_start3A_149 = tpu.memref_squeeze %dma_start3A_148 : memref<1x120x128xf32, #tpu.memory_space<hbm>> -> memref<120x128xf32, #tpu.memory_space<hbm>>
      %dma_start3A_150 = arith.constant 0 : i32
      %dma_start3A_151 = arith.constant 0 : i32
      %dma_start3A_152 = tpu.memref_slice %arg7[%dma_start3A_150, %dma_start3A_151] : memref<120x128xf32, #tpu.memory_space<vmem>> -> memref<120x128xf32, #tpu.memory_space<vmem>>
      tpu.enqueue_dma source(%dma_start3A_152 : memref<120x128xf32, #tpu.memory_space<vmem>>) target(%dma_start3A_149 : memref<120x128xf32, #tpu.memory_space<hbm>>) target_semaphore(%run_scoped3A : memref<!tpu.dma_semaphore, #tpu.memory_space<semaphore_mem>>)
      %dma_wait3A_153 = arith.constant 0 : i32
      %dma_wait3A_154 = arith.constant 0 : i32
      %dma_wait3A_155 = tpu.memref_slice %arg7[%dma_wait3A_153, %dma_wait3A_154] : memref<120x128xf32, #tpu.memory_space<vmem>> -> memref<120x128xf32, #tpu.memory_space<vmem>>
      %dma_wait3A_156 = arith.constant 0 : i32
      %dma_wait3A_157 = tpu.memref_slice %arg5[%arg0, %add3A_132, %dma_wait3A_156] : memref<2x10112x128xf32, #tpu.memory_space<hbm>> -> memref<1x120x128xf32, #tpu.memory_space<hbm>>
      %dma_wait3A_158 = tpu.memref_squeeze %dma_wait3A_157 : memref<1x120x128xf32, #tpu.memory_space<hbm>> -> memref<120x128xf32, #tpu.memory_space<hbm>>
      %dma_wait3A_159 = arith.constant 0 : i32
      %dma_wait3A_160 = tpu.memref_slice %arg5[%arg0, %add3A_132, %dma_wait3A_159] : memref<2x10112x128xf32, #tpu.memory_space<hbm>> -> memref<1x120x128xf32, #tpu.memory_space<hbm>>
      %dma_wait3A_161 = tpu.memref_squeeze %dma_wait3A_160 : memref<1x120x128xf32, #tpu.memory_space<hbm>> -> memref<120x128xf32, #tpu.memory_space<hbm>>
      %dma_wait3A_162 = arith.constant 0 : i32
      %dma_wait3A_163 = arith.constant 0 : i32
      %dma_wait3A_164 = tpu.memref_slice %arg7[%dma_wait3A_162, %dma_wait3A_163] : memref<120x128xf32, #tpu.memory_space<vmem>> -> memref<120x128xf32, #tpu.memory_space<vmem>>
      tpu.wait_dma2 semaphore(%run_scoped3A : memref<!tpu.dma_semaphore, #tpu.memory_space<semaphore_mem>>) src(%dma_wait3A_164 : memref<120x128xf32, #tpu.memory_space<vmem>>) dst(%dma_wait3A_161 : memref<120x128xf32, #tpu.memory_space<hbm>>)
      tpu.yield
    }) : () -> ()
    %add3A_133 = arith.constant 480 : i32
    %add3A_134 = arith.addi %mul3A_2, %add3A_133 : i32
    "tpu.region"() ({
      %run_scoped3A = tpu.sem_alloc : memref<!tpu.dma_semaphore, #tpu.memory_space<semaphore_mem>>
      %dma_start3A_141 = arith.constant 0 : i32
      %dma_start3A_142 = arith.constant 0 : i32
      %dma_start3A_143 = tpu.memref_slice %arg7[%dma_start3A_141, %dma_start3A_142] : memref<120x128xf32, #tpu.memory_space<vmem>> -> memref<120x128xf32, #tpu.memory_space<vmem>>
      %dma_start3A_144 = arith.constant 0 : i32
      %dma_start3A_145 = tpu.memref_slice %arg6[%add3A_134, %dma_start3A_144] : memref<10112x128xf32, #tpu.memory_space<vmem_shared>> -> memref<120x128xf32, #tpu.memory_space<vmem_shared>>
      %dma_start3A_146 = arith.constant 0 : i32
      %dma_start3A_147 = arith.constant 0 : i32
      %dma_start3A_148 = tpu.memref_slice %arg7[%dma_start3A_146, %dma_start3A_147] : memref<120x128xf32, #tpu.memory_space<vmem>> -> memref<120x128xf32, #tpu.memory_space<vmem>>
      %dma_start3A_149 = arith.constant 0 : i32
      %dma_start3A_150 = tpu.memref_slice %arg6[%add3A_134, %dma_start3A_149] : memref<10112x128xf32, #tpu.memory_space<vmem_shared>> -> memref<120x128xf32, #tpu.memory_space<vmem_shared>>
      tpu.enqueue_dma source(%dma_start3A_150 : memref<120x128xf32, #tpu.memory_space<vmem_shared>>) target(%dma_start3A_148 : memref<120x128xf32, #tpu.memory_space<vmem>>) target_semaphore(%run_scoped3A : memref<!tpu.dma_semaphore, #tpu.memory_space<semaphore_mem>>)
      %dma_wait3A_151 = arith.constant 0 : i32
      %dma_wait3A_152 = arith.constant 0 : i32
      %dma_wait3A_153 = tpu.memref_slice %arg7[%dma_wait3A_151, %dma_wait3A_152] : memref<120x128xf32, #tpu.memory_space<vmem>> -> memref<120x128xf32, #tpu.memory_space<vmem>>
      %dma_wait3A_154 = arith.constant 0 : i32
      %dma_wait3A_155 = tpu.memref_slice %arg6[%add3A_134, %dma_wait3A_154] : memref<10112x128xf32, #tpu.memory_space<vmem_shared>> -> memref<120x128xf32, #tpu.memory_space<vmem_shared>>
      %dma_wait3A_156 = arith.constant 0 : i32
      %dma_wait3A_157 = arith.constant 0 : i32
      %dma_wait3A_158 = tpu.memref_slice %arg7[%dma_wait3A_156, %dma_wait3A_157] : memref<120x128xf32, #tpu.memory_space<vmem>> -> memref<120x128xf32, #tpu.memory_space<vmem>>
      %dma_wait3A_159 = arith.constant 0 : i32
      %dma_wait3A_160 = tpu.memref_slice %arg6[%add3A_134, %dma_wait3A_159] : memref<10112x128xf32, #tpu.memory_space<vmem_shared>> -> memref<120x128xf32, #tpu.memory_space<vmem_shared>>
      tpu.wait_dma2 semaphore(%run_scoped3A : memref<!tpu.dma_semaphore, #tpu.memory_space<semaphore_mem>>) src(%dma_wait3A_160 : memref<120x128xf32, #tpu.memory_space<vmem_shared>>) dst(%dma_wait3A_158 : memref<120x128xf32, #tpu.memory_space<vmem>>)
      tpu.yield
    }) : () -> ()
    %add3A_135 = arith.constant 480 : i32
    %add3A_136 = arith.addi %mul3A_2, %add3A_135 : i32
    "tpu.region"() ({
      %run_scoped3A = tpu.sem_alloc : memref<!tpu.dma_semaphore, #tpu.memory_space<semaphore_mem>>
      %dma_start3A_141 = arith.constant 0 : i32
      %dma_start3A_142 = arith.constant 0 : i32
      %dma_start3A_143 = tpu.memref_slice %arg7[%dma_start3A_141, %dma_start3A_142] : memref<120x128xf32, #tpu.memory_space<vmem>> -> memref<120x128xf32, #tpu.memory_space<vmem>>
      %dma_start3A_144 = arith.constant 0 : i32
      %dma_start3A_145 = tpu.memref_slice %arg5[%arg0, %add3A_136, %dma_start3A_144] : memref<2x10112x128xf32, #tpu.memory_space<hbm>> -> memref<1x120x128xf32, #tpu.memory_space<hbm>>
      %dma_start3A_146 = tpu.memref_squeeze %dma_start3A_145 : memref<1x120x128xf32, #tpu.memory_space<hbm>> -> memref<120x128xf32, #tpu.memory_space<hbm>>
      %dma_start3A_147 = arith.constant 0 : i32
      %dma_start3A_148 = tpu.memref_slice %arg5[%arg0, %add3A_136, %dma_start3A_147] : memref<2x10112x128xf32, #tpu.memory_space<hbm>> -> memref<1x120x128xf32, #tpu.memory_space<hbm>>
      %dma_start3A_149 = tpu.memref_squeeze %dma_start3A_148 : memref<1x120x128xf32, #tpu.memory_space<hbm>> -> memref<120x128xf32, #tpu.memory_space<hbm>>
      %dma_start3A_150 = arith.constant 0 : i32
      %dma_start3A_151 = arith.constant 0 : i32
      %dma_start3A_152 = tpu.memref_slice %arg7[%dma_start3A_150, %dma_start3A_151] : memref<120x128xf32, #tpu.memory_space<vmem>> -> memref<120x128xf32, #tpu.memory_space<vmem>>
      tpu.enqueue_dma source(%dma_start3A_152 : memref<120x128xf32, #tpu.memory_space<vmem>>) target(%dma_start3A_149 : memref<120x128xf32, #tpu.memory_space<hbm>>) target_semaphore(%run_scoped3A : memref<!tpu.dma_semaphore, #tpu.memory_space<semaphore_mem>>)
      %dma_wait3A_153 = arith.constant 0 : i32
      %dma_wait3A_154 = arith.constant 0 : i32
      %dma_wait3A_155 = tpu.memref_slice %arg7[%dma_wait3A_153, %dma_wait3A_154] : memref<120x128xf32, #tpu.memory_space<vmem>> -> memref<120x128xf32, #tpu.memory_space<vmem>>
      %dma_wait3A_156 = arith.constant 0 : i32
      %dma_wait3A_157 = tpu.memref_slice %arg5[%arg0, %add3A_136, %dma_wait3A_156] : memref<2x10112x128xf32, #tpu.memory_space<hbm>> -> memref<1x120x128xf32, #tpu.memory_space<hbm>>
      %dma_wait3A_158 = tpu.memref_squeeze %dma_wait3A_157 : memref<1x120x128xf32, #tpu.memory_space<hbm>> -> memref<120x128xf32, #tpu.memory_space<hbm>>
      %dma_wait3A_159 = arith.constant 0 : i32
      %dma_wait3A_160 = tpu.memref_slice %arg5[%arg0, %add3A_136, %dma_wait3A_159] : memref<2x10112x128xf32, #tpu.memory_space<hbm>> -> memref<1x120x128xf32, #tpu.memory_space<hbm>>
      %dma_wait3A_161 = tpu.memref_squeeze %dma_wait3A_160 : memref<1x120x128xf32, #tpu.memory_space<hbm>> -> memref<120x128xf32, #tpu.memory_space<hbm>>
      %dma_wait3A_162 = arith.constant 0 : i32
      %dma_wait3A_163 = arith.constant 0 : i32
      %dma_wait3A_164 = tpu.memref_slice %arg7[%dma_wait3A_162, %dma_wait3A_163] : memref<120x128xf32, #tpu.memory_space<vmem>> -> memref<120x128xf32, #tpu.memory_space<vmem>>
      tpu.wait_dma2 semaphore(%run_scoped3A : memref<!tpu.dma_semaphore, #tpu.memory_space<semaphore_mem>>) src(%dma_wait3A_164 : memref<120x128xf32, #tpu.memory_space<vmem>>) dst(%dma_wait3A_161 : memref<120x128xf32, #tpu.memory_space<hbm>>)
      tpu.yield
    }) : () -> ()
    %add3A_137 = arith.constant 600 : i32
    %add3A_138 = arith.addi %mul3A_2, %add3A_137 : i32
    "tpu.region"() ({
      %run_scoped3A = tpu.sem_alloc : memref<!tpu.dma_semaphore, #tpu.memory_space<semaphore_mem>>
      %dma_start3A_141 = arith.constant 0 : i32
      %dma_start3A_142 = arith.constant 0 : i32
      %dma_start3A_143 = tpu.memref_slice %arg7[%dma_start3A_141, %dma_start3A_142] : memref<120x128xf32, #tpu.memory_space<vmem>> -> memref<32x128xf32, #tpu.memory_space<vmem>>
      %dma_start3A_144 = arith.constant 0 : i32
      %dma_start3A_145 = tpu.memref_slice %arg6[%add3A_138, %dma_start3A_144] : memref<10112x128xf32, #tpu.memory_space<vmem_shared>> -> memref<32x128xf32, #tpu.memory_space<vmem_shared>>
      %dma_start3A_146 = arith.constant 0 : i32
      %dma_start3A_147 = arith.constant 0 : i32
      %dma_start3A_148 = tpu.memref_slice %arg7[%dma_start3A_146, %dma_start3A_147] : memref<120x128xf32, #tpu.memory_space<vmem>> -> memref<32x128xf32, #tpu.memory_space<vmem>>
      %dma_start3A_149 = arith.constant 0 : i32
      %dma_start3A_150 = tpu.memref_slice %arg6[%add3A_138, %dma_start3A_149] : memref<10112x128xf32, #tpu.memory_space<vmem_shared>> -> memref<32x128xf32, #tpu.memory_space<vmem_shared>>
      tpu.enqueue_dma source(%dma_start3A_150 : memref<32x128xf32, #tpu.memory_space<vmem_shared>>) target(%dma_start3A_148 : memref<32x128xf32, #tpu.memory_space<vmem>>) target_semaphore(%run_scoped3A : memref<!tpu.dma_semaphore, #tpu.memory_space<semaphore_mem>>)
      %dma_wait3A_151 = arith.constant 0 : i32
      %dma_wait3A_152 = arith.constant 0 : i32
      %dma_wait3A_153 = tpu.memref_slice %arg7[%dma_wait3A_151, %dma_wait3A_152] : memref<120x128xf32, #tpu.memory_space<vmem>> -> memref<32x128xf32, #tpu.memory_space<vmem>>
      %dma_wait3A_154 = arith.constant 0 : i32
      %dma_wait3A_155 = tpu.memref_slice %arg6[%add3A_138, %dma_wait3A_154] : memref<10112x128xf32, #tpu.memory_space<vmem_shared>> -> memref<32x128xf32, #tpu.memory_space<vmem_shared>>
      %dma_wait3A_156 = arith.constant 0 : i32
      %dma_wait3A_157 = arith.constant 0 : i32
      %dma_wait3A_158 = tpu.memref_slice %arg7[%dma_wait3A_156, %dma_wait3A_157] : memref<120x128xf32, #tpu.memory_space<vmem>> -> memref<32x128xf32, #tpu.memory_space<vmem>>
      %dma_wait3A_159 = arith.constant 0 : i32
      %dma_wait3A_160 = tpu.memref_slice %arg6[%add3A_138, %dma_wait3A_159] : memref<10112x128xf32, #tpu.memory_space<vmem_shared>> -> memref<32x128xf32, #tpu.memory_space<vmem_shared>>
      tpu.wait_dma2 semaphore(%run_scoped3A : memref<!tpu.dma_semaphore, #tpu.memory_space<semaphore_mem>>) src(%dma_wait3A_160 : memref<32x128xf32, #tpu.memory_space<vmem_shared>>) dst(%dma_wait3A_158 : memref<32x128xf32, #tpu.memory_space<vmem>>)
      tpu.yield
    }) : () -> ()
    %add3A_139 = arith.constant 600 : i32
    %add3A_140 = arith.addi %mul3A_2, %add3A_139 : i32
    "tpu.region"() ({
      %run_scoped3A = tpu.sem_alloc : memref<!tpu.dma_semaphore, #tpu.memory_space<semaphore_mem>>
      %dma_start3A_141 = arith.constant 0 : i32
      %dma_start3A_142 = arith.constant 0 : i32
      %dma_start3A_143 = tpu.memref_slice %arg7[%dma_start3A_141, %dma_start3A_142] : memref<120x128xf32, #tpu.memory_space<vmem>> -> memref<32x128xf32, #tpu.memory_space<vmem>>
      %dma_start3A_144 = arith.constant 0 : i32
      %dma_start3A_145 = tpu.memref_slice %arg5[%arg0, %add3A_140, %dma_start3A_144] : memref<2x10112x128xf32, #tpu.memory_space<hbm>> -> memref<1x32x128xf32, #tpu.memory_space<hbm>>
      %dma_start3A_146 = tpu.memref_squeeze %dma_start3A_145 : memref<1x32x128xf32, #tpu.memory_space<hbm>> -> memref<32x128xf32, #tpu.memory_space<hbm>>
      %dma_start3A_147 = arith.constant 0 : i32
      %dma_start3A_148 = tpu.memref_slice %arg5[%arg0, %add3A_140, %dma_start3A_147] : memref<2x10112x128xf32, #tpu.memory_space<hbm>> -> memref<1x32x128xf32, #tpu.memory_space<hbm>>
      %dma_start3A_149 = tpu.memref_squeeze %dma_start3A_148 : memref<1x32x128xf32, #tpu.memory_space<hbm>> -> memref<32x128xf32, #tpu.memory_space<hbm>>
      %dma_start3A_150 = arith.constant 0 : i32
      %dma_start3A_151 = arith.constant 0 : i32
      %dma_start3A_152 = tpu.memref_slice %arg7[%dma_start3A_150, %dma_start3A_151] : memref<120x128xf32, #tpu.memory_space<vmem>> -> memref<32x128xf32, #tpu.memory_space<vmem>>
      tpu.enqueue_dma source(%dma_start3A_152 : memref<32x128xf32, #tpu.memory_space<vmem>>) target(%dma_start3A_149 : memref<32x128xf32, #tpu.memory_space<hbm>>) target_semaphore(%run_scoped3A : memref<!tpu.dma_semaphore, #tpu.memory_space<semaphore_mem>>)
      %dma_wait3A_153 = arith.constant 0 : i32
      %dma_wait3A_154 = arith.constant 0 : i32
      %dma_wait3A_155 = tpu.memref_slice %arg7[%dma_wait3A_153, %dma_wait3A_154] : memref<120x128xf32, #tpu.memory_space<vmem>> -> memref<32x128xf32, #tpu.memory_space<vmem>>
      %dma_wait3A_156 = arith.constant 0 : i32
      %dma_wait3A_157 = tpu.memref_slice %arg5[%arg0, %add3A_140, %dma_wait3A_156] : memref<2x10112x128xf32, #tpu.memory_space<hbm>> -> memref<1x32x128xf32, #tpu.memory_space<hbm>>
      %dma_wait3A_158 = tpu.memref_squeeze %dma_wait3A_157 : memref<1x32x128xf32, #tpu.memory_space<hbm>> -> memref<32x128xf32, #tpu.memory_space<hbm>>
      %dma_wait3A_159 = arith.constant 0 : i32
      %dma_wait3A_160 = tpu.memref_slice %arg5[%arg0, %add3A_140, %dma_wait3A_159] : memref<2x10112x128xf32, #tpu.memory_space<hbm>> -> memref<1x32x128xf32, #tpu.memory_space<hbm>>
      %dma_wait3A_161 = tpu.memref_squeeze %dma_wait3A_160 : memref<1x32x128xf32, #tpu.memory_space<hbm>> -> memref<32x128xf32, #tpu.memory_space<hbm>>
      %dma_wait3A_162 = arith.constant 0 : i32
      %dma_wait3A_163 = arith.constant 0 : i32
      %dma_wait3A_164 = tpu.memref_slice %arg7[%dma_wait3A_162, %dma_wait3A_163] : memref<120x128xf32, #tpu.memory_space<vmem>> -> memref<32x128xf32, #tpu.memory_space<vmem>>
      tpu.wait_dma2 semaphore(%run_scoped3A : memref<!tpu.dma_semaphore, #tpu.memory_space<semaphore_mem>>) src(%dma_wait3A_164 : memref<32x128xf32, #tpu.memory_space<vmem>>) dst(%dma_wait3A_161 : memref<32x128xf32, #tpu.memory_space<hbm>>)
      tpu.yield
    }) : () -> ()
    return
  }
}

#map = affine_map<(d0, d1) -> (0, 0)>
#map1 = affine_map<(d0, d1) -> (0)>
#map2 = affine_map<(d0, d1) -> (0, 0, 0)>
module attributes {stable_mosaic.version = 14 : i64} {
  func.func @sage_agg_deg(%arg0: i32, %arg1: i32, %arg2: memref<10000x128xf32, #tpu.memory_space<hbm>>, %arg3: memref<322560xi32, #tpu.memory_space<hbm>>, %arg4: memref<322560xi32, #tpu.memory_space<hbm>>, %arg5: memref<2x10112x128xf32, #tpu.memory_space<hbm>>, %arg6: memref<2x10112x128xf32, #tpu.memory_space<hbm>>, %arg7: memref<10112x128xf32, #tpu.memory_space<vmem_shared>>, %arg8: memref<120x128xf32, #tpu.memory_space<vmem>>, %arg9: memref<120x128xf32, #tpu.memory_space<vmem>>, %arg10: memref<!tpu.dma_semaphore, #tpu.memory_space<semaphore_mem>>, %arg11: memref<!tpu.dma_semaphore, #tpu.memory_space<semaphore_mem>>, %arg12: memref<120xi32, #tpu.memory_space<vmem>>, %arg13: memref<120xi32, #tpu.memory_space<vmem>>, %arg14: memref<120xi32, #tpu.memory_space<vmem>>, %arg15: memref<120xi32, #tpu.memory_space<vmem>>, %arg16: memref<120xi32, #tpu.memory_space<vmem>>, %arg17: memref<120xi32, #tpu.memory_space<vmem>>, %arg18: memref<120xi32, #tpu.memory_space<vmem>>, %arg19: memref<120xi32, #tpu.memory_space<vmem>>, %arg20: memref<!tpu.dma_semaphore, #tpu.memory_space<semaphore_mem>>, %arg21: memref<!tpu.dma_semaphore, #tpu.memory_space<semaphore_mem>>, %arg22: memref<!tpu.dma_semaphore, #tpu.memory_space<semaphore_mem>>, %arg23: memref<!tpu.dma_semaphore, #tpu.memory_space<semaphore_mem>>) attributes {dimension_semantics = [#tpu.dimension_semantics<core_parallel>, #tpu.dimension_semantics<subcore_parallel>], iteration_bounds = array<i64: 2, 16>, scalar_prefetch = 0 : i64, scratch_operands = 17 : i64, tpu.core_type = #tpu.core_type<sc_vector_subcore>, window_params = [{transform_indices = #map}, {transform_indices = #map1}, {transform_indices = #map1}, {transform_indices = #map2}, {transform_indices = #map2}]} {
    %mul3A = arith.constant 16 : i32
    %mul3A_0 = arith.muli %arg0, %mul3A : i32
    %add3A = arith.addi %mul3A_0, %arg1 : i32
    %mul3A_1 = arith.constant 632 : i32
    %mul3A_2 = arith.muli %arg1, %mul3A_1 : i32
    %mul3A_3 = arith.constant 84 : i32
    %mul3A_4 = arith.muli %add3A, %mul3A_3 : i32
    %mul3A_5 = arith.constant 120 : i32
    %mul3A_6 = arith.muli %mul3A_4, %mul3A_5 : i32
    %add3A_7 = arith.constant 0 : i32
    %add3A_8 = arith.addi %mul3A_6, %add3A_7 : i32
    %dma_start3A = tpu.memref_slice %arg3[%add3A_8] : memref<322560xi32, #tpu.memory_space<hbm>> -> memref<120xi32, #tpu.memory_space<hbm>>
    %dma_start3A_9 = tpu.memref_slice %arg3[%add3A_8] : memref<322560xi32, #tpu.memory_space<hbm>> -> memref<120xi32, #tpu.memory_space<hbm>>
    tpu.enqueue_dma source(%dma_start3A_9 : memref<120xi32, #tpu.memory_space<hbm>>) target(%arg12 : memref<120xi32, #tpu.memory_space<vmem>>) target_semaphore(%arg20 : memref<!tpu.dma_semaphore, #tpu.memory_space<semaphore_mem>>)
    %add3A_10 = arith.constant 0 : i32
    %add3A_11 = arith.addi %mul3A_6, %add3A_10 : i32
    %dma_start3A_12 = tpu.memref_slice %arg4[%add3A_11] : memref<322560xi32, #tpu.memory_space<hbm>> -> memref<120xi32, #tpu.memory_space<hbm>>
    %dma_start3A_13 = tpu.memref_slice %arg4[%add3A_11] : memref<322560xi32, #tpu.memory_space<hbm>> -> memref<120xi32, #tpu.memory_space<hbm>>
    tpu.enqueue_dma source(%dma_start3A_13 : memref<120xi32, #tpu.memory_space<hbm>>) target(%arg13 : memref<120xi32, #tpu.memory_space<vmem>>) target_semaphore(%arg20 : memref<!tpu.dma_semaphore, #tpu.memory_space<semaphore_mem>>)
    %add3A_14 = arith.constant 120 : i32
    %add3A_15 = arith.addi %mul3A_6, %add3A_14 : i32
    %dma_start3A_16 = tpu.memref_slice %arg3[%add3A_15] : memref<322560xi32, #tpu.memory_space<hbm>> -> memref<120xi32, #tpu.memory_space<hbm>>
    %dma_start3A_17 = tpu.memref_slice %arg3[%add3A_15] : memref<322560xi32, #tpu.memory_space<hbm>> -> memref<120xi32, #tpu.memory_space<hbm>>
    tpu.enqueue_dma source(%dma_start3A_17 : memref<120xi32, #tpu.memory_space<hbm>>) target(%arg14 : memref<120xi32, #tpu.memory_space<vmem>>) target_semaphore(%arg21 : memref<!tpu.dma_semaphore, #tpu.memory_space<semaphore_mem>>)
    %add3A_18 = arith.constant 120 : i32
    %add3A_19 = arith.addi %mul3A_6, %add3A_18 : i32
    %dma_start3A_20 = tpu.memref_slice %arg4[%add3A_19] : memref<322560xi32, #tpu.memory_space<hbm>> -> memref<120xi32, #tpu.memory_space<hbm>>
    %dma_start3A_21 = tpu.memref_slice %arg4[%add3A_19] : memref<322560xi32, #tpu.memory_space<hbm>> -> memref<120xi32, #tpu.memory_space<hbm>>
    tpu.enqueue_dma source(%dma_start3A_21 : memref<120xi32, #tpu.memory_space<hbm>>) target(%arg15 : memref<120xi32, #tpu.memory_space<vmem>>) target_semaphore(%arg21 : memref<!tpu.dma_semaphore, #tpu.memory_space<semaphore_mem>>)
    %add3A_22 = arith.constant 240 : i32
    %add3A_23 = arith.addi %mul3A_6, %add3A_22 : i32
    %dma_start3A_24 = tpu.memref_slice %arg3[%add3A_23] : memref<322560xi32, #tpu.memory_space<hbm>> -> memref<120xi32, #tpu.memory_space<hbm>>
    %dma_start3A_25 = tpu.memref_slice %arg3[%add3A_23] : memref<322560xi32, #tpu.memory_space<hbm>> -> memref<120xi32, #tpu.memory_space<hbm>>
    tpu.enqueue_dma source(%dma_start3A_25 : memref<120xi32, #tpu.memory_space<hbm>>) target(%arg16 : memref<120xi32, #tpu.memory_space<vmem>>) target_semaphore(%arg22 : memref<!tpu.dma_semaphore, #tpu.memory_space<semaphore_mem>>)
    %add3A_26 = arith.constant 240 : i32
    %add3A_27 = arith.addi %mul3A_6, %add3A_26 : i32
    %dma_start3A_28 = tpu.memref_slice %arg4[%add3A_27] : memref<322560xi32, #tpu.memory_space<hbm>> -> memref<120xi32, #tpu.memory_space<hbm>>
    %dma_start3A_29 = tpu.memref_slice %arg4[%add3A_27] : memref<322560xi32, #tpu.memory_space<hbm>> -> memref<120xi32, #tpu.memory_space<hbm>>
    tpu.enqueue_dma source(%dma_start3A_29 : memref<120xi32, #tpu.memory_space<hbm>>) target(%arg17 : memref<120xi32, #tpu.memory_space<vmem>>) target_semaphore(%arg22 : memref<!tpu.dma_semaphore, #tpu.memory_space<semaphore_mem>>)
    %add3A_30 = arith.constant 360 : i32
    %add3A_31 = arith.addi %mul3A_6, %add3A_30 : i32
    %dma_start3A_32 = tpu.memref_slice %arg3[%add3A_31] : memref<322560xi32, #tpu.memory_space<hbm>> -> memref<120xi32, #tpu.memory_space<hbm>>
    %dma_start3A_33 = tpu.memref_slice %arg3[%add3A_31] : memref<322560xi32, #tpu.memory_space<hbm>> -> memref<120xi32, #tpu.memory_space<hbm>>
    tpu.enqueue_dma source(%dma_start3A_33 : memref<120xi32, #tpu.memory_space<hbm>>) target(%arg18 : memref<120xi32, #tpu.memory_space<vmem>>) target_semaphore(%arg23 : memref<!tpu.dma_semaphore, #tpu.memory_space<semaphore_mem>>)
    %add3A_34 = arith.constant 360 : i32
    %add3A_35 = arith.addi %mul3A_6, %add3A_34 : i32
    %dma_start3A_36 = tpu.memref_slice %arg4[%add3A_35] : memref<322560xi32, #tpu.memory_space<hbm>> -> memref<120xi32, #tpu.memory_space<hbm>>
    %dma_start3A_37 = tpu.memref_slice %arg4[%add3A_35] : memref<322560xi32, #tpu.memory_space<hbm>> -> memref<120xi32, #tpu.memory_space<hbm>>
    tpu.enqueue_dma source(%dma_start3A_37 : memref<120xi32, #tpu.memory_space<hbm>>) target(%arg19 : memref<120xi32, #tpu.memory_space<vmem>>) target_semaphore(%arg23 : memref<!tpu.dma_semaphore, #tpu.memory_space<semaphore_mem>>)
    %scan3A = arith.constant 0 : i32
    %scan3A_38 = arith.constant 0 : i32
    %scan3A_39 = arith.constant 120 : i32
    %scan3A_40 = arith.addi %scan3A_38, %scan3A_39 : i32
    %scan3A_41 = arith.constant 1 : i32
    scf.for %scan3A_207 = %scan3A_38 to %scan3A_40 step %scan3A_41  : i32 {
      %broadcast_in_dim3A = arith.constant 0.000000e+00 : f32
      %broadcast_in_dim3A_208 = vector.broadcast %broadcast_in_dim3A : f32 to vector<16xf32>
      %swap3A = arith.index_cast %scan3A_207 : i32 to index
      %swap3A_209 = arith.constant 0 : index
      %swap3A_210 = tpu.vector_load %arg8[%swap3A, %swap3A_209] {strides = array<i32>} : memref<120x128xf32, #tpu.memory_space<vmem>>, vector<1x16xf32>,
      %swap3A_211 = vector.shape_cast %swap3A_210 : vector<1x16xf32> to vector<16xf32>
      %swap3A_212 = vector.shape_cast %broadcast_in_dim3A_208 : vector<16xf32> to vector<1x16xf32>
      tpu.vector_store %arg8[%swap3A, %swap3A_209], %swap3A_212 {strides = array<i32>} : memref<120x128xf32, #tpu.memory_space<vmem>>, vector<1x16xf32>,
      %swap3A_213 = arith.index_cast %scan3A_207 : i32 to index
      %swap3A_214 = arith.constant 16 : index
      %swap3A_215 = tpu.vector_load %arg8[%swap3A_213, %swap3A_214] {strides = array<i32>} : memref<120x128xf32, #tpu.memory_space<vmem>>, vector<1x16xf32>,
      %swap3A_216 = vector.shape_cast %swap3A_215 : vector<1x16xf32> to vector<16xf32>
      %swap3A_217 = vector.shape_cast %broadcast_in_dim3A_208 : vector<16xf32> to vector<1x16xf32>
      tpu.vector_store %arg8[%swap3A_213, %swap3A_214], %swap3A_217 {strides = array<i32>} : memref<120x128xf32, #tpu.memory_space<vmem>>, vector<1x16xf32>,
      %swap3A_218 = arith.index_cast %scan3A_207 : i32 to index
      %swap3A_219 = arith.constant 32 : index
      %swap3A_220 = tpu.vector_load %arg8[%swap3A_218, %swap3A_219] {strides = array<i32>} : memref<120x128xf32, #tpu.memory_space<vmem>>, vector<1x16xf32>,
      %swap3A_221 = vector.shape_cast %swap3A_220 : vector<1x16xf32> to vector<16xf32>
      %swap3A_222 = vector.shape_cast %broadcast_in_dim3A_208 : vector<16xf32> to vector<1x16xf32>
      tpu.vector_store %arg8[%swap3A_218, %swap3A_219], %swap3A_222 {strides = array<i32>} : memref<120x128xf32, #tpu.memory_space<vmem>>, vector<1x16xf32>,
      %swap3A_223 = arith.index_cast %scan3A_207 : i32 to index
      %swap3A_224 = arith.constant 48 : index
      %swap3A_225 = tpu.vector_load %arg8[%swap3A_223, %swap3A_224] {strides = array<i32>} : memref<120x128xf32, #tpu.memory_space<vmem>>, vector<1x16xf32>,
      %swap3A_226 = vector.shape_cast %swap3A_225 : vector<1x16xf32> to vector<16xf32>
      %swap3A_227 = vector.shape_cast %broadcast_in_dim3A_208 : vector<16xf32> to vector<1x16xf32>
      tpu.vector_store %arg8[%swap3A_223, %swap3A_224], %swap3A_227 {strides = array<i32>} : memref<120x128xf32, #tpu.memory_space<vmem>>, vector<1x16xf32>,
      %swap3A_228 = arith.index_cast %scan3A_207 : i32 to index
      %swap3A_229 = arith.constant 64 : index
      %swap3A_230 = tpu.vector_load %arg8[%swap3A_228, %swap3A_229] {strides = array<i32>} : memref<120x128xf32, #tpu.memory_space<vmem>>, vector<1x16xf32>,
      %swap3A_231 = vector.shape_cast %swap3A_230 : vector<1x16xf32> to vector<16xf32>
      %swap3A_232 = vector.shape_cast %broadcast_in_dim3A_208 : vector<16xf32> to vector<1x16xf32>
      tpu.vector_store %arg8[%swap3A_228, %swap3A_229], %swap3A_232 {strides = array<i32>} : memref<120x128xf32, #tpu.memory_space<vmem>>, vector<1x16xf32>,
      %swap3A_233 = arith.index_cast %scan3A_207 : i32 to index
      %swap3A_234 = arith.constant 80 : index
      %swap3A_235 = tpu.vector_load %arg8[%swap3A_233, %swap3A_234] {strides = array<i32>} : memref<120x128xf32, #tpu.memory_space<vmem>>, vector<1x16xf32>,
      %swap3A_236 = vector.shape_cast %swap3A_235 : vector<1x16xf32> to vector<16xf32>
      %swap3A_237 = vector.shape_cast %broadcast_in_dim3A_208 : vector<16xf32> to vector<1x16xf32>
      tpu.vector_store %arg8[%swap3A_233, %swap3A_234], %swap3A_237 {strides = array<i32>} : memref<120x128xf32, #tpu.memory_space<vmem>>, vector<1x16xf32>,
      %swap3A_238 = arith.index_cast %scan3A_207 : i32 to index
      %swap3A_239 = arith.constant 96 : index
      %swap3A_240 = tpu.vector_load %arg8[%swap3A_238, %swap3A_239] {strides = array<i32>} : memref<120x128xf32, #tpu.memory_space<vmem>>, vector<1x16xf32>,
      %swap3A_241 = vector.shape_cast %swap3A_240 : vector<1x16xf32> to vector<16xf32>
      %swap3A_242 = vector.shape_cast %broadcast_in_dim3A_208 : vector<16xf32> to vector<1x16xf32>
      tpu.vector_store %arg8[%swap3A_238, %swap3A_239], %swap3A_242 {strides = array<i32>} : memref<120x128xf32, #tpu.memory_space<vmem>>, vector<1x16xf32>,
      %swap3A_243 = arith.index_cast %scan3A_207 : i32 to index
      %swap3A_244 = arith.constant 112 : index
      %swap3A_245 = tpu.vector_load %arg8[%swap3A_243, %swap3A_244] {strides = array<i32>} : memref<120x128xf32, #tpu.memory_space<vmem>>, vector<1x16xf32>,
      %swap3A_246 = vector.shape_cast %swap3A_245 : vector<1x16xf32> to vector<16xf32>
      %swap3A_247 = vector.shape_cast %broadcast_in_dim3A_208 : vector<16xf32> to vector<1x16xf32>
      tpu.vector_store %arg8[%swap3A_243, %swap3A_244], %swap3A_247 {strides = array<i32>} : memref<120x128xf32, #tpu.memory_space<vmem>>, vector<1x16xf32>,
    }
    %scan3A_42 = arith.constant 120 : i32
    %add3A_43 = arith.constant 0 : i32
    %add3A_44 = arith.addi %mul3A_2, %add3A_43 : i32
    "tpu.region"() ({
      %run_scoped3A = tpu.sem_alloc : memref<!tpu.dma_semaphore, #tpu.memory_space<semaphore_mem>>
      %dma_start3A_207 = arith.constant 0 : i32
      %dma_start3A_208 = arith.constant 0 : i32
      %dma_start3A_209 = tpu.memref_slice %arg8[%dma_start3A_207, %dma_start3A_208] : memref<120x128xf32, #tpu.memory_space<vmem>> -> memref<120x128xf32, #tpu.memory_space<vmem>>
      %dma_start3A_210 = arith.constant 0 : i32
      %dma_start3A_211 = tpu.memref_slice %arg7[%add3A_44, %dma_start3A_210] : memref<10112x128xf32, #tpu.memory_space<vmem_shared>> -> memref<120x128xf32, #tpu.memory_space<vmem_shared>>
      %dma_start3A_212 = arith.constant 0 : i32
      %dma_start3A_213 = tpu.memref_slice %arg7[%add3A_44, %dma_start3A_212] : memref<10112x128xf32, #tpu.memory_space<vmem_shared>> -> memref<120x128xf32, #tpu.memory_space<vmem_shared>>
      %dma_start3A_214 = arith.constant 0 : i32
      %dma_start3A_215 = arith.constant 0 : i32
      %dma_start3A_216 = tpu.memref_slice %arg8[%dma_start3A_214, %dma_start3A_215] : memref<120x128xf32, #tpu.memory_space<vmem>> -> memref<120x128xf32, #tpu.memory_space<vmem>>
      tpu.enqueue_dma source(%dma_start3A_216 : memref<120x128xf32, #tpu.memory_space<vmem>>) target(%dma_start3A_213 : memref<120x128xf32, #tpu.memory_space<vmem_shared>>) target_semaphore(%run_scoped3A : memref<!tpu.dma_semaphore, #tpu.memory_space<semaphore_mem>>)
      %dma_wait3A_217 = arith.constant 0 : i32
      %dma_wait3A_218 = arith.constant 0 : i32
      %dma_wait3A_219 = tpu.memref_slice %arg8[%dma_wait3A_217, %dma_wait3A_218] : memref<120x128xf32, #tpu.memory_space<vmem>> -> memref<120x128xf32, #tpu.memory_space<vmem>>
      %dma_wait3A_220 = arith.constant 0 : i32
      %dma_wait3A_221 = tpu.memref_slice %arg7[%add3A_44, %dma_wait3A_220] : memref<10112x128xf32, #tpu.memory_space<vmem_shared>> -> memref<120x128xf32, #tpu.memory_space<vmem_shared>>
      %dma_wait3A_222 = arith.constant 0 : i32
      %dma_wait3A_223 = tpu.memref_slice %arg7[%add3A_44, %dma_wait3A_222] : memref<10112x128xf32, #tpu.memory_space<vmem_shared>> -> memref<120x128xf32, #tpu.memory_space<vmem_shared>>
      %dma_wait3A_224 = arith.constant 0 : i32
      %dma_wait3A_225 = arith.constant 0 : i32
      %dma_wait3A_226 = tpu.memref_slice %arg8[%dma_wait3A_224, %dma_wait3A_225] : memref<120x128xf32, #tpu.memory_space<vmem>> -> memref<120x128xf32, #tpu.memory_space<vmem>>
      tpu.wait_dma2 semaphore(%run_scoped3A : memref<!tpu.dma_semaphore, #tpu.memory_space<semaphore_mem>>) src(%dma_wait3A_226 : memref<120x128xf32, #tpu.memory_space<vmem>>) dst(%dma_wait3A_223 : memref<120x128xf32, #tpu.memory_space<vmem_shared>>)
      tpu.yield
    }) : () -> ()
    %add3A_45 = arith.constant 120 : i32
    %add3A_46 = arith.addi %mul3A_2, %add3A_45 : i32
    "tpu.region"() ({
      %run_scoped3A = tpu.sem_alloc : memref<!tpu.dma_semaphore, #tpu.memory_space<semaphore_mem>>
      %dma_start3A_207 = arith.constant 0 : i32
      %dma_start3A_208 = arith.constant 0 : i32
      %dma_start3A_209 = tpu.memref_slice %arg8[%dma_start3A_207, %dma_start3A_208] : memref<120x128xf32, #tpu.memory_space<vmem>> -> memref<120x128xf32, #tpu.memory_space<vmem>>
      %dma_start3A_210 = arith.constant 0 : i32
      %dma_start3A_211 = tpu.memref_slice %arg7[%add3A_46, %dma_start3A_210] : memref<10112x128xf32, #tpu.memory_space<vmem_shared>> -> memref<120x128xf32, #tpu.memory_space<vmem_shared>>
      %dma_start3A_212 = arith.constant 0 : i32
      %dma_start3A_213 = tpu.memref_slice %arg7[%add3A_46, %dma_start3A_212] : memref<10112x128xf32, #tpu.memory_space<vmem_shared>> -> memref<120x128xf32, #tpu.memory_space<vmem_shared>>
      %dma_start3A_214 = arith.constant 0 : i32
      %dma_start3A_215 = arith.constant 0 : i32
      %dma_start3A_216 = tpu.memref_slice %arg8[%dma_start3A_214, %dma_start3A_215] : memref<120x128xf32, #tpu.memory_space<vmem>> -> memref<120x128xf32, #tpu.memory_space<vmem>>
      tpu.enqueue_dma source(%dma_start3A_216 : memref<120x128xf32, #tpu.memory_space<vmem>>) target(%dma_start3A_213 : memref<120x128xf32, #tpu.memory_space<vmem_shared>>) target_semaphore(%run_scoped3A : memref<!tpu.dma_semaphore, #tpu.memory_space<semaphore_mem>>)
      %dma_wait3A_217 = arith.constant 0 : i32
      %dma_wait3A_218 = arith.constant 0 : i32
      %dma_wait3A_219 = tpu.memref_slice %arg8[%dma_wait3A_217, %dma_wait3A_218] : memref<120x128xf32, #tpu.memory_space<vmem>> -> memref<120x128xf32, #tpu.memory_space<vmem>>
      %dma_wait3A_220 = arith.constant 0 : i32
      %dma_wait3A_221 = tpu.memref_slice %arg7[%add3A_46, %dma_wait3A_220] : memref<10112x128xf32, #tpu.memory_space<vmem_shared>> -> memref<120x128xf32, #tpu.memory_space<vmem_shared>>
      %dma_wait3A_222 = arith.constant 0 : i32
      %dma_wait3A_223 = tpu.memref_slice %arg7[%add3A_46, %dma_wait3A_222] : memref<10112x128xf32, #tpu.memory_space<vmem_shared>> -> memref<120x128xf32, #tpu.memory_space<vmem_shared>>
      %dma_wait3A_224 = arith.constant 0 : i32
      %dma_wait3A_225 = arith.constant 0 : i32
      %dma_wait3A_226 = tpu.memref_slice %arg8[%dma_wait3A_224, %dma_wait3A_225] : memref<120x128xf32, #tpu.memory_space<vmem>> -> memref<120x128xf32, #tpu.memory_space<vmem>>
      tpu.wait_dma2 semaphore(%run_scoped3A : memref<!tpu.dma_semaphore, #tpu.memory_space<semaphore_mem>>) src(%dma_wait3A_226 : memref<120x128xf32, #tpu.memory_space<vmem>>) dst(%dma_wait3A_223 : memref<120x128xf32, #tpu.memory_space<vmem_shared>>)
      tpu.yield
    }) : () -> ()
    %add3A_47 = arith.constant 240 : i32
    %add3A_48 = arith.addi %mul3A_2, %add3A_47 : i32
    "tpu.region"() ({
      %run_scoped3A = tpu.sem_alloc : memref<!tpu.dma_semaphore, #tpu.memory_space<semaphore_mem>>
      %dma_start3A_207 = arith.constant 0 : i32
      %dma_start3A_208 = arith.constant 0 : i32
      %dma_start3A_209 = tpu.memref_slice %arg8[%dma_start3A_207, %dma_start3A_208] : memref<120x128xf32, #tpu.memory_space<vmem>> -> memref<120x128xf32, #tpu.memory_space<vmem>>
      %dma_start3A_210 = arith.constant 0 : i32
      %dma_start3A_211 = tpu.memref_slice %arg7[%add3A_48, %dma_start3A_210] : memref<10112x128xf32, #tpu.memory_space<vmem_shared>> -> memref<120x128xf32, #tpu.memory_space<vmem_shared>>
      %dma_start3A_212 = arith.constant 0 : i32
      %dma_start3A_213 = tpu.memref_slice %arg7[%add3A_48, %dma_start3A_212] : memref<10112x128xf32, #tpu.memory_space<vmem_shared>> -> memref<120x128xf32, #tpu.memory_space<vmem_shared>>
      %dma_start3A_214 = arith.constant 0 : i32
      %dma_start3A_215 = arith.constant 0 : i32
      %dma_start3A_216 = tpu.memref_slice %arg8[%dma_start3A_214, %dma_start3A_215] : memref<120x128xf32, #tpu.memory_space<vmem>> -> memref<120x128xf32, #tpu.memory_space<vmem>>
      tpu.enqueue_dma source(%dma_start3A_216 : memref<120x128xf32, #tpu.memory_space<vmem>>) target(%dma_start3A_213 : memref<120x128xf32, #tpu.memory_space<vmem_shared>>) target_semaphore(%run_scoped3A : memref<!tpu.dma_semaphore, #tpu.memory_space<semaphore_mem>>)
      %dma_wait3A_217 = arith.constant 0 : i32
      %dma_wait3A_218 = arith.constant 0 : i32
      %dma_wait3A_219 = tpu.memref_slice %arg8[%dma_wait3A_217, %dma_wait3A_218] : memref<120x128xf32, #tpu.memory_space<vmem>> -> memref<120x128xf32, #tpu.memory_space<vmem>>
      %dma_wait3A_220 = arith.constant 0 : i32
      %dma_wait3A_221 = tpu.memref_slice %arg7[%add3A_48, %dma_wait3A_220] : memref<10112x128xf32, #tpu.memory_space<vmem_shared>> -> memref<120x128xf32, #tpu.memory_space<vmem_shared>>
      %dma_wait3A_222 = arith.constant 0 : i32
      %dma_wait3A_223 = tpu.memref_slice %arg7[%add3A_48, %dma_wait3A_222] : memref<10112x128xf32, #tpu.memory_space<vmem_shared>> -> memref<120x128xf32, #tpu.memory_space<vmem_shared>>
      %dma_wait3A_224 = arith.constant 0 : i32
      %dma_wait3A_225 = arith.constant 0 : i32
      %dma_wait3A_226 = tpu.memref_slice %arg8[%dma_wait3A_224, %dma_wait3A_225] : memref<120x128xf32, #tpu.memory_space<vmem>> -> memref<120x128xf32, #tpu.memory_space<vmem>>
      tpu.wait_dma2 semaphore(%run_scoped3A : memref<!tpu.dma_semaphore, #tpu.memory_space<semaphore_mem>>) src(%dma_wait3A_226 : memref<120x128xf32, #tpu.memory_space<vmem>>) dst(%dma_wait3A_223 : memref<120x128xf32, #tpu.memory_space<vmem_shared>>)
      tpu.yield
    }) : () -> ()
    %add3A_49 = arith.constant 360 : i32
    %add3A_50 = arith.addi %mul3A_2, %add3A_49 : i32
    "tpu.region"() ({
      %run_scoped3A = tpu.sem_alloc : memref<!tpu.dma_semaphore, #tpu.memory_space<semaphore_mem>>
      %dma_start3A_207 = arith.constant 0 : i32
      %dma_start3A_208 = arith.constant 0 : i32
      %dma_start3A_209 = tpu.memref_slice %arg8[%dma_start3A_207, %dma_start3A_208] : memref<120x128xf32, #tpu.memory_space<vmem>> -> memref<120x128xf32, #tpu.memory_space<vmem>>
      %dma_start3A_210 = arith.constant 0 : i32
      %dma_start3A_211 = tpu.memref_slice %arg7[%add3A_50, %dma_start3A_210] : memref<10112x128xf32, #tpu.memory_space<vmem_shared>> -> memref<120x128xf32, #tpu.memory_space<vmem_shared>>
      %dma_start3A_212 = arith.constant 0 : i32
      %dma_start3A_213 = tpu.memref_slice %arg7[%add3A_50, %dma_start3A_212] : memref<10112x128xf32, #tpu.memory_space<vmem_shared>> -> memref<120x128xf32, #tpu.memory_space<vmem_shared>>
      %dma_start3A_214 = arith.constant 0 : i32
      %dma_start3A_215 = arith.constant 0 : i32
      %dma_start3A_216 = tpu.memref_slice %arg8[%dma_start3A_214, %dma_start3A_215] : memref<120x128xf32, #tpu.memory_space<vmem>> -> memref<120x128xf32, #tpu.memory_space<vmem>>
      tpu.enqueue_dma source(%dma_start3A_216 : memref<120x128xf32, #tpu.memory_space<vmem>>) target(%dma_start3A_213 : memref<120x128xf32, #tpu.memory_space<vmem_shared>>) target_semaphore(%run_scoped3A : memref<!tpu.dma_semaphore, #tpu.memory_space<semaphore_mem>>)
      %dma_wait3A_217 = arith.constant 0 : i32
      %dma_wait3A_218 = arith.constant 0 : i32
      %dma_wait3A_219 = tpu.memref_slice %arg8[%dma_wait3A_217, %dma_wait3A_218] : memref<120x128xf32, #tpu.memory_space<vmem>> -> memref<120x128xf32, #tpu.memory_space<vmem>>
      %dma_wait3A_220 = arith.constant 0 : i32
      %dma_wait3A_221 = tpu.memref_slice %arg7[%add3A_50, %dma_wait3A_220] : memref<10112x128xf32, #tpu.memory_space<vmem_shared>> -> memref<120x128xf32, #tpu.memory_space<vmem_shared>>
      %dma_wait3A_222 = arith.constant 0 : i32
      %dma_wait3A_223 = tpu.memref_slice %arg7[%add3A_50, %dma_wait3A_222] : memref<10112x128xf32, #tpu.memory_space<vmem_shared>> -> memref<120x128xf32, #tpu.memory_space<vmem_shared>>
      %dma_wait3A_224 = arith.constant 0 : i32
      %dma_wait3A_225 = arith.constant 0 : i32
      %dma_wait3A_226 = tpu.memref_slice %arg8[%dma_wait3A_224, %dma_wait3A_225] : memref<120x128xf32, #tpu.memory_space<vmem>> -> memref<120x128xf32, #tpu.memory_space<vmem>>
      tpu.wait_dma2 semaphore(%run_scoped3A : memref<!tpu.dma_semaphore, #tpu.memory_space<semaphore_mem>>) src(%dma_wait3A_226 : memref<120x128xf32, #tpu.memory_space<vmem>>) dst(%dma_wait3A_223 : memref<120x128xf32, #tpu.memory_space<vmem_shared>>)
      tpu.yield
    }) : () -> ()
    %add3A_51 = arith.constant 480 : i32
    %add3A_52 = arith.addi %mul3A_2, %add3A_51 : i32
    "tpu.region"() ({
      %run_scoped3A = tpu.sem_alloc : memref<!tpu.dma_semaphore, #tpu.memory_space<semaphore_mem>>
      %dma_start3A_207 = arith.constant 0 : i32
      %dma_start3A_208 = arith.constant 0 : i32
      %dma_start3A_209 = tpu.memref_slice %arg8[%dma_start3A_207, %dma_start3A_208] : memref<120x128xf32, #tpu.memory_space<vmem>> -> memref<120x128xf32, #tpu.memory_space<vmem>>
      %dma_start3A_210 = arith.constant 0 : i32
      %dma_start3A_211 = tpu.memref_slice %arg7[%add3A_52, %dma_start3A_210] : memref<10112x128xf32, #tpu.memory_space<vmem_shared>> -> memref<120x128xf32, #tpu.memory_space<vmem_shared>>
      %dma_start3A_212 = arith.constant 0 : i32
      %dma_start3A_213 = tpu.memref_slice %arg7[%add3A_52, %dma_start3A_212] : memref<10112x128xf32, #tpu.memory_space<vmem_shared>> -> memref<120x128xf32, #tpu.memory_space<vmem_shared>>
      %dma_start3A_214 = arith.constant 0 : i32
      %dma_start3A_215 = arith.constant 0 : i32
      %dma_start3A_216 = tpu.memref_slice %arg8[%dma_start3A_214, %dma_start3A_215] : memref<120x128xf32, #tpu.memory_space<vmem>> -> memref<120x128xf32, #tpu.memory_space<vmem>>
      tpu.enqueue_dma source(%dma_start3A_216 : memref<120x128xf32, #tpu.memory_space<vmem>>) target(%dma_start3A_213 : memref<120x128xf32, #tpu.memory_space<vmem_shared>>) target_semaphore(%run_scoped3A : memref<!tpu.dma_semaphore, #tpu.memory_space<semaphore_mem>>)
      %dma_wait3A_217 = arith.constant 0 : i32
      %dma_wait3A_218 = arith.constant 0 : i32
      %dma_wait3A_219 = tpu.memref_slice %arg8[%dma_wait3A_217, %dma_wait3A_218] : memref<120x128xf32, #tpu.memory_space<vmem>> -> memref<120x128xf32, #tpu.memory_space<vmem>>
      %dma_wait3A_220 = arith.constant 0 : i32
      %dma_wait3A_221 = tpu.memref_slice %arg7[%add3A_52, %dma_wait3A_220] : memref<10112x128xf32, #tpu.memory_space<vmem_shared>> -> memref<120x128xf32, #tpu.memory_space<vmem_shared>>
      %dma_wait3A_222 = arith.constant 0 : i32
      %dma_wait3A_223 = tpu.memref_slice %arg7[%add3A_52, %dma_wait3A_222] : memref<10112x128xf32, #tpu.memory_space<vmem_shared>> -> memref<120x128xf32, #tpu.memory_space<vmem_shared>>
      %dma_wait3A_224 = arith.constant 0 : i32
      %dma_wait3A_225 = arith.constant 0 : i32
      %dma_wait3A_226 = tpu.memref_slice %arg8[%dma_wait3A_224, %dma_wait3A_225] : memref<120x128xf32, #tpu.memory_space<vmem>> -> memref<120x128xf32, #tpu.memory_space<vmem>>
      tpu.wait_dma2 semaphore(%run_scoped3A : memref<!tpu.dma_semaphore, #tpu.memory_space<semaphore_mem>>) src(%dma_wait3A_226 : memref<120x128xf32, #tpu.memory_space<vmem>>) dst(%dma_wait3A_223 : memref<120x128xf32, #tpu.memory_space<vmem_shared>>)
      tpu.yield
    }) : () -> ()
    %add3A_53 = arith.constant 600 : i32
    %add3A_54 = arith.addi %mul3A_2, %add3A_53 : i32
    "tpu.region"() ({
      %run_scoped3A = tpu.sem_alloc : memref<!tpu.dma_semaphore, #tpu.memory_space<semaphore_mem>>
      %dma_start3A_207 = arith.constant 0 : i32
      %dma_start3A_208 = arith.constant 0 : i32
      %dma_start3A_209 = tpu.memref_slice %arg8[%dma_start3A_207, %dma_start3A_208] : memref<120x128xf32, #tpu.memory_space<vmem>> -> memref<32x128xf32, #tpu.memory_space<vmem>>
      %dma_start3A_210 = arith.constant 0 : i32
      %dma_start3A_211 = tpu.memref_slice %arg7[%add3A_54, %dma_start3A_210] : memref<10112x128xf32, #tpu.memory_space<vmem_shared>> -> memref<32x128xf32, #tpu.memory_space<vmem_shared>>
      %dma_start3A_212 = arith.constant 0 : i32
      %dma_start3A_213 = tpu.memref_slice %arg7[%add3A_54, %dma_start3A_212] : memref<10112x128xf32, #tpu.memory_space<vmem_shared>> -> memref<32x128xf32, #tpu.memory_space<vmem_shared>>
      %dma_start3A_214 = arith.constant 0 : i32
      %dma_start3A_215 = arith.constant 0 : i32
      %dma_start3A_216 = tpu.memref_slice %arg8[%dma_start3A_214, %dma_start3A_215] : memref<120x128xf32, #tpu.memory_space<vmem>> -> memref<32x128xf32, #tpu.memory_space<vmem>>
      tpu.enqueue_dma source(%dma_start3A_216 : memref<32x128xf32, #tpu.memory_space<vmem>>) target(%dma_start3A_213 : memref<32x128xf32, #tpu.memory_space<vmem_shared>>) target_semaphore(%run_scoped3A : memref<!tpu.dma_semaphore, #tpu.memory_space<semaphore_mem>>)
      %dma_wait3A_217 = arith.constant 0 : i32
      %dma_wait3A_218 = arith.constant 0 : i32
      %dma_wait3A_219 = tpu.memref_slice %arg8[%dma_wait3A_217, %dma_wait3A_218] : memref<120x128xf32, #tpu.memory_space<vmem>> -> memref<32x128xf32, #tpu.memory_space<vmem>>
      %dma_wait3A_220 = arith.constant 0 : i32
      %dma_wait3A_221 = tpu.memref_slice %arg7[%add3A_54, %dma_wait3A_220] : memref<10112x128xf32, #tpu.memory_space<vmem_shared>> -> memref<32x128xf32, #tpu.memory_space<vmem_shared>>
      %dma_wait3A_222 = arith.constant 0 : i32
      %dma_wait3A_223 = tpu.memref_slice %arg7[%add3A_54, %dma_wait3A_222] : memref<10112x128xf32, #tpu.memory_space<vmem_shared>> -> memref<32x128xf32, #tpu.memory_space<vmem_shared>>
      %dma_wait3A_224 = arith.constant 0 : i32
      %dma_wait3A_225 = arith.constant 0 : i32
      %dma_wait3A_226 = tpu.memref_slice %arg8[%dma_wait3A_224, %dma_wait3A_225] : memref<120x128xf32, #tpu.memory_space<vmem>> -> memref<32x128xf32, #tpu.memory_space<vmem>>
      tpu.wait_dma2 semaphore(%run_scoped3A : memref<!tpu.dma_semaphore, #tpu.memory_space<semaphore_mem>>) src(%dma_wait3A_226 : memref<32x128xf32, #tpu.memory_space<vmem>>) dst(%dma_wait3A_223 : memref<32x128xf32, #tpu.memory_space<vmem_shared>>)
      tpu.yield
    }) : () -> ()
    %add3A_55 = arith.constant 0 : i32
    %add3A_56 = arith.addi %mul3A_6, %add3A_55 : i32
    %dma_wait3A = tpu.memref_slice %arg3[%add3A_56] : memref<322560xi32, #tpu.memory_space<hbm>> -> memref<120xi32, #tpu.memory_space<hbm>>
    %dma_wait3A_57 = tpu.memref_slice %arg3[%add3A_56] : memref<322560xi32, #tpu.memory_space<hbm>> -> memref<120xi32, #tpu.memory_space<hbm>>
    tpu.wait_dma2 semaphore(%arg20 : memref<!tpu.dma_semaphore, #tpu.memory_space<semaphore_mem>>) src(%dma_wait3A_57 : memref<120xi32, #tpu.memory_space<hbm>>) dst(%arg12 : memref<120xi32, #tpu.memory_space<vmem>>)
    %add3A_58 = arith.constant 0 : i32
    %add3A_59 = arith.addi %mul3A_6, %add3A_58 : i32
    %dma_wait3A_60 = tpu.memref_slice %arg4[%add3A_59] : memref<322560xi32, #tpu.memory_space<hbm>> -> memref<120xi32, #tpu.memory_space<hbm>>
    %dma_wait3A_61 = tpu.memref_slice %arg4[%add3A_59] : memref<322560xi32, #tpu.memory_space<hbm>> -> memref<120xi32, #tpu.memory_space<hbm>>
    tpu.wait_dma2 semaphore(%arg20 : memref<!tpu.dma_semaphore, #tpu.memory_space<semaphore_mem>>) src(%dma_wait3A_61 : memref<120xi32, #tpu.memory_space<hbm>>) dst(%arg13 : memref<120xi32, #tpu.memory_space<vmem>>)
    %dma_start3A_62 = arith.constant 0 : i32
    %dma_start3A_63 = arith.constant 0 : i32
    %dma_start3A_64 = tpu.memref_slice %arg2[%dma_start3A_62, %dma_start3A_63] : memref<10000x128xf32, #tpu.memory_space<hbm>> -> memref<10000x128xf32, #tpu.memory_space<hbm>>
    tpu.enqueue_indirect_dma source(%dma_start3A_64 : memref<10000x128xf32, #tpu.memory_space<hbm>>) target(%arg8 : memref<120x128xf32, #tpu.memory_space<vmem>>) offsets(%arg12 : memref<120xi32, #tpu.memory_space<vmem>>) semaphore(%arg10 : memref<!tpu.dma_semaphore, #tpu.memory_space<semaphore_mem>>)
    %add3A_65 = arith.constant 120 : i32
    %add3A_66 = arith.addi %mul3A_6, %add3A_65 : i32
    %dma_wait3A_67 = tpu.memref_slice %arg3[%add3A_66] : memref<322560xi32, #tpu.memory_space<hbm>> -> memref<120xi32, #tpu.memory_space<hbm>>
    %dma_wait3A_68 = tpu.memref_slice %arg3[%add3A_66] : memref<322560xi32, #tpu.memory_space<hbm>> -> memref<120xi32, #tpu.memory_space<hbm>>
    tpu.wait_dma2 semaphore(%arg21 : memref<!tpu.dma_semaphore, #tpu.memory_space<semaphore_mem>>) src(%dma_wait3A_68 : memref<120xi32, #tpu.memory_space<hbm>>) dst(%arg14 : memref<120xi32, #tpu.memory_space<vmem>>)
    %add3A_69 = arith.constant 120 : i32
    %add3A_70 = arith.addi %mul3A_6, %add3A_69 : i32
    %dma_wait3A_71 = tpu.memref_slice %arg4[%add3A_70] : memref<322560xi32, #tpu.memory_space<hbm>> -> memref<120xi32, #tpu.memory_space<hbm>>
    %dma_wait3A_72 = tpu.memref_slice %arg4[%add3A_70] : memref<322560xi32, #tpu.memory_space<hbm>> -> memref<120xi32, #tpu.memory_space<hbm>>
    tpu.wait_dma2 semaphore(%arg21 : memref<!tpu.dma_semaphore, #tpu.memory_space<semaphore_mem>>) src(%dma_wait3A_72 : memref<120xi32, #tpu.memory_space<hbm>>) dst(%arg15 : memref<120xi32, #tpu.memory_space<vmem>>)
    %dma_start3A_73 = arith.constant 0 : i32
    %dma_start3A_74 = arith.constant 0 : i32
    %dma_start3A_75 = tpu.memref_slice %arg2[%dma_start3A_73, %dma_start3A_74] : memref<10000x128xf32, #tpu.memory_space<hbm>> -> memref<10000x128xf32, #tpu.memory_space<hbm>>
    tpu.enqueue_indirect_dma source(%dma_start3A_75 : memref<10000x128xf32, #tpu.memory_space<hbm>>) target(%arg9 : memref<120x128xf32, #tpu.memory_space<vmem>>) offsets(%arg14 : memref<120xi32, #tpu.memory_space<vmem>>) semaphore(%arg11 : memref<!tpu.dma_semaphore, #tpu.memory_space<semaphore_mem>>)
    %barrier3A = arith.constant 0 : index
    tpu.barrier barrier_id(%barrier3A)
    %scan3A_76 = arith.constant 0 : i32
    %scan3A_77 = arith.constant 0 : i32
    %scan3A_78 = arith.constant 20 : i32
    %scan3A_79 = arith.addi %scan3A_77, %scan3A_78 : i32
    %scan3A_80 = arith.constant 1 : i32
    scf.for %scan3A_207 = %scan3A_77 to %scan3A_79 step %scan3A_80  : i32 {
      %mul3A_208 = arith.constant 4 : i32
      %mul3A_209 = arith.muli %mul3A_208, %scan3A_207 : i32
      %add3A_210 = arith.constant 0 : i32
      %add3A_211 = arith.addi %mul3A_209, %add3A_210 : i32
      %dma_wait3A_212 = arith.constant 0 : i32
      %dma_wait3A_213 = arith.constant 0 : i32
      %dma_wait3A_214 = tpu.memref_slice %arg2[%dma_wait3A_212, %dma_wait3A_213] : memref<10000x128xf32, #tpu.memory_space<hbm>> -> memref<10000x128xf32, #tpu.memory_space<hbm>>
      tpu.wait_indirect_dma semaphore(%arg10 : memref<!tpu.dma_semaphore, #tpu.memory_space<semaphore_mem>>) src(%dma_wait3A_214 : memref<10000x128xf32, #tpu.memory_space<hbm>>) dst(%arg8 : memref<120x128xf32, #tpu.memory_space<vmem>>)
      "tpu.region"() ({
        %run_scoped3A = tpu.sem_alloc : memref<!tpu.dma_semaphore, #tpu.memory_space<semaphore_mem>>
        %dma_start3A_344 = arith.constant 0 : i32
        %dma_start3A_345 = arith.constant 0 : i32
        %dma_start3A_346 = tpu.memref_slice %arg7[%dma_start3A_344, %dma_start3A_345] : memref<10112x128xf32, #tpu.memory_space<vmem_shared>> -> memref<10112x128xf32, #tpu.memory_space<vmem_shared>>
        tpu.enqueue_indirect_dma source(%arg8 : memref<120x128xf32, #tpu.memory_space<vmem>>) target(%dma_start3A_346 : memref<10112x128xf32, #tpu.memory_space<vmem_shared>>) offsets(%arg13 : memref<120xi32, #tpu.memory_space<vmem>>) semaphore(%run_scoped3A : memref<!tpu.dma_semaphore, #tpu.memory_space<semaphore_mem>>) {add = true}
        %dma_wait3A_347 = arith.constant 0 : i32
        %dma_wait3A_348 = arith.constant 0 : i32
        %dma_wait3A_349 = tpu.memref_slice %arg7[%dma_wait3A_347, %dma_wait3A_348] : memref<10112x128xf32, #tpu.memory_space<vmem_shared>> -> memref<10112x128xf32, #tpu.memory_space<vmem_shared>>
        tpu.wait_indirect_dma semaphore(%run_scoped3A : memref<!tpu.dma_semaphore, #tpu.memory_space<semaphore_mem>>) src(%arg8 : memref<120x128xf32, #tpu.memory_space<vmem>>) dst(%dma_wait3A_349 : memref<10112x128xf32, #tpu.memory_space<vmem_shared>>)
        tpu.yield
      }) : () -> ()
      %add3A_215 = arith.constant 4 : i32
      %add3A_216 = arith.addi %add3A_211, %add3A_215 : i32
      %mul3A_217 = arith.constant 120 : i32
      %mul3A_218 = arith.muli %add3A_216, %mul3A_217 : i32
      %add3A_219 = arith.addi %mul3A_6, %mul3A_218 : i32
      %dma_start3A_220 = tpu.memref_slice %arg3[%add3A_219] : memref<322560xi32, #tpu.memory_space<hbm>> -> memref<120xi32, #tpu.memory_space<hbm>>
      %dma_start3A_221 = tpu.memref_slice %arg3[%add3A_219] : memref<322560xi32, #tpu.memory_space<hbm>> -> memref<120xi32, #tpu.memory_space<hbm>>
      tpu.enqueue_dma source(%dma_start3A_221 : memref<120xi32, #tpu.memory_space<hbm>>) target(%arg12 : memref<120xi32, #tpu.memory_space<vmem>>) target_semaphore(%arg20 : memref<!tpu.dma_semaphore, #tpu.memory_space<semaphore_mem>>)
      %mul3A_222 = arith.constant 120 : i32
      %mul3A_223 = arith.muli %add3A_216, %mul3A_222 : i32
      %add3A_224 = arith.addi %mul3A_6, %mul3A_223 : i32
      %dma_start3A_225 = tpu.memref_slice %arg4[%add3A_224] : memref<322560xi32, #tpu.memory_space<hbm>> -> memref<120xi32, #tpu.memory_space<hbm>>
      %dma_start3A_226 = tpu.memref_slice %arg4[%add3A_224] : memref<322560xi32, #tpu.memory_space<hbm>> -> memref<120xi32, #tpu.memory_space<hbm>>
      tpu.enqueue_dma source(%dma_start3A_226 : memref<120xi32, #tpu.memory_space<hbm>>) target(%arg13 : memref<120xi32, #tpu.memory_space<vmem>>) target_semaphore(%arg20 : memref<!tpu.dma_semaphore, #tpu.memory_space<semaphore_mem>>)
      %add3A_227 = arith.constant 2 : i32
      %add3A_228 = arith.addi %add3A_211, %add3A_227 : i32
      %mul3A_229 = arith.constant 120 : i32
      %mul3A_230 = arith.muli %add3A_228, %mul3A_229 : i32
      %add3A_231 = arith.addi %mul3A_6, %mul3A_230 : i32
      %dma_wait3A_232 = tpu.memref_slice %arg3[%add3A_231] : memref<322560xi32, #tpu.memory_space<hbm>> -> memref<120xi32, #tpu.memory_space<hbm>>
      %dma_wait3A_233 = tpu.memref_slice %arg3[%add3A_231] : memref<322560xi32, #tpu.memory_space<hbm>> -> memref<120xi32, #tpu.memory_space<hbm>>
      tpu.wait_dma2 semaphore(%arg22 : memref<!tpu.dma_semaphore, #tpu.memory_space<semaphore_mem>>) src(%dma_wait3A_233 : memref<120xi32, #tpu.memory_space<hbm>>) dst(%arg16 : memref<120xi32, #tpu.memory_space<vmem>>)
      %mul3A_234 = arith.constant 120 : i32
      %mul3A_235 = arith.muli %add3A_228, %mul3A_234 : i32
      %add3A_236 = arith.addi %mul3A_6, %mul3A_235 : i32
      %dma_wait3A_237 = tpu.memref_slice %arg4[%add3A_236] : memref<322560xi32, #tpu.memory_space<hbm>> -> memref<120xi32, #tpu.memory_space<hbm>>
      %dma_wait3A_238 = tpu.memref_slice %arg4[%add3A_236] : memref<322560xi32, #tpu.memory_space<hbm>> -> memref<120xi32, #tpu.memory_space<hbm>>
      tpu.wait_dma2 semaphore(%arg22 : memref<!tpu.dma_semaphore, #tpu.memory_space<semaphore_mem>>) src(%dma_wait3A_238 : memref<120xi32, #tpu.memory_space<hbm>>) dst(%arg17 : memref<120xi32, #tpu.memory_space<vmem>>)
      %dma_start3A_239 = arith.constant 0 : i32
      %dma_start3A_240 = arith.constant 0 : i32
      %dma_start3A_241 = tpu.memref_slice %arg2[%dma_start3A_239, %dma_start3A_240] : memref<10000x128xf32, #tpu.memory_space<hbm>> -> memref<10000x128xf32, #tpu.memory_space<hbm>>
      tpu.enqueue_indirect_dma source(%dma_start3A_241 : memref<10000x128xf32, #tpu.memory_space<hbm>>) target(%arg8 : memref<120x128xf32, #tpu.memory_space<vmem>>) offsets(%arg16 : memref<120xi32, #tpu.memory_space<vmem>>) semaphore(%arg10 : memref<!tpu.dma_semaphore, #tpu.memory_space<semaphore_mem>>)
      %mul3A_242 = arith.constant 4 : i32
      %mul3A_243 = arith.muli %mul3A_242, %scan3A_207 : i32
      %add3A_244 = arith.constant 1 : i32
      %add3A_245 = arith.addi %mul3A_243, %add3A_244 : i32
      %dma_wait3A_246 = arith.constant 0 : i32
      %dma_wait3A_247 = arith.constant 0 : i32
      %dma_wait3A_248 = tpu.memref_slice %arg2[%dma_wait3A_246, %dma_wait3A_247] : memref<10000x128xf32, #tpu.memory_space<hbm>> -> memref<10000x128xf32, #tpu.memory_space<hbm>>
      tpu.wait_indirect_dma semaphore(%arg11 : memref<!tpu.dma_semaphore, #tpu.memory_space<semaphore_mem>>) src(%dma_wait3A_248 : memref<10000x128xf32, #tpu.memory_space<hbm>>) dst(%arg9 : memref<120x128xf32, #tpu.memory_space<vmem>>)
      "tpu.region"() ({
        %run_scoped3A = tpu.sem_alloc : memref<!tpu.dma_semaphore, #tpu.memory_space<semaphore_mem>>
        %dma_start3A_344 = arith.constant 0 : i32
        %dma_start3A_345 = arith.constant 0 : i32
        %dma_start3A_346 = tpu.memref_slice %arg7[%dma_start3A_344, %dma_start3A_345] : memref<10112x128xf32, #tpu.memory_space<vmem_shared>> -> memref<10112x128xf32, #tpu.memory_space<vmem_shared>>
        tpu.enqueue_indirect_dma source(%arg9 : memref<120x128xf32, #tpu.memory_space<vmem>>) target(%dma_start3A_346 : memref<10112x128xf32, #tpu.memory_space<vmem_shared>>) offsets(%arg15 : memref<120xi32, #tpu.memory_space<vmem>>) semaphore(%run_scoped3A : memref<!tpu.dma_semaphore, #tpu.memory_space<semaphore_mem>>) {add = true}
        %dma_wait3A_347 = arith.constant 0 : i32
        %dma_wait3A_348 = arith.constant 0 : i32
        %dma_wait3A_349 = tpu.memref_slice %arg7[%dma_wait3A_347, %dma_wait3A_348] : memref<10112x128xf32, #tpu.memory_space<vmem_shared>> -> memref<10112x128xf32, #tpu.memory_space<vmem_shared>>
        tpu.wait_indirect_dma semaphore(%run_scoped3A : memref<!tpu.dma_semaphore, #tpu.memory_space<semaphore_mem>>) src(%arg9 : memref<120x128xf32, #tpu.memory_space<vmem>>) dst(%dma_wait3A_349 : memref<10112x128xf32, #tpu.memory_space<vmem_shared>>)
        tpu.yield
      }) : () -> ()
      %add3A_249 = arith.constant 4 : i32
      %add3A_250 = arith.addi %add3A_245, %add3A_249 : i32
      %mul3A_251 = arith.constant 120 : i32
      %mul3A_252 = arith.muli %add3A_250, %mul3A_251 : i32
      %add3A_253 = arith.addi %mul3A_6, %mul3A_252 : i32
      %dma_start3A_254 = tpu.memref_slice %arg3[%add3A_253] : memref<322560xi32, #tpu.memory_space<hbm>> -> memref<120xi32, #tpu.memory_space<hbm>>
      %dma_start3A_255 = tpu.memref_slice %arg3[%add3A_253] : memref<322560xi32, #tpu.memory_space<hbm>> -> memref<120xi32, #tpu.memory_space<hbm>>
      tpu.enqueue_dma source(%dma_start3A_255 : memref<120xi32, #tpu.memory_space<hbm>>) target(%arg14 : memref<120xi32, #tpu.memory_space<vmem>>) target_semaphore(%arg21 : memref<!tpu.dma_semaphore, #tpu.memory_space<semaphore_mem>>)
      %mul3A_256 = arith.constant 120 : i32
      %mul3A_257 = arith.muli %add3A_250, %mul3A_256 : i32
      %add3A_258 = arith.addi %mul3A_6, %mul3A_257 : i32
      %dma_start3A_259 = tpu.memref_slice %arg4[%add3A_258] : memref<322560xi32, #tpu.memory_space<hbm>> -> memref<120xi32, #tpu.memory_space<hbm>>
      %dma_start3A_260 = tpu.memref_slice %arg4[%add3A_258] : memref<322560xi32, #tpu.memory_space<hbm>> -> memref<120xi32, #tpu.memory_space<hbm>>
      tpu.enqueue_dma source(%dma_start3A_260 : memref<120xi32, #tpu.memory_space<hbm>>) target(%arg15 : memref<120xi32, #tpu.memory_space<vmem>>) target_semaphore(%arg21 : memref<!tpu.dma_semaphore, #tpu.memory_space<semaphore_mem>>)
      %add3A_261 = arith.constant 2 : i32
      %add3A_262 = arith.addi %add3A_245, %add3A_261 : i32
      %mul3A_263 = arith.constant 120 : i32
      %mul3A_264 = arith.muli %add3A_262, %mul3A_263 : i32
      %add3A_265 = arith.addi %mul3A_6, %mul3A_264 : i32
      %dma_wait3A_266 = tpu.memref_slice %arg3[%add3A_265] : memref<322560xi32, #tpu.memory_space<hbm>> -> memref<120xi32, #tpu.memory_space<hbm>>
      %dma_wait3A_267 = tpu.memref_slice %arg3[%add3A_265] : memref<322560xi32, #tpu.memory_space<hbm>> -> memref<120xi32, #tpu.memory_space<hbm>>
      tpu.wait_dma2 semaphore(%arg23 : memref<!tpu.dma_semaphore, #tpu.memory_space<semaphore_mem>>) src(%dma_wait3A_267 : memref<120xi32, #tpu.memory_space<hbm>>) dst(%arg18 : memref<120xi32, #tpu.memory_space<vmem>>)
      %mul3A_268 = arith.constant 120 : i32
      %mul3A_269 = arith.muli %add3A_262, %mul3A_268 : i32
      %add3A_270 = arith.addi %mul3A_6, %mul3A_269 : i32
      %dma_wait3A_271 = tpu.memref_slice %arg4[%add3A_270] : memref<322560xi32, #tpu.memory_space<hbm>> -> memref<120xi32, #tpu.memory_space<hbm>>
      %dma_wait3A_272 = tpu.memref_slice %arg4[%add3A_270] : memref<322560xi32, #tpu.memory_space<hbm>> -> memref<120xi32, #tpu.memory_space<hbm>>
      tpu.wait_dma2 semaphore(%arg23 : memref<!tpu.dma_semaphore, #tpu.memory_space<semaphore_mem>>) src(%dma_wait3A_272 : memref<120xi32, #tpu.memory_space<hbm>>) dst(%arg19 : memref<120xi32, #tpu.memory_space<vmem>>)
      %dma_start3A_273 = arith.constant 0 : i32
      %dma_start3A_274 = arith.constant 0 : i32
      %dma_start3A_275 = tpu.memref_slice %arg2[%dma_start3A_273, %dma_start3A_274] : memref<10000x128xf32, #tpu.memory_space<hbm>> -> memref<10000x128xf32, #tpu.memory_space<hbm>>
      tpu.enqueue_indirect_dma source(%dma_start3A_275 : memref<10000x128xf32, #tpu.memory_space<hbm>>) target(%arg9 : memref<120x128xf32, #tpu.memory_space<vmem>>) offsets(%arg18 : memref<120xi32, #tpu.memory_space<vmem>>) semaphore(%arg11 : memref<!tpu.dma_semaphore, #tpu.memory_space<semaphore_mem>>)
      %mul3A_276 = arith.constant 4 : i32
      %mul3A_277 = arith.muli %mul3A_276, %scan3A_207 : i32
      %add3A_278 = arith.constant 2 : i32
      %add3A_279 = arith.addi %mul3A_277, %add3A_278 : i32
      %dma_wait3A_280 = arith.constant 0 : i32
      %dma_wait3A_281 = arith.constant 0 : i32
      %dma_wait3A_282 = tpu.memref_slice %arg2[%dma_wait3A_280, %dma_wait3A_281] : memref<10000x128xf32, #tpu.memory_space<hbm>> -> memref<10000x128xf32, #tpu.memory_space<hbm>>
      tpu.wait_indirect_dma semaphore(%arg10 : memref<!tpu.dma_semaphore, #tpu.memory_space<semaphore_mem>>) src(%dma_wait3A_282 : memref<10000x128xf32, #tpu.memory_space<hbm>>) dst(%arg8 : memref<120x128xf32, #tpu.memory_space<vmem>>)
      "tpu.region"() ({
        %run_scoped3A = tpu.sem_alloc : memref<!tpu.dma_semaphore, #tpu.memory_space<semaphore_mem>>
        %dma_start3A_344 = arith.constant 0 : i32
        %dma_start3A_345 = arith.constant 0 : i32
        %dma_start3A_346 = tpu.memref_slice %arg7[%dma_start3A_344, %dma_start3A_345] : memref<10112x128xf32, #tpu.memory_space<vmem_shared>> -> memref<10112x128xf32, #tpu.memory_space<vmem_shared>>
        tpu.enqueue_indirect_dma source(%arg8 : memref<120x128xf32, #tpu.memory_space<vmem>>) target(%dma_start3A_346 : memref<10112x128xf32, #tpu.memory_space<vmem_shared>>) offsets(%arg17 : memref<120xi32, #tpu.memory_space<vmem>>) semaphore(%run_scoped3A : memref<!tpu.dma_semaphore, #tpu.memory_space<semaphore_mem>>) {add = true}
        %dma_wait3A_347 = arith.constant 0 : i32
        %dma_wait3A_348 = arith.constant 0 : i32
        %dma_wait3A_349 = tpu.memref_slice %arg7[%dma_wait3A_347, %dma_wait3A_348] : memref<10112x128xf32, #tpu.memory_space<vmem_shared>> -> memref<10112x128xf32, #tpu.memory_space<vmem_shared>>
        tpu.wait_indirect_dma semaphore(%run_scoped3A : memref<!tpu.dma_semaphore, #tpu.memory_space<semaphore_mem>>) src(%arg8 : memref<120x128xf32, #tpu.memory_space<vmem>>) dst(%dma_wait3A_349 : memref<10112x128xf32, #tpu.memory_space<vmem_shared>>)
        tpu.yield
      }) : () -> ()
      %add3A_283 = arith.constant 4 : i32
      %add3A_284 = arith.addi %add3A_279, %add3A_283 : i32
      %mul3A_285 = arith.constant 120 : i32
      %mul3A_286 = arith.muli %add3A_284, %mul3A_285 : i32
      %add3A_287 = arith.addi %mul3A_6, %mul3A_286 : i32
      %dma_start3A_288 = tpu.memref_slice %arg3[%add3A_287] : memref<322560xi32, #tpu.memory_space<hbm>> -> memref<120xi32, #tpu.memory_space<hbm>>
      %dma_start3A_289 = tpu.memref_slice %arg3[%add3A_287] : memref<322560xi32, #tpu.memory_space<hbm>> -> memref<120xi32, #tpu.memory_space<hbm>>
      tpu.enqueue_dma source(%dma_start3A_289 : memref<120xi32, #tpu.memory_space<hbm>>) target(%arg16 : memref<120xi32, #tpu.memory_space<vmem>>) target_semaphore(%arg22 : memref<!tpu.dma_semaphore, #tpu.memory_space<semaphore_mem>>)
      %mul3A_290 = arith.constant 120 : i32
      %mul3A_291 = arith.muli %add3A_284, %mul3A_290 : i32
      %add3A_292 = arith.addi %mul3A_6, %mul3A_291 : i32
      %dma_start3A_293 = tpu.memref_slice %arg4[%add3A_292] : memref<322560xi32, #tpu.memory_space<hbm>> -> memref<120xi32, #tpu.memory_space<hbm>>
      %dma_start3A_294 = tpu.memref_slice %arg4[%add3A_292] : memref<322560xi32, #tpu.memory_space<hbm>> -> memref<120xi32, #tpu.memory_space<hbm>>
      tpu.enqueue_dma source(%dma_start3A_294 : memref<120xi32, #tpu.memory_space<hbm>>) target(%arg17 : memref<120xi32, #tpu.memory_space<vmem>>) target_semaphore(%arg22 : memref<!tpu.dma_semaphore, #tpu.memory_space<semaphore_mem>>)
      %add3A_295 = arith.constant 2 : i32
      %add3A_296 = arith.addi %add3A_279, %add3A_295 : i32
      %mul3A_297 = arith.constant 120 : i32
      %mul3A_298 = arith.muli %add3A_296, %mul3A_297 : i32
      %add3A_299 = arith.addi %mul3A_6, %mul3A_298 : i32
      %dma_wait3A_300 = tpu.memref_slice %arg3[%add3A_299] : memref<322560xi32, #tpu.memory_space<hbm>> -> memref<120xi32, #tpu.memory_space<hbm>>
      %dma_wait3A_301 = tpu.memref_slice %arg3[%add3A_299] : memref<322560xi32, #tpu.memory_space<hbm>> -> memref<120xi32, #tpu.memory_space<hbm>>
      tpu.wait_dma2 semaphore(%arg20 : memref<!tpu.dma_semaphore, #tpu.memory_space<semaphore_mem>>) src(%dma_wait3A_301 : memref<120xi32, #tpu.memory_space<hbm>>) dst(%arg12 : memref<120xi32, #tpu.memory_space<vmem>>)
      %mul3A_302 = arith.constant 120 : i32
      %mul3A_303 = arith.muli %add3A_296, %mul3A_302 : i32
      %add3A_304 = arith.addi %mul3A_6, %mul3A_303 : i32
      %dma_wait3A_305 = tpu.memref_slice %arg4[%add3A_304] : memref<322560xi32, #tpu.memory_space<hbm>> -> memref<120xi32, #tpu.memory_space<hbm>>
      %dma_wait3A_306 = tpu.memref_slice %arg4[%add3A_304] : memref<322560xi32, #tpu.memory_space<hbm>> -> memref<120xi32, #tpu.memory_space<hbm>>
      tpu.wait_dma2 semaphore(%arg20 : memref<!tpu.dma_semaphore, #tpu.memory_space<semaphore_mem>>) src(%dma_wait3A_306 : memref<120xi32, #tpu.memory_space<hbm>>) dst(%arg13 : memref<120xi32, #tpu.memory_space<vmem>>)
      %dma_start3A_307 = arith.constant 0 : i32
      %dma_start3A_308 = arith.constant 0 : i32
      %dma_start3A_309 = tpu.memref_slice %arg2[%dma_start3A_307, %dma_start3A_308] : memref<10000x128xf32, #tpu.memory_space<hbm>> -> memref<10000x128xf32, #tpu.memory_space<hbm>>
      tpu.enqueue_indirect_dma source(%dma_start3A_309 : memref<10000x128xf32, #tpu.memory_space<hbm>>) target(%arg8 : memref<120x128xf32, #tpu.memory_space<vmem>>) offsets(%arg12 : memref<120xi32, #tpu.memory_space<vmem>>) semaphore(%arg10 : memref<!tpu.dma_semaphore, #tpu.memory_space<semaphore_mem>>)
      %mul3A_310 = arith.constant 4 : i32
      %mul3A_311 = arith.muli %mul3A_310, %scan3A_207 : i32
      %add3A_312 = arith.constant 3 : i32
      %add3A_313 = arith.addi %mul3A_311, %add3A_312 : i32
      %dma_wait3A_314 = arith.constant 0 : i32
      %dma_wait3A_315 = arith.constant 0 : i32
      %dma_wait3A_316 = tpu.memref_slice %arg2[%dma_wait3A_314, %dma_wait3A_315] : memref<10000x128xf32, #tpu.memory_space<hbm>> -> memref<10000x128xf32, #tpu.memory_space<hbm>>
      tpu.wait_indirect_dma semaphore(%arg11 : memref<!tpu.dma_semaphore, #tpu.memory_space<semaphore_mem>>) src(%dma_wait3A_316 : memref<10000x128xf32, #tpu.memory_space<hbm>>) dst(%arg9 : memref<120x128xf32, #tpu.memory_space<vmem>>)
      "tpu.region"() ({
        %run_scoped3A = tpu.sem_alloc : memref<!tpu.dma_semaphore, #tpu.memory_space<semaphore_mem>>
        %dma_start3A_344 = arith.constant 0 : i32
        %dma_start3A_345 = arith.constant 0 : i32
        %dma_start3A_346 = tpu.memref_slice %arg7[%dma_start3A_344, %dma_start3A_345] : memref<10112x128xf32, #tpu.memory_space<vmem_shared>> -> memref<10112x128xf32, #tpu.memory_space<vmem_shared>>
        tpu.enqueue_indirect_dma source(%arg9 : memref<120x128xf32, #tpu.memory_space<vmem>>) target(%dma_start3A_346 : memref<10112x128xf32, #tpu.memory_space<vmem_shared>>) offsets(%arg19 : memref<120xi32, #tpu.memory_space<vmem>>) semaphore(%run_scoped3A : memref<!tpu.dma_semaphore, #tpu.memory_space<semaphore_mem>>) {add = true}
        %dma_wait3A_347 = arith.constant 0 : i32
        %dma_wait3A_348 = arith.constant 0 : i32
        %dma_wait3A_349 = tpu.memref_slice %arg7[%dma_wait3A_347, %dma_wait3A_348] : memref<10112x128xf32, #tpu.memory_space<vmem_shared>> -> memref<10112x128xf32, #tpu.memory_space<vmem_shared>>
        tpu.wait_indirect_dma semaphore(%run_scoped3A : memref<!tpu.dma_semaphore, #tpu.memory_space<semaphore_mem>>) src(%arg9 : memref<120x128xf32, #tpu.memory_space<vmem>>) dst(%dma_wait3A_349 : memref<10112x128xf32, #tpu.memory_space<vmem_shared>>)
        tpu.yield
      }) : () -> ()
      %add3A_317 = arith.constant 4 : i32
      %add3A_318 = arith.addi %add3A_313, %add3A_317 : i32
      %mul3A_319 = arith.constant 120 : i32
      %mul3A_320 = arith.muli %add3A_318, %mul3A_319 : i32
      %add3A_321 = arith.addi %mul3A_6, %mul3A_320 : i32
      %dma_start3A_322 = tpu.memref_slice %arg3[%add3A_321] : memref<322560xi32, #tpu.memory_space<hbm>> -> memref<120xi32, #tpu.memory_space<hbm>>
      %dma_start3A_323 = tpu.memref_slice %arg3[%add3A_321] : memref<322560xi32, #tpu.memory_space<hbm>> -> memref<120xi32, #tpu.memory_space<hbm>>
      tpu.enqueue_dma source(%dma_start3A_323 : memref<120xi32, #tpu.memory_space<hbm>>) target(%arg18 : memref<120xi32, #tpu.memory_space<vmem>>) target_semaphore(%arg23 : memref<!tpu.dma_semaphore, #tpu.memory_space<semaphore_mem>>)
      %mul3A_324 = arith.constant 120 : i32
      %mul3A_325 = arith.muli %add3A_318, %mul3A_324 : i32
      %add3A_326 = arith.addi %mul3A_6, %mul3A_325 : i32
      %dma_start3A_327 = tpu.memref_slice %arg4[%add3A_326] : memref<322560xi32, #tpu.memory_space<hbm>> -> memref<120xi32, #tpu.memory_space<hbm>>
      %dma_start3A_328 = tpu.memref_slice %arg4[%add3A_326] : memref<322560xi32, #tpu.memory_space<hbm>> -> memref<120xi32, #tpu.memory_space<hbm>>
      tpu.enqueue_dma source(%dma_start3A_328 : memref<120xi32, #tpu.memory_space<hbm>>) target(%arg19 : memref<120xi32, #tpu.memory_space<vmem>>) target_semaphore(%arg23 : memref<!tpu.dma_semaphore, #tpu.memory_space<semaphore_mem>>)
      %add3A_329 = arith.constant 2 : i32
      %add3A_330 = arith.addi %add3A_313, %add3A_329 : i32
      %mul3A_331 = arith.constant 120 : i32
      %mul3A_332 = arith.muli %add3A_330, %mul3A_331 : i32
      %add3A_333 = arith.addi %mul3A_6, %mul3A_332 : i32
      %dma_wait3A_334 = tpu.memref_slice %arg3[%add3A_333] : memref<322560xi32, #tpu.memory_space<hbm>> -> memref<120xi32, #tpu.memory_space<hbm>>
      %dma_wait3A_335 = tpu.memref_slice %arg3[%add3A_333] : memref<322560xi32, #tpu.memory_space<hbm>> -> memref<120xi32, #tpu.memory_space<hbm>>
      tpu.wait_dma2 semaphore(%arg21 : memref<!tpu.dma_semaphore, #tpu.memory_space<semaphore_mem>>) src(%dma_wait3A_335 : memref<120xi32, #tpu.memory_space<hbm>>) dst(%arg14 : memref<120xi32, #tpu.memory_space<vmem>>)
      %mul3A_336 = arith.constant 120 : i32
      %mul3A_337 = arith.muli %add3A_330, %mul3A_336 : i32
      %add3A_338 = arith.addi %mul3A_6, %mul3A_337 : i32
      %dma_wait3A_339 = tpu.memref_slice %arg4[%add3A_338] : memref<322560xi32, #tpu.memory_space<hbm>> -> memref<120xi32, #tpu.memory_space<hbm>>
      %dma_wait3A_340 = tpu.memref_slice %arg4[%add3A_338] : memref<322560xi32, #tpu.memory_space<hbm>> -> memref<120xi32, #tpu.memory_space<hbm>>
      tpu.wait_dma2 semaphore(%arg21 : memref<!tpu.dma_semaphore, #tpu.memory_space<semaphore_mem>>) src(%dma_wait3A_340 : memref<120xi32, #tpu.memory_space<hbm>>) dst(%arg15 : memref<120xi32, #tpu.memory_space<vmem>>)
      %dma_start3A_341 = arith.constant 0 : i32
      %dma_start3A_342 = arith.constant 0 : i32
      %dma_start3A_343 = tpu.memref_slice %arg2[%dma_start3A_341, %dma_start3A_342] : memref<10000x128xf32, #tpu.memory_space<hbm>> -> memref<10000x128xf32, #tpu.memory_space<hbm>>
      tpu.enqueue_indirect_dma source(%dma_start3A_343 : memref<10000x128xf32, #tpu.memory_space<hbm>>) target(%arg9 : memref<120x128xf32, #tpu.memory_space<vmem>>) offsets(%arg14 : memref<120xi32, #tpu.memory_space<vmem>>) semaphore(%arg11 : memref<!tpu.dma_semaphore, #tpu.memory_space<semaphore_mem>>)
    }
    %scan3A_81 = arith.constant 20 : i32
    %dma_wait3A_82 = arith.constant 0 : i32
    %dma_wait3A_83 = arith.constant 0 : i32
    %dma_wait3A_84 = tpu.memref_slice %arg2[%dma_wait3A_82, %dma_wait3A_83] : memref<10000x128xf32, #tpu.memory_space<hbm>> -> memref<10000x128xf32, #tpu.memory_space<hbm>>
    tpu.wait_indirect_dma semaphore(%arg10 : memref<!tpu.dma_semaphore, #tpu.memory_space<semaphore_mem>>) src(%dma_wait3A_84 : memref<10000x128xf32, #tpu.memory_space<hbm>>) dst(%arg8 : memref<120x128xf32, #tpu.memory_space<vmem>>)
    "tpu.region"() ({
      %run_scoped3A = tpu.sem_alloc : memref<!tpu.dma_semaphore, #tpu.memory_space<semaphore_mem>>
      %dma_start3A_207 = arith.constant 0 : i32
      %dma_start3A_208 = arith.constant 0 : i32
      %dma_start3A_209 = tpu.memref_slice %arg7[%dma_start3A_207, %dma_start3A_208] : memref<10112x128xf32, #tpu.memory_space<vmem_shared>> -> memref<10112x128xf32, #tpu.memory_space<vmem_shared>>
      tpu.enqueue_indirect_dma source(%arg8 : memref<120x128xf32, #tpu.memory_space<vmem>>) target(%dma_start3A_209 : memref<10112x128xf32, #tpu.memory_space<vmem_shared>>) offsets(%arg13 : memref<120xi32, #tpu.memory_space<vmem>>) semaphore(%run_scoped3A : memref<!tpu.dma_semaphore, #tpu.memory_space<semaphore_mem>>) {add = true}
      %dma_wait3A_210 = arith.constant 0 : i32
      %dma_wait3A_211 = arith.constant 0 : i32
      %dma_wait3A_212 = tpu.memref_slice %arg7[%dma_wait3A_210, %dma_wait3A_211] : memref<10112x128xf32, #tpu.memory_space<vmem_shared>> -> memref<10112x128xf32, #tpu.memory_space<vmem_shared>>
      tpu.wait_indirect_dma semaphore(%run_scoped3A : memref<!tpu.dma_semaphore, #tpu.memory_space<semaphore_mem>>) src(%arg8 : memref<120x128xf32, #tpu.memory_space<vmem>>) dst(%dma_wait3A_212 : memref<10112x128xf32, #tpu.memory_space<vmem_shared>>)
      tpu.yield
    }) : () -> ()
    %add3A_85 = arith.constant 9840 : i32
    %add3A_86 = arith.addi %mul3A_6, %add3A_85 : i32
    %dma_wait3A_87 = tpu.memref_slice %arg3[%add3A_86] : memref<322560xi32, #tpu.memory_space<hbm>> -> memref<120xi32, #tpu.memory_space<hbm>>
    %dma_wait3A_88 = tpu.memref_slice %arg3[%add3A_86] : memref<322560xi32, #tpu.memory_space<hbm>> -> memref<120xi32, #tpu.memory_space<hbm>>
    tpu.wait_dma2 semaphore(%arg22 : memref<!tpu.dma_semaphore, #tpu.memory_space<semaphore_mem>>) src(%dma_wait3A_88 : memref<120xi32, #tpu.memory_space<hbm>>) dst(%arg16 : memref<120xi32, #tpu.memory_space<vmem>>)
    %add3A_89 = arith.constant 9840 : i32
    %add3A_90 = arith.addi %mul3A_6, %add3A_89 : i32
    %dma_wait3A_91 = tpu.memref_slice %arg4[%add3A_90] : memref<322560xi32, #tpu.memory_space<hbm>> -> memref<120xi32, #tpu.memory_space<hbm>>
    %dma_wait3A_92 = tpu.memref_slice %arg4[%add3A_90] : memref<322560xi32, #tpu.memory_space<hbm>> -> memref<120xi32, #tpu.memory_space<hbm>>
    tpu.wait_dma2 semaphore(%arg22 : memref<!tpu.dma_semaphore, #tpu.memory_space<semaphore_mem>>) src(%dma_wait3A_92 : memref<120xi32, #tpu.memory_space<hbm>>) dst(%arg17 : memref<120xi32, #tpu.memory_space<vmem>>)
    %dma_start3A_93 = arith.constant 0 : i32
    %dma_start3A_94 = arith.constant 0 : i32
    %dma_start3A_95 = tpu.memref_slice %arg2[%dma_start3A_93, %dma_start3A_94] : memref<10000x128xf32, #tpu.memory_space<hbm>> -> memref<10000x128xf32, #tpu.memory_space<hbm>>
    tpu.enqueue_indirect_dma source(%dma_start3A_95 : memref<10000x128xf32, #tpu.memory_space<hbm>>) target(%arg8 : memref<120x128xf32, #tpu.memory_space<vmem>>) offsets(%arg16 : memref<120xi32, #tpu.memory_space<vmem>>) semaphore(%arg10 : memref<!tpu.dma_semaphore, #tpu.memory_space<semaphore_mem>>)
    %dma_wait3A_96 = arith.constant 0 : i32
    %dma_wait3A_97 = arith.constant 0 : i32
    %dma_wait3A_98 = tpu.memref_slice %arg2[%dma_wait3A_96, %dma_wait3A_97] : memref<10000x128xf32, #tpu.memory_space<hbm>> -> memref<10000x128xf32, #tpu.memory_space<hbm>>
    tpu.wait_indirect_dma semaphore(%arg11 : memref<!tpu.dma_semaphore, #tpu.memory_space<semaphore_mem>>) src(%dma_wait3A_98 : memref<10000x128xf32, #tpu.memory_space<hbm>>) dst(%arg9 : memref<120x128xf32, #tpu.memory_space<vmem>>)
    "tpu.region"() ({
      %run_scoped3A = tpu.sem_alloc : memref<!tpu.dma_semaphore, #tpu.memory_space<semaphore_mem>>
      %dma_start3A_207 = arith.constant 0 : i32
      %dma_start3A_208 = arith.constant 0 : i32
      %dma_start3A_209 = tpu.memref_slice %arg7[%dma_start3A_207, %dma_start3A_208] : memref<10112x128xf32, #tpu.memory_space<vmem_shared>> -> memref<10112x128xf32, #tpu.memory_space<vmem_shared>>
      tpu.enqueue_indirect_dma source(%arg9 : memref<120x128xf32, #tpu.memory_space<vmem>>) target(%dma_start3A_209 : memref<10112x128xf32, #tpu.memory_space<vmem_shared>>) offsets(%arg15 : memref<120xi32, #tpu.memory_space<vmem>>) semaphore(%run_scoped3A : memref<!tpu.dma_semaphore, #tpu.memory_space<semaphore_mem>>) {add = true}
      %dma_wait3A_210 = arith.constant 0 : i32
      %dma_wait3A_211 = arith.constant 0 : i32
      %dma_wait3A_212 = tpu.memref_slice %arg7[%dma_wait3A_210, %dma_wait3A_211] : memref<10112x128xf32, #tpu.memory_space<vmem_shared>> -> memref<10112x128xf32, #tpu.memory_space<vmem_shared>>
      tpu.wait_indirect_dma semaphore(%run_scoped3A : memref<!tpu.dma_semaphore, #tpu.memory_space<semaphore_mem>>) src(%arg9 : memref<120x128xf32, #tpu.memory_space<vmem>>) dst(%dma_wait3A_212 : memref<10112x128xf32, #tpu.memory_space<vmem_shared>>)
      tpu.yield
    }) : () -> ()
    %add3A_99 = arith.constant 9960 : i32
    %add3A_100 = arith.addi %mul3A_6, %add3A_99 : i32
    %dma_wait3A_101 = tpu.memref_slice %arg3[%add3A_100] : memref<322560xi32, #tpu.memory_space<hbm>> -> memref<120xi32, #tpu.memory_space<hbm>>
    %dma_wait3A_102 = tpu.memref_slice %arg3[%add3A_100] : memref<322560xi32, #tpu.memory_space<hbm>> -> memref<120xi32, #tpu.memory_space<hbm>>
    tpu.wait_dma2 semaphore(%arg23 : memref<!tpu.dma_semaphore, #tpu.memory_space<semaphore_mem>>) src(%dma_wait3A_102 : memref<120xi32, #tpu.memory_space<hbm>>) dst(%arg18 : memref<120xi32, #tpu.memory_space<vmem>>)
    %add3A_103 = arith.constant 9960 : i32
    %add3A_104 = arith.addi %mul3A_6, %add3A_103 : i32
    %dma_wait3A_105 = tpu.memref_slice %arg4[%add3A_104] : memref<322560xi32, #tpu.memory_space<hbm>> -> memref<120xi32, #tpu.memory_space<hbm>>
    %dma_wait3A_106 = tpu.memref_slice %arg4[%add3A_104] : memref<322560xi32, #tpu.memory_space<hbm>> -> memref<120xi32, #tpu.memory_space<hbm>>
    tpu.wait_dma2 semaphore(%arg23 : memref<!tpu.dma_semaphore, #tpu.memory_space<semaphore_mem>>) src(%dma_wait3A_106 : memref<120xi32, #tpu.memory_space<hbm>>) dst(%arg19 : memref<120xi32, #tpu.memory_space<vmem>>)
    %dma_start3A_107 = arith.constant 0 : i32
    %dma_start3A_108 = arith.constant 0 : i32
    %dma_start3A_109 = tpu.memref_slice %arg2[%dma_start3A_107, %dma_start3A_108] : memref<10000x128xf32, #tpu.memory_space<hbm>> -> memref<10000x128xf32, #tpu.memory_space<hbm>>
    tpu.enqueue_indirect_dma source(%dma_start3A_109 : memref<10000x128xf32, #tpu.memory_space<hbm>>) target(%arg9 : memref<120x128xf32, #tpu.memory_space<vmem>>) offsets(%arg18 : memref<120xi32, #tpu.memory_space<vmem>>) semaphore(%arg11 : memref<!tpu.dma_semaphore, #tpu.memory_space<semaphore_mem>>)
    %dma_wait3A_110 = arith.constant 0 : i32
    %dma_wait3A_111 = arith.constant 0 : i32
    %dma_wait3A_112 = tpu.memref_slice %arg2[%dma_wait3A_110, %dma_wait3A_111] : memref<10000x128xf32, #tpu.memory_space<hbm>> -> memref<10000x128xf32, #tpu.memory_space<hbm>>
    tpu.wait_indirect_dma semaphore(%arg10 : memref<!tpu.dma_semaphore, #tpu.memory_space<semaphore_mem>>) src(%dma_wait3A_112 : memref<10000x128xf32, #tpu.memory_space<hbm>>) dst(%arg8 : memref<120x128xf32, #tpu.memory_space<vmem>>)
    "tpu.region"() ({
      %run_scoped3A = tpu.sem_alloc : memref<!tpu.dma_semaphore, #tpu.memory_space<semaphore_mem>>
      %dma_start3A_207 = arith.constant 0 : i32
      %dma_start3A_208 = arith.constant 0 : i32
      %dma_start3A_209 = tpu.memref_slice %arg7[%dma_start3A_207, %dma_start3A_208] : memref<10112x128xf32, #tpu.memory_space<vmem_shared>> -> memref<10112x128xf32, #tpu.memory_space<vmem_shared>>
      tpu.enqueue_indirect_dma source(%arg8 : memref<120x128xf32, #tpu.memory_space<vmem>>) target(%dma_start3A_209 : memref<10112x128xf32, #tpu.memory_space<vmem_shared>>) offsets(%arg17 : memref<120xi32, #tpu.memory_space<vmem>>) semaphore(%run_scoped3A : memref<!tpu.dma_semaphore, #tpu.memory_space<semaphore_mem>>) {add = true}
      %dma_wait3A_210 = arith.constant 0 : i32
      %dma_wait3A_211 = arith.constant 0 : i32
      %dma_wait3A_212 = tpu.memref_slice %arg7[%dma_wait3A_210, %dma_wait3A_211] : memref<10112x128xf32, #tpu.memory_space<vmem_shared>> -> memref<10112x128xf32, #tpu.memory_space<vmem_shared>>
      tpu.wait_indirect_dma semaphore(%run_scoped3A : memref<!tpu.dma_semaphore, #tpu.memory_space<semaphore_mem>>) src(%arg8 : memref<120x128xf32, #tpu.memory_space<vmem>>) dst(%dma_wait3A_212 : memref<10112x128xf32, #tpu.memory_space<vmem_shared>>)
      tpu.yield
    }) : () -> ()
    %dma_wait3A_113 = arith.constant 0 : i32
    %dma_wait3A_114 = arith.constant 0 : i32
    %dma_wait3A_115 = tpu.memref_slice %arg2[%dma_wait3A_113, %dma_wait3A_114] : memref<10000x128xf32, #tpu.memory_space<hbm>> -> memref<10000x128xf32, #tpu.memory_space<hbm>>
    tpu.wait_indirect_dma semaphore(%arg11 : memref<!tpu.dma_semaphore, #tpu.memory_space<semaphore_mem>>) src(%dma_wait3A_115 : memref<10000x128xf32, #tpu.memory_space<hbm>>) dst(%arg9 : memref<120x128xf32, #tpu.memory_space<vmem>>)
    "tpu.region"() ({
      %run_scoped3A = tpu.sem_alloc : memref<!tpu.dma_semaphore, #tpu.memory_space<semaphore_mem>>
      %dma_start3A_207 = arith.constant 0 : i32
      %dma_start3A_208 = arith.constant 0 : i32
      %dma_start3A_209 = tpu.memref_slice %arg7[%dma_start3A_207, %dma_start3A_208] : memref<10112x128xf32, #tpu.memory_space<vmem_shared>> -> memref<10112x128xf32, #tpu.memory_space<vmem_shared>>
      tpu.enqueue_indirect_dma source(%arg9 : memref<120x128xf32, #tpu.memory_space<vmem>>) target(%dma_start3A_209 : memref<10112x128xf32, #tpu.memory_space<vmem_shared>>) offsets(%arg19 : memref<120xi32, #tpu.memory_space<vmem>>) semaphore(%run_scoped3A : memref<!tpu.dma_semaphore, #tpu.memory_space<semaphore_mem>>) {add = true}
      %dma_wait3A_210 = arith.constant 0 : i32
      %dma_wait3A_211 = arith.constant 0 : i32
      %dma_wait3A_212 = tpu.memref_slice %arg7[%dma_wait3A_210, %dma_wait3A_211] : memref<10112x128xf32, #tpu.memory_space<vmem_shared>> -> memref<10112x128xf32, #tpu.memory_space<vmem_shared>>
      tpu.wait_indirect_dma semaphore(%run_scoped3A : memref<!tpu.dma_semaphore, #tpu.memory_space<semaphore_mem>>) src(%arg9 : memref<120x128xf32, #tpu.memory_space<vmem>>) dst(%dma_wait3A_212 : memref<10112x128xf32, #tpu.memory_space<vmem_shared>>)
      tpu.yield
    }) : () -> ()
    %barrier3A_116 = arith.constant 0 : index
    tpu.barrier barrier_id(%barrier3A_116)
    %add3A_117 = arith.constant 0 : i32
    %add3A_118 = arith.addi %mul3A_2, %add3A_117 : i32
    "tpu.region"() ({
      %run_scoped3A = tpu.sem_alloc : memref<!tpu.dma_semaphore, #tpu.memory_space<semaphore_mem>>
      %dma_start3A_207 = arith.constant 0 : i32
      %dma_start3A_208 = arith.constant 0 : i32
      %dma_start3A_209 = tpu.memref_slice %arg8[%dma_start3A_207, %dma_start3A_208] : memref<120x128xf32, #tpu.memory_space<vmem>> -> memref<120x128xf32, #tpu.memory_space<vmem>>
      %dma_start3A_210 = arith.constant 0 : i32
      %dma_start3A_211 = tpu.memref_slice %arg7[%add3A_118, %dma_start3A_210] : memref<10112x128xf32, #tpu.memory_space<vmem_shared>> -> memref<120x128xf32, #tpu.memory_space<vmem_shared>>
      %dma_start3A_212 = arith.constant 0 : i32
      %dma_start3A_213 = arith.constant 0 : i32
      %dma_start3A_214 = tpu.memref_slice %arg8[%dma_start3A_212, %dma_start3A_213] : memref<120x128xf32, #tpu.memory_space<vmem>> -> memref<120x128xf32, #tpu.memory_space<vmem>>
      %dma_start3A_215 = arith.constant 0 : i32
      %dma_start3A_216 = tpu.memref_slice %arg7[%add3A_118, %dma_start3A_215] : memref<10112x128xf32, #tpu.memory_space<vmem_shared>> -> memref<120x128xf32, #tpu.memory_space<vmem_shared>>
      tpu.enqueue_dma source(%dma_start3A_216 : memref<120x128xf32, #tpu.memory_space<vmem_shared>>) target(%dma_start3A_214 : memref<120x128xf32, #tpu.memory_space<vmem>>) target_semaphore(%run_scoped3A : memref<!tpu.dma_semaphore, #tpu.memory_space<semaphore_mem>>)
      %dma_wait3A_217 = arith.constant 0 : i32
      %dma_wait3A_218 = arith.constant 0 : i32
      %dma_wait3A_219 = tpu.memref_slice %arg8[%dma_wait3A_217, %dma_wait3A_218] : memref<120x128xf32, #tpu.memory_space<vmem>> -> memref<120x128xf32, #tpu.memory_space<vmem>>
      %dma_wait3A_220 = arith.constant 0 : i32
      %dma_wait3A_221 = tpu.memref_slice %arg7[%add3A_118, %dma_wait3A_220] : memref<10112x128xf32, #tpu.memory_space<vmem_shared>> -> memref<120x128xf32, #tpu.memory_space<vmem_shared>>
      %dma_wait3A_222 = arith.constant 0 : i32
      %dma_wait3A_223 = arith.constant 0 : i32
      %dma_wait3A_224 = tpu.memref_slice %arg8[%dma_wait3A_222, %dma_wait3A_223] : memref<120x128xf32, #tpu.memory_space<vmem>> -> memref<120x128xf32, #tpu.memory_space<vmem>>
      %dma_wait3A_225 = arith.constant 0 : i32
      %dma_wait3A_226 = tpu.memref_slice %arg7[%add3A_118, %dma_wait3A_225] : memref<10112x128xf32, #tpu.memory_space<vmem_shared>> -> memref<120x128xf32, #tpu.memory_space<vmem_shared>>
      tpu.wait_dma2 semaphore(%run_scoped3A : memref<!tpu.dma_semaphore, #tpu.memory_space<semaphore_mem>>) src(%dma_wait3A_226 : memref<120x128xf32, #tpu.memory_space<vmem_shared>>) dst(%dma_wait3A_224 : memref<120x128xf32, #tpu.memory_space<vmem>>)
      tpu.yield
    }) : () -> ()
    %add3A_119 = arith.constant 0 : i32
    %add3A_120 = arith.addi %mul3A_2, %add3A_119 : i32
    "tpu.region"() ({
      %run_scoped3A = tpu.sem_alloc : memref<!tpu.dma_semaphore, #tpu.memory_space<semaphore_mem>>
      %dma_start3A_207 = arith.constant 0 : i32
      %dma_start3A_208 = arith.constant 0 : i32
      %dma_start3A_209 = tpu.memref_slice %arg8[%dma_start3A_207, %dma_start3A_208] : memref<120x128xf32, #tpu.memory_space<vmem>> -> memref<120x128xf32, #tpu.memory_space<vmem>>
      %dma_start3A_210 = arith.constant 0 : i32
      %dma_start3A_211 = tpu.memref_slice %arg5[%arg0, %add3A_120, %dma_start3A_210] : memref<2x10112x128xf32, #tpu.memory_space<hbm>> -> memref<1x120x128xf32, #tpu.memory_space<hbm>>
      %dma_start3A_212 = tpu.memref_squeeze %dma_start3A_211 : memref<1x120x128xf32, #tpu.memory_space<hbm>> -> memref<120x128xf32, #tpu.memory_space<hbm>>
      %dma_start3A_213 = arith.constant 0 : i32
      %dma_start3A_214 = tpu.memref_slice %arg5[%arg0, %add3A_120, %dma_start3A_213] : memref<2x10112x128xf32, #tpu.memory_space<hbm>> -> memref<1x120x128xf32, #tpu.memory_space<hbm>>
      %dma_start3A_215 = tpu.memref_squeeze %dma_start3A_214 : memref<1x120x128xf32, #tpu.memory_space<hbm>> -> memref<120x128xf32, #tpu.memory_space<hbm>>
      %dma_start3A_216 = arith.constant 0 : i32
      %dma_start3A_217 = arith.constant 0 : i32
      %dma_start3A_218 = tpu.memref_slice %arg8[%dma_start3A_216, %dma_start3A_217] : memref<120x128xf32, #tpu.memory_space<vmem>> -> memref<120x128xf32, #tpu.memory_space<vmem>>
      tpu.enqueue_dma source(%dma_start3A_218 : memref<120x128xf32, #tpu.memory_space<vmem>>) target(%dma_start3A_215 : memref<120x128xf32, #tpu.memory_space<hbm>>) target_semaphore(%run_scoped3A : memref<!tpu.dma_semaphore, #tpu.memory_space<semaphore_mem>>)
      %dma_wait3A_219 = arith.constant 0 : i32
      %dma_wait3A_220 = arith.constant 0 : i32
      %dma_wait3A_221 = tpu.memref_slice %arg8[%dma_wait3A_219, %dma_wait3A_220] : memref<120x128xf32, #tpu.memory_space<vmem>> -> memref<120x128xf32, #tpu.memory_space<vmem>>
      %dma_wait3A_222 = arith.constant 0 : i32
      %dma_wait3A_223 = tpu.memref_slice %arg5[%arg0, %add3A_120, %dma_wait3A_222] : memref<2x10112x128xf32, #tpu.memory_space<hbm>> -> memref<1x120x128xf32, #tpu.memory_space<hbm>>
      %dma_wait3A_224 = tpu.memref_squeeze %dma_wait3A_223 : memref<1x120x128xf32, #tpu.memory_space<hbm>> -> memref<120x128xf32, #tpu.memory_space<hbm>>
      %dma_wait3A_225 = arith.constant 0 : i32
      %dma_wait3A_226 = tpu.memref_slice %arg5[%arg0, %add3A_120, %dma_wait3A_225] : memref<2x10112x128xf32, #tpu.memory_space<hbm>> -> memref<1x120x128xf32, #tpu.memory_space<hbm>>
      %dma_wait3A_227 = tpu.memref_squeeze %dma_wait3A_226 : memref<1x120x128xf32, #tpu.memory_space<hbm>> -> memref<120x128xf32, #tpu.memory_space<hbm>>
      %dma_wait3A_228 = arith.constant 0 : i32
      %dma_wait3A_229 = arith.constant 0 : i32
      %dma_wait3A_230 = tpu.memref_slice %arg8[%dma_wait3A_228, %dma_wait3A_229] : memref<120x128xf32, #tpu.memory_space<vmem>> -> memref<120x128xf32, #tpu.memory_space<vmem>>
      tpu.wait_dma2 semaphore(%run_scoped3A : memref<!tpu.dma_semaphore, #tpu.memory_space<semaphore_mem>>) src(%dma_wait3A_230 : memref<120x128xf32, #tpu.memory_space<vmem>>) dst(%dma_wait3A_227 : memref<120x128xf32, #tpu.memory_space<hbm>>)
      tpu.yield
    }) : () -> ()
    %add3A_121 = arith.constant 120 : i32
    %add3A_122 = arith.addi %mul3A_2, %add3A_121 : i32
    "tpu.region"() ({
      %run_scoped3A = tpu.sem_alloc : memref<!tpu.dma_semaphore, #tpu.memory_space<semaphore_mem>>
      %dma_start3A_207 = arith.constant 0 : i32
      %dma_start3A_208 = arith.constant 0 : i32
      %dma_start3A_209 = tpu.memref_slice %arg8[%dma_start3A_207, %dma_start3A_208] : memref<120x128xf32, #tpu.memory_space<vmem>> -> memref<120x128xf32, #tpu.memory_space<vmem>>
      %dma_start3A_210 = arith.constant 0 : i32
      %dma_start3A_211 = tpu.memref_slice %arg7[%add3A_122, %dma_start3A_210] : memref<10112x128xf32, #tpu.memory_space<vmem_shared>> -> memref<120x128xf32, #tpu.memory_space<vmem_shared>>
      %dma_start3A_212 = arith.constant 0 : i32
      %dma_start3A_213 = arith.constant 0 : i32
      %dma_start3A_214 = tpu.memref_slice %arg8[%dma_start3A_212, %dma_start3A_213] : memref<120x128xf32, #tpu.memory_space<vmem>> -> memref<120x128xf32, #tpu.memory_space<vmem>>
      %dma_start3A_215 = arith.constant 0 : i32
      %dma_start3A_216 = tpu.memref_slice %arg7[%add3A_122, %dma_start3A_215] : memref<10112x128xf32, #tpu.memory_space<vmem_shared>> -> memref<120x128xf32, #tpu.memory_space<vmem_shared>>
      tpu.enqueue_dma source(%dma_start3A_216 : memref<120x128xf32, #tpu.memory_space<vmem_shared>>) target(%dma_start3A_214 : memref<120x128xf32, #tpu.memory_space<vmem>>) target_semaphore(%run_scoped3A : memref<!tpu.dma_semaphore, #tpu.memory_space<semaphore_mem>>)
      %dma_wait3A_217 = arith.constant 0 : i32
      %dma_wait3A_218 = arith.constant 0 : i32
      %dma_wait3A_219 = tpu.memref_slice %arg8[%dma_wait3A_217, %dma_wait3A_218] : memref<120x128xf32, #tpu.memory_space<vmem>> -> memref<120x128xf32, #tpu.memory_space<vmem>>
      %dma_wait3A_220 = arith.constant 0 : i32
      %dma_wait3A_221 = tpu.memref_slice %arg7[%add3A_122, %dma_wait3A_220] : memref<10112x128xf32, #tpu.memory_space<vmem_shared>> -> memref<120x128xf32, #tpu.memory_space<vmem_shared>>
      %dma_wait3A_222 = arith.constant 0 : i32
      %dma_wait3A_223 = arith.constant 0 : i32
      %dma_wait3A_224 = tpu.memref_slice %arg8[%dma_wait3A_222, %dma_wait3A_223] : memref<120x128xf32, #tpu.memory_space<vmem>> -> memref<120x128xf32, #tpu.memory_space<vmem>>
      %dma_wait3A_225 = arith.constant 0 : i32
      %dma_wait3A_226 = tpu.memref_slice %arg7[%add3A_122, %dma_wait3A_225] : memref<10112x128xf32, #tpu.memory_space<vmem_shared>> -> memref<120x128xf32, #tpu.memory_space<vmem_shared>>
      tpu.wait_dma2 semaphore(%run_scoped3A : memref<!tpu.dma_semaphore, #tpu.memory_space<semaphore_mem>>) src(%dma_wait3A_226 : memref<120x128xf32, #tpu.memory_space<vmem_shared>>) dst(%dma_wait3A_224 : memref<120x128xf32, #tpu.memory_space<vmem>>)
      tpu.yield
    }) : () -> ()
    %add3A_123 = arith.constant 120 : i32
    %add3A_124 = arith.addi %mul3A_2, %add3A_123 : i32
    "tpu.region"() ({
      %run_scoped3A = tpu.sem_alloc : memref<!tpu.dma_semaphore, #tpu.memory_space<semaphore_mem>>
      %dma_start3A_207 = arith.constant 0 : i32
      %dma_start3A_208 = arith.constant 0 : i32
      %dma_start3A_209 = tpu.memref_slice %arg8[%dma_start3A_207, %dma_start3A_208] : memref<120x128xf32, #tpu.memory_space<vmem>> -> memref<120x128xf32, #tpu.memory_space<vmem>>
      %dma_start3A_210 = arith.constant 0 : i32
      %dma_start3A_211 = tpu.memref_slice %arg5[%arg0, %add3A_124, %dma_start3A_210] : memref<2x10112x128xf32, #tpu.memory_space<hbm>> -> memref<1x120x128xf32, #tpu.memory_space<hbm>>
      %dma_start3A_212 = tpu.memref_squeeze %dma_start3A_211 : memref<1x120x128xf32, #tpu.memory_space<hbm>> -> memref<120x128xf32, #tpu.memory_space<hbm>>
      %dma_start3A_213 = arith.constant 0 : i32
      %dma_start3A_214 = tpu.memref_slice %arg5[%arg0, %add3A_124, %dma_start3A_213] : memref<2x10112x128xf32, #tpu.memory_space<hbm>> -> memref<1x120x128xf32, #tpu.memory_space<hbm>>
      %dma_start3A_215 = tpu.memref_squeeze %dma_start3A_214 : memref<1x120x128xf32, #tpu.memory_space<hbm>> -> memref<120x128xf32, #tpu.memory_space<hbm>>
      %dma_start3A_216 = arith.constant 0 : i32
      %dma_start3A_217 = arith.constant 0 : i32
      %dma_start3A_218 = tpu.memref_slice %arg8[%dma_start3A_216, %dma_start3A_217] : memref<120x128xf32, #tpu.memory_space<vmem>> -> memref<120x128xf32, #tpu.memory_space<vmem>>
      tpu.enqueue_dma source(%dma_start3A_218 : memref<120x128xf32, #tpu.memory_space<vmem>>) target(%dma_start3A_215 : memref<120x128xf32, #tpu.memory_space<hbm>>) target_semaphore(%run_scoped3A : memref<!tpu.dma_semaphore, #tpu.memory_space<semaphore_mem>>)
      %dma_wait3A_219 = arith.constant 0 : i32
      %dma_wait3A_220 = arith.constant 0 : i32
      %dma_wait3A_221 = tpu.memref_slice %arg8[%dma_wait3A_219, %dma_wait3A_220] : memref<120x128xf32, #tpu.memory_space<vmem>> -> memref<120x128xf32, #tpu.memory_space<vmem>>
      %dma_wait3A_222 = arith.constant 0 : i32
      %dma_wait3A_223 = tpu.memref_slice %arg5[%arg0, %add3A_124, %dma_wait3A_222] : memref<2x10112x128xf32, #tpu.memory_space<hbm>> -> memref<1x120x128xf32, #tpu.memory_space<hbm>>
      %dma_wait3A_224 = tpu.memref_squeeze %dma_wait3A_223 : memref<1x120x128xf32, #tpu.memory_space<hbm>> -> memref<120x128xf32, #tpu.memory_space<hbm>>
      %dma_wait3A_225 = arith.constant 0 : i32
      %dma_wait3A_226 = tpu.memref_slice %arg5[%arg0, %add3A_124, %dma_wait3A_225] : memref<2x10112x128xf32, #tpu.memory_space<hbm>> -> memref<1x120x128xf32, #tpu.memory_space<hbm>>
      %dma_wait3A_227 = tpu.memref_squeeze %dma_wait3A_226 : memref<1x120x128xf32, #tpu.memory_space<hbm>> -> memref<120x128xf32, #tpu.memory_space<hbm>>
      %dma_wait3A_228 = arith.constant 0 : i32
      %dma_wait3A_229 = arith.constant 0 : i32
      %dma_wait3A_230 = tpu.memref_slice %arg8[%dma_wait3A_228, %dma_wait3A_229] : memref<120x128xf32, #tpu.memory_space<vmem>> -> memref<120x128xf32, #tpu.memory_space<vmem>>
      tpu.wait_dma2 semaphore(%run_scoped3A : memref<!tpu.dma_semaphore, #tpu.memory_space<semaphore_mem>>) src(%dma_wait3A_230 : memref<120x128xf32, #tpu.memory_space<vmem>>) dst(%dma_wait3A_227 : memref<120x128xf32, #tpu.memory_space<hbm>>)
      tpu.yield
    }) : () -> ()
    %add3A_125 = arith.constant 240 : i32
    %add3A_126 = arith.addi %mul3A_2, %add3A_125 : i32
    "tpu.region"() ({
      %run_scoped3A = tpu.sem_alloc : memref<!tpu.dma_semaphore, #tpu.memory_space<semaphore_mem>>
      %dma_start3A_207 = arith.constant 0 : i32
      %dma_start3A_208 = arith.constant 0 : i32
      %dma_start3A_209 = tpu.memref_slice %arg8[%dma_start3A_207, %dma_start3A_208] : memref<120x128xf32, #tpu.memory_space<vmem>> -> memref<120x128xf32, #tpu.memory_space<vmem>>
      %dma_start3A_210 = arith.constant 0 : i32
      %dma_start3A_211 = tpu.memref_slice %arg7[%add3A_126, %dma_start3A_210] : memref<10112x128xf32, #tpu.memory_space<vmem_shared>> -> memref<120x128xf32, #tpu.memory_space<vmem_shared>>
      %dma_start3A_212 = arith.constant 0 : i32
      %dma_start3A_213 = arith.constant 0 : i32
      %dma_start3A_214 = tpu.memref_slice %arg8[%dma_start3A_212, %dma_start3A_213] : memref<120x128xf32, #tpu.memory_space<vmem>> -> memref<120x128xf32, #tpu.memory_space<vmem>>
      %dma_start3A_215 = arith.constant 0 : i32
      %dma_start3A_216 = tpu.memref_slice %arg7[%add3A_126, %dma_start3A_215] : memref<10112x128xf32, #tpu.memory_space<vmem_shared>> -> memref<120x128xf32, #tpu.memory_space<vmem_shared>>
      tpu.enqueue_dma source(%dma_start3A_216 : memref<120x128xf32, #tpu.memory_space<vmem_shared>>) target(%dma_start3A_214 : memref<120x128xf32, #tpu.memory_space<vmem>>) target_semaphore(%run_scoped3A : memref<!tpu.dma_semaphore, #tpu.memory_space<semaphore_mem>>)
      %dma_wait3A_217 = arith.constant 0 : i32
      %dma_wait3A_218 = arith.constant 0 : i32
      %dma_wait3A_219 = tpu.memref_slice %arg8[%dma_wait3A_217, %dma_wait3A_218] : memref<120x128xf32, #tpu.memory_space<vmem>> -> memref<120x128xf32, #tpu.memory_space<vmem>>
      %dma_wait3A_220 = arith.constant 0 : i32
      %dma_wait3A_221 = tpu.memref_slice %arg7[%add3A_126, %dma_wait3A_220] : memref<10112x128xf32, #tpu.memory_space<vmem_shared>> -> memref<120x128xf32, #tpu.memory_space<vmem_shared>>
      %dma_wait3A_222 = arith.constant 0 : i32
      %dma_wait3A_223 = arith.constant 0 : i32
      %dma_wait3A_224 = tpu.memref_slice %arg8[%dma_wait3A_222, %dma_wait3A_223] : memref<120x128xf32, #tpu.memory_space<vmem>> -> memref<120x128xf32, #tpu.memory_space<vmem>>
      %dma_wait3A_225 = arith.constant 0 : i32
      %dma_wait3A_226 = tpu.memref_slice %arg7[%add3A_126, %dma_wait3A_225] : memref<10112x128xf32, #tpu.memory_space<vmem_shared>> -> memref<120x128xf32, #tpu.memory_space<vmem_shared>>
      tpu.wait_dma2 semaphore(%run_scoped3A : memref<!tpu.dma_semaphore, #tpu.memory_space<semaphore_mem>>) src(%dma_wait3A_226 : memref<120x128xf32, #tpu.memory_space<vmem_shared>>) dst(%dma_wait3A_224 : memref<120x128xf32, #tpu.memory_space<vmem>>)
      tpu.yield
    }) : () -> ()
    %add3A_127 = arith.constant 240 : i32
    %add3A_128 = arith.addi %mul3A_2, %add3A_127 : i32
    "tpu.region"() ({
      %run_scoped3A = tpu.sem_alloc : memref<!tpu.dma_semaphore, #tpu.memory_space<semaphore_mem>>
      %dma_start3A_207 = arith.constant 0 : i32
      %dma_start3A_208 = arith.constant 0 : i32
      %dma_start3A_209 = tpu.memref_slice %arg8[%dma_start3A_207, %dma_start3A_208] : memref<120x128xf32, #tpu.memory_space<vmem>> -> memref<120x128xf32, #tpu.memory_space<vmem>>
      %dma_start3A_210 = arith.constant 0 : i32
      %dma_start3A_211 = tpu.memref_slice %arg5[%arg0, %add3A_128, %dma_start3A_210] : memref<2x10112x128xf32, #tpu.memory_space<hbm>> -> memref<1x120x128xf32, #tpu.memory_space<hbm>>
      %dma_start3A_212 = tpu.memref_squeeze %dma_start3A_211 : memref<1x120x128xf32, #tpu.memory_space<hbm>> -> memref<120x128xf32, #tpu.memory_space<hbm>>
      %dma_start3A_213 = arith.constant 0 : i32
      %dma_start3A_214 = tpu.memref_slice %arg5[%arg0, %add3A_128, %dma_start3A_213] : memref<2x10112x128xf32, #tpu.memory_space<hbm>> -> memref<1x120x128xf32, #tpu.memory_space<hbm>>
      %dma_start3A_215 = tpu.memref_squeeze %dma_start3A_214 : memref<1x120x128xf32, #tpu.memory_space<hbm>> -> memref<120x128xf32, #tpu.memory_space<hbm>>
      %dma_start3A_216 = arith.constant 0 : i32
      %dma_start3A_217 = arith.constant 0 : i32
      %dma_start3A_218 = tpu.memref_slice %arg8[%dma_start3A_216, %dma_start3A_217] : memref<120x128xf32, #tpu.memory_space<vmem>> -> memref<120x128xf32, #tpu.memory_space<vmem>>
      tpu.enqueue_dma source(%dma_start3A_218 : memref<120x128xf32, #tpu.memory_space<vmem>>) target(%dma_start3A_215 : memref<120x128xf32, #tpu.memory_space<hbm>>) target_semaphore(%run_scoped3A : memref<!tpu.dma_semaphore, #tpu.memory_space<semaphore_mem>>)
      %dma_wait3A_219 = arith.constant 0 : i32
      %dma_wait3A_220 = arith.constant 0 : i32
      %dma_wait3A_221 = tpu.memref_slice %arg8[%dma_wait3A_219, %dma_wait3A_220] : memref<120x128xf32, #tpu.memory_space<vmem>> -> memref<120x128xf32, #tpu.memory_space<vmem>>
      %dma_wait3A_222 = arith.constant 0 : i32
      %dma_wait3A_223 = tpu.memref_slice %arg5[%arg0, %add3A_128, %dma_wait3A_222] : memref<2x10112x128xf32, #tpu.memory_space<hbm>> -> memref<1x120x128xf32, #tpu.memory_space<hbm>>
      %dma_wait3A_224 = tpu.memref_squeeze %dma_wait3A_223 : memref<1x120x128xf32, #tpu.memory_space<hbm>> -> memref<120x128xf32, #tpu.memory_space<hbm>>
      %dma_wait3A_225 = arith.constant 0 : i32
      %dma_wait3A_226 = tpu.memref_slice %arg5[%arg0, %add3A_128, %dma_wait3A_225] : memref<2x10112x128xf32, #tpu.memory_space<hbm>> -> memref<1x120x128xf32, #tpu.memory_space<hbm>>
      %dma_wait3A_227 = tpu.memref_squeeze %dma_wait3A_226 : memref<1x120x128xf32, #tpu.memory_space<hbm>> -> memref<120x128xf32, #tpu.memory_space<hbm>>
      %dma_wait3A_228 = arith.constant 0 : i32
      %dma_wait3A_229 = arith.constant 0 : i32
      %dma_wait3A_230 = tpu.memref_slice %arg8[%dma_wait3A_228, %dma_wait3A_229] : memref<120x128xf32, #tpu.memory_space<vmem>> -> memref<120x128xf32, #tpu.memory_space<vmem>>
      tpu.wait_dma2 semaphore(%run_scoped3A : memref<!tpu.dma_semaphore, #tpu.memory_space<semaphore_mem>>) src(%dma_wait3A_230 : memref<120x128xf32, #tpu.memory_space<vmem>>) dst(%dma_wait3A_227 : memref<120x128xf32, #tpu.memory_space<hbm>>)
      tpu.yield
    }) : () -> ()
    %add3A_129 = arith.constant 360 : i32
    %add3A_130 = arith.addi %mul3A_2, %add3A_129 : i32
    "tpu.region"() ({
      %run_scoped3A = tpu.sem_alloc : memref<!tpu.dma_semaphore, #tpu.memory_space<semaphore_mem>>
      %dma_start3A_207 = arith.constant 0 : i32
      %dma_start3A_208 = arith.constant 0 : i32
      %dma_start3A_209 = tpu.memref_slice %arg8[%dma_start3A_207, %dma_start3A_208] : memref<120x128xf32, #tpu.memory_space<vmem>> -> memref<120x128xf32, #tpu.memory_space<vmem>>
      %dma_start3A_210 = arith.constant 0 : i32
      %dma_start3A_211 = tpu.memref_slice %arg7[%add3A_130, %dma_start3A_210] : memref<10112x128xf32, #tpu.memory_space<vmem_shared>> -> memref<120x128xf32, #tpu.memory_space<vmem_shared>>
      %dma_start3A_212 = arith.constant 0 : i32
      %dma_start3A_213 = arith.constant 0 : i32
      %dma_start3A_214 = tpu.memref_slice %arg8[%dma_start3A_212, %dma_start3A_213] : memref<120x128xf32, #tpu.memory_space<vmem>> -> memref<120x128xf32, #tpu.memory_space<vmem>>
      %dma_start3A_215 = arith.constant 0 : i32
      %dma_start3A_216 = tpu.memref_slice %arg7[%add3A_130, %dma_start3A_215] : memref<10112x128xf32, #tpu.memory_space<vmem_shared>> -> memref<120x128xf32, #tpu.memory_space<vmem_shared>>
      tpu.enqueue_dma source(%dma_start3A_216 : memref<120x128xf32, #tpu.memory_space<vmem_shared>>) target(%dma_start3A_214 : memref<120x128xf32, #tpu.memory_space<vmem>>) target_semaphore(%run_scoped3A : memref<!tpu.dma_semaphore, #tpu.memory_space<semaphore_mem>>)
      %dma_wait3A_217 = arith.constant 0 : i32
      %dma_wait3A_218 = arith.constant 0 : i32
      %dma_wait3A_219 = tpu.memref_slice %arg8[%dma_wait3A_217, %dma_wait3A_218] : memref<120x128xf32, #tpu.memory_space<vmem>> -> memref<120x128xf32, #tpu.memory_space<vmem>>
      %dma_wait3A_220 = arith.constant 0 : i32
      %dma_wait3A_221 = tpu.memref_slice %arg7[%add3A_130, %dma_wait3A_220] : memref<10112x128xf32, #tpu.memory_space<vmem_shared>> -> memref<120x128xf32, #tpu.memory_space<vmem_shared>>
      %dma_wait3A_222 = arith.constant 0 : i32
      %dma_wait3A_223 = arith.constant 0 : i32
      %dma_wait3A_224 = tpu.memref_slice %arg8[%dma_wait3A_222, %dma_wait3A_223] : memref<120x128xf32, #tpu.memory_space<vmem>> -> memref<120x128xf32, #tpu.memory_space<vmem>>
      %dma_wait3A_225 = arith.constant 0 : i32
      %dma_wait3A_226 = tpu.memref_slice %arg7[%add3A_130, %dma_wait3A_225] : memref<10112x128xf32, #tpu.memory_space<vmem_shared>> -> memref<120x128xf32, #tpu.memory_space<vmem_shared>>
      tpu.wait_dma2 semaphore(%run_scoped3A : memref<!tpu.dma_semaphore, #tpu.memory_space<semaphore_mem>>) src(%dma_wait3A_226 : memref<120x128xf32, #tpu.memory_space<vmem_shared>>) dst(%dma_wait3A_224 : memref<120x128xf32, #tpu.memory_space<vmem>>)
      tpu.yield
    }) : () -> ()
    %add3A_131 = arith.constant 360 : i32
    %add3A_132 = arith.addi %mul3A_2, %add3A_131 : i32
    "tpu.region"() ({
      %run_scoped3A = tpu.sem_alloc : memref<!tpu.dma_semaphore, #tpu.memory_space<semaphore_mem>>
      %dma_start3A_207 = arith.constant 0 : i32
      %dma_start3A_208 = arith.constant 0 : i32
      %dma_start3A_209 = tpu.memref_slice %arg8[%dma_start3A_207, %dma_start3A_208] : memref<120x128xf32, #tpu.memory_space<vmem>> -> memref<120x128xf32, #tpu.memory_space<vmem>>
      %dma_start3A_210 = arith.constant 0 : i32
      %dma_start3A_211 = tpu.memref_slice %arg5[%arg0, %add3A_132, %dma_start3A_210] : memref<2x10112x128xf32, #tpu.memory_space<hbm>> -> memref<1x120x128xf32, #tpu.memory_space<hbm>>
      %dma_start3A_212 = tpu.memref_squeeze %dma_start3A_211 : memref<1x120x128xf32, #tpu.memory_space<hbm>> -> memref<120x128xf32, #tpu.memory_space<hbm>>
      %dma_start3A_213 = arith.constant 0 : i32
      %dma_start3A_214 = tpu.memref_slice %arg5[%arg0, %add3A_132, %dma_start3A_213] : memref<2x10112x128xf32, #tpu.memory_space<hbm>> -> memref<1x120x128xf32, #tpu.memory_space<hbm>>
      %dma_start3A_215 = tpu.memref_squeeze %dma_start3A_214 : memref<1x120x128xf32, #tpu.memory_space<hbm>> -> memref<120x128xf32, #tpu.memory_space<hbm>>
      %dma_start3A_216 = arith.constant 0 : i32
      %dma_start3A_217 = arith.constant 0 : i32
      %dma_start3A_218 = tpu.memref_slice %arg8[%dma_start3A_216, %dma_start3A_217] : memref<120x128xf32, #tpu.memory_space<vmem>> -> memref<120x128xf32, #tpu.memory_space<vmem>>
      tpu.enqueue_dma source(%dma_start3A_218 : memref<120x128xf32, #tpu.memory_space<vmem>>) target(%dma_start3A_215 : memref<120x128xf32, #tpu.memory_space<hbm>>) target_semaphore(%run_scoped3A : memref<!tpu.dma_semaphore, #tpu.memory_space<semaphore_mem>>)
      %dma_wait3A_219 = arith.constant 0 : i32
      %dma_wait3A_220 = arith.constant 0 : i32
      %dma_wait3A_221 = tpu.memref_slice %arg8[%dma_wait3A_219, %dma_wait3A_220] : memref<120x128xf32, #tpu.memory_space<vmem>> -> memref<120x128xf32, #tpu.memory_space<vmem>>
      %dma_wait3A_222 = arith.constant 0 : i32
      %dma_wait3A_223 = tpu.memref_slice %arg5[%arg0, %add3A_132, %dma_wait3A_222] : memref<2x10112x128xf32, #tpu.memory_space<hbm>> -> memref<1x120x128xf32, #tpu.memory_space<hbm>>
      %dma_wait3A_224 = tpu.memref_squeeze %dma_wait3A_223 : memref<1x120x128xf32, #tpu.memory_space<hbm>> -> memref<120x128xf32, #tpu.memory_space<hbm>>
      %dma_wait3A_225 = arith.constant 0 : i32
      %dma_wait3A_226 = tpu.memref_slice %arg5[%arg0, %add3A_132, %dma_wait3A_225] : memref<2x10112x128xf32, #tpu.memory_space<hbm>> -> memref<1x120x128xf32, #tpu.memory_space<hbm>>
      %dma_wait3A_227 = tpu.memref_squeeze %dma_wait3A_226 : memref<1x120x128xf32, #tpu.memory_space<hbm>> -> memref<120x128xf32, #tpu.memory_space<hbm>>
      %dma_wait3A_228 = arith.constant 0 : i32
      %dma_wait3A_229 = arith.constant 0 : i32
      %dma_wait3A_230 = tpu.memref_slice %arg8[%dma_wait3A_228, %dma_wait3A_229] : memref<120x128xf32, #tpu.memory_space<vmem>> -> memref<120x128xf32, #tpu.memory_space<vmem>>
      tpu.wait_dma2 semaphore(%run_scoped3A : memref<!tpu.dma_semaphore, #tpu.memory_space<semaphore_mem>>) src(%dma_wait3A_230 : memref<120x128xf32, #tpu.memory_space<vmem>>) dst(%dma_wait3A_227 : memref<120x128xf32, #tpu.memory_space<hbm>>)
      tpu.yield
    }) : () -> ()
    %add3A_133 = arith.constant 480 : i32
    %add3A_134 = arith.addi %mul3A_2, %add3A_133 : i32
    "tpu.region"() ({
      %run_scoped3A = tpu.sem_alloc : memref<!tpu.dma_semaphore, #tpu.memory_space<semaphore_mem>>
      %dma_start3A_207 = arith.constant 0 : i32
      %dma_start3A_208 = arith.constant 0 : i32
      %dma_start3A_209 = tpu.memref_slice %arg8[%dma_start3A_207, %dma_start3A_208] : memref<120x128xf32, #tpu.memory_space<vmem>> -> memref<120x128xf32, #tpu.memory_space<vmem>>
      %dma_start3A_210 = arith.constant 0 : i32
      %dma_start3A_211 = tpu.memref_slice %arg7[%add3A_134, %dma_start3A_210] : memref<10112x128xf32, #tpu.memory_space<vmem_shared>> -> memref<120x128xf32, #tpu.memory_space<vmem_shared>>
      %dma_start3A_212 = arith.constant 0 : i32
      %dma_start3A_213 = arith.constant 0 : i32
      %dma_start3A_214 = tpu.memref_slice %arg8[%dma_start3A_212, %dma_start3A_213] : memref<120x128xf32, #tpu.memory_space<vmem>> -> memref<120x128xf32, #tpu.memory_space<vmem>>
      %dma_start3A_215 = arith.constant 0 : i32
      %dma_start3A_216 = tpu.memref_slice %arg7[%add3A_134, %dma_start3A_215] : memref<10112x128xf32, #tpu.memory_space<vmem_shared>> -> memref<120x128xf32, #tpu.memory_space<vmem_shared>>
      tpu.enqueue_dma source(%dma_start3A_216 : memref<120x128xf32, #tpu.memory_space<vmem_shared>>) target(%dma_start3A_214 : memref<120x128xf32, #tpu.memory_space<vmem>>) target_semaphore(%run_scoped3A : memref<!tpu.dma_semaphore, #tpu.memory_space<semaphore_mem>>)
      %dma_wait3A_217 = arith.constant 0 : i32
      %dma_wait3A_218 = arith.constant 0 : i32
      %dma_wait3A_219 = tpu.memref_slice %arg8[%dma_wait3A_217, %dma_wait3A_218] : memref<120x128xf32, #tpu.memory_space<vmem>> -> memref<120x128xf32, #tpu.memory_space<vmem>>
      %dma_wait3A_220 = arith.constant 0 : i32
      %dma_wait3A_221 = tpu.memref_slice %arg7[%add3A_134, %dma_wait3A_220] : memref<10112x128xf32, #tpu.memory_space<vmem_shared>> -> memref<120x128xf32, #tpu.memory_space<vmem_shared>>
      %dma_wait3A_222 = arith.constant 0 : i32
      %dma_wait3A_223 = arith.constant 0 : i32
      %dma_wait3A_224 = tpu.memref_slice %arg8[%dma_wait3A_222, %dma_wait3A_223] : memref<120x128xf32, #tpu.memory_space<vmem>> -> memref<120x128xf32, #tpu.memory_space<vmem>>
      %dma_wait3A_225 = arith.constant 0 : i32
      %dma_wait3A_226 = tpu.memref_slice %arg7[%add3A_134, %dma_wait3A_225] : memref<10112x128xf32, #tpu.memory_space<vmem_shared>> -> memref<120x128xf32, #tpu.memory_space<vmem_shared>>
      tpu.wait_dma2 semaphore(%run_scoped3A : memref<!tpu.dma_semaphore, #tpu.memory_space<semaphore_mem>>) src(%dma_wait3A_226 : memref<120x128xf32, #tpu.memory_space<vmem_shared>>) dst(%dma_wait3A_224 : memref<120x128xf32, #tpu.memory_space<vmem>>)
      tpu.yield
    }) : () -> ()
    %add3A_135 = arith.constant 480 : i32
    %add3A_136 = arith.addi %mul3A_2, %add3A_135 : i32
    "tpu.region"() ({
      %run_scoped3A = tpu.sem_alloc : memref<!tpu.dma_semaphore, #tpu.memory_space<semaphore_mem>>
      %dma_start3A_207 = arith.constant 0 : i32
      %dma_start3A_208 = arith.constant 0 : i32
      %dma_start3A_209 = tpu.memref_slice %arg8[%dma_start3A_207, %dma_start3A_208] : memref<120x128xf32, #tpu.memory_space<vmem>> -> memref<120x128xf32, #tpu.memory_space<vmem>>
      %dma_start3A_210 = arith.constant 0 : i32
      %dma_start3A_211 = tpu.memref_slice %arg5[%arg0, %add3A_136, %dma_start3A_210] : memref<2x10112x128xf32, #tpu.memory_space<hbm>> -> memref<1x120x128xf32, #tpu.memory_space<hbm>>
      %dma_start3A_212 = tpu.memref_squeeze %dma_start3A_211 : memref<1x120x128xf32, #tpu.memory_space<hbm>> -> memref<120x128xf32, #tpu.memory_space<hbm>>
      %dma_start3A_213 = arith.constant 0 : i32
      %dma_start3A_214 = tpu.memref_slice %arg5[%arg0, %add3A_136, %dma_start3A_213] : memref<2x10112x128xf32, #tpu.memory_space<hbm>> -> memref<1x120x128xf32, #tpu.memory_space<hbm>>
      %dma_start3A_215 = tpu.memref_squeeze %dma_start3A_214 : memref<1x120x128xf32, #tpu.memory_space<hbm>> -> memref<120x128xf32, #tpu.memory_space<hbm>>
      %dma_start3A_216 = arith.constant 0 : i32
      %dma_start3A_217 = arith.constant 0 : i32
      %dma_start3A_218 = tpu.memref_slice %arg8[%dma_start3A_216, %dma_start3A_217] : memref<120x128xf32, #tpu.memory_space<vmem>> -> memref<120x128xf32, #tpu.memory_space<vmem>>
      tpu.enqueue_dma source(%dma_start3A_218 : memref<120x128xf32, #tpu.memory_space<vmem>>) target(%dma_start3A_215 : memref<120x128xf32, #tpu.memory_space<hbm>>) target_semaphore(%run_scoped3A : memref<!tpu.dma_semaphore, #tpu.memory_space<semaphore_mem>>)
      %dma_wait3A_219 = arith.constant 0 : i32
      %dma_wait3A_220 = arith.constant 0 : i32
      %dma_wait3A_221 = tpu.memref_slice %arg8[%dma_wait3A_219, %dma_wait3A_220] : memref<120x128xf32, #tpu.memory_space<vmem>> -> memref<120x128xf32, #tpu.memory_space<vmem>>
      %dma_wait3A_222 = arith.constant 0 : i32
      %dma_wait3A_223 = tpu.memref_slice %arg5[%arg0, %add3A_136, %dma_wait3A_222] : memref<2x10112x128xf32, #tpu.memory_space<hbm>> -> memref<1x120x128xf32, #tpu.memory_space<hbm>>
      %dma_wait3A_224 = tpu.memref_squeeze %dma_wait3A_223 : memref<1x120x128xf32, #tpu.memory_space<hbm>> -> memref<120x128xf32, #tpu.memory_space<hbm>>
      %dma_wait3A_225 = arith.constant 0 : i32
      %dma_wait3A_226 = tpu.memref_slice %arg5[%arg0, %add3A_136, %dma_wait3A_225] : memref<2x10112x128xf32, #tpu.memory_space<hbm>> -> memref<1x120x128xf32, #tpu.memory_space<hbm>>
      %dma_wait3A_227 = tpu.memref_squeeze %dma_wait3A_226 : memref<1x120x128xf32, #tpu.memory_space<hbm>> -> memref<120x128xf32, #tpu.memory_space<hbm>>
      %dma_wait3A_228 = arith.constant 0 : i32
      %dma_wait3A_229 = arith.constant 0 : i32
      %dma_wait3A_230 = tpu.memref_slice %arg8[%dma_wait3A_228, %dma_wait3A_229] : memref<120x128xf32, #tpu.memory_space<vmem>> -> memref<120x128xf32, #tpu.memory_space<vmem>>
      tpu.wait_dma2 semaphore(%run_scoped3A : memref<!tpu.dma_semaphore, #tpu.memory_space<semaphore_mem>>) src(%dma_wait3A_230 : memref<120x128xf32, #tpu.memory_space<vmem>>) dst(%dma_wait3A_227 : memref<120x128xf32, #tpu.memory_space<hbm>>)
      tpu.yield
    }) : () -> ()
    %add3A_137 = arith.constant 600 : i32
    %add3A_138 = arith.addi %mul3A_2, %add3A_137 : i32
    "tpu.region"() ({
      %run_scoped3A = tpu.sem_alloc : memref<!tpu.dma_semaphore, #tpu.memory_space<semaphore_mem>>
      %dma_start3A_207 = arith.constant 0 : i32
      %dma_start3A_208 = arith.constant 0 : i32
      %dma_start3A_209 = tpu.memref_slice %arg8[%dma_start3A_207, %dma_start3A_208] : memref<120x128xf32, #tpu.memory_space<vmem>> -> memref<32x128xf32, #tpu.memory_space<vmem>>
      %dma_start3A_210 = arith.constant 0 : i32
      %dma_start3A_211 = tpu.memref_slice %arg7[%add3A_138, %dma_start3A_210] : memref<10112x128xf32, #tpu.memory_space<vmem_shared>> -> memref<32x128xf32, #tpu.memory_space<vmem_shared>>
      %dma_start3A_212 = arith.constant 0 : i32
      %dma_start3A_213 = arith.constant 0 : i32
      %dma_start3A_214 = tpu.memref_slice %arg8[%dma_start3A_212, %dma_start3A_213] : memref<120x128xf32, #tpu.memory_space<vmem>> -> memref<32x128xf32, #tpu.memory_space<vmem>>
      %dma_start3A_215 = arith.constant 0 : i32
      %dma_start3A_216 = tpu.memref_slice %arg7[%add3A_138, %dma_start3A_215] : memref<10112x128xf32, #tpu.memory_space<vmem_shared>> -> memref<32x128xf32, #tpu.memory_space<vmem_shared>>
      tpu.enqueue_dma source(%dma_start3A_216 : memref<32x128xf32, #tpu.memory_space<vmem_shared>>) target(%dma_start3A_214 : memref<32x128xf32, #tpu.memory_space<vmem>>) target_semaphore(%run_scoped3A : memref<!tpu.dma_semaphore, #tpu.memory_space<semaphore_mem>>)
      %dma_wait3A_217 = arith.constant 0 : i32
      %dma_wait3A_218 = arith.constant 0 : i32
      %dma_wait3A_219 = tpu.memref_slice %arg8[%dma_wait3A_217, %dma_wait3A_218] : memref<120x128xf32, #tpu.memory_space<vmem>> -> memref<32x128xf32, #tpu.memory_space<vmem>>
      %dma_wait3A_220 = arith.constant 0 : i32
      %dma_wait3A_221 = tpu.memref_slice %arg7[%add3A_138, %dma_wait3A_220] : memref<10112x128xf32, #tpu.memory_space<vmem_shared>> -> memref<32x128xf32, #tpu.memory_space<vmem_shared>>
      %dma_wait3A_222 = arith.constant 0 : i32
      %dma_wait3A_223 = arith.constant 0 : i32
      %dma_wait3A_224 = tpu.memref_slice %arg8[%dma_wait3A_222, %dma_wait3A_223] : memref<120x128xf32, #tpu.memory_space<vmem>> -> memref<32x128xf32, #tpu.memory_space<vmem>>
      %dma_wait3A_225 = arith.constant 0 : i32
      %dma_wait3A_226 = tpu.memref_slice %arg7[%add3A_138, %dma_wait3A_225] : memref<10112x128xf32, #tpu.memory_space<vmem_shared>> -> memref<32x128xf32, #tpu.memory_space<vmem_shared>>
      tpu.wait_dma2 semaphore(%run_scoped3A : memref<!tpu.dma_semaphore, #tpu.memory_space<semaphore_mem>>) src(%dma_wait3A_226 : memref<32x128xf32, #tpu.memory_space<vmem_shared>>) dst(%dma_wait3A_224 : memref<32x128xf32, #tpu.memory_space<vmem>>)
      tpu.yield
    }) : () -> ()
    %add3A_139 = arith.constant 600 : i32
    %add3A_140 = arith.addi %mul3A_2, %add3A_139 : i32
    "tpu.region"() ({
      %run_scoped3A = tpu.sem_alloc : memref<!tpu.dma_semaphore, #tpu.memory_space<semaphore_mem>>
      %dma_start3A_207 = arith.constant 0 : i32
      %dma_start3A_208 = arith.constant 0 : i32
      %dma_start3A_209 = tpu.memref_slice %arg8[%dma_start3A_207, %dma_start3A_208] : memref<120x128xf32, #tpu.memory_space<vmem>> -> memref<32x128xf32, #tpu.memory_space<vmem>>
      %dma_start3A_210 = arith.constant 0 : i32
      %dma_start3A_211 = tpu.memref_slice %arg5[%arg0, %add3A_140, %dma_start3A_210] : memref<2x10112x128xf32, #tpu.memory_space<hbm>> -> memref<1x32x128xf32, #tpu.memory_space<hbm>>
      %dma_start3A_212 = tpu.memref_squeeze %dma_start3A_211 : memref<1x32x128xf32, #tpu.memory_space<hbm>> -> memref<32x128xf32, #tpu.memory_space<hbm>>
      %dma_start3A_213 = arith.constant 0 : i32
      %dma_start3A_214 = tpu.memref_slice %arg5[%arg0, %add3A_140, %dma_start3A_213] : memref<2x10112x128xf32, #tpu.memory_space<hbm>> -> memref<1x32x128xf32, #tpu.memory_space<hbm>>
      %dma_start3A_215 = tpu.memref_squeeze %dma_start3A_214 : memref<1x32x128xf32, #tpu.memory_space<hbm>> -> memref<32x128xf32, #tpu.memory_space<hbm>>
      %dma_start3A_216 = arith.constant 0 : i32
      %dma_start3A_217 = arith.constant 0 : i32
      %dma_start3A_218 = tpu.memref_slice %arg8[%dma_start3A_216, %dma_start3A_217] : memref<120x128xf32, #tpu.memory_space<vmem>> -> memref<32x128xf32, #tpu.memory_space<vmem>>
      tpu.enqueue_dma source(%dma_start3A_218 : memref<32x128xf32, #tpu.memory_space<vmem>>) target(%dma_start3A_215 : memref<32x128xf32, #tpu.memory_space<hbm>>) target_semaphore(%run_scoped3A : memref<!tpu.dma_semaphore, #tpu.memory_space<semaphore_mem>>)
      %dma_wait3A_219 = arith.constant 0 : i32
      %dma_wait3A_220 = arith.constant 0 : i32
      %dma_wait3A_221 = tpu.memref_slice %arg8[%dma_wait3A_219, %dma_wait3A_220] : memref<120x128xf32, #tpu.memory_space<vmem>> -> memref<32x128xf32, #tpu.memory_space<vmem>>
      %dma_wait3A_222 = arith.constant 0 : i32
      %dma_wait3A_223 = tpu.memref_slice %arg5[%arg0, %add3A_140, %dma_wait3A_222] : memref<2x10112x128xf32, #tpu.memory_space<hbm>> -> memref<1x32x128xf32, #tpu.memory_space<hbm>>
      %dma_wait3A_224 = tpu.memref_squeeze %dma_wait3A_223 : memref<1x32x128xf32, #tpu.memory_space<hbm>> -> memref<32x128xf32, #tpu.memory_space<hbm>>
      %dma_wait3A_225 = arith.constant 0 : i32
      %dma_wait3A_226 = tpu.memref_slice %arg5[%arg0, %add3A_140, %dma_wait3A_225] : memref<2x10112x128xf32, #tpu.memory_space<hbm>> -> memref<1x32x128xf32, #tpu.memory_space<hbm>>
      %dma_wait3A_227 = tpu.memref_squeeze %dma_wait3A_226 : memref<1x32x128xf32, #tpu.memory_space<hbm>> -> memref<32x128xf32, #tpu.memory_space<hbm>>
      %dma_wait3A_228 = arith.constant 0 : i32
      %dma_wait3A_229 = arith.constant 0 : i32
      %dma_wait3A_230 = tpu.memref_slice %arg8[%dma_wait3A_228, %dma_wait3A_229] : memref<120x128xf32, #tpu.memory_space<vmem>> -> memref<32x128xf32, #tpu.memory_space<vmem>>
      tpu.wait_dma2 semaphore(%run_scoped3A : memref<!tpu.dma_semaphore, #tpu.memory_space<semaphore_mem>>) src(%dma_wait3A_230 : memref<32x128xf32, #tpu.memory_space<vmem>>) dst(%dma_wait3A_227 : memref<32x128xf32, #tpu.memory_space<hbm>>)
      tpu.yield
    }) : () -> ()
    %scan3A_141 = arith.constant 0 : i32
    %scan3A_142 = arith.constant 0 : i32
    %scan3A_143 = arith.constant 120 : i32
    %scan3A_144 = arith.addi %scan3A_142, %scan3A_143 : i32
    %scan3A_145 = arith.constant 1 : i32
    scf.for %scan3A_207 = %scan3A_142 to %scan3A_144 step %scan3A_145  : i32 {
      %broadcast_in_dim3A = arith.constant 0.000000e+00 : f32
      %broadcast_in_dim3A_208 = vector.broadcast %broadcast_in_dim3A : f32 to vector<16xf32>
      %broadcast_in_dim3A_209 = arith.constant 1.000000e+00 : f32
      %broadcast_in_dim3A_210 = vector.broadcast %broadcast_in_dim3A_209 : f32 to vector<16xf32>
      %swap3A = arith.index_cast %scan3A_207 : i32 to index
      %swap3A_211 = arith.constant 0 : index
      %swap3A_212 = tpu.vector_load %arg8[%swap3A, %swap3A_211] {strides = array<i32>} : memref<120x128xf32, #tpu.memory_space<vmem>>, vector<1x16xf32>,
      %swap3A_213 = vector.shape_cast %swap3A_212 : vector<1x16xf32> to vector<16xf32>
      %swap3A_214 = vector.shape_cast %broadcast_in_dim3A_208 : vector<16xf32> to vector<1x16xf32>
      tpu.vector_store %arg8[%swap3A, %swap3A_211], %swap3A_214 {strides = array<i32>} : memref<120x128xf32, #tpu.memory_space<vmem>>, vector<1x16xf32>,
      %swap3A_215 = arith.index_cast %scan3A_207 : i32 to index
      %swap3A_216 = arith.constant 0 : index
      %swap3A_217 = tpu.vector_load %arg9[%swap3A_215, %swap3A_216] {strides = array<i32>} : memref<120x128xf32, #tpu.memory_space<vmem>>, vector<1x16xf32>,
      %swap3A_218 = vector.shape_cast %swap3A_217 : vector<1x16xf32> to vector<16xf32>
      %swap3A_219 = vector.shape_cast %broadcast_in_dim3A_210 : vector<16xf32> to vector<1x16xf32>
      tpu.vector_store %arg9[%swap3A_215, %swap3A_216], %swap3A_219 {strides = array<i32>} : memref<120x128xf32, #tpu.memory_space<vmem>>, vector<1x16xf32>,
      %swap3A_220 = arith.index_cast %scan3A_207 : i32 to index
      %swap3A_221 = arith.constant 16 : index
      %swap3A_222 = tpu.vector_load %arg8[%swap3A_220, %swap3A_221] {strides = array<i32>} : memref<120x128xf32, #tpu.memory_space<vmem>>, vector<1x16xf32>,
      %swap3A_223 = vector.shape_cast %swap3A_222 : vector<1x16xf32> to vector<16xf32>
      %swap3A_224 = vector.shape_cast %broadcast_in_dim3A_208 : vector<16xf32> to vector<1x16xf32>
      tpu.vector_store %arg8[%swap3A_220, %swap3A_221], %swap3A_224 {strides = array<i32>} : memref<120x128xf32, #tpu.memory_space<vmem>>, vector<1x16xf32>,
      %swap3A_225 = arith.index_cast %scan3A_207 : i32 to index
      %swap3A_226 = arith.constant 16 : index
      %swap3A_227 = tpu.vector_load %arg9[%swap3A_225, %swap3A_226] {strides = array<i32>} : memref<120x128xf32, #tpu.memory_space<vmem>>, vector<1x16xf32>,
      %swap3A_228 = vector.shape_cast %swap3A_227 : vector<1x16xf32> to vector<16xf32>
      %swap3A_229 = vector.shape_cast %broadcast_in_dim3A_210 : vector<16xf32> to vector<1x16xf32>
      tpu.vector_store %arg9[%swap3A_225, %swap3A_226], %swap3A_229 {strides = array<i32>} : memref<120x128xf32, #tpu.memory_space<vmem>>, vector<1x16xf32>,
      %swap3A_230 = arith.index_cast %scan3A_207 : i32 to index
      %swap3A_231 = arith.constant 32 : index
      %swap3A_232 = tpu.vector_load %arg8[%swap3A_230, %swap3A_231] {strides = array<i32>} : memref<120x128xf32, #tpu.memory_space<vmem>>, vector<1x16xf32>,
      %swap3A_233 = vector.shape_cast %swap3A_232 : vector<1x16xf32> to vector<16xf32>
      %swap3A_234 = vector.shape_cast %broadcast_in_dim3A_208 : vector<16xf32> to vector<1x16xf32>
      tpu.vector_store %arg8[%swap3A_230, %swap3A_231], %swap3A_234 {strides = array<i32>} : memref<120x128xf32, #tpu.memory_space<vmem>>, vector<1x16xf32>,
      %swap3A_235 = arith.index_cast %scan3A_207 : i32 to index
      %swap3A_236 = arith.constant 32 : index
      %swap3A_237 = tpu.vector_load %arg9[%swap3A_235, %swap3A_236] {strides = array<i32>} : memref<120x128xf32, #tpu.memory_space<vmem>>, vector<1x16xf32>,
      %swap3A_238 = vector.shape_cast %swap3A_237 : vector<1x16xf32> to vector<16xf32>
      %swap3A_239 = vector.shape_cast %broadcast_in_dim3A_210 : vector<16xf32> to vector<1x16xf32>
      tpu.vector_store %arg9[%swap3A_235, %swap3A_236], %swap3A_239 {strides = array<i32>} : memref<120x128xf32, #tpu.memory_space<vmem>>, vector<1x16xf32>,
      %swap3A_240 = arith.index_cast %scan3A_207 : i32 to index
      %swap3A_241 = arith.constant 48 : index
      %swap3A_242 = tpu.vector_load %arg8[%swap3A_240, %swap3A_241] {strides = array<i32>} : memref<120x128xf32, #tpu.memory_space<vmem>>, vector<1x16xf32>,
      %swap3A_243 = vector.shape_cast %swap3A_242 : vector<1x16xf32> to vector<16xf32>
      %swap3A_244 = vector.shape_cast %broadcast_in_dim3A_208 : vector<16xf32> to vector<1x16xf32>
      tpu.vector_store %arg8[%swap3A_240, %swap3A_241], %swap3A_244 {strides = array<i32>} : memref<120x128xf32, #tpu.memory_space<vmem>>, vector<1x16xf32>,
      %swap3A_245 = arith.index_cast %scan3A_207 : i32 to index
      %swap3A_246 = arith.constant 48 : index
      %swap3A_247 = tpu.vector_load %arg9[%swap3A_245, %swap3A_246] {strides = array<i32>} : memref<120x128xf32, #tpu.memory_space<vmem>>, vector<1x16xf32>,
      %swap3A_248 = vector.shape_cast %swap3A_247 : vector<1x16xf32> to vector<16xf32>
      %swap3A_249 = vector.shape_cast %broadcast_in_dim3A_210 : vector<16xf32> to vector<1x16xf32>
      tpu.vector_store %arg9[%swap3A_245, %swap3A_246], %swap3A_249 {strides = array<i32>} : memref<120x128xf32, #tpu.memory_space<vmem>>, vector<1x16xf32>,
      %swap3A_250 = arith.index_cast %scan3A_207 : i32 to index
      %swap3A_251 = arith.constant 64 : index
      %swap3A_252 = tpu.vector_load %arg8[%swap3A_250, %swap3A_251] {strides = array<i32>} : memref<120x128xf32, #tpu.memory_space<vmem>>, vector<1x16xf32>,
      %swap3A_253 = vector.shape_cast %swap3A_252 : vector<1x16xf32> to vector<16xf32>
      %swap3A_254 = vector.shape_cast %broadcast_in_dim3A_208 : vector<16xf32> to vector<1x16xf32>
      tpu.vector_store %arg8[%swap3A_250, %swap3A_251], %swap3A_254 {strides = array<i32>} : memref<120x128xf32, #tpu.memory_space<vmem>>, vector<1x16xf32>,
      %swap3A_255 = arith.index_cast %scan3A_207 : i32 to index
      %swap3A_256 = arith.constant 64 : index
      %swap3A_257 = tpu.vector_load %arg9[%swap3A_255, %swap3A_256] {strides = array<i32>} : memref<120x128xf32, #tpu.memory_space<vmem>>, vector<1x16xf32>,
      %swap3A_258 = vector.shape_cast %swap3A_257 : vector<1x16xf32> to vector<16xf32>
      %swap3A_259 = vector.shape_cast %broadcast_in_dim3A_210 : vector<16xf32> to vector<1x16xf32>
      tpu.vector_store %arg9[%swap3A_255, %swap3A_256], %swap3A_259 {strides = array<i32>} : memref<120x128xf32, #tpu.memory_space<vmem>>, vector<1x16xf32>,
      %swap3A_260 = arith.index_cast %scan3A_207 : i32 to index
      %swap3A_261 = arith.constant 80 : index
      %swap3A_262 = tpu.vector_load %arg8[%swap3A_260, %swap3A_261] {strides = array<i32>} : memref<120x128xf32, #tpu.memory_space<vmem>>, vector<1x16xf32>,
      %swap3A_263 = vector.shape_cast %swap3A_262 : vector<1x16xf32> to vector<16xf32>
      %swap3A_264 = vector.shape_cast %broadcast_in_dim3A_208 : vector<16xf32> to vector<1x16xf32>
      tpu.vector_store %arg8[%swap3A_260, %swap3A_261], %swap3A_264 {strides = array<i32>} : memref<120x128xf32, #tpu.memory_space<vmem>>, vector<1x16xf32>,
      %swap3A_265 = arith.index_cast %scan3A_207 : i32 to index
      %swap3A_266 = arith.constant 80 : index
      %swap3A_267 = tpu.vector_load %arg9[%swap3A_265, %swap3A_266] {strides = array<i32>} : memref<120x128xf32, #tpu.memory_space<vmem>>, vector<1x16xf32>,
      %swap3A_268 = vector.shape_cast %swap3A_267 : vector<1x16xf32> to vector<16xf32>
      %swap3A_269 = vector.shape_cast %broadcast_in_dim3A_210 : vector<16xf32> to vector<1x16xf32>
      tpu.vector_store %arg9[%swap3A_265, %swap3A_266], %swap3A_269 {strides = array<i32>} : memref<120x128xf32, #tpu.memory_space<vmem>>, vector<1x16xf32>,
      %swap3A_270 = arith.index_cast %scan3A_207 : i32 to index
      %swap3A_271 = arith.constant 96 : index
      %swap3A_272 = tpu.vector_load %arg8[%swap3A_270, %swap3A_271] {strides = array<i32>} : memref<120x128xf32, #tpu.memory_space<vmem>>, vector<1x16xf32>,
      %swap3A_273 = vector.shape_cast %swap3A_272 : vector<1x16xf32> to vector<16xf32>
      %swap3A_274 = vector.shape_cast %broadcast_in_dim3A_208 : vector<16xf32> to vector<1x16xf32>
      tpu.vector_store %arg8[%swap3A_270, %swap3A_271], %swap3A_274 {strides = array<i32>} : memref<120x128xf32, #tpu.memory_space<vmem>>, vector<1x16xf32>,
      %swap3A_275 = arith.index_cast %scan3A_207 : i32 to index
      %swap3A_276 = arith.constant 96 : index
      %swap3A_277 = tpu.vector_load %arg9[%swap3A_275, %swap3A_276] {strides = array<i32>} : memref<120x128xf32, #tpu.memory_space<vmem>>, vector<1x16xf32>,
      %swap3A_278 = vector.shape_cast %swap3A_277 : vector<1x16xf32> to vector<16xf32>
      %swap3A_279 = vector.shape_cast %broadcast_in_dim3A_210 : vector<16xf32> to vector<1x16xf32>
      tpu.vector_store %arg9[%swap3A_275, %swap3A_276], %swap3A_279 {strides = array<i32>} : memref<120x128xf32, #tpu.memory_space<vmem>>, vector<1x16xf32>,
      %swap3A_280 = arith.index_cast %scan3A_207 : i32 to index
      %swap3A_281 = arith.constant 112 : index
      %swap3A_282 = tpu.vector_load %arg8[%swap3A_280, %swap3A_281] {strides = array<i32>} : memref<120x128xf32, #tpu.memory_space<vmem>>, vector<1x16xf32>,
      %swap3A_283 = vector.shape_cast %swap3A_282 : vector<1x16xf32> to vector<16xf32>
      %swap3A_284 = vector.shape_cast %broadcast_in_dim3A_208 : vector<16xf32> to vector<1x16xf32>
      tpu.vector_store %arg8[%swap3A_280, %swap3A_281], %swap3A_284 {strides = array<i32>} : memref<120x128xf32, #tpu.memory_space<vmem>>, vector<1x16xf32>,
      %swap3A_285 = arith.index_cast %scan3A_207 : i32 to index
      %swap3A_286 = arith.constant 112 : index
      %swap3A_287 = tpu.vector_load %arg9[%swap3A_285, %swap3A_286] {strides = array<i32>} : memref<120x128xf32, #tpu.memory_space<vmem>>, vector<1x16xf32>,
      %swap3A_288 = vector.shape_cast %swap3A_287 : vector<1x16xf32> to vector<16xf32>
      %swap3A_289 = vector.shape_cast %broadcast_in_dim3A_210 : vector<16xf32> to vector<1x16xf32>
      tpu.vector_store %arg9[%swap3A_285, %swap3A_286], %swap3A_289 {strides = array<i32>} : memref<120x128xf32, #tpu.memory_space<vmem>>, vector<1x16xf32>,
    }
    %scan3A_146 = arith.constant 120 : i32
    %add3A_147 = arith.constant 0 : i32
    %add3A_148 = arith.addi %mul3A_6, %add3A_147 : i32
    %dma_start3A_149 = tpu.memref_slice %arg4[%add3A_148] : memref<322560xi32, #tpu.memory_space<hbm>> -> memref<120xi32, #tpu.memory_space<hbm>>
    %dma_start3A_150 = tpu.memref_slice %arg4[%add3A_148] : memref<322560xi32, #tpu.memory_space<hbm>> -> memref<120xi32, #tpu.memory_space<hbm>>
    tpu.enqueue_dma source(%dma_start3A_150 : memref<120xi32, #tpu.memory_space<hbm>>) target(%arg13 : memref<120xi32, #tpu.memory_space<vmem>>) target_semaphore(%arg20 : memref<!tpu.dma_semaphore, #tpu.memory_space<semaphore_mem>>)
    %add3A_151 = arith.constant 120 : i32
    %add3A_152 = arith.addi %mul3A_6, %add3A_151 : i32
    %dma_start3A_153 = tpu.memref_slice %arg4[%add3A_152] : memref<322560xi32, #tpu.memory_space<hbm>> -> memref<120xi32, #tpu.memory_space<hbm>>
    %dma_start3A_154 = tpu.memref_slice %arg4[%add3A_152] : memref<322560xi32, #tpu.memory_space<hbm>> -> memref<120xi32, #tpu.memory_space<hbm>>
    tpu.enqueue_dma source(%dma_start3A_154 : memref<120xi32, #tpu.memory_space<hbm>>) target(%arg15 : memref<120xi32, #tpu.memory_space<vmem>>) target_semaphore(%arg21 : memref<!tpu.dma_semaphore, #tpu.memory_space<semaphore_mem>>)
    %add3A_155 = arith.constant 0 : i32
    %add3A_156 = arith.addi %mul3A_2, %add3A_155 : i32
    "tpu.region"() ({
      %run_scoped3A = tpu.sem_alloc : memref<!tpu.dma_semaphore, #tpu.memory_space<semaphore_mem>>
      %dma_start3A_207 = arith.constant 0 : i32
      %dma_start3A_208 = arith.constant 0 : i32
      %dma_start3A_209 = tpu.memref_slice %arg8[%dma_start3A_207, %dma_start3A_208] : memref<120x128xf32, #tpu.memory_space<vmem>> -> memref<120x128xf32, #tpu.memory_space<vmem>>
      %dma_start3A_210 = arith.constant 0 : i32
      %dma_start3A_211 = tpu.memref_slice %arg7[%add3A_156, %dma_start3A_210] : memref<10112x128xf32, #tpu.memory_space<vmem_shared>> -> memref<120x128xf32, #tpu.memory_space<vmem_shared>>
      %dma_start3A_212 = arith.constant 0 : i32
      %dma_start3A_213 = tpu.memref_slice %arg7[%add3A_156, %dma_start3A_212] : memref<10112x128xf32, #tpu.memory_space<vmem_shared>> -> memref<120x128xf32, #tpu.memory_space<vmem_shared>>
      %dma_start3A_214 = arith.constant 0 : i32
      %dma_start3A_215 = arith.constant 0 : i32
      %dma_start3A_216 = tpu.memref_slice %arg8[%dma_start3A_214, %dma_start3A_215] : memref<120x128xf32, #tpu.memory_space<vmem>> -> memref<120x128xf32, #tpu.memory_space<vmem>>
      tpu.enqueue_dma source(%dma_start3A_216 : memref<120x128xf32, #tpu.memory_space<vmem>>) target(%dma_start3A_213 : memref<120x128xf32, #tpu.memory_space<vmem_shared>>) target_semaphore(%run_scoped3A : memref<!tpu.dma_semaphore, #tpu.memory_space<semaphore_mem>>)
      %dma_wait3A_217 = arith.constant 0 : i32
      %dma_wait3A_218 = arith.constant 0 : i32
      %dma_wait3A_219 = tpu.memref_slice %arg8[%dma_wait3A_217, %dma_wait3A_218] : memref<120x128xf32, #tpu.memory_space<vmem>> -> memref<120x128xf32, #tpu.memory_space<vmem>>
      %dma_wait3A_220 = arith.constant 0 : i32
      %dma_wait3A_221 = tpu.memref_slice %arg7[%add3A_156, %dma_wait3A_220] : memref<10112x128xf32, #tpu.memory_space<vmem_shared>> -> memref<120x128xf32, #tpu.memory_space<vmem_shared>>
      %dma_wait3A_222 = arith.constant 0 : i32
      %dma_wait3A_223 = tpu.memref_slice %arg7[%add3A_156, %dma_wait3A_222] : memref<10112x128xf32, #tpu.memory_space<vmem_shared>> -> memref<120x128xf32, #tpu.memory_space<vmem_shared>>
      %dma_wait3A_224 = arith.constant 0 : i32
      %dma_wait3A_225 = arith.constant 0 : i32
      %dma_wait3A_226 = tpu.memref_slice %arg8[%dma_wait3A_224, %dma_wait3A_225] : memref<120x128xf32, #tpu.memory_space<vmem>> -> memref<120x128xf32, #tpu.memory_space<vmem>>
      tpu.wait_dma2 semaphore(%run_scoped3A : memref<!tpu.dma_semaphore, #tpu.memory_space<semaphore_mem>>) src(%dma_wait3A_226 : memref<120x128xf32, #tpu.memory_space<vmem>>) dst(%dma_wait3A_223 : memref<120x128xf32, #tpu.memory_space<vmem_shared>>)
      tpu.yield
    }) : () -> ()
    %add3A_157 = arith.constant 120 : i32
    %add3A_158 = arith.addi %mul3A_2, %add3A_157 : i32
    "tpu.region"() ({
      %run_scoped3A = tpu.sem_alloc : memref<!tpu.dma_semaphore, #tpu.memory_space<semaphore_mem>>
      %dma_start3A_207 = arith.constant 0 : i32
      %dma_start3A_208 = arith.constant 0 : i32
      %dma_start3A_209 = tpu.memref_slice %arg8[%dma_start3A_207, %dma_start3A_208] : memref<120x128xf32, #tpu.memory_space<vmem>> -> memref<120x128xf32, #tpu.memory_space<vmem>>
      %dma_start3A_210 = arith.constant 0 : i32
      %dma_start3A_211 = tpu.memref_slice %arg7[%add3A_158, %dma_start3A_210] : memref<10112x128xf32, #tpu.memory_space<vmem_shared>> -> memref<120x128xf32, #tpu.memory_space<vmem_shared>>
      %dma_start3A_212 = arith.constant 0 : i32
      %dma_start3A_213 = tpu.memref_slice %arg7[%add3A_158, %dma_start3A_212] : memref<10112x128xf32, #tpu.memory_space<vmem_shared>> -> memref<120x128xf32, #tpu.memory_space<vmem_shared>>
      %dma_start3A_214 = arith.constant 0 : i32
      %dma_start3A_215 = arith.constant 0 : i32
      %dma_start3A_216 = tpu.memref_slice %arg8[%dma_start3A_214, %dma_start3A_215] : memref<120x128xf32, #tpu.memory_space<vmem>> -> memref<120x128xf32, #tpu.memory_space<vmem>>
      tpu.enqueue_dma source(%dma_start3A_216 : memref<120x128xf32, #tpu.memory_space<vmem>>) target(%dma_start3A_213 : memref<120x128xf32, #tpu.memory_space<vmem_shared>>) target_semaphore(%run_scoped3A : memref<!tpu.dma_semaphore, #tpu.memory_space<semaphore_mem>>)
      %dma_wait3A_217 = arith.constant 0 : i32
      %dma_wait3A_218 = arith.constant 0 : i32
      %dma_wait3A_219 = tpu.memref_slice %arg8[%dma_wait3A_217, %dma_wait3A_218] : memref<120x128xf32, #tpu.memory_space<vmem>> -> memref<120x128xf32, #tpu.memory_space<vmem>>
      %dma_wait3A_220 = arith.constant 0 : i32
      %dma_wait3A_221 = tpu.memref_slice %arg7[%add3A_158, %dma_wait3A_220] : memref<10112x128xf32, #tpu.memory_space<vmem_shared>> -> memref<120x128xf32, #tpu.memory_space<vmem_shared>>
      %dma_wait3A_222 = arith.constant 0 : i32
      %dma_wait3A_223 = tpu.memref_slice %arg7[%add3A_158, %dma_wait3A_222] : memref<10112x128xf32, #tpu.memory_space<vmem_shared>> -> memref<120x128xf32, #tpu.memory_space<vmem_shared>>
      %dma_wait3A_224 = arith.constant 0 : i32
      %dma_wait3A_225 = arith.constant 0 : i32
      %dma_wait3A_226 = tpu.memref_slice %arg8[%dma_wait3A_224, %dma_wait3A_225] : memref<120x128xf32, #tpu.memory_space<vmem>> -> memref<120x128xf32, #tpu.memory_space<vmem>>
      tpu.wait_dma2 semaphore(%run_scoped3A : memref<!tpu.dma_semaphore, #tpu.memory_space<semaphore_mem>>) src(%dma_wait3A_226 : memref<120x128xf32, #tpu.memory_space<vmem>>) dst(%dma_wait3A_223 : memref<120x128xf32, #tpu.memory_space<vmem_shared>>)
      tpu.yield
    }) : () -> ()
    %add3A_159 = arith.constant 240 : i32
    %add3A_160 = arith.addi %mul3A_2, %add3A_159 : i32
    "tpu.region"() ({
      %run_scoped3A = tpu.sem_alloc : memref<!tpu.dma_semaphore, #tpu.memory_space<semaphore_mem>>
      %dma_start3A_207 = arith.constant 0 : i32
      %dma_start3A_208 = arith.constant 0 : i32
      %dma_start3A_209 = tpu.memref_slice %arg8[%dma_start3A_207, %dma_start3A_208] : memref<120x128xf32, #tpu.memory_space<vmem>> -> memref<120x128xf32, #tpu.memory_space<vmem>>
      %dma_start3A_210 = arith.constant 0 : i32
      %dma_start3A_211 = tpu.memref_slice %arg7[%add3A_160, %dma_start3A_210] : memref<10112x128xf32, #tpu.memory_space<vmem_shared>> -> memref<120x128xf32, #tpu.memory_space<vmem_shared>>
      %dma_start3A_212 = arith.constant 0 : i32
      %dma_start3A_213 = tpu.memref_slice %arg7[%add3A_160, %dma_start3A_212] : memref<10112x128xf32, #tpu.memory_space<vmem_shared>> -> memref<120x128xf32, #tpu.memory_space<vmem_shared>>
      %dma_start3A_214 = arith.constant 0 : i32
      %dma_start3A_215 = arith.constant 0 : i32
      %dma_start3A_216 = tpu.memref_slice %arg8[%dma_start3A_214, %dma_start3A_215] : memref<120x128xf32, #tpu.memory_space<vmem>> -> memref<120x128xf32, #tpu.memory_space<vmem>>
      tpu.enqueue_dma source(%dma_start3A_216 : memref<120x128xf32, #tpu.memory_space<vmem>>) target(%dma_start3A_213 : memref<120x128xf32, #tpu.memory_space<vmem_shared>>) target_semaphore(%run_scoped3A : memref<!tpu.dma_semaphore, #tpu.memory_space<semaphore_mem>>)
      %dma_wait3A_217 = arith.constant 0 : i32
      %dma_wait3A_218 = arith.constant 0 : i32
      %dma_wait3A_219 = tpu.memref_slice %arg8[%dma_wait3A_217, %dma_wait3A_218] : memref<120x128xf32, #tpu.memory_space<vmem>> -> memref<120x128xf32, #tpu.memory_space<vmem>>
      %dma_wait3A_220 = arith.constant 0 : i32
      %dma_wait3A_221 = tpu.memref_slice %arg7[%add3A_160, %dma_wait3A_220] : memref<10112x128xf32, #tpu.memory_space<vmem_shared>> -> memref<120x128xf32, #tpu.memory_space<vmem_shared>>
      %dma_wait3A_222 = arith.constant 0 : i32
      %dma_wait3A_223 = tpu.memref_slice %arg7[%add3A_160, %dma_wait3A_222] : memref<10112x128xf32, #tpu.memory_space<vmem_shared>> -> memref<120x128xf32, #tpu.memory_space<vmem_shared>>
      %dma_wait3A_224 = arith.constant 0 : i32
      %dma_wait3A_225 = arith.constant 0 : i32
      %dma_wait3A_226 = tpu.memref_slice %arg8[%dma_wait3A_224, %dma_wait3A_225] : memref<120x128xf32, #tpu.memory_space<vmem>> -> memref<120x128xf32, #tpu.memory_space<vmem>>
      tpu.wait_dma2 semaphore(%run_scoped3A : memref<!tpu.dma_semaphore, #tpu.memory_space<semaphore_mem>>) src(%dma_wait3A_226 : memref<120x128xf32, #tpu.memory_space<vmem>>) dst(%dma_wait3A_223 : memref<120x128xf32, #tpu.memory_space<vmem_shared>>)
      tpu.yield
    }) : () -> ()
    %add3A_161 = arith.constant 360 : i32
    %add3A_162 = arith.addi %mul3A_2, %add3A_161 : i32
    "tpu.region"() ({
      %run_scoped3A = tpu.sem_alloc : memref<!tpu.dma_semaphore, #tpu.memory_space<semaphore_mem>>
      %dma_start3A_207 = arith.constant 0 : i32
      %dma_start3A_208 = arith.constant 0 : i32
      %dma_start3A_209 = tpu.memref_slice %arg8[%dma_start3A_207, %dma_start3A_208] : memref<120x128xf32, #tpu.memory_space<vmem>> -> memref<120x128xf32, #tpu.memory_space<vmem>>
      %dma_start3A_210 = arith.constant 0 : i32
      %dma_start3A_211 = tpu.memref_slice %arg7[%add3A_162, %dma_start3A_210] : memref<10112x128xf32, #tpu.memory_space<vmem_shared>> -> memref<120x128xf32, #tpu.memory_space<vmem_shared>>
      %dma_start3A_212 = arith.constant 0 : i32
      %dma_start3A_213 = tpu.memref_slice %arg7[%add3A_162, %dma_start3A_212] : memref<10112x128xf32, #tpu.memory_space<vmem_shared>> -> memref<120x128xf32, #tpu.memory_space<vmem_shared>>
      %dma_start3A_214 = arith.constant 0 : i32
      %dma_start3A_215 = arith.constant 0 : i32
      %dma_start3A_216 = tpu.memref_slice %arg8[%dma_start3A_214, %dma_start3A_215] : memref<120x128xf32, #tpu.memory_space<vmem>> -> memref<120x128xf32, #tpu.memory_space<vmem>>
      tpu.enqueue_dma source(%dma_start3A_216 : memref<120x128xf32, #tpu.memory_space<vmem>>) target(%dma_start3A_213 : memref<120x128xf32, #tpu.memory_space<vmem_shared>>) target_semaphore(%run_scoped3A : memref<!tpu.dma_semaphore, #tpu.memory_space<semaphore_mem>>)
      %dma_wait3A_217 = arith.constant 0 : i32
      %dma_wait3A_218 = arith.constant 0 : i32
      %dma_wait3A_219 = tpu.memref_slice %arg8[%dma_wait3A_217, %dma_wait3A_218] : memref<120x128xf32, #tpu.memory_space<vmem>> -> memref<120x128xf32, #tpu.memory_space<vmem>>
      %dma_wait3A_220 = arith.constant 0 : i32
      %dma_wait3A_221 = tpu.memref_slice %arg7[%add3A_162, %dma_wait3A_220] : memref<10112x128xf32, #tpu.memory_space<vmem_shared>> -> memref<120x128xf32, #tpu.memory_space<vmem_shared>>
      %dma_wait3A_222 = arith.constant 0 : i32
      %dma_wait3A_223 = tpu.memref_slice %arg7[%add3A_162, %dma_wait3A_222] : memref<10112x128xf32, #tpu.memory_space<vmem_shared>> -> memref<120x128xf32, #tpu.memory_space<vmem_shared>>
      %dma_wait3A_224 = arith.constant 0 : i32
      %dma_wait3A_225 = arith.constant 0 : i32
      %dma_wait3A_226 = tpu.memref_slice %arg8[%dma_wait3A_224, %dma_wait3A_225] : memref<120x128xf32, #tpu.memory_space<vmem>> -> memref<120x128xf32, #tpu.memory_space<vmem>>
      tpu.wait_dma2 semaphore(%run_scoped3A : memref<!tpu.dma_semaphore, #tpu.memory_space<semaphore_mem>>) src(%dma_wait3A_226 : memref<120x128xf32, #tpu.memory_space<vmem>>) dst(%dma_wait3A_223 : memref<120x128xf32, #tpu.memory_space<vmem_shared>>)
      tpu.yield
    }) : () -> ()
    %add3A_163 = arith.constant 480 : i32
    %add3A_164 = arith.addi %mul3A_2, %add3A_163 : i32
    "tpu.region"() ({
      %run_scoped3A = tpu.sem_alloc : memref<!tpu.dma_semaphore, #tpu.memory_space<semaphore_mem>>
      %dma_start3A_207 = arith.constant 0 : i32
      %dma_start3A_208 = arith.constant 0 : i32
      %dma_start3A_209 = tpu.memref_slice %arg8[%dma_start3A_207, %dma_start3A_208] : memref<120x128xf32, #tpu.memory_space<vmem>> -> memref<120x128xf32, #tpu.memory_space<vmem>>
      %dma_start3A_210 = arith.constant 0 : i32
      %dma_start3A_211 = tpu.memref_slice %arg7[%add3A_164, %dma_start3A_210] : memref<10112x128xf32, #tpu.memory_space<vmem_shared>> -> memref<120x128xf32, #tpu.memory_space<vmem_shared>>
      %dma_start3A_212 = arith.constant 0 : i32
      %dma_start3A_213 = tpu.memref_slice %arg7[%add3A_164, %dma_start3A_212] : memref<10112x128xf32, #tpu.memory_space<vmem_shared>> -> memref<120x128xf32, #tpu.memory_space<vmem_shared>>
      %dma_start3A_214 = arith.constant 0 : i32
      %dma_start3A_215 = arith.constant 0 : i32
      %dma_start3A_216 = tpu.memref_slice %arg8[%dma_start3A_214, %dma_start3A_215] : memref<120x128xf32, #tpu.memory_space<vmem>> -> memref<120x128xf32, #tpu.memory_space<vmem>>
      tpu.enqueue_dma source(%dma_start3A_216 : memref<120x128xf32, #tpu.memory_space<vmem>>) target(%dma_start3A_213 : memref<120x128xf32, #tpu.memory_space<vmem_shared>>) target_semaphore(%run_scoped3A : memref<!tpu.dma_semaphore, #tpu.memory_space<semaphore_mem>>)
      %dma_wait3A_217 = arith.constant 0 : i32
      %dma_wait3A_218 = arith.constant 0 : i32
      %dma_wait3A_219 = tpu.memref_slice %arg8[%dma_wait3A_217, %dma_wait3A_218] : memref<120x128xf32, #tpu.memory_space<vmem>> -> memref<120x128xf32, #tpu.memory_space<vmem>>
      %dma_wait3A_220 = arith.constant 0 : i32
      %dma_wait3A_221 = tpu.memref_slice %arg7[%add3A_164, %dma_wait3A_220] : memref<10112x128xf32, #tpu.memory_space<vmem_shared>> -> memref<120x128xf32, #tpu.memory_space<vmem_shared>>
      %dma_wait3A_222 = arith.constant 0 : i32
      %dma_wait3A_223 = tpu.memref_slice %arg7[%add3A_164, %dma_wait3A_222] : memref<10112x128xf32, #tpu.memory_space<vmem_shared>> -> memref<120x128xf32, #tpu.memory_space<vmem_shared>>
      %dma_wait3A_224 = arith.constant 0 : i32
      %dma_wait3A_225 = arith.constant 0 : i32
      %dma_wait3A_226 = tpu.memref_slice %arg8[%dma_wait3A_224, %dma_wait3A_225] : memref<120x128xf32, #tpu.memory_space<vmem>> -> memref<120x128xf32, #tpu.memory_space<vmem>>
      tpu.wait_dma2 semaphore(%run_scoped3A : memref<!tpu.dma_semaphore, #tpu.memory_space<semaphore_mem>>) src(%dma_wait3A_226 : memref<120x128xf32, #tpu.memory_space<vmem>>) dst(%dma_wait3A_223 : memref<120x128xf32, #tpu.memory_space<vmem_shared>>)
      tpu.yield
    }) : () -> ()
    %add3A_165 = arith.constant 600 : i32
    %add3A_166 = arith.addi %mul3A_2, %add3A_165 : i32
    "tpu.region"() ({
      %run_scoped3A = tpu.sem_alloc : memref<!tpu.dma_semaphore, #tpu.memory_space<semaphore_mem>>
      %dma_start3A_207 = arith.constant 0 : i32
      %dma_start3A_208 = arith.constant 0 : i32
      %dma_start3A_209 = tpu.memref_slice %arg8[%dma_start3A_207, %dma_start3A_208] : memref<120x128xf32, #tpu.memory_space<vmem>> -> memref<32x128xf32, #tpu.memory_space<vmem>>
      %dma_start3A_210 = arith.constant 0 : i32
      %dma_start3A_211 = tpu.memref_slice %arg7[%add3A_166, %dma_start3A_210] : memref<10112x128xf32, #tpu.memory_space<vmem_shared>> -> memref<32x128xf32, #tpu.memory_space<vmem_shared>>
      %dma_start3A_212 = arith.constant 0 : i32
      %dma_start3A_213 = tpu.memref_slice %arg7[%add3A_166, %dma_start3A_212] : memref<10112x128xf32, #tpu.memory_space<vmem_shared>> -> memref<32x128xf32, #tpu.memory_space<vmem_shared>>
      %dma_start3A_214 = arith.constant 0 : i32
      %dma_start3A_215 = arith.constant 0 : i32
      %dma_start3A_216 = tpu.memref_slice %arg8[%dma_start3A_214, %dma_start3A_215] : memref<120x128xf32, #tpu.memory_space<vmem>> -> memref<32x128xf32, #tpu.memory_space<vmem>>
      tpu.enqueue_dma source(%dma_start3A_216 : memref<32x128xf32, #tpu.memory_space<vmem>>) target(%dma_start3A_213 : memref<32x128xf32, #tpu.memory_space<vmem_shared>>) target_semaphore(%run_scoped3A : memref<!tpu.dma_semaphore, #tpu.memory_space<semaphore_mem>>)
      %dma_wait3A_217 = arith.constant 0 : i32
      %dma_wait3A_218 = arith.constant 0 : i32
      %dma_wait3A_219 = tpu.memref_slice %arg8[%dma_wait3A_217, %dma_wait3A_218] : memref<120x128xf32, #tpu.memory_space<vmem>> -> memref<32x128xf32, #tpu.memory_space<vmem>>
      %dma_wait3A_220 = arith.constant 0 : i32
      %dma_wait3A_221 = tpu.memref_slice %arg7[%add3A_166, %dma_wait3A_220] : memref<10112x128xf32, #tpu.memory_space<vmem_shared>> -> memref<32x128xf32, #tpu.memory_space<vmem_shared>>
      %dma_wait3A_222 = arith.constant 0 : i32
      %dma_wait3A_223 = tpu.memref_slice %arg7[%add3A_166, %dma_wait3A_222] : memref<10112x128xf32, #tpu.memory_space<vmem_shared>> -> memref<32x128xf32, #tpu.memory_space<vmem_shared>>
      %dma_wait3A_224 = arith.constant 0 : i32
      %dma_wait3A_225 = arith.constant 0 : i32
      %dma_wait3A_226 = tpu.memref_slice %arg8[%dma_wait3A_224, %dma_wait3A_225] : memref<120x128xf32, #tpu.memory_space<vmem>> -> memref<32x128xf32, #tpu.memory_space<vmem>>
      tpu.wait_dma2 semaphore(%run_scoped3A : memref<!tpu.dma_semaphore, #tpu.memory_space<semaphore_mem>>) src(%dma_wait3A_226 : memref<32x128xf32, #tpu.memory_space<vmem>>) dst(%dma_wait3A_223 : memref<32x128xf32, #tpu.memory_space<vmem_shared>>)
      tpu.yield
    }) : () -> ()
    %barrier3A_167 = arith.constant 0 : index
    tpu.barrier barrier_id(%barrier3A_167)
    %scan3A_168 = arith.constant 0 : i32
    %scan3A_169 = arith.constant 0 : i32
    %scan3A_170 = arith.constant 41 : i32
    %scan3A_171 = arith.addi %scan3A_169, %scan3A_170 : i32
    %scan3A_172 = arith.constant 1 : i32
    scf.for %scan3A_207 = %scan3A_169 to %scan3A_171 step %scan3A_172  : i32 {
      %mul3A_208 = arith.constant 2 : i32
      %mul3A_209 = arith.muli %mul3A_208, %scan3A_207 : i32
      %add3A_210 = arith.constant 0 : i32
      %add3A_211 = arith.addi %mul3A_209, %add3A_210 : i32
      %mul3A_212 = arith.constant 120 : i32
      %mul3A_213 = arith.muli %add3A_211, %mul3A_212 : i32
      %add3A_214 = arith.addi %mul3A_6, %mul3A_213 : i32
      %dma_wait3A_215 = tpu.memref_slice %arg4[%add3A_214] : memref<322560xi32, #tpu.memory_space<hbm>> -> memref<120xi32, #tpu.memory_space<hbm>>
      %dma_wait3A_216 = tpu.memref_slice %arg4[%add3A_214] : memref<322560xi32, #tpu.memory_space<hbm>> -> memref<120xi32, #tpu.memory_space<hbm>>
      tpu.wait_dma2 semaphore(%arg20 : memref<!tpu.dma_semaphore, #tpu.memory_space<semaphore_mem>>) src(%dma_wait3A_216 : memref<120xi32, #tpu.memory_space<hbm>>) dst(%arg13 : memref<120xi32, #tpu.memory_space<vmem>>)
      "tpu.region"() ({
        %run_scoped3A = tpu.sem_alloc : memref<!tpu.dma_semaphore, #tpu.memory_space<semaphore_mem>>
        %dma_start3A_240 = arith.constant 0 : i32
        %dma_start3A_241 = arith.constant 0 : i32
        %dma_start3A_242 = tpu.memref_slice %arg7[%dma_start3A_240, %dma_start3A_241] : memref<10112x128xf32, #tpu.memory_space<vmem_shared>> -> memref<10112x128xf32, #tpu.memory_space<vmem_shared>>
        tpu.enqueue_indirect_dma source(%arg9 : memref<120x128xf32, #tpu.memory_space<vmem>>) target(%dma_start3A_242 : memref<10112x128xf32, #tpu.memory_space<vmem_shared>>) offsets(%arg13 : memref<120xi32, #tpu.memory_space<vmem>>) semaphore(%run_scoped3A : memref<!tpu.dma_semaphore, #tpu.memory_space<semaphore_mem>>) {add = true}
        %dma_wait3A_243 = arith.constant 0 : i32
        %dma_wait3A_244 = arith.constant 0 : i32
        %dma_wait3A_245 = tpu.memref_slice %arg7[%dma_wait3A_243, %dma_wait3A_244] : memref<10112x128xf32, #tpu.memory_space<vmem_shared>> -> memref<10112x128xf32, #tpu.memory_space<vmem_shared>>
        tpu.wait_indirect_dma semaphore(%run_scoped3A : memref<!tpu.dma_semaphore, #tpu.memory_space<semaphore_mem>>) src(%arg9 : memref<120x128xf32, #tpu.memory_space<vmem>>) dst(%dma_wait3A_245 : memref<10112x128xf32, #tpu.memory_space<vmem_shared>>)
        tpu.yield
      }) : () -> ()
      %add3A_217 = arith.constant 2 : i32
      %add3A_218 = arith.addi %add3A_211, %add3A_217 : i32
      %mul3A_219 = arith.constant 120 : i32
      %mul3A_220 = arith.muli %add3A_218, %mul3A_219 : i32
      %add3A_221 = arith.addi %mul3A_6, %mul3A_220 : i32
      %dma_start3A_222 = tpu.memref_slice %arg4[%add3A_221] : memref<322560xi32, #tpu.memory_space<hbm>> -> memref<120xi32, #tpu.memory_space<hbm>>
      %dma_start3A_223 = tpu.memref_slice %arg4[%add3A_221] : memref<322560xi32, #tpu.memory_space<hbm>> -> memref<120xi32, #tpu.memory_space<hbm>>
      tpu.enqueue_dma source(%dma_start3A_223 : memref<120xi32, #tpu.memory_space<hbm>>) target(%arg13 : memref<120xi32, #tpu.memory_space<vmem>>) target_semaphore(%arg20 : memref<!tpu.dma_semaphore, #tpu.memory_space<semaphore_mem>>)
      %mul3A_224 = arith.constant 2 : i32
      %mul3A_225 = arith.muli %mul3A_224, %scan3A_207 : i32
      %add3A_226 = arith.constant 1 : i32
      %add3A_227 = arith.addi %mul3A_225, %add3A_226 : i32
      %mul3A_228 = arith.constant 120 : i32
      %mul3A_229 = arith.muli %add3A_227, %mul3A_228 : i32
      %add3A_230 = arith.addi %mul3A_6, %mul3A_229 : i32
      %dma_wait3A_231 = tpu.memref_slice %arg4[%add3A_230] : memref<322560xi32, #tpu.memory_space<hbm>> -> memref<120xi32, #tpu.memory_space<hbm>>
      %dma_wait3A_232 = tpu.memref_slice %arg4[%add3A_230] : memref<322560xi32, #tpu.memory_space<hbm>> -> memref<120xi32, #tpu.memory_space<hbm>>
      tpu.wait_dma2 semaphore(%arg21 : memref<!tpu.dma_semaphore, #tpu.memory_space<semaphore_mem>>) src(%dma_wait3A_232 : memref<120xi32, #tpu.memory_space<hbm>>) dst(%arg15 : memref<120xi32, #tpu.memory_space<vmem>>)
      "tpu.region"() ({
        %run_scoped3A = tpu.sem_alloc : memref<!tpu.dma_semaphore, #tpu.memory_space<semaphore_mem>>
        %dma_start3A_240 = arith.constant 0 : i32
        %dma_start3A_241 = arith.constant 0 : i32
        %dma_start3A_242 = tpu.memref_slice %arg7[%dma_start3A_240, %dma_start3A_241] : memref<10112x128xf32, #tpu.memory_space<vmem_shared>> -> memref<10112x128xf32, #tpu.memory_space<vmem_shared>>
        tpu.enqueue_indirect_dma source(%arg9 : memref<120x128xf32, #tpu.memory_space<vmem>>) target(%dma_start3A_242 : memref<10112x128xf32, #tpu.memory_space<vmem_shared>>) offsets(%arg15 : memref<120xi32, #tpu.memory_space<vmem>>) semaphore(%run_scoped3A : memref<!tpu.dma_semaphore, #tpu.memory_space<semaphore_mem>>) {add = true}
        %dma_wait3A_243 = arith.constant 0 : i32
        %dma_wait3A_244 = arith.constant 0 : i32
        %dma_wait3A_245 = tpu.memref_slice %arg7[%dma_wait3A_243, %dma_wait3A_244] : memref<10112x128xf32, #tpu.memory_space<vmem_shared>> -> memref<10112x128xf32, #tpu.memory_space<vmem_shared>>
        tpu.wait_indirect_dma semaphore(%run_scoped3A : memref<!tpu.dma_semaphore, #tpu.memory_space<semaphore_mem>>) src(%arg9 : memref<120x128xf32, #tpu.memory_space<vmem>>) dst(%dma_wait3A_245 : memref<10112x128xf32, #tpu.memory_space<vmem_shared>>)
        tpu.yield
      }) : () -> ()
      %add3A_233 = arith.constant 2 : i32
      %add3A_234 = arith.addi %add3A_227, %add3A_233 : i32
      %mul3A_235 = arith.constant 120 : i32
      %mul3A_236 = arith.muli %add3A_234, %mul3A_235 : i32
      %add3A_237 = arith.addi %mul3A_6, %mul3A_236 : i32
      %dma_start3A_238 = tpu.memref_slice %arg4[%add3A_237] : memref<322560xi32, #tpu.memory_space<hbm>> -> memref<120xi32, #tpu.memory_space<hbm>>
      %dma_start3A_239 = tpu.memref_slice %arg4[%add3A_237] : memref<322560xi32, #tpu.memory_space<hbm>> -> memref<120xi32, #tpu.memory_space<hbm>>
      tpu.enqueue_dma source(%dma_start3A_239 : memref<120xi32, #tpu.memory_space<hbm>>) target(%arg15 : memref<120xi32, #tpu.memory_space<vmem>>) target_semaphore(%arg21 : memref<!tpu.dma_semaphore, #tpu.memory_space<semaphore_mem>>)
    }
    %scan3A_173 = arith.constant 41 : i32
    %add3A_174 = arith.constant 9840 : i32
    %add3A_175 = arith.addi %mul3A_6, %add3A_174 : i32
    %dma_wait3A_176 = tpu.memref_slice %arg4[%add3A_175] : memref<322560xi32, #tpu.memory_space<hbm>> -> memref<120xi32, #tpu.memory_space<hbm>>
    %dma_wait3A_177 = tpu.memref_slice %arg4[%add3A_175] : memref<322560xi32, #tpu.memory_space<hbm>> -> memref<120xi32, #tpu.memory_space<hbm>>
    tpu.wait_dma2 semaphore(%arg20 : memref<!tpu.dma_semaphore, #tpu.memory_space<semaphore_mem>>) src(%dma_wait3A_177 : memref<120xi32, #tpu.memory_space<hbm>>) dst(%arg13 : memref<120xi32, #tpu.memory_space<vmem>>)
    "tpu.region"() ({
      %run_scoped3A = tpu.sem_alloc : memref<!tpu.dma_semaphore, #tpu.memory_space<semaphore_mem>>
      %dma_start3A_207 = arith.constant 0 : i32
      %dma_start3A_208 = arith.constant 0 : i32
      %dma_start3A_209 = tpu.memref_slice %arg7[%dma_start3A_207, %dma_start3A_208] : memref<10112x128xf32, #tpu.memory_space<vmem_shared>> -> memref<10112x128xf32, #tpu.memory_space<vmem_shared>>
      tpu.enqueue_indirect_dma source(%arg9 : memref<120x128xf32, #tpu.memory_space<vmem>>) target(%dma_start3A_209 : memref<10112x128xf32, #tpu.memory_space<vmem_shared>>) offsets(%arg13 : memref<120xi32, #tpu.memory_space<vmem>>) semaphore(%run_scoped3A : memref<!tpu.dma_semaphore, #tpu.memory_space<semaphore_mem>>) {add = true}
      %dma_wait3A_210 = arith.constant 0 : i32
      %dma_wait3A_211 = arith.constant 0 : i32
      %dma_wait3A_212 = tpu.memref_slice %arg7[%dma_wait3A_210, %dma_wait3A_211] : memref<10112x128xf32, #tpu.memory_space<vmem_shared>> -> memref<10112x128xf32, #tpu.memory_space<vmem_shared>>
      tpu.wait_indirect_dma semaphore(%run_scoped3A : memref<!tpu.dma_semaphore, #tpu.memory_space<semaphore_mem>>) src(%arg9 : memref<120x128xf32, #tpu.memory_space<vmem>>) dst(%dma_wait3A_212 : memref<10112x128xf32, #tpu.memory_space<vmem_shared>>)
      tpu.yield
    }) : () -> ()
    %add3A_178 = arith.constant 9960 : i32
    %add3A_179 = arith.addi %mul3A_6, %add3A_178 : i32
    %dma_wait3A_180 = tpu.memref_slice %arg4[%add3A_179] : memref<322560xi32, #tpu.memory_space<hbm>> -> memref<120xi32, #tpu.memory_space<hbm>>
    %dma_wait3A_181 = tpu.memref_slice %arg4[%add3A_179] : memref<322560xi32, #tpu.memory_space<hbm>> -> memref<120xi32, #tpu.memory_space<hbm>>
    tpu.wait_dma2 semaphore(%arg21 : memref<!tpu.dma_semaphore, #tpu.memory_space<semaphore_mem>>) src(%dma_wait3A_181 : memref<120xi32, #tpu.memory_space<hbm>>) dst(%arg15 : memref<120xi32, #tpu.memory_space<vmem>>)
    "tpu.region"() ({
      %run_scoped3A = tpu.sem_alloc : memref<!tpu.dma_semaphore, #tpu.memory_space<semaphore_mem>>
      %dma_start3A_207 = arith.constant 0 : i32
      %dma_start3A_208 = arith.constant 0 : i32
      %dma_start3A_209 = tpu.memref_slice %arg7[%dma_start3A_207, %dma_start3A_208] : memref<10112x128xf32, #tpu.memory_space<vmem_shared>> -> memref<10112x128xf32, #tpu.memory_space<vmem_shared>>
      tpu.enqueue_indirect_dma source(%arg9 : memref<120x128xf32, #tpu.memory_space<vmem>>) target(%dma_start3A_209 : memref<10112x128xf32, #tpu.memory_space<vmem_shared>>) offsets(%arg15 : memref<120xi32, #tpu.memory_space<vmem>>) semaphore(%run_scoped3A : memref<!tpu.dma_semaphore, #tpu.memory_space<semaphore_mem>>) {add = true}
      %dma_wait3A_210 = arith.constant 0 : i32
      %dma_wait3A_211 = arith.constant 0 : i32
      %dma_wait3A_212 = tpu.memref_slice %arg7[%dma_wait3A_210, %dma_wait3A_211] : memref<10112x128xf32, #tpu.memory_space<vmem_shared>> -> memref<10112x128xf32, #tpu.memory_space<vmem_shared>>
      tpu.wait_indirect_dma semaphore(%run_scoped3A : memref<!tpu.dma_semaphore, #tpu.memory_space<semaphore_mem>>) src(%arg9 : memref<120x128xf32, #tpu.memory_space<vmem>>) dst(%dma_wait3A_212 : memref<10112x128xf32, #tpu.memory_space<vmem_shared>>)
      tpu.yield
    }) : () -> ()
    %barrier3A_182 = arith.constant 0 : index
    tpu.barrier barrier_id(%barrier3A_182)
    %add3A_183 = arith.constant 0 : i32
    %add3A_184 = arith.addi %mul3A_2, %add3A_183 : i32
    "tpu.region"() ({
      %run_scoped3A = tpu.sem_alloc : memref<!tpu.dma_semaphore, #tpu.memory_space<semaphore_mem>>
      %dma_start3A_207 = arith.constant 0 : i32
      %dma_start3A_208 = arith.constant 0 : i32
      %dma_start3A_209 = tpu.memref_slice %arg8[%dma_start3A_207, %dma_start3A_208] : memref<120x128xf32, #tpu.memory_space<vmem>> -> memref<120x128xf32, #tpu.memory_space<vmem>>
      %dma_start3A_210 = arith.constant 0 : i32
      %dma_start3A_211 = tpu.memref_slice %arg7[%add3A_184, %dma_start3A_210] : memref<10112x128xf32, #tpu.memory_space<vmem_shared>> -> memref<120x128xf32, #tpu.memory_space<vmem_shared>>
      %dma_start3A_212 = arith.constant 0 : i32
      %dma_start3A_213 = arith.constant 0 : i32
      %dma_start3A_214 = tpu.memref_slice %arg8[%dma_start3A_212, %dma_start3A_213] : memref<120x128xf32, #tpu.memory_space<vmem>> -> memref<120x128xf32, #tpu.memory_space<vmem>>
      %dma_start3A_215 = arith.constant 0 : i32
      %dma_start3A_216 = tpu.memref_slice %arg7[%add3A_184, %dma_start3A_215] : memref<10112x128xf32, #tpu.memory_space<vmem_shared>> -> memref<120x128xf32, #tpu.memory_space<vmem_shared>>
      tpu.enqueue_dma source(%dma_start3A_216 : memref<120x128xf32, #tpu.memory_space<vmem_shared>>) target(%dma_start3A_214 : memref<120x128xf32, #tpu.memory_space<vmem>>) target_semaphore(%run_scoped3A : memref<!tpu.dma_semaphore, #tpu.memory_space<semaphore_mem>>)
      %dma_wait3A_217 = arith.constant 0 : i32
      %dma_wait3A_218 = arith.constant 0 : i32
      %dma_wait3A_219 = tpu.memref_slice %arg8[%dma_wait3A_217, %dma_wait3A_218] : memref<120x128xf32, #tpu.memory_space<vmem>> -> memref<120x128xf32, #tpu.memory_space<vmem>>
      %dma_wait3A_220 = arith.constant 0 : i32
      %dma_wait3A_221 = tpu.memref_slice %arg7[%add3A_184, %dma_wait3A_220] : memref<10112x128xf32, #tpu.memory_space<vmem_shared>> -> memref<120x128xf32, #tpu.memory_space<vmem_shared>>
      %dma_wait3A_222 = arith.constant 0 : i32
      %dma_wait3A_223 = arith.constant 0 : i32
      %dma_wait3A_224 = tpu.memref_slice %arg8[%dma_wait3A_222, %dma_wait3A_223] : memref<120x128xf32, #tpu.memory_space<vmem>> -> memref<120x128xf32, #tpu.memory_space<vmem>>
      %dma_wait3A_225 = arith.constant 0 : i32
      %dma_wait3A_226 = tpu.memref_slice %arg7[%add3A_184, %dma_wait3A_225] : memref<10112x128xf32, #tpu.memory_space<vmem_shared>> -> memref<120x128xf32, #tpu.memory_space<vmem_shared>>
      tpu.wait_dma2 semaphore(%run_scoped3A : memref<!tpu.dma_semaphore, #tpu.memory_space<semaphore_mem>>) src(%dma_wait3A_226 : memref<120x128xf32, #tpu.memory_space<vmem_shared>>) dst(%dma_wait3A_224 : memref<120x128xf32, #tpu.memory_space<vmem>>)
      tpu.yield
    }) : () -> ()
    %add3A_185 = arith.constant 0 : i32
    %add3A_186 = arith.addi %mul3A_2, %add3A_185 : i32
    "tpu.region"() ({
      %run_scoped3A = tpu.sem_alloc : memref<!tpu.dma_semaphore, #tpu.memory_space<semaphore_mem>>
      %dma_start3A_207 = arith.constant 0 : i32
      %dma_start3A_208 = arith.constant 0 : i32
      %dma_start3A_209 = tpu.memref_slice %arg8[%dma_start3A_207, %dma_start3A_208] : memref<120x128xf32, #tpu.memory_space<vmem>> -> memref<120x128xf32, #tpu.memory_space<vmem>>
      %dma_start3A_210 = arith.constant 0 : i32
      %dma_start3A_211 = tpu.memref_slice %arg6[%arg0, %add3A_186, %dma_start3A_210] : memref<2x10112x128xf32, #tpu.memory_space<hbm>> -> memref<1x120x128xf32, #tpu.memory_space<hbm>>
      %dma_start3A_212 = tpu.memref_squeeze %dma_start3A_211 : memref<1x120x128xf32, #tpu.memory_space<hbm>> -> memref<120x128xf32, #tpu.memory_space<hbm>>
      %dma_start3A_213 = arith.constant 0 : i32
      %dma_start3A_214 = tpu.memref_slice %arg6[%arg0, %add3A_186, %dma_start3A_213] : memref<2x10112x128xf32, #tpu.memory_space<hbm>> -> memref<1x120x128xf32, #tpu.memory_space<hbm>>
      %dma_start3A_215 = tpu.memref_squeeze %dma_start3A_214 : memref<1x120x128xf32, #tpu.memory_space<hbm>> -> memref<120x128xf32, #tpu.memory_space<hbm>>
      %dma_start3A_216 = arith.constant 0 : i32
      %dma_start3A_217 = arith.constant 0 : i32
      %dma_start3A_218 = tpu.memref_slice %arg8[%dma_start3A_216, %dma_start3A_217] : memref<120x128xf32, #tpu.memory_space<vmem>> -> memref<120x128xf32, #tpu.memory_space<vmem>>
      tpu.enqueue_dma source(%dma_start3A_218 : memref<120x128xf32, #tpu.memory_space<vmem>>) target(%dma_start3A_215 : memref<120x128xf32, #tpu.memory_space<hbm>>) target_semaphore(%run_scoped3A : memref<!tpu.dma_semaphore, #tpu.memory_space<semaphore_mem>>)
      %dma_wait3A_219 = arith.constant 0 : i32
      %dma_wait3A_220 = arith.constant 0 : i32
      %dma_wait3A_221 = tpu.memref_slice %arg8[%dma_wait3A_219, %dma_wait3A_220] : memref<120x128xf32, #tpu.memory_space<vmem>> -> memref<120x128xf32, #tpu.memory_space<vmem>>
      %dma_wait3A_222 = arith.constant 0 : i32
      %dma_wait3A_223 = tpu.memref_slice %arg6[%arg0, %add3A_186, %dma_wait3A_222] : memref<2x10112x128xf32, #tpu.memory_space<hbm>> -> memref<1x120x128xf32, #tpu.memory_space<hbm>>
      %dma_wait3A_224 = tpu.memref_squeeze %dma_wait3A_223 : memref<1x120x128xf32, #tpu.memory_space<hbm>> -> memref<120x128xf32, #tpu.memory_space<hbm>>
      %dma_wait3A_225 = arith.constant 0 : i32
      %dma_wait3A_226 = tpu.memref_slice %arg6[%arg0, %add3A_186, %dma_wait3A_225] : memref<2x10112x128xf32, #tpu.memory_space<hbm>> -> memref<1x120x128xf32, #tpu.memory_space<hbm>>
      %dma_wait3A_227 = tpu.memref_squeeze %dma_wait3A_226 : memref<1x120x128xf32, #tpu.memory_space<hbm>> -> memref<120x128xf32, #tpu.memory_space<hbm>>
      %dma_wait3A_228 = arith.constant 0 : i32
      %dma_wait3A_229 = arith.constant 0 : i32
      %dma_wait3A_230 = tpu.memref_slice %arg8[%dma_wait3A_228, %dma_wait3A_229] : memref<120x128xf32, #tpu.memory_space<vmem>> -> memref<120x128xf32, #tpu.memory_space<vmem>>
      tpu.wait_dma2 semaphore(%run_scoped3A : memref<!tpu.dma_semaphore, #tpu.memory_space<semaphore_mem>>) src(%dma_wait3A_230 : memref<120x128xf32, #tpu.memory_space<vmem>>) dst(%dma_wait3A_227 : memref<120x128xf32, #tpu.memory_space<hbm>>)
      tpu.yield
    }) : () -> ()
    %add3A_187 = arith.constant 120 : i32
    %add3A_188 = arith.addi %mul3A_2, %add3A_187 : i32
    "tpu.region"() ({
      %run_scoped3A = tpu.sem_alloc : memref<!tpu.dma_semaphore, #tpu.memory_space<semaphore_mem>>
      %dma_start3A_207 = arith.constant 0 : i32
      %dma_start3A_208 = arith.constant 0 : i32
      %dma_start3A_209 = tpu.memref_slice %arg8[%dma_start3A_207, %dma_start3A_208] : memref<120x128xf32, #tpu.memory_space<vmem>> -> memref<120x128xf32, #tpu.memory_space<vmem>>
      %dma_start3A_210 = arith.constant 0 : i32
      %dma_start3A_211 = tpu.memref_slice %arg7[%add3A_188, %dma_start3A_210] : memref<10112x128xf32, #tpu.memory_space<vmem_shared>> -> memref<120x128xf32, #tpu.memory_space<vmem_shared>>
      %dma_start3A_212 = arith.constant 0 : i32
      %dma_start3A_213 = arith.constant 0 : i32
      %dma_start3A_214 = tpu.memref_slice %arg8[%dma_start3A_212, %dma_start3A_213] : memref<120x128xf32, #tpu.memory_space<vmem>> -> memref<120x128xf32, #tpu.memory_space<vmem>>
      %dma_start3A_215 = arith.constant 0 : i32
      %dma_start3A_216 = tpu.memref_slice %arg7[%add3A_188, %dma_start3A_215] : memref<10112x128xf32, #tpu.memory_space<vmem_shared>> -> memref<120x128xf32, #tpu.memory_space<vmem_shared>>
      tpu.enqueue_dma source(%dma_start3A_216 : memref<120x128xf32, #tpu.memory_space<vmem_shared>>) target(%dma_start3A_214 : memref<120x128xf32, #tpu.memory_space<vmem>>) target_semaphore(%run_scoped3A : memref<!tpu.dma_semaphore, #tpu.memory_space<semaphore_mem>>)
      %dma_wait3A_217 = arith.constant 0 : i32
      %dma_wait3A_218 = arith.constant 0 : i32
      %dma_wait3A_219 = tpu.memref_slice %arg8[%dma_wait3A_217, %dma_wait3A_218] : memref<120x128xf32, #tpu.memory_space<vmem>> -> memref<120x128xf32, #tpu.memory_space<vmem>>
      %dma_wait3A_220 = arith.constant 0 : i32
      %dma_wait3A_221 = tpu.memref_slice %arg7[%add3A_188, %dma_wait3A_220] : memref<10112x128xf32, #tpu.memory_space<vmem_shared>> -> memref<120x128xf32, #tpu.memory_space<vmem_shared>>
      %dma_wait3A_222 = arith.constant 0 : i32
      %dma_wait3A_223 = arith.constant 0 : i32
      %dma_wait3A_224 = tpu.memref_slice %arg8[%dma_wait3A_222, %dma_wait3A_223] : memref<120x128xf32, #tpu.memory_space<vmem>> -> memref<120x128xf32, #tpu.memory_space<vmem>>
      %dma_wait3A_225 = arith.constant 0 : i32
      %dma_wait3A_226 = tpu.memref_slice %arg7[%add3A_188, %dma_wait3A_225] : memref<10112x128xf32, #tpu.memory_space<vmem_shared>> -> memref<120x128xf32, #tpu.memory_space<vmem_shared>>
      tpu.wait_dma2 semaphore(%run_scoped3A : memref<!tpu.dma_semaphore, #tpu.memory_space<semaphore_mem>>) src(%dma_wait3A_226 : memref<120x128xf32, #tpu.memory_space<vmem_shared>>) dst(%dma_wait3A_224 : memref<120x128xf32, #tpu.memory_space<vmem>>)
      tpu.yield
    }) : () -> ()
    %add3A_189 = arith.constant 120 : i32
    %add3A_190 = arith.addi %mul3A_2, %add3A_189 : i32
    "tpu.region"() ({
      %run_scoped3A = tpu.sem_alloc : memref<!tpu.dma_semaphore, #tpu.memory_space<semaphore_mem>>
      %dma_start3A_207 = arith.constant 0 : i32
      %dma_start3A_208 = arith.constant 0 : i32
      %dma_start3A_209 = tpu.memref_slice %arg8[%dma_start3A_207, %dma_start3A_208] : memref<120x128xf32, #tpu.memory_space<vmem>> -> memref<120x128xf32, #tpu.memory_space<vmem>>
      %dma_start3A_210 = arith.constant 0 : i32
      %dma_start3A_211 = tpu.memref_slice %arg6[%arg0, %add3A_190, %dma_start3A_210] : memref<2x10112x128xf32, #tpu.memory_space<hbm>> -> memref<1x120x128xf32, #tpu.memory_space<hbm>>
      %dma_start3A_212 = tpu.memref_squeeze %dma_start3A_211 : memref<1x120x128xf32, #tpu.memory_space<hbm>> -> memref<120x128xf32, #tpu.memory_space<hbm>>
      %dma_start3A_213 = arith.constant 0 : i32
      %dma_start3A_214 = tpu.memref_slice %arg6[%arg0, %add3A_190, %dma_start3A_213] : memref<2x10112x128xf32, #tpu.memory_space<hbm>> -> memref<1x120x128xf32, #tpu.memory_space<hbm>>
      %dma_start3A_215 = tpu.memref_squeeze %dma_start3A_214 : memref<1x120x128xf32, #tpu.memory_space<hbm>> -> memref<120x128xf32, #tpu.memory_space<hbm>>
      %dma_start3A_216 = arith.constant 0 : i32
      %dma_start3A_217 = arith.constant 0 : i32
      %dma_start3A_218 = tpu.memref_slice %arg8[%dma_start3A_216, %dma_start3A_217] : memref<120x128xf32, #tpu.memory_space<vmem>> -> memref<120x128xf32, #tpu.memory_space<vmem>>
      tpu.enqueue_dma source(%dma_start3A_218 : memref<120x128xf32, #tpu.memory_space<vmem>>) target(%dma_start3A_215 : memref<120x128xf32, #tpu.memory_space<hbm>>) target_semaphore(%run_scoped3A : memref<!tpu.dma_semaphore, #tpu.memory_space<semaphore_mem>>)
      %dma_wait3A_219 = arith.constant 0 : i32
      %dma_wait3A_220 = arith.constant 0 : i32
      %dma_wait3A_221 = tpu.memref_slice %arg8[%dma_wait3A_219, %dma_wait3A_220] : memref<120x128xf32, #tpu.memory_space<vmem>> -> memref<120x128xf32, #tpu.memory_space<vmem>>
      %dma_wait3A_222 = arith.constant 0 : i32
      %dma_wait3A_223 = tpu.memref_slice %arg6[%arg0, %add3A_190, %dma_wait3A_222] : memref<2x10112x128xf32, #tpu.memory_space<hbm>> -> memref<1x120x128xf32, #tpu.memory_space<hbm>>
      %dma_wait3A_224 = tpu.memref_squeeze %dma_wait3A_223 : memref<1x120x128xf32, #tpu.memory_space<hbm>> -> memref<120x128xf32, #tpu.memory_space<hbm>>
      %dma_wait3A_225 = arith.constant 0 : i32
      %dma_wait3A_226 = tpu.memref_slice %arg6[%arg0, %add3A_190, %dma_wait3A_225] : memref<2x10112x128xf32, #tpu.memory_space<hbm>> -> memref<1x120x128xf32, #tpu.memory_space<hbm>>
      %dma_wait3A_227 = tpu.memref_squeeze %dma_wait3A_226 : memref<1x120x128xf32, #tpu.memory_space<hbm>> -> memref<120x128xf32, #tpu.memory_space<hbm>>
      %dma_wait3A_228 = arith.constant 0 : i32
      %dma_wait3A_229 = arith.constant 0 : i32
      %dma_wait3A_230 = tpu.memref_slice %arg8[%dma_wait3A_228, %dma_wait3A_229] : memref<120x128xf32, #tpu.memory_space<vmem>> -> memref<120x128xf32, #tpu.memory_space<vmem>>
      tpu.wait_dma2 semaphore(%run_scoped3A : memref<!tpu.dma_semaphore, #tpu.memory_space<semaphore_mem>>) src(%dma_wait3A_230 : memref<120x128xf32, #tpu.memory_space<vmem>>) dst(%dma_wait3A_227 : memref<120x128xf32, #tpu.memory_space<hbm>>)
      tpu.yield
    }) : () -> ()
    %add3A_191 = arith.constant 240 : i32
    %add3A_192 = arith.addi %mul3A_2, %add3A_191 : i32
    "tpu.region"() ({
      %run_scoped3A = tpu.sem_alloc : memref<!tpu.dma_semaphore, #tpu.memory_space<semaphore_mem>>
      %dma_start3A_207 = arith.constant 0 : i32
      %dma_start3A_208 = arith.constant 0 : i32
      %dma_start3A_209 = tpu.memref_slice %arg8[%dma_start3A_207, %dma_start3A_208] : memref<120x128xf32, #tpu.memory_space<vmem>> -> memref<120x128xf32, #tpu.memory_space<vmem>>
      %dma_start3A_210 = arith.constant 0 : i32
      %dma_start3A_211 = tpu.memref_slice %arg7[%add3A_192, %dma_start3A_210] : memref<10112x128xf32, #tpu.memory_space<vmem_shared>> -> memref<120x128xf32, #tpu.memory_space<vmem_shared>>
      %dma_start3A_212 = arith.constant 0 : i32
      %dma_start3A_213 = arith.constant 0 : i32
      %dma_start3A_214 = tpu.memref_slice %arg8[%dma_start3A_212, %dma_start3A_213] : memref<120x128xf32, #tpu.memory_space<vmem>> -> memref<120x128xf32, #tpu.memory_space<vmem>>
      %dma_start3A_215 = arith.constant 0 : i32
      %dma_start3A_216 = tpu.memref_slice %arg7[%add3A_192, %dma_start3A_215] : memref<10112x128xf32, #tpu.memory_space<vmem_shared>> -> memref<120x128xf32, #tpu.memory_space<vmem_shared>>
      tpu.enqueue_dma source(%dma_start3A_216 : memref<120x128xf32, #tpu.memory_space<vmem_shared>>) target(%dma_start3A_214 : memref<120x128xf32, #tpu.memory_space<vmem>>) target_semaphore(%run_scoped3A : memref<!tpu.dma_semaphore, #tpu.memory_space<semaphore_mem>>)
      %dma_wait3A_217 = arith.constant 0 : i32
      %dma_wait3A_218 = arith.constant 0 : i32
      %dma_wait3A_219 = tpu.memref_slice %arg8[%dma_wait3A_217, %dma_wait3A_218] : memref<120x128xf32, #tpu.memory_space<vmem>> -> memref<120x128xf32, #tpu.memory_space<vmem>>
      %dma_wait3A_220 = arith.constant 0 : i32
      %dma_wait3A_221 = tpu.memref_slice %arg7[%add3A_192, %dma_wait3A_220] : memref<10112x128xf32, #tpu.memory_space<vmem_shared>> -> memref<120x128xf32, #tpu.memory_space<vmem_shared>>
      %dma_wait3A_222 = arith.constant 0 : i32
      %dma_wait3A_223 = arith.constant 0 : i32
      %dma_wait3A_224 = tpu.memref_slice %arg8[%dma_wait3A_222, %dma_wait3A_223] : memref<120x128xf32, #tpu.memory_space<vmem>> -> memref<120x128xf32, #tpu.memory_space<vmem>>
      %dma_wait3A_225 = arith.constant 0 : i32
      %dma_wait3A_226 = tpu.memref_slice %arg7[%add3A_192, %dma_wait3A_225] : memref<10112x128xf32, #tpu.memory_space<vmem_shared>> -> memref<120x128xf32, #tpu.memory_space<vmem_shared>>
      tpu.wait_dma2 semaphore(%run_scoped3A : memref<!tpu.dma_semaphore, #tpu.memory_space<semaphore_mem>>) src(%dma_wait3A_226 : memref<120x128xf32, #tpu.memory_space<vmem_shared>>) dst(%dma_wait3A_224 : memref<120x128xf32, #tpu.memory_space<vmem>>)
      tpu.yield
    }) : () -> ()
    %add3A_193 = arith.constant 240 : i32
    %add3A_194 = arith.addi %mul3A_2, %add3A_193 : i32
    "tpu.region"() ({
      %run_scoped3A = tpu.sem_alloc : memref<!tpu.dma_semaphore, #tpu.memory_space<semaphore_mem>>
      %dma_start3A_207 = arith.constant 0 : i32
      %dma_start3A_208 = arith.constant 0 : i32
      %dma_start3A_209 = tpu.memref_slice %arg8[%dma_start3A_207, %dma_start3A_208] : memref<120x128xf32, #tpu.memory_space<vmem>> -> memref<120x128xf32, #tpu.memory_space<vmem>>
      %dma_start3A_210 = arith.constant 0 : i32
      %dma_start3A_211 = tpu.memref_slice %arg6[%arg0, %add3A_194, %dma_start3A_210] : memref<2x10112x128xf32, #tpu.memory_space<hbm>> -> memref<1x120x128xf32, #tpu.memory_space<hbm>>
      %dma_start3A_212 = tpu.memref_squeeze %dma_start3A_211 : memref<1x120x128xf32, #tpu.memory_space<hbm>> -> memref<120x128xf32, #tpu.memory_space<hbm>>
      %dma_start3A_213 = arith.constant 0 : i32
      %dma_start3A_214 = tpu.memref_slice %arg6[%arg0, %add3A_194, %dma_start3A_213] : memref<2x10112x128xf32, #tpu.memory_space<hbm>> -> memref<1x120x128xf32, #tpu.memory_space<hbm>>
      %dma_start3A_215 = tpu.memref_squeeze %dma_start3A_214 : memref<1x120x128xf32, #tpu.memory_space<hbm>> -> memref<120x128xf32, #tpu.memory_space<hbm>>
      %dma_start3A_216 = arith.constant 0 : i32
      %dma_start3A_217 = arith.constant 0 : i32
      %dma_start3A_218 = tpu.memref_slice %arg8[%dma_start3A_216, %dma_start3A_217] : memref<120x128xf32, #tpu.memory_space<vmem>> -> memref<120x128xf32, #tpu.memory_space<vmem>>
      tpu.enqueue_dma source(%dma_start3A_218 : memref<120x128xf32, #tpu.memory_space<vmem>>) target(%dma_start3A_215 : memref<120x128xf32, #tpu.memory_space<hbm>>) target_semaphore(%run_scoped3A : memref<!tpu.dma_semaphore, #tpu.memory_space<semaphore_mem>>)
      %dma_wait3A_219 = arith.constant 0 : i32
      %dma_wait3A_220 = arith.constant 0 : i32
      %dma_wait3A_221 = tpu.memref_slice %arg8[%dma_wait3A_219, %dma_wait3A_220] : memref<120x128xf32, #tpu.memory_space<vmem>> -> memref<120x128xf32, #tpu.memory_space<vmem>>
      %dma_wait3A_222 = arith.constant 0 : i32
      %dma_wait3A_223 = tpu.memref_slice %arg6[%arg0, %add3A_194, %dma_wait3A_222] : memref<2x10112x128xf32, #tpu.memory_space<hbm>> -> memref<1x120x128xf32, #tpu.memory_space<hbm>>
      %dma_wait3A_224 = tpu.memref_squeeze %dma_wait3A_223 : memref<1x120x128xf32, #tpu.memory_space<hbm>> -> memref<120x128xf32, #tpu.memory_space<hbm>>
      %dma_wait3A_225 = arith.constant 0 : i32
      %dma_wait3A_226 = tpu.memref_slice %arg6[%arg0, %add3A_194, %dma_wait3A_225] : memref<2x10112x128xf32, #tpu.memory_space<hbm>> -> memref<1x120x128xf32, #tpu.memory_space<hbm>>
      %dma_wait3A_227 = tpu.memref_squeeze %dma_wait3A_226 : memref<1x120x128xf32, #tpu.memory_space<hbm>> -> memref<120x128xf32, #tpu.memory_space<hbm>>
      %dma_wait3A_228 = arith.constant 0 : i32
      %dma_wait3A_229 = arith.constant 0 : i32
      %dma_wait3A_230 = tpu.memref_slice %arg8[%dma_wait3A_228, %dma_wait3A_229] : memref<120x128xf32, #tpu.memory_space<vmem>> -> memref<120x128xf32, #tpu.memory_space<vmem>>
      tpu.wait_dma2 semaphore(%run_scoped3A : memref<!tpu.dma_semaphore, #tpu.memory_space<semaphore_mem>>) src(%dma_wait3A_230 : memref<120x128xf32, #tpu.memory_space<vmem>>) dst(%dma_wait3A_227 : memref<120x128xf32, #tpu.memory_space<hbm>>)
      tpu.yield
    }) : () -> ()
    %add3A_195 = arith.constant 360 : i32
    %add3A_196 = arith.addi %mul3A_2, %add3A_195 : i32
    "tpu.region"() ({
      %run_scoped3A = tpu.sem_alloc : memref<!tpu.dma_semaphore, #tpu.memory_space<semaphore_mem>>
      %dma_start3A_207 = arith.constant 0 : i32
      %dma_start3A_208 = arith.constant 0 : i32
      %dma_start3A_209 = tpu.memref_slice %arg8[%dma_start3A_207, %dma_start3A_208] : memref<120x128xf32, #tpu.memory_space<vmem>> -> memref<120x128xf32, #tpu.memory_space<vmem>>
      %dma_start3A_210 = arith.constant 0 : i32
      %dma_start3A_211 = tpu.memref_slice %arg7[%add3A_196, %dma_start3A_210] : memref<10112x128xf32, #tpu.memory_space<vmem_shared>> -> memref<120x128xf32, #tpu.memory_space<vmem_shared>>
      %dma_start3A_212 = arith.constant 0 : i32
      %dma_start3A_213 = arith.constant 0 : i32
      %dma_start3A_214 = tpu.memref_slice %arg8[%dma_start3A_212, %dma_start3A_213] : memref<120x128xf32, #tpu.memory_space<vmem>> -> memref<120x128xf32, #tpu.memory_space<vmem>>
      %dma_start3A_215 = arith.constant 0 : i32
      %dma_start3A_216 = tpu.memref_slice %arg7[%add3A_196, %dma_start3A_215] : memref<10112x128xf32, #tpu.memory_space<vmem_shared>> -> memref<120x128xf32, #tpu.memory_space<vmem_shared>>
      tpu.enqueue_dma source(%dma_start3A_216 : memref<120x128xf32, #tpu.memory_space<vmem_shared>>) target(%dma_start3A_214 : memref<120x128xf32, #tpu.memory_space<vmem>>) target_semaphore(%run_scoped3A : memref<!tpu.dma_semaphore, #tpu.memory_space<semaphore_mem>>)
      %dma_wait3A_217 = arith.constant 0 : i32
      %dma_wait3A_218 = arith.constant 0 : i32
      %dma_wait3A_219 = tpu.memref_slice %arg8[%dma_wait3A_217, %dma_wait3A_218] : memref<120x128xf32, #tpu.memory_space<vmem>> -> memref<120x128xf32, #tpu.memory_space<vmem>>
      %dma_wait3A_220 = arith.constant 0 : i32
      %dma_wait3A_221 = tpu.memref_slice %arg7[%add3A_196, %dma_wait3A_220] : memref<10112x128xf32, #tpu.memory_space<vmem_shared>> -> memref<120x128xf32, #tpu.memory_space<vmem_shared>>
      %dma_wait3A_222 = arith.constant 0 : i32
      %dma_wait3A_223 = arith.constant 0 : i32
      %dma_wait3A_224 = tpu.memref_slice %arg8[%dma_wait3A_222, %dma_wait3A_223] : memref<120x128xf32, #tpu.memory_space<vmem>> -> memref<120x128xf32, #tpu.memory_space<vmem>>
      %dma_wait3A_225 = arith.constant 0 : i32
      %dma_wait3A_226 = tpu.memref_slice %arg7[%add3A_196, %dma_wait3A_225] : memref<10112x128xf32, #tpu.memory_space<vmem_shared>> -> memref<120x128xf32, #tpu.memory_space<vmem_shared>>
      tpu.wait_dma2 semaphore(%run_scoped3A : memref<!tpu.dma_semaphore, #tpu.memory_space<semaphore_mem>>) src(%dma_wait3A_226 : memref<120x128xf32, #tpu.memory_space<vmem_shared>>) dst(%dma_wait3A_224 : memref<120x128xf32, #tpu.memory_space<vmem>>)
      tpu.yield
    }) : () -> ()
    %add3A_197 = arith.constant 360 : i32
    %add3A_198 = arith.addi %mul3A_2, %add3A_197 : i32
    "tpu.region"() ({
      %run_scoped3A = tpu.sem_alloc : memref<!tpu.dma_semaphore, #tpu.memory_space<semaphore_mem>>
      %dma_start3A_207 = arith.constant 0 : i32
      %dma_start3A_208 = arith.constant 0 : i32
      %dma_start3A_209 = tpu.memref_slice %arg8[%dma_start3A_207, %dma_start3A_208] : memref<120x128xf32, #tpu.memory_space<vmem>> -> memref<120x128xf32, #tpu.memory_space<vmem>>
      %dma_start3A_210 = arith.constant 0 : i32
      %dma_start3A_211 = tpu.memref_slice %arg6[%arg0, %add3A_198, %dma_start3A_210] : memref<2x10112x128xf32, #tpu.memory_space<hbm>> -> memref<1x120x128xf32, #tpu.memory_space<hbm>>
      %dma_start3A_212 = tpu.memref_squeeze %dma_start3A_211 : memref<1x120x128xf32, #tpu.memory_space<hbm>> -> memref<120x128xf32, #tpu.memory_space<hbm>>
      %dma_start3A_213 = arith.constant 0 : i32
      %dma_start3A_214 = tpu.memref_slice %arg6[%arg0, %add3A_198, %dma_start3A_213] : memref<2x10112x128xf32, #tpu.memory_space<hbm>> -> memref<1x120x128xf32, #tpu.memory_space<hbm>>
      %dma_start3A_215 = tpu.memref_squeeze %dma_start3A_214 : memref<1x120x128xf32, #tpu.memory_space<hbm>> -> memref<120x128xf32, #tpu.memory_space<hbm>>
      %dma_start3A_216 = arith.constant 0 : i32
      %dma_start3A_217 = arith.constant 0 : i32
      %dma_start3A_218 = tpu.memref_slice %arg8[%dma_start3A_216, %dma_start3A_217] : memref<120x128xf32, #tpu.memory_space<vmem>> -> memref<120x128xf32, #tpu.memory_space<vmem>>
      tpu.enqueue_dma source(%dma_start3A_218 : memref<120x128xf32, #tpu.memory_space<vmem>>) target(%dma_start3A_215 : memref<120x128xf32, #tpu.memory_space<hbm>>) target_semaphore(%run_scoped3A : memref<!tpu.dma_semaphore, #tpu.memory_space<semaphore_mem>>)
      %dma_wait3A_219 = arith.constant 0 : i32
      %dma_wait3A_220 = arith.constant 0 : i32
      %dma_wait3A_221 = tpu.memref_slice %arg8[%dma_wait3A_219, %dma_wait3A_220] : memref<120x128xf32, #tpu.memory_space<vmem>> -> memref<120x128xf32, #tpu.memory_space<vmem>>
      %dma_wait3A_222 = arith.constant 0 : i32
      %dma_wait3A_223 = tpu.memref_slice %arg6[%arg0, %add3A_198, %dma_wait3A_222] : memref<2x10112x128xf32, #tpu.memory_space<hbm>> -> memref<1x120x128xf32, #tpu.memory_space<hbm>>
      %dma_wait3A_224 = tpu.memref_squeeze %dma_wait3A_223 : memref<1x120x128xf32, #tpu.memory_space<hbm>> -> memref<120x128xf32, #tpu.memory_space<hbm>>
      %dma_wait3A_225 = arith.constant 0 : i32
      %dma_wait3A_226 = tpu.memref_slice %arg6[%arg0, %add3A_198, %dma_wait3A_225] : memref<2x10112x128xf32, #tpu.memory_space<hbm>> -> memref<1x120x128xf32, #tpu.memory_space<hbm>>
      %dma_wait3A_227 = tpu.memref_squeeze %dma_wait3A_226 : memref<1x120x128xf32, #tpu.memory_space<hbm>> -> memref<120x128xf32, #tpu.memory_space<hbm>>
      %dma_wait3A_228 = arith.constant 0 : i32
      %dma_wait3A_229 = arith.constant 0 : i32
      %dma_wait3A_230 = tpu.memref_slice %arg8[%dma_wait3A_228, %dma_wait3A_229] : memref<120x128xf32, #tpu.memory_space<vmem>> -> memref<120x128xf32, #tpu.memory_space<vmem>>
      tpu.wait_dma2 semaphore(%run_scoped3A : memref<!tpu.dma_semaphore, #tpu.memory_space<semaphore_mem>>) src(%dma_wait3A_230 : memref<120x128xf32, #tpu.memory_space<vmem>>) dst(%dma_wait3A_227 : memref<120x128xf32, #tpu.memory_space<hbm>>)
      tpu.yield
    }) : () -> ()
    %add3A_199 = arith.constant 480 : i32
    %add3A_200 = arith.addi %mul3A_2, %add3A_199 : i32
    "tpu.region"() ({
      %run_scoped3A = tpu.sem_alloc : memref<!tpu.dma_semaphore, #tpu.memory_space<semaphore_mem>>
      %dma_start3A_207 = arith.constant 0 : i32
      %dma_start3A_208 = arith.constant 0 : i32
      %dma_start3A_209 = tpu.memref_slice %arg8[%dma_start3A_207, %dma_start3A_208] : memref<120x128xf32, #tpu.memory_space<vmem>> -> memref<120x128xf32, #tpu.memory_space<vmem>>
      %dma_start3A_210 = arith.constant 0 : i32
      %dma_start3A_211 = tpu.memref_slice %arg7[%add3A_200, %dma_start3A_210] : memref<10112x128xf32, #tpu.memory_space<vmem_shared>> -> memref<120x128xf32, #tpu.memory_space<vmem_shared>>
      %dma_start3A_212 = arith.constant 0 : i32
      %dma_start3A_213 = arith.constant 0 : i32
      %dma_start3A_214 = tpu.memref_slice %arg8[%dma_start3A_212, %dma_start3A_213] : memref<120x128xf32, #tpu.memory_space<vmem>> -> memref<120x128xf32, #tpu.memory_space<vmem>>
      %dma_start3A_215 = arith.constant 0 : i32
      %dma_start3A_216 = tpu.memref_slice %arg7[%add3A_200, %dma_start3A_215] : memref<10112x128xf32, #tpu.memory_space<vmem_shared>> -> memref<120x128xf32, #tpu.memory_space<vmem_shared>>
      tpu.enqueue_dma source(%dma_start3A_216 : memref<120x128xf32, #tpu.memory_space<vmem_shared>>) target(%dma_start3A_214 : memref<120x128xf32, #tpu.memory_space<vmem>>) target_semaphore(%run_scoped3A : memref<!tpu.dma_semaphore, #tpu.memory_space<semaphore_mem>>)
      %dma_wait3A_217 = arith.constant 0 : i32
      %dma_wait3A_218 = arith.constant 0 : i32
      %dma_wait3A_219 = tpu.memref_slice %arg8[%dma_wait3A_217, %dma_wait3A_218] : memref<120x128xf32, #tpu.memory_space<vmem>> -> memref<120x128xf32, #tpu.memory_space<vmem>>
      %dma_wait3A_220 = arith.constant 0 : i32
      %dma_wait3A_221 = tpu.memref_slice %arg7[%add3A_200, %dma_wait3A_220] : memref<10112x128xf32, #tpu.memory_space<vmem_shared>> -> memref<120x128xf32, #tpu.memory_space<vmem_shared>>
      %dma_wait3A_222 = arith.constant 0 : i32
      %dma_wait3A_223 = arith.constant 0 : i32
      %dma_wait3A_224 = tpu.memref_slice %arg8[%dma_wait3A_222, %dma_wait3A_223] : memref<120x128xf32, #tpu.memory_space<vmem>> -> memref<120x128xf32, #tpu.memory_space<vmem>>
      %dma_wait3A_225 = arith.constant 0 : i32
      %dma_wait3A_226 = tpu.memref_slice %arg7[%add3A_200, %dma_wait3A_225] : memref<10112x128xf32, #tpu.memory_space<vmem_shared>> -> memref<120x128xf32, #tpu.memory_space<vmem_shared>>
      tpu.wait_dma2 semaphore(%run_scoped3A : memref<!tpu.dma_semaphore, #tpu.memory_space<semaphore_mem>>) src(%dma_wait3A_226 : memref<120x128xf32, #tpu.memory_space<vmem_shared>>) dst(%dma_wait3A_224 : memref<120x128xf32, #tpu.memory_space<vmem>>)
      tpu.yield
    }) : () -> ()
    %add3A_201 = arith.constant 480 : i32
    %add3A_202 = arith.addi %mul3A_2, %add3A_201 : i32
    "tpu.region"() ({
      %run_scoped3A = tpu.sem_alloc : memref<!tpu.dma_semaphore, #tpu.memory_space<semaphore_mem>>
      %dma_start3A_207 = arith.constant 0 : i32
      %dma_start3A_208 = arith.constant 0 : i32
      %dma_start3A_209 = tpu.memref_slice %arg8[%dma_start3A_207, %dma_start3A_208] : memref<120x128xf32, #tpu.memory_space<vmem>> -> memref<120x128xf32, #tpu.memory_space<vmem>>
      %dma_start3A_210 = arith.constant 0 : i32
      %dma_start3A_211 = tpu.memref_slice %arg6[%arg0, %add3A_202, %dma_start3A_210] : memref<2x10112x128xf32, #tpu.memory_space<hbm>> -> memref<1x120x128xf32, #tpu.memory_space<hbm>>
      %dma_start3A_212 = tpu.memref_squeeze %dma_start3A_211 : memref<1x120x128xf32, #tpu.memory_space<hbm>> -> memref<120x128xf32, #tpu.memory_space<hbm>>
      %dma_start3A_213 = arith.constant 0 : i32
      %dma_start3A_214 = tpu.memref_slice %arg6[%arg0, %add3A_202, %dma_start3A_213] : memref<2x10112x128xf32, #tpu.memory_space<hbm>> -> memref<1x120x128xf32, #tpu.memory_space<hbm>>
      %dma_start3A_215 = tpu.memref_squeeze %dma_start3A_214 : memref<1x120x128xf32, #tpu.memory_space<hbm>> -> memref<120x128xf32, #tpu.memory_space<hbm>>
      %dma_start3A_216 = arith.constant 0 : i32
      %dma_start3A_217 = arith.constant 0 : i32
      %dma_start3A_218 = tpu.memref_slice %arg8[%dma_start3A_216, %dma_start3A_217] : memref<120x128xf32, #tpu.memory_space<vmem>> -> memref<120x128xf32, #tpu.memory_space<vmem>>
      tpu.enqueue_dma source(%dma_start3A_218 : memref<120x128xf32, #tpu.memory_space<vmem>>) target(%dma_start3A_215 : memref<120x128xf32, #tpu.memory_space<hbm>>) target_semaphore(%run_scoped3A : memref<!tpu.dma_semaphore, #tpu.memory_space<semaphore_mem>>)
      %dma_wait3A_219 = arith.constant 0 : i32
      %dma_wait3A_220 = arith.constant 0 : i32
      %dma_wait3A_221 = tpu.memref_slice %arg8[%dma_wait3A_219, %dma_wait3A_220] : memref<120x128xf32, #tpu.memory_space<vmem>> -> memref<120x128xf32, #tpu.memory_space<vmem>>
      %dma_wait3A_222 = arith.constant 0 : i32
      %dma_wait3A_223 = tpu.memref_slice %arg6[%arg0, %add3A_202, %dma_wait3A_222] : memref<2x10112x128xf32, #tpu.memory_space<hbm>> -> memref<1x120x128xf32, #tpu.memory_space<hbm>>
      %dma_wait3A_224 = tpu.memref_squeeze %dma_wait3A_223 : memref<1x120x128xf32, #tpu.memory_space<hbm>> -> memref<120x128xf32, #tpu.memory_space<hbm>>
      %dma_wait3A_225 = arith.constant 0 : i32
      %dma_wait3A_226 = tpu.memref_slice %arg6[%arg0, %add3A_202, %dma_wait3A_225] : memref<2x10112x128xf32, #tpu.memory_space<hbm>> -> memref<1x120x128xf32, #tpu.memory_space<hbm>>
      %dma_wait3A_227 = tpu.memref_squeeze %dma_wait3A_226 : memref<1x120x128xf32, #tpu.memory_space<hbm>> -> memref<120x128xf32, #tpu.memory_space<hbm>>
      %dma_wait3A_228 = arith.constant 0 : i32
      %dma_wait3A_229 = arith.constant 0 : i32
      %dma_wait3A_230 = tpu.memref_slice %arg8[%dma_wait3A_228, %dma_wait3A_229] : memref<120x128xf32, #tpu.memory_space<vmem>> -> memref<120x128xf32, #tpu.memory_space<vmem>>
      tpu.wait_dma2 semaphore(%run_scoped3A : memref<!tpu.dma_semaphore, #tpu.memory_space<semaphore_mem>>) src(%dma_wait3A_230 : memref<120x128xf32, #tpu.memory_space<vmem>>) dst(%dma_wait3A_227 : memref<120x128xf32, #tpu.memory_space<hbm>>)
      tpu.yield
    }) : () -> ()
    %add3A_203 = arith.constant 600 : i32
    %add3A_204 = arith.addi %mul3A_2, %add3A_203 : i32
    "tpu.region"() ({
      %run_scoped3A = tpu.sem_alloc : memref<!tpu.dma_semaphore, #tpu.memory_space<semaphore_mem>>
      %dma_start3A_207 = arith.constant 0 : i32
      %dma_start3A_208 = arith.constant 0 : i32
      %dma_start3A_209 = tpu.memref_slice %arg8[%dma_start3A_207, %dma_start3A_208] : memref<120x128xf32, #tpu.memory_space<vmem>> -> memref<32x128xf32, #tpu.memory_space<vmem>>
      %dma_start3A_210 = arith.constant 0 : i32
      %dma_start3A_211 = tpu.memref_slice %arg7[%add3A_204, %dma_start3A_210] : memref<10112x128xf32, #tpu.memory_space<vmem_shared>> -> memref<32x128xf32, #tpu.memory_space<vmem_shared>>
      %dma_start3A_212 = arith.constant 0 : i32
      %dma_start3A_213 = arith.constant 0 : i32
      %dma_start3A_214 = tpu.memref_slice %arg8[%dma_start3A_212, %dma_start3A_213] : memref<120x128xf32, #tpu.memory_space<vmem>> -> memref<32x128xf32, #tpu.memory_space<vmem>>
      %dma_start3A_215 = arith.constant 0 : i32
      %dma_start3A_216 = tpu.memref_slice %arg7[%add3A_204, %dma_start3A_215] : memref<10112x128xf32, #tpu.memory_space<vmem_shared>> -> memref<32x128xf32, #tpu.memory_space<vmem_shared>>
      tpu.enqueue_dma source(%dma_start3A_216 : memref<32x128xf32, #tpu.memory_space<vmem_shared>>) target(%dma_start3A_214 : memref<32x128xf32, #tpu.memory_space<vmem>>) target_semaphore(%run_scoped3A : memref<!tpu.dma_semaphore, #tpu.memory_space<semaphore_mem>>)
      %dma_wait3A_217 = arith.constant 0 : i32
      %dma_wait3A_218 = arith.constant 0 : i32
      %dma_wait3A_219 = tpu.memref_slice %arg8[%dma_wait3A_217, %dma_wait3A_218] : memref<120x128xf32, #tpu.memory_space<vmem>> -> memref<32x128xf32, #tpu.memory_space<vmem>>
      %dma_wait3A_220 = arith.constant 0 : i32
      %dma_wait3A_221 = tpu.memref_slice %arg7[%add3A_204, %dma_wait3A_220] : memref<10112x128xf32, #tpu.memory_space<vmem_shared>> -> memref<32x128xf32, #tpu.memory_space<vmem_shared>>
      %dma_wait3A_222 = arith.constant 0 : i32
      %dma_wait3A_223 = arith.constant 0 : i32
      %dma_wait3A_224 = tpu.memref_slice %arg8[%dma_wait3A_222, %dma_wait3A_223] : memref<120x128xf32, #tpu.memory_space<vmem>> -> memref<32x128xf32, #tpu.memory_space<vmem>>
      %dma_wait3A_225 = arith.constant 0 : i32
      %dma_wait3A_226 = tpu.memref_slice %arg7[%add3A_204, %dma_wait3A_225] : memref<10112x128xf32, #tpu.memory_space<vmem_shared>> -> memref<32x128xf32, #tpu.memory_space<vmem_shared>>
      tpu.wait_dma2 semaphore(%run_scoped3A : memref<!tpu.dma_semaphore, #tpu.memory_space<semaphore_mem>>) src(%dma_wait3A_226 : memref<32x128xf32, #tpu.memory_space<vmem_shared>>) dst(%dma_wait3A_224 : memref<32x128xf32, #tpu.memory_space<vmem>>)
      tpu.yield
    }) : () -> ()
    %add3A_205 = arith.constant 600 : i32
    %add3A_206 = arith.addi %mul3A_2, %add3A_205 : i32
    "tpu.region"() ({
      %run_scoped3A = tpu.sem_alloc : memref<!tpu.dma_semaphore, #tpu.memory_space<semaphore_mem>>
      %dma_start3A_207 = arith.constant 0 : i32
      %dma_start3A_208 = arith.constant 0 : i32
      %dma_start3A_209 = tpu.memref_slice %arg8[%dma_start3A_207, %dma_start3A_208] : memref<120x128xf32, #tpu.memory_space<vmem>> -> memref<32x128xf32, #tpu.memory_space<vmem>>
      %dma_start3A_210 = arith.constant 0 : i32
      %dma_start3A_211 = tpu.memref_slice %arg6[%arg0, %add3A_206, %dma_start3A_210] : memref<2x10112x128xf32, #tpu.memory_space<hbm>> -> memref<1x32x128xf32, #tpu.memory_space<hbm>>
      %dma_start3A_212 = tpu.memref_squeeze %dma_start3A_211 : memref<1x32x128xf32, #tpu.memory_space<hbm>> -> memref<32x128xf32, #tpu.memory_space<hbm>>
      %dma_start3A_213 = arith.constant 0 : i32
      %dma_start3A_214 = tpu.memref_slice %arg6[%arg0, %add3A_206, %dma_start3A_213] : memref<2x10112x128xf32, #tpu.memory_space<hbm>> -> memref<1x32x128xf32, #tpu.memory_space<hbm>>
      %dma_start3A_215 = tpu.memref_squeeze %dma_start3A_214 : memref<1x32x128xf32, #tpu.memory_space<hbm>> -> memref<32x128xf32, #tpu.memory_space<hbm>>
      %dma_start3A_216 = arith.constant 0 : i32
      %dma_start3A_217 = arith.constant 0 : i32
      %dma_start3A_218 = tpu.memref_slice %arg8[%dma_start3A_216, %dma_start3A_217] : memref<120x128xf32, #tpu.memory_space<vmem>> -> memref<32x128xf32, #tpu.memory_space<vmem>>
      tpu.enqueue_dma source(%dma_start3A_218 : memref<32x128xf32, #tpu.memory_space<vmem>>) target(%dma_start3A_215 : memref<32x128xf32, #tpu.memory_space<hbm>>) target_semaphore(%run_scoped3A : memref<!tpu.dma_semaphore, #tpu.memory_space<semaphore_mem>>)
      %dma_wait3A_219 = arith.constant 0 : i32
      %dma_wait3A_220 = arith.constant 0 : i32
      %dma_wait3A_221 = tpu.memref_slice %arg8[%dma_wait3A_219, %dma_wait3A_220] : memref<120x128xf32, #tpu.memory_space<vmem>> -> memref<32x128xf32, #tpu.memory_space<vmem>>
      %dma_wait3A_222 = arith.constant 0 : i32
      %dma_wait3A_223 = tpu.memref_slice %arg6[%arg0, %add3A_206, %dma_wait3A_222] : memref<2x10112x128xf32, #tpu.memory_space<hbm>> -> memref<1x32x128xf32, #tpu.memory_space<hbm>>
      %dma_wait3A_224 = tpu.memref_squeeze %dma_wait3A_223 : memref<1x32x128xf32, #tpu.memory_space<hbm>> -> memref<32x128xf32, #tpu.memory_space<hbm>>
      %dma_wait3A_225 = arith.constant 0 : i32
      %dma_wait3A_226 = tpu.memref_slice %arg6[%arg0, %add3A_206, %dma_wait3A_225] : memref<2x10112x128xf32, #tpu.memory_space<hbm>> -> memref<1x32x128xf32, #tpu.memory_space<hbm>>
      %dma_wait3A_227 = tpu.memref_squeeze %dma_wait3A_226 : memref<1x32x128xf32, #tpu.memory_space<hbm>> -> memref<32x128xf32, #tpu.memory_space<hbm>>
      %dma_wait3A_228 = arith.constant 0 : i32
      %dma_wait3A_229 = arith.constant 0 : i32
      %dma_wait3A_230 = tpu.memref_slice %arg8[%dma_wait3A_228, %dma_wait3A_229] : memref<120x128xf32, #tpu.memory_space<vmem>> -> memref<32x128xf32, #tpu.memory_space<vmem>>
      tpu.wait_dma2 semaphore(%run_scoped3A : memref<!tpu.dma_semaphore, #tpu.memory_space<semaphore_mem>>) src(%dma_wait3A_230 : memref<32x128xf32, #tpu.memory_space<vmem>>) dst(%dma_wait3A_227 : memref<32x128xf32, #tpu.memory_space<hbm>>)
      tpu.yield
    }) : () -> ()
    return
  }
}

module attributes {stable_mosaic.version = 14 : i64} {
  func.func @sage_lin(%arg0: i32, %arg1: memref<1x2000x128xf32, #tpu.memory_space<vmem>>, %arg2: memref<1x2000x128xf32, #tpu.memory_space<vmem>>, %arg3: memref<1x2000x128xf32, #tpu.memory_space<vmem>>, %arg4: memref<1x2000x128xf32, #tpu.memory_space<vmem>>, %arg5: memref<2000x128xf32, #tpu.memory_space<vmem>>, %arg6: memref<128x128xf32, #tpu.memory_space<vmem>>, %arg7: memref<128x128xf32, #tpu.memory_space<vmem>>, %arg8: memref<1x128xf32, #tpu.memory_space<vmem>>, %arg9: memref<2000x128xf32, #tpu.memory_space<vmem>>) attributes {dimension_semantics = [#tpu.dimension_semantics<arbitrary>], iteration_bounds = array<i64: 5>, scalar_prefetch = 0 : i64, scratch_operands = 0 : i64, tpu.core_type = #tpu.core_type<tc>, window_params = [{transform_indices = @transform_0, window_bounds = array<i64: 1, 2000, 128>}, {transform_indices = @transform_1, window_bounds = array<i64: 1, 2000, 128>}, {transform_indices = @transform_2, window_bounds = array<i64: 1, 2000, 128>}, {transform_indices = @transform_3, window_bounds = array<i64: 1, 2000, 128>}, {transform_indices = @transform_4, window_bounds = array<i64: 2000, 128>}, {pipeline_mode = #tpu.pipeline_mode<synchronous>, transform_indices = @transform_5, window_bounds = array<i64: 128, 128>}, {pipeline_mode = #tpu.pipeline_mode<synchronous>, transform_indices = @transform_6, window_bounds = array<i64: 128, 128>}, {pipeline_mode = #tpu.pipeline_mode<synchronous>, transform_indices = @transform_7, window_bounds = array<i64: 1, 128>}, {transform_indices = @transform_8, window_bounds = array<i64: 2000, 128>}]} {
    %get3A = arith.constant 0 : index
    %get3A_0 = arith.constant 0 : index
    %get3A_1 = arith.constant 0 : index
    %get3A_2 = vector.load %arg3[%get3A, %get3A_0, %get3A_1] : memref<1x2000x128xf32, #tpu.memory_space<vmem>>, vector<1x2000x1xf32>
    %get3A_3 = vector.shape_cast %get3A_2 : vector<1x2000x1xf32> to vector<2000x1xf32>
    %get3A_4 = arith.constant 0 : index
    %get3A_5 = arith.constant 0 : index
    %get3A_6 = arith.constant 0 : index
    %get3A_7 = vector.load %arg4[%get3A_4, %get3A_5, %get3A_6] : memref<1x2000x128xf32, #tpu.memory_space<vmem>>, vector<1x2000x1xf32>
    %get3A_8 = vector.shape_cast %get3A_7 : vector<1x2000x1xf32> to vector<2000x1xf32>
    %add3A = arith.addf %get3A_3, %get3A_8 : vector<2000x1xf32>
    %max3A = arith.constant 1.000000e+00 : f32
    %max3A_9 = vector.broadcast %max3A : f32 to vector<2000x1xf32>
    %max3A_10 = arith.maximumf %add3A, %max3A_9 : vector<2000x1xf32>
    %get3A_11 = arith.constant 0 : index
    %get3A_12 = arith.constant 0 : index
    %get3A_13 = arith.constant 0 : index
    %get3A_14 = vector.load %arg1[%get3A_11, %get3A_12, %get3A_13] : memref<1x2000x128xf32, #tpu.memory_space<vmem>>, vector<1x2000x128xf32>
    %get3A_15 = vector.shape_cast %get3A_14 : vector<1x2000x128xf32> to vector<2000x128xf32>
    %get3A_16 = arith.constant 0 : index
    %get3A_17 = arith.constant 0 : index
    %get3A_18 = arith.constant 0 : index
    %get3A_19 = vector.load %arg2[%get3A_16, %get3A_17, %get3A_18] : memref<1x2000x128xf32, #tpu.memory_space<vmem>>, vector<1x2000x128xf32>
    %get3A_20 = vector.shape_cast %get3A_19 : vector<1x2000x128xf32> to vector<2000x128xf32>
    %add3A_21 = arith.addf %get3A_15, %get3A_20 : vector<2000x128xf32>
    %div3A = vector.broadcast %max3A_10 : vector<2000x1xf32> to vector<2000x128xf32>
    %div3A_22 = arith.divf %add3A_21, %div3A : vector<2000x128xf32>
    %get3A_23 = arith.constant 0 : index
    %get3A_24 = arith.constant 0 : index
    %get3A_25 = vector.load %arg6[%get3A_23, %get3A_24] : memref<128x128xf32, #tpu.memory_space<vmem>>, vector<128x128xf32>
    %dot_general3A = arith.constant dense<0.000000e+00> : vector<2000x128xf32>
    %dot_general3A_26 = tpu.matmul %div3A_22, %get3A_25, %dot_general3A {dimension_numbers = #tpu.dot_dimension_numbers<[1], [0], [0], [1], [0, 0, 1, 1], [], []>, transpose_lhs_hint = false} : vector<2000x128xf32>, vector<128x128xf32>, vector<2000x128xf32> -> vector<2000x128xf32>
    %get3A_27 = arith.constant 0 : index
    %get3A_28 = arith.constant 0 : index
    %get3A_29 = vector.load %arg5[%get3A_27, %get3A_28] : memref<2000x128xf32, #tpu.memory_space<vmem>>, vector<2000x128xf32>
    %get3A_30 = arith.constant 0 : index
    %get3A_31 = arith.constant 0 : index
    %get3A_32 = vector.load %arg7[%get3A_30, %get3A_31] : memref<128x128xf32, #tpu.memory_space<vmem>>, vector<128x128xf32>
    %dot_general3A_33 = arith.constant dense<0.000000e+00> : vector<2000x128xf32>
    %dot_general3A_34 = tpu.matmul %get3A_29, %get3A_32, %dot_general3A_33 {dimension_numbers = #tpu.dot_dimension_numbers<[1], [0], [0], [1], [0, 0, 1, 1], [], []>, transpose_lhs_hint = false} : vector<2000x128xf32>, vector<128x128xf32>, vector<2000x128xf32> -> vector<2000x128xf32>
    %add3A_35 = arith.addf %dot_general3A_26, %dot_general3A_34 : vector<2000x128xf32>
    %get3A_36 = arith.constant 0 : index
    %get3A_37 = arith.constant 0 : index
    %get3A_38 = vector.load %arg8[%get3A_36, %get3A_37] : memref<1x128xf32, #tpu.memory_space<vmem>>, vector<1x128xf32>
    %add3A_39 = vector.broadcast %get3A_38 : vector<1x128xf32> to vector<2000x128xf32>
    %add3A_40 = arith.addf %add3A_35, %add3A_39 : vector<2000x128xf32>
    %swap3A = arith.constant 0 : index
    %swap3A_41 = arith.constant 0 : index
    %swap3A_42 = vector.load %arg9[%swap3A, %swap3A_41] : memref<2000x128xf32, #tpu.memory_space<vmem>>, vector<2000x128xf32>
    tpu.vector_store %arg9[%swap3A, %swap3A_41], %add3A_40 {strides = array<i32>} : memref<2000x128xf32, #tpu.memory_space<vmem>>, vector<2000x128xf32>,
    return
  }
  func.func @transform_0(%arg0: i32) -> (i32, i32, i32) {
    %c0_i32 = arith.constant 0 : i32
    %c0_i32_0 = arith.constant 0 : i32
    %c0_i32_1 = arith.constant 0 : i32
    return %c0_i32, %arg0, %c0_i32_0 : i32, i32, i32
  }
  func.func @transform_1(%arg0: i32) -> (i32, i32, i32) {
    %c1_i32 = arith.constant 1 : i32
    %c0_i32 = arith.constant 0 : i32
    %c0_i32_0 = arith.constant 0 : i32
    return %c1_i32, %arg0, %c0_i32 : i32, i32, i32
  }
  func.func @transform_2(%arg0: i32) -> (i32, i32, i32) {
    %c0_i32 = arith.constant 0 : i32
    %c0_i32_0 = arith.constant 0 : i32
    %c0_i32_1 = arith.constant 0 : i32
    return %c0_i32, %arg0, %c0_i32_0 : i32, i32, i32
  }
  func.func @transform_3(%arg0: i32) -> (i32, i32, i32) {
    %c1_i32 = arith.constant 1 : i32
    %c0_i32 = arith.constant 0 : i32
    %c0_i32_0 = arith.constant 0 : i32
    return %c1_i32, %arg0, %c0_i32 : i32, i32, i32
  }
  func.func @transform_4(%arg0: i32) -> (i32, i32) {
    %c0_i32 = arith.constant 0 : i32
    %c0_i32_0 = arith.constant 0 : i32
    return %arg0, %c0_i32 : i32, i32
  }
  func.func @transform_5(%arg0: i32) -> (i32, i32) {
    %c0_i32 = arith.constant 0 : i32
    %c0_i32_0 = arith.constant 0 : i32
    %c0_i32_1 = arith.constant 0 : i32
    return %c0_i32, %c0_i32_0 : i32, i32
  }
  func.func @transform_6(%arg0: i32) -> (i32, i32) {
    %c0_i32 = arith.constant 0 : i32
    %c0_i32_0 = arith.constant 0 : i32
    %c0_i32_1 = arith.constant 0 : i32
    return %c0_i32, %c0_i32_0 : i32, i32
  }
  func.func @transform_7(%arg0: i32) -> (i32, i32) {
    %c0_i32 = arith.constant 0 : i32
    %c0_i32_0 = arith.constant 0 : i32
    %c0_i32_1 = arith.constant 0 : i32
    return %c0_i32, %c0_i32_0 : i32, i32
  }
  func.func @transform_8(%arg0: i32) -> (i32, i32) {
    %c0_i32 = arith.constant 0 : i32
    %c0_i32_0 = arith.constant 0 : i32
    return %arg0, %c0_i32 : i32, i32
  }
}

module attributes {stable_mosaic.version = 14 : i64} {
  func.func @sage_lin_relu(%arg0: i32, %arg1: memref<1x2000x128xf32, #tpu.memory_space<vmem>>, %arg2: memref<1x2000x128xf32, #tpu.memory_space<vmem>>, %arg3: memref<1x2000x128xf32, #tpu.memory_space<vmem>>, %arg4: memref<1x2000x128xf32, #tpu.memory_space<vmem>>, %arg5: memref<2000x128xf32, #tpu.memory_space<vmem>>, %arg6: memref<128x128xf32, #tpu.memory_space<vmem>>, %arg7: memref<128x128xf32, #tpu.memory_space<vmem>>, %arg8: memref<1x128xf32, #tpu.memory_space<vmem>>, %arg9: memref<2000x128xf32, #tpu.memory_space<vmem>>) attributes {dimension_semantics = [#tpu.dimension_semantics<arbitrary>], iteration_bounds = array<i64: 5>, scalar_prefetch = 0 : i64, scratch_operands = 0 : i64, tpu.core_type = #tpu.core_type<tc>, window_params = [{transform_indices = @transform_0, window_bounds = array<i64: 1, 2000, 128>}, {transform_indices = @transform_1, window_bounds = array<i64: 1, 2000, 128>}, {transform_indices = @transform_2, window_bounds = array<i64: 1, 2000, 128>}, {transform_indices = @transform_3, window_bounds = array<i64: 1, 2000, 128>}, {transform_indices = @transform_4, window_bounds = array<i64: 2000, 128>}, {pipeline_mode = #tpu.pipeline_mode<synchronous>, transform_indices = @transform_5, window_bounds = array<i64: 128, 128>}, {pipeline_mode = #tpu.pipeline_mode<synchronous>, transform_indices = @transform_6, window_bounds = array<i64: 128, 128>}, {pipeline_mode = #tpu.pipeline_mode<synchronous>, transform_indices = @transform_7, window_bounds = array<i64: 1, 128>}, {transform_indices = @transform_8, window_bounds = array<i64: 2000, 128>}]} {
    %get3A = arith.constant 0 : index
    %get3A_0 = arith.constant 0 : index
    %get3A_1 = arith.constant 0 : index
    %get3A_2 = vector.load %arg3[%get3A, %get3A_0, %get3A_1] : memref<1x2000x128xf32, #tpu.memory_space<vmem>>, vector<1x2000x1xf32>
    %get3A_3 = vector.shape_cast %get3A_2 : vector<1x2000x1xf32> to vector<2000x1xf32>
    %get3A_4 = arith.constant 0 : index
    %get3A_5 = arith.constant 0 : index
    %get3A_6 = arith.constant 0 : index
    %get3A_7 = vector.load %arg4[%get3A_4, %get3A_5, %get3A_6] : memref<1x2000x128xf32, #tpu.memory_space<vmem>>, vector<1x2000x1xf32>
    %get3A_8 = vector.shape_cast %get3A_7 : vector<1x2000x1xf32> to vector<2000x1xf32>
    %add3A = arith.addf %get3A_3, %get3A_8 : vector<2000x1xf32>
    %max3A = arith.constant 1.000000e+00 : f32
    %max3A_9 = vector.broadcast %max3A : f32 to vector<2000x1xf32>
    %max3A_10 = arith.maximumf %add3A, %max3A_9 : vector<2000x1xf32>
    %get3A_11 = arith.constant 0 : index
    %get3A_12 = arith.constant 0 : index
    %get3A_13 = arith.constant 0 : index
    %get3A_14 = vector.load %arg1[%get3A_11, %get3A_12, %get3A_13] : memref<1x2000x128xf32, #tpu.memory_space<vmem>>, vector<1x2000x128xf32>
    %get3A_15 = vector.shape_cast %get3A_14 : vector<1x2000x128xf32> to vector<2000x128xf32>
    %get3A_16 = arith.constant 0 : index
    %get3A_17 = arith.constant 0 : index
    %get3A_18 = arith.constant 0 : index
    %get3A_19 = vector.load %arg2[%get3A_16, %get3A_17, %get3A_18] : memref<1x2000x128xf32, #tpu.memory_space<vmem>>, vector<1x2000x128xf32>
    %get3A_20 = vector.shape_cast %get3A_19 : vector<1x2000x128xf32> to vector<2000x128xf32>
    %add3A_21 = arith.addf %get3A_15, %get3A_20 : vector<2000x128xf32>
    %div3A = vector.broadcast %max3A_10 : vector<2000x1xf32> to vector<2000x128xf32>
    %div3A_22 = arith.divf %add3A_21, %div3A : vector<2000x128xf32>
    %get3A_23 = arith.constant 0 : index
    %get3A_24 = arith.constant 0 : index
    %get3A_25 = vector.load %arg6[%get3A_23, %get3A_24] : memref<128x128xf32, #tpu.memory_space<vmem>>, vector<128x128xf32>
    %dot_general3A = arith.constant dense<0.000000e+00> : vector<2000x128xf32>
    %dot_general3A_26 = tpu.matmul %div3A_22, %get3A_25, %dot_general3A {dimension_numbers = #tpu.dot_dimension_numbers<[1], [0], [0], [1], [0, 0, 1, 1], [], []>, transpose_lhs_hint = false} : vector<2000x128xf32>, vector<128x128xf32>, vector<2000x128xf32> -> vector<2000x128xf32>
    %get3A_27 = arith.constant 0 : index
    %get3A_28 = arith.constant 0 : index
    %get3A_29 = vector.load %arg5[%get3A_27, %get3A_28] : memref<2000x128xf32, #tpu.memory_space<vmem>>, vector<2000x128xf32>
    %get3A_30 = arith.constant 0 : index
    %get3A_31 = arith.constant 0 : index
    %get3A_32 = vector.load %arg7[%get3A_30, %get3A_31] : memref<128x128xf32, #tpu.memory_space<vmem>>, vector<128x128xf32>
    %dot_general3A_33 = arith.constant dense<0.000000e+00> : vector<2000x128xf32>
    %dot_general3A_34 = tpu.matmul %get3A_29, %get3A_32, %dot_general3A_33 {dimension_numbers = #tpu.dot_dimension_numbers<[1], [0], [0], [1], [0, 0, 1, 1], [], []>, transpose_lhs_hint = false} : vector<2000x128xf32>, vector<128x128xf32>, vector<2000x128xf32> -> vector<2000x128xf32>
    %add3A_35 = arith.addf %dot_general3A_26, %dot_general3A_34 : vector<2000x128xf32>
    %get3A_36 = arith.constant 0 : index
    %get3A_37 = arith.constant 0 : index
    %get3A_38 = vector.load %arg8[%get3A_36, %get3A_37] : memref<1x128xf32, #tpu.memory_space<vmem>>, vector<1x128xf32>
    %add3A_39 = vector.broadcast %get3A_38 : vector<1x128xf32> to vector<2000x128xf32>
    %add3A_40 = arith.addf %add3A_35, %add3A_39 : vector<2000x128xf32>
    %max3A_41 = arith.constant 0.000000e+00 : f32
    %max3A_42 = vector.broadcast %max3A_41 : f32 to vector<2000x128xf32>
    %max3A_43 = arith.maximumf %add3A_40, %max3A_42 : vector<2000x128xf32>
    %swap3A = arith.constant 0 : index
    %swap3A_44 = arith.constant 0 : index
    %swap3A_45 = vector.load %arg9[%swap3A, %swap3A_44] : memref<2000x128xf32, #tpu.memory_space<vmem>>, vector<2000x128xf32>
    tpu.vector_store %arg9[%swap3A, %swap3A_44], %max3A_43 {strides = array<i32>} : memref<2000x128xf32, #tpu.memory_space<vmem>>, vector<2000x128xf32>,
    return
  }
  func.func @transform_0(%arg0: i32) -> (i32, i32, i32) {
    %c0_i32 = arith.constant 0 : i32
    %c0_i32_0 = arith.constant 0 : i32
    %c0_i32_1 = arith.constant 0 : i32
    return %c0_i32, %arg0, %c0_i32_0 : i32, i32, i32
  }
  func.func @transform_1(%arg0: i32) -> (i32, i32, i32) {
    %c1_i32 = arith.constant 1 : i32
    %c0_i32 = arith.constant 0 : i32
    %c0_i32_0 = arith.constant 0 : i32
    return %c1_i32, %arg0, %c0_i32 : i32, i32, i32
  }
  func.func @transform_2(%arg0: i32) -> (i32, i32, i32) {
    %c0_i32 = arith.constant 0 : i32
    %c0_i32_0 = arith.constant 0 : i32
    %c0_i32_1 = arith.constant 0 : i32
    return %c0_i32, %arg0, %c0_i32_0 : i32, i32, i32
  }
  func.func @transform_3(%arg0: i32) -> (i32, i32, i32) {
    %c1_i32 = arith.constant 1 : i32
    %c0_i32 = arith.constant 0 : i32
    %c0_i32_0 = arith.constant 0 : i32
    return %c1_i32, %arg0, %c0_i32 : i32, i32, i32
  }
  func.func @transform_4(%arg0: i32) -> (i32, i32) {
    %c0_i32 = arith.constant 0 : i32
    %c0_i32_0 = arith.constant 0 : i32
    return %arg0, %c0_i32 : i32, i32
  }
  func.func @transform_5(%arg0: i32) -> (i32, i32) {
    %c0_i32 = arith.constant 0 : i32
    %c0_i32_0 = arith.constant 0 : i32
    %c0_i32_1 = arith.constant 0 : i32
    return %c0_i32, %c0_i32_0 : i32, i32
  }
  func.func @transform_6(%arg0: i32) -> (i32, i32) {
    %c0_i32 = arith.constant 0 : i32
    %c0_i32_0 = arith.constant 0 : i32
    %c0_i32_1 = arith.constant 0 : i32
    return %c0_i32, %c0_i32_0 : i32, i32
  }
  func.func @transform_7(%arg0: i32) -> (i32, i32) {
    %c0_i32 = arith.constant 0 : i32
    %c0_i32_0 = arith.constant 0 : i32
    %c0_i32_1 = arith.constant 0 : i32
    return %c0_i32, %c0_i32_0 : i32, i32
  }
  func.func @transform_8(%arg0: i32) -> (i32, i32) {
    %c0_i32 = arith.constant 0 : i32
    %c0_i32_0 = arith.constant 0 : i32
    return %arg0, %c0_i32 : i32, i32
  }
}

</mosaic_0001>

<sc_bundles>
// kernel: sage_agg.3.cloned.1.call-start
scs
__scs_entry_jumppad:
0x0: {  	(pc) =	sbr.rel $0x88, $3  }
0x1: {  	(tag) =	ssettag $0x0;
	lr =	simm.s32 $0x1  }
0x2: {  	[smem:$0x3F99] =	sst lr;
	_ =	strace $0xD0000000  }
0x3: {  	_ = 	snop  }
0x4: {  	_ = 	snop  }
0x5: {  	_ = 	snop  }
0x6: {  	_ = 	snop  }
0x7: {  	_ = 	snop  }
__scs_overlays_trampoline_lowered:
0x8: {  	[smem:$0x3FA8] =	sst s0  }
0x9: {  	[smem:$0x3FA9] =	sst s1  }
0xa: {  	[smem:$0x3FAA] =	sst s2  }
0xb: {  	[smem:$0x3FAB] =	sst s3  }
0xc: {  	[smem:$0x3FAC] =	sst s4  }
0xd: {  	[smem:$0x3FAD] =	sst s5  }
0xe: {  	[smem:$0x3FAE] =	sst s6  }
0xf: {  	[smem:$0x3FAF] =	sst s7  }
0x10: {  	[smem:$0x3FB0] =	sst s8  }
0x11: {  	[smem:$0x3FB1] =	sst s9;
	s0 =	simm.s32 @!p0 $0x0  }
0x12: {  	s1 =	sld [smem:$0x3F97];
	s0 =	simm.s32 @p0 $0x1  }
0x13: {  	[smem:$0x3FB2] =	sst s0;
	s0 =	simm.s32 @!p1 $0x0  }
0x14: {  	s2 =	sld [smem:$0x3F96];
	s0 =	simm.s32 @p1 $0x1  }
0x15: {  	[smem:$0x3FB3] =	sst s0;
	s0 =	simm.s32 @!p2 $0x0  }
0x16: {  	s3 =	sld [smem:$0x3FDB];
	s0 =	simm.s32 @p2 $0x1  }
0x17: {  	s4 =	simm.s32 $0x1BF5;
	[smem:$0x3FB5] =	sst s0  }
0x18: {  	s0 =	sld [smem:$0x3F98];
	_ =	swait.ge [sflag:s4], $0x0  }
0x19: {  	s7 =	sld [smem:$0x3F99]  }
0x1a: {  	s8 =	sadd.s32 $0xFFFFE003, lr  }
0x1b: {  	s9 =	sadd.s32 $0xFFFFFEF7, lr;
	s5 =	simm.s32 $0xFFFFFFFF;
	p2 =	slt.u32 s8, $0xFFFFF086  }
0x1c: {  	p1 =	slt.u32 s9, $0xF7A;
	s5 =	simm.s32 @!p2 $0x0  }
0x1d: {  	s5 =	simm.s32 @p1 $0x1;
	p0 =	seq.s32 s7, s2  }
0x1e: {  	s7 =	smul.u32 @!p0 $0xF7A, s2;
	p2 =	seq.s32 @!p0 s5, $0x0  }
0x1f: {  	s9 =	smul.u32 $0xF7A, s1;
	s8 =	simm.s32 @!p0 $0x1BF5;
	p2 =	por !p2, p0  }
0x20: {  	[sflag:s8] =	ssyncset.s32 @!p0 $0xFFFFF086;
	s6 =	sadd.s32 @!p0 s3, s7;
	s7 =	simm.s32 @!p0 $0x108  }
0x21: {  	s3 =	sadd.s32 s3, s9;
	s6 =	sadd.s32 @!p0 $0x88, s6;
	s7 =	simm.s32 @p2 $0x1082  }
0x22: {  	[simem:s7], [sflag:s8] =	dma.local @!p0 [hbm:s6], $0xF7A  }
0x23: {  	s9 =	sor.u32 $0xD0000000, s2;
	s6 =	simm.s32 $0x108;
	_ =	swait.ge @!p0 [sflag:s8], $0x0  }
0x24: {  	s3 =	sadd.s32 $0x88, s3;
	s6 =	simm.s32 @!p1 $0x1082;
	[sflag:s4] =	ssyncset.s32 $0xFFFFF086  }
0x25: {  	[simem:s6], [sflag:s4] =	dma.local [hbm:s3], $0xF7A  }
0x26: {  	[smem:$0x3F99] =	sst s1;
	(tag) =	ssettag s2;
	_ =	strace s9  }
0x27: {  	s1 =	sld [smem:$0x3FA9]  }
0x28: {  	s2 =	sld [smem:$0x3FAA]  }
0x29: {  	s4 =	sld [smem:$0x3FAC]  }
0x2a: {  	p0 =	seq.s32 s5, $0x0;
	s5 =	sld [smem:$0x3FAD]  }
0x2b: {  	s6 =	sld [smem:$0x3FAE]  }
0x2c: {  	s7 =	sld [smem:$0x3FAF]  }
0x2d: {  	s3 =	simm.s32 $0x108;
	s8 =	sld [smem:$0x3FB0]  }
0x2e: {  	s3 =	simm.s32 @!p0 $0x1082;
	s9 =	sld [smem:$0x3FB1]  }
0x2f: {  	lr =	sadd.s32 s0, s3;
	s0 =	sld [smem:$0x3FA8]  }
0x30: {  	s3 =	sld [smem:$0x3FAB]  }
0x31: {  	[smem:$0x3FB4] =	sst s10  }
0x32: {  	s10 =	sld [smem:$0x3FB2];
	_ =	sdelay $0x3  }
0x33: {  	p0 =	seq.s32 s10, $0x1;
	s10 =	sld [smem:$0x3FB4];
	_ =	sdelay $0x3  }
0x34: {  	[smem:$0x3FB4] =	sst s10  }
0x35: {  	s10 =	sld [smem:$0x3FB3];
	_ =	sdelay $0x3  }
0x36: {  	p1 =	seq.s32 s10, $0x1;
	s10 =	sld [smem:$0x3FB4];
	_ =	sdelay $0x3  }
0x37: {  	[smem:$0x3FB4] =	sst s10  }
0x38: {  	s10 =	sld [smem:$0x3FB5]  }
0x39: {  	_ = 	snop;
	(pc) =	sbr.ind lr, $3  }
0x3a: {  	_ = 	snop  }
0x3b: {  	_ = 	snop  }
0x3c: {  	p2 =	seq.s32 s10, $0x1;
	s10 =	sld [smem:$0x3FB4]  }
0x3d: {  	_ =	shalt  }
0x3e: {  	_ =	shalt  }
0x3f: {  	_ =	shalt  }
0x40: {  	_ =	shalt  }
0x41: {  	_ =	shalt  }
0x42: {  	_ =	shalt  }
0x43: {  	_ =	shalt  }
0x44: {  	_ =	shalt  }
0x45: {  	_ =	shalt  }
0x46: {  	_ =	shalt  }
0x47: {  	_ =	shalt  }
0x48: {  	_ =	shalt  }
0x49: {  	_ =	shalt  }
0x4a: {  	_ =	shalt  }
0x4b: {  	_ =	shalt  }
0x4c: {  	_ =	shalt  }
0x4d: {  	_ =	shalt  }
0x4e: {  	_ =	shalt  }
0x4f: {  	_ =	shalt  }
0x50: {  	_ =	shalt  }
0x51: {  	_ =	shalt  }
0x52: {  	_ =	shalt  }
0x53: {  	_ =	shalt  }
0x54: {  	_ =	shalt  }
0x55: {  	_ =	shalt  }
0x56: {  	_ =	shalt  }
0x57: {  	_ =	shalt  }
0x58: {  	_ =	shalt  }
0x59: {  	_ =	shalt  }
0x5a: {  	_ =	shalt  }
0x5b: {  	_ =	shalt  }
0x5c: {  	_ =	shalt  }
0x5d: {  	_ =	shalt  }
0x5e: {  	_ =	shalt  }
0x5f: {  	_ =	shalt  }
0x60: {  	_ =	shalt  }
0x61: {  	_ =	shalt  }
0x62: {  	_ =	shalt  }
0x63: {  	_ =	shalt  }
0x64: {  	_ =	shalt  }
0x65: {  	_ =	shalt  }
0x66: {  	_ =	shalt  }
0x67: {  	_ =	shalt  }
0x68: {  	_ =	shalt  }
0x69: {  	_ =	shalt  }
0x6a: {  	_ =	shalt  }
0x6b: {  	_ =	shalt  }
0x6c: {  	_ =	shalt  }
0x6d: {  	_ =	shalt  }
0x6e: {  	_ =	shalt  }
0x6f: {  	_ =	shalt  }
0x70: {  	_ =	shalt  }
0x71: {  	_ =	shalt  }
0x72: {  	_ =	shalt  }
0x73: {  	_ =	shalt  }
0x74: {  	_ =	shalt  }
0x75: {  	_ =	shalt  }
0x76: {  	_ =	shalt  }
0x77: {  	_ =	shalt  }
0x78: {  	_ =	shalt  }
0x79: {  	_ =	shalt  }
0x7a: {  	_ =	shalt  }
0x7b: {  	_ =	shalt  }
0x7c: {  	_ =	shalt  }
0x7d: {  	_ =	shalt  }
0x7e: {  	_ =	shalt  }
0x7f: {  	_ =	shalt  }
0x80: {  	_ =	shalt  }
0x81: {  	_ =	shalt  }
0x82: {  	_ =	shalt  }
0x83: {  	_ =	shalt  }
0x84: {  	_ =	shalt  }
0x85: {  	_ =	shalt  }
0x86: {  	_ =	shalt  }
0x87: {  	_ =	shalt  }
.Lfunc_end0:
.L_simem_size_0:
called_computation.1_lowered:
.L_overlay_start_0:
0x88: {  	s2 =	sld [smem:$0x3FD9]  }
0x89: {  	s3 =	sld [smem:$0x3FFE];
	_ =	sdelay $0x1  }
0x8a: {  	s1 =	srdreg.scid  }
0x8b: {  	s0 =	sand.u32 $0x1, s1  }
0x8c: {  	s17 =	sshll.u32 s0, $0xA;
	s2 =	sadd.s32 s3, s2  }
0x8d: {  	s2 =	sadd.s32 s2, s17  }
0x8e: {  	[smem:$0x3FC0] =	sst s2  }
0x8f: {  	_ = 	snop  }
0x90: {  	s2 =	sld [smem:$0x3FD0];
	(tm) =	ssettm $0x1  }
0x91: {  	s18 =	sld [smem:$0x3FFB];
	_ =	sdelay $0x3  }
0x92: {  	_ =	strace s18  }
0x93: {  	s3 =	sld [smem:$0x3FFC];
	_ =	sdelay $0x3  }
0x94: {  	_ =	strace s3  }
0x95: {  	s3 =	sld [smem:$0x3FFD];
	_ =	sdelay $0x3  }
0x96: {  	_ =	strace s3  }
0x97: {  	_ =	strace $0x8FFFFFFF  }
0x98: {  	s19 =	sld [smem:$0x3FDB];
	_ =	sdelay $0x1  }
0x99: {  	s4 =	simm.s32 $_scs_section_size  }
0x9a: {  	s5 =	simm.s32 $_size__tile_overlayer_lowered;
	s6 =	simm.s32 $_tile_overlayer_lowered  }
0x9b: {  	s22 =	simm.s32 $0x1BFF;
	s21 =	sshll.u32 s6, $0x1;
	s3 =	sadd.s32 s4, s19  }
0x9c: {  	s7 =	simm.s32 $0x0;
	s20 =	sshll.u32 s5, $0x1;
	s5 =	sadd.s32 s21, s3  }
0x9d: {  	[timem:s7], [sflag:s22] =	dma.local [hbm:s5], s20  }
0x9e: {  	_ =	swait.ge [sflag:s22], s20  }
0x9f: {  	s4 =	ssub.s32 $0x0, s20;
	[sflag:s22] =	ssyncset.done $0x0  }
0xa0: {  	[sflag:s22] =	ssyncadd.s32 s4;
	_ =	sdelay $0x1  }
0xa1: {  	s23 =	simm.s32 $0x1B8B  }
0xa2: {  	_ =	swait.ge [sflag:s23], $0x1  }
0xa3: {  	[sflag:s23] =	ssyncset.done $0x0  }
0xa4: {  	s25 =	simm.s32 $0x1B8E;
	s24 =	sld [smem:$0x3FFE];
	[sflag:s23] =	ssyncadd.s32 $0xFFFFFFFF  }
0xa5: {  	s26 =	simm.s32 $execute0_lowered;
	[smem:$0x3FD2] =	sst s25  }
0xa6: {  	s5 =	sshll.u32 s26, $0x1;
	_ =	strace $0x80000049;
	[dreg:$0x1] =	wrdreg $0xFFFFFFFF  }
0xa7: {  	s28 =	simm.s32 $_size_execute0_lowered;
	s3 =	sadd.s32 s3, s5;
	[dreg:$0x0] =	wrdreg $0x0  }
0xa8: {  	s5 =	sshll.u32 s28, $0x1;
	[dreg:$0x2] =	wrdreg s3  }
0xa9: {  	[dreg:$0x3] =	wrdreg s5  }
0xaa: {  	[dreg:$0x4] =	wrdreg $0xC0  }
0xab: {  	_ =	task [dreg:s7], $0x5FFFF  }
0xac: {  	[dreg:$0x1] =	wrdreg $0xFFFFFFFF  }
0xad: {  	[dreg:$0x0] =	wrdreg $0x60  }
0xae: {  	[dreg:$0x2] =	wrdreg s2  }
0xaf: {  	[dreg:$0x3] =	wrdreg s24  }
0xb0: {  	[dreg:$0x4] =	wrdreg $0x0  }
0xb1: {  	[dreg:$0x5] =	wrdreg $0x9  }
0xb2: {  	_ =	task.clear_ibuf [dreg:s7], $0x6FFFF;
	_ =	strace $0x90000049  }
0xb3: {  	s29 =	simm.s32 $0x9;
	_ =	strace $0x8000004B  }
0xb4: {  	_ =	swait.ge [sflag:s29], $0x1  }
0xb5: {  	[sflag:s29] =	ssyncadd.s32 $0xFFFFFFFF  }
0xb6: {  	_ =	strace $0x9000004B  }
0xb7: {  	_ =	sfence  }
0xb8: {  	s30 =	sld [smem:$0x0];
	_ =	sdelay $0x2  }
0xb9: {  	s31 =	sshll.u32 s1, $0xD;
	s1 =	sshrl.u32 s1, $0x2  }
0xba: {  	s3 =	sand.u32 $0x4000, s31;
	s1 =	sadd.s32 s1, s30  }
0xbb: {  	s0 =	sor.u32 s3, s0;
	s1 =	sshll.u32 s1, $0x11  }
0xbc: {  	s0 =	sor.u32 s1, s0  }
0xbd: {  	s0 =	sadd.s32 $0x8F2B, s0  }
0xbe: {  	[sflag:s0] =	ssyncadd.remote.s32 $0x1  }
0xbf: {  	_ =	sfence.sel $0xFFFF  }
0xc0: {  	[dreg:$0x0] =	wrdreg $0xFFFFFFFF;
	(pc) =	sbr.abs _section_cstart, $3  }
0xc1: {  	[dreg:$0x1] =	wrdreg $0xFFFFFFFF  }
0xc2: {  	_ =	task.clear_ibuf [dreg:s7], $0x2FFFF;
	_ =	strace $0x9FFFFFFF  }
0xc3: {  	(tm) =	ssettm $0x7FFFFFFF  }
tec
execute0_lowered:
.L_overlay_start_1:
0x0: {  	(tag) =	ssettag $0x1  }
0x1: {  	s1 =	rddreg [dreg:$0x0]  }
0x2: {  	s0 =	rddreg [dreg:$0x1]  }
0x3: {  	s2 =	rddreg [dreg:$0x2];
	s3 =	srdreg.scid  }
0x4: {  	s4 =	simm.s32 $0x0;
	s19 =	stileid.u32;
	s30 =	simm.s32 $0x1B400  }
0x5: {  	s31 =	simm.s32 $0x1B480;
	s28 =	simm.s32 $0x0;
	s10 =	smul.u32 $0x13C00, s19  }
0x6: {  	s3 =	sand.u32 $0x1, s3;
	[smem:$0x7FF] =	sst s4;
	s17 =	smul.u32 $0x2760, s19  }
0x7: {  	s11 =	sadd.s32 $0x15E00, s0;
	s5 =	sshll.u32 s3, $0x4;
	s12 =	smul.u32 $0x13C000, s3  }
0x8: {  	_ =	strace $0x8000004A;
	s7 =	ssub.s32 $0x2, s3;
	s3 =	smul.u32 $0x27600, s3  }
0x9: {  	s6 =	sor.u32 s19, s5;
	s5 =	sadd.s32 $0x2200, s0;
	s9 =	sshrl.u32 s7, $0x1  }
0xa: {  	s13 =	sadd.s32 $0x7800, s10;
	s14 =	sadd.s32 $0xB400, s10;
	s15 =	sadd.s32 $0xF000, s10  }
0xb: {  	s8 =	smul.u32 $0x2760, s6;
	s6 =	sadd.s32 $0xC000, s0;
	s0 =	ssub.s32 s7, s9  }
0xc: {  	s9 =	sadd.s32 $0x3C00, s10;
	s16 =	sadd.s32 s10, s12;
	s10 =	sadd.s32 $0x12C00, s10  }
0xd: {  	s3 =	sadd.s32 s17, s3;
	s24 =	sadd.s32 s12, s13;
	s25 =	sadd.s32 s12, s14  }
0xe: {  	s21 =	sadd.s32 s12, s15;
	s16 =	sshrl.u32 s16, $0x3;
	s18 =	sadd.s32 s12, s9  }
0xf: {  	s17 =	sadd.s32 $0x348, s3;
	s26 =	sshrl.u32 s25, $0x3;
	s20 =	sadd.s32 $0x2D0, s3  }
0x10: {  	s12 =	sadd.s32 s12, s10;
	s0 =	smax.u32 s0, $0x1;
	s7 =	sshrl.u32 s8, $0x3  }
0x11: {  	s16 =	sadd.s32 s11, s16;
	s23 =	sshrl.u32 s18, $0x3;
	s17 =	sshrl.u32 s17, $0x3  }
0x12: {  	s18 =	sshrl.u32 s21, $0x3;
	s12 =	sshrl.u32 s12, $0x3;
	[dreg:$0x1c] =	wrdreg s0  }
0x13: {  	s25 =	sadd.s32 $0x78, s8;
	s21 =	sadd.s32 s14, s2;
	[dreg:$0xb] =	wrdreg s16  }
0x14: {  	s8 =	sadd.s32 $0x168, s8;
	s22 =	sadd.s32 s5, s7;
	[dreg:$0x19] =	wrdreg s21  }
0x15: {  	s0 =	simm.s32 $0x1B500;
	s16 =	sadd.s32 s11, s23;
	[dreg:$0xa] =	wrdreg s22  }
0x16: {  	s14 =	simm.s32 $0x78;
	s29 =	sadd.s32 s17, s6;
	[dreg:$0xc] =	wrdreg s16  }
0x17: {  	s17 =	sadd.s32 s17, s5;
	s18 =	sadd.s32 s11, s18;
	[dreg:$0x4] =	wrdreg s29  }
0x18: {  	s23 =	sadd.s32 $0x258, s3;
	s16 =	sshrl.u32 s24, $0x3;
	[dreg:$0x5] =	wrdreg s17  }
0x19: {  	[dreg:$0xf] =	wrdreg s18;
	s17 =	sshrl.u32 s23, $0x3;
	s16 =	sadd.s32 s11, s16  }
0x1a: {  	s24 =	sadd.s32 s17, s6;
	s29 =	sadd.s32 s17, s5;
	s17 =	smul.u32 $0x4F000, s19  }
0x1b: {  	s19 =	sshrl.u32 s8, $0x3;
	[dreg:$0xd] =	wrdreg s16;
	s16 =	sadd.s32 s11, s26  }
0x1c: {  	s11 =	sadd.s32 s11, s12;
	[dreg:$0x8] =	wrdreg s24;
	s26 =	sadd.s32 s6, s7  }
0x1d: {  	[dreg:$0x9] =	wrdreg s29;
	s7 =	sadd.s32 $0x1E, s7;
	s8 =	sadd.s32 s5, s19  }
0x1e: {  	s24 =	sadd.s32 s9, s2;
	s29 =	sadd.s32 $0x1E0, s3;
	[dreg:$0xe] =	wrdreg s16  }
0x1f: {  	s3 =	simm.s32 $0x1B580;
	s9 =	simm.s32 $0x1B700;
	[dreg:$0x10] =	wrdreg s11  }
0x20: {  	s12 =	simm.s32 $0x7;
	s16 =	sshrl.u32 s20, $0x3;
	[dreg:$0x11] =	wrdreg s26  }
0x21: {  	s11 =	sshrl.u32 s25, $0x3;
	s18 =	sadd.s32 s5, s7;
	[dreg:$0x16] =	wrdreg s8  }
0x22: {  	s7 =	sadd.s32 s6, s7;
	s20 =	sshrl.u32 s17, $0x2;
	[dreg:$0x1d] =	wrdreg s29  }
0x23: {  	s25 =	sadd.s32 s13, s2;
	s26 =	sadd.s32 s10, s2;
	[dreg:$0x14] =	wrdreg s18  }
0x24: {  	s8 =	simm.s32 $0x1B680;
	s10 =	simm.s32 $0x1B780;
	[dreg:$0x15] =	wrdreg s7  }
0x25: {  	s13 =	simm.s32 $0x3;
	s17 =	simm.s32 $0x1;
	[dreg:$0x1b] =	wrdreg s26  }
0x26: {  	s22 =	sadd.s32 s16, s6;
	s16 =	sadd.s32 s16, s5;
	[dreg:$0x18] =	wrdreg s25  }
0x27: {  	s7 =	sadd.s32 s6, s19;
	s23 =	sadd.s32 s20, s2;
	[dreg:$0x6] =	wrdreg s22  }
0x28: {  	s18 =	simm.s32 $0x5;
	s19 =	simm.s32 $0x2;
	[dreg:$0x7] =	wrdreg s16  }
0x29: {  	s20 =	simm.s32 $0x6;
	s16 =	sadd.s32 s5, s11;
	[dreg:$0x17] =	wrdreg s7  }
0x2a: {  	s11 =	sadd.s32 s6, s11;
	s22 =	sadd.s32 s15, s2;
	[dreg:$0x12] =	wrdreg s16  }
0x2b: {  	s7 =	simm.s32 $0x1B600;
	s15 =	simm.s32 $0x4;
	[dreg:$0x13] =	wrdreg s11  }
0x2c: {  	v0 =	vimm.f32 $0.0e+00;
	[dreg:$0x1a] =	wrdreg s22;
	s11 =	simm.s32 $0x13C00;
	s16 =	simm.s32 $0x17800  }
.LBB2_1:
0x2d: {  	s21 =	rddreg [dreg:$0xa]  }
0x2e: {  	[tilespmem:s30], [sflag:$0x3] =	stream.linear.gather [hbm4b:s21+s4], $0x78, $0x38;
	[tilespmem:$0x1B800] =	vst v63  }
0x2f: {  	s29 =	rddreg [dreg:$0x11]  }
0x30: {  	[tilespmem:s31], [sflag:$0x3] =	stream.linear.gather [hbm4b:s29+s4], $0x78, $0x38;
	[tilespmem:$0x1B800] =	vst v63  }
0x31: {  	s22 =	rddreg [dreg:$0x12]  }
0x32: {  	[tilespmem:s0], [sflag:$0x4] =	stream.linear.gather [hbm4b:s22+s4], $0x78, $0x38;
	[tilespmem:$0x1B800] =	vst v63  }
0x33: {  	s26 =	rddreg [dreg:$0x13]  }
0x34: {  	[tilespmem:s3], [sflag:$0x4] =	stream.linear.gather [hbm4b:s26+s4], $0x78, $0x38;
	[tilespmem:$0x1B800] =	vst v63  }
0x35: {  	s29 =	rddreg [dreg:$0x14]  }
0x36: {  	[tilespmem:s7], [sflag:$0x5] =	stream.linear.gather [hbm4b:s29+s4], $0x78, $0x38;
	[tilespmem:$0x1B800] =	vst v63  }
0x37: {  	s22 =	rddreg [dreg:$0x15]  }
0x38: {  	[tilespmem:s8], [sflag:$0x5] =	stream.linear.gather [hbm4b:s22+s4], $0x78, $0x38;
	[tilespmem:$0x1B800] =	vst v63  }
0x39: {  	s26 =	rddreg [dreg:$0x16]  }
0x3a: {  	[tilespmem:s9], [sflag:$0x6] =	stream.linear.gather [hbm4b:s26+s4], $0x78, $0x38;
	[tilespmem:$0x1B800] =	vst v63  }
0x3b: {  	s21 =	simm.s32 $0x0;
	s29 =	rddreg [dreg:$0x17];
	s22 =	simm.s32 $0x200  }
0x3c: {  	[tilespmem:s10], [sflag:$0x6] =	stream.linear.gather [hbm4b:s29+s4], $0x78, $0x38;
	[tilespmem:$0x1B800] =	vst v63  }
.LBB2_2:
0x3d: {  	p0 =	sne.s32 s22, $0xEE00;
	[tilespmem:s21+$0x13C70] =	vst v0  }
0x3e: {  	[tilespmem:s21+$0x13C00] =	vst v0  }
0x3f: {  	[tilespmem:s21+$0x13C10] =	vst v0  }
.Ltmp0:
0x40: {  	[tilespmem:s21+$0x13C20] =	vst v0;
	(pc) =	sbr.rel @p0 .LBB2_2-.Ltmp0, $4  }
0x41: {  	[tilespmem:s21+$0x13C30] =	vst v0  }
0x42: {  	[tilespmem:s21+$0x13C40] =	vst v0  }
0x43: {  	[tilespmem:s21+$0x13C50] =	vst v0  }
0x44: {  	[tilespmem:s21+$0x13C60] =	vst v0;
	s21 =	sshra.s32 s22, $0x2;
	s22 =	sadd.s32 $0x200, s22  }
0x45: {  	[tilespmem:s21+$0x13C70] =	vst v0  }
0x46: {  	[tilespmem:s21+$0x13C00] =	vst v0  }
0x47: {  	[tilespmem:s21+$0x13C10] =	vst v0  }
0x48: {  	[tilespmem:s21+$0x13C20] =	vst v0  }
0x49: {  	[tilespmem:s21+$0x13C30] =	vst v0  }
0x4a: {  	[tilespmem:s21+$0x13C40] =	vst v0  }
0x4b: {  	[tilespmem:s21+$0x13C50] =	vst v0  }
0x4c: {  	[tilespmem:s21+$0x13C60] =	vst v0  }
0x4d: {  	[spmem:s23] =	stream.linear.scatter [tilespmem:s11], [sflag:$0x7], $0x3C00, $0x38;
	[tilespmem:$0x1B800] =	vst v63  }
0x4e: {  	_ =	swait.ge [sflag:s12], $0x3C00  }
0x4f: {  	[sflag:s12] =	ssyncset.done $0x0  }
0x50: {  	[sflag:s12] =	ssyncadd.s32 $0xFFFFC400  }
0x51: {  	[spmem:s24] =	stream.linear.scatter [tilespmem:s11], [sflag:$0x7], $0x3C00, $0x38;
	[tilespmem:$0x1B800] =	vst v63  }
0x52: {  	_ =	swait.ge [sflag:s12], $0x3C00  }
0x53: {  	[sflag:s12] =	ssyncset.done $0x0  }
0x54: {  	[sflag:s12] =	ssyncadd.s32 $0xFFFFC400  }
0x55: {  	[spmem:s25] =	stream.linear.scatter [tilespmem:s11], [sflag:$0x7], $0x3C00, $0x38;
	[tilespmem:$0x1B800] =	vst v63  }
0x56: {  	_ =	swait.ge [sflag:s12], $0x3C00  }
0x57: {  	[sflag:s12] =	ssyncset.done $0x0  }
0x58: {  	s22 =	rddreg [dreg:$0x19];
	[sflag:s12] =	ssyncadd.s32 $0xFFFFC400  }
0x59: {  	[spmem:s22] =	stream.linear.scatter [tilespmem:s11], [sflag:$0x7], $0x3C00, $0x38;
	[tilespmem:$0x1B800] =	vst v63  }
0x5a: {  	_ =	swait.ge [sflag:s12], $0x3C00  }
0x5b: {  	[sflag:s12] =	ssyncset.done $0x0  }
0x5c: {  	s26 =	smov.u32 s23;
	s23 =	rddreg [dreg:$0x1a];
	[sflag:s12] =	ssyncadd.s32 $0xFFFFC400  }
0x5d: {  	[spmem:s23] =	stream.linear.scatter [tilespmem:s11], [sflag:$0x7], $0x3C00, $0x38;
	[tilespmem:$0x1B800] =	vst v63  }
0x5e: {  	_ =	swait.ge [sflag:s12], $0x3C00  }
0x5f: {  	[sflag:s12] =	ssyncset.done $0x0  }
0x60: {  	s29 =	smov.u32 s24;
	s24 =	rddreg [dreg:$0x1b];
	[sflag:s12] =	ssyncadd.s32 $0xFFFFC400  }
0x61: {  	[spmem:s24] =	stream.linear.scatter [tilespmem:s11], [sflag:$0x7], $0x1000, $0x38;
	[tilespmem:$0x1B800] =	vst v63  }
0x62: {  	_ =	swait.ge [sflag:s12], $0x1000  }
0x63: {  	[sflag:s12] =	ssyncset.done $0x0  }
0x64: {  	[sflag:s12] =	ssyncadd.s32 $0xFFFFF000  }
0x65: {  	_ =	swait.ge [sflag:s13], $0x78  }
0x66: {  	[sflag:s13] =	ssyncset.done $0x0  }
0x67: {  	[sflag:s13] =	ssyncadd.s32 $0xFFFFFF88  }
0x68: {  	_ =	swait.ge [sflag:s13], $0x78  }
0x69: {  	[sflag:s13] =	ssyncset.done $0x0  }
0x6a: {  	[sflag:s13] =	ssyncadd.s32 $0xFFFFFF88  }
0x6b: {  	[tilespmem:s11], [sflag:$0x1] =	stream.indirect.gather [hbm4b:s1+s14], $0x80, s30, s14, $0xb8;
	[tilespmem:$0x1B800] =	vst v63  }
0x6c: {  	_ =	swait.ge [sflag:s15], $0x78  }
0x6d: {  	[sflag:s15] =	ssyncset.done $0x0  }
0x6e: {  	[sflag:s15] =	ssyncadd.s32 $0xFFFFFF88  }
0x6f: {  	_ =	swait.ge [sflag:s15], $0x78  }
0x70: {  	[sflag:s15] =	ssyncset.done $0x0  }
0x71: {  	[sflag:s15] =	ssyncadd.s32 $0xFFFFFF88  }
0x72: {  	[tilespmem:s16], [sflag:$0x2] =	stream.indirect.gather [hbm4b:s1+s14], $0x80, s0, s14, $0xb8;
	[tilespmem:$0x1B800] =	vst v63  }
0x73: {  	[bflag:$0x0] =	sbarrier.arrive $0xFFFF  }
0x74: {  	_ =	swait.ge [sflag:s17], $0x3C00  }
0x75: {  	[sflag:s17] =	ssyncset.done $0x0  }
0x76: {  	[sflag:s17] =	ssyncadd.s32 $0xFFFFC400  }
0x77: {  	[spmem:s2] =	stream.indirect.scatter.add.f32 [tilespmem:s11], [sflag:$0x7], $0x80, s31, s14, $0xb8;
	[tilespmem:$0x1B800] =	vst v63  }
0x78: {  	_ =	swait.ge [sflag:s12], $0x3C00  }
0x79: {  	s23 =	rddreg [dreg:$0x1d]  }
0x7a: {  	[sflag:s12] =	ssyncset.done $0x0;
	s25 =	sshrl.u32 s23, $0x3  }
0x7b: {  	[sflag:s12] =	ssyncadd.s32 $0xFFFFC400;
	s22 =	sadd.s32 s5, s25  }
0x7c: {  	[tilespmem:s30], [sflag:$0x3] =	stream.linear.gather [hbm4b:s22+s4], $0x78, $0x38;
	[tilespmem:$0x1B800] =	vst v63  }
0x7d: {  	s21 =	sadd.s32 s6, s25  }
0x7e: {  	[tilespmem:s31], [sflag:$0x3] =	stream.linear.gather [hbm4b:s21+s4], $0x78, $0x38;
	[tilespmem:$0x1B800] =	vst v63  }
0x7f: {  	_ =	swait.ge [sflag:s18], $0x78  }
0x80: {  	[sflag:s18] =	ssyncset.done $0x0  }
0x81: {  	[sflag:s18] =	ssyncadd.s32 $0xFFFFFF88  }
0x82: {  	_ =	swait.ge [sflag:s18], $0x78  }
0x83: {  	[sflag:s18] =	ssyncset.done $0x0  }
0x84: {  	[sflag:s18] =	ssyncadd.s32 $0xFFFFFF88  }
0x85: {  	[tilespmem:s11], [sflag:$0x1] =	stream.indirect.gather [hbm4b:s1+s14], $0x80, s7, s14, $0xb8;
	[tilespmem:$0x1B800] =	vst v63  }
0x86: {  	_ =	swait.ge [sflag:s19], $0x3C00  }
0x87: {  	[sflag:s19] =	ssyncset.done $0x0  }
0x88: {  	[sflag:s19] =	ssyncadd.s32 $0xFFFFC400  }
0x89: {  	[spmem:s2] =	stream.indirect.scatter.add.f32 [tilespmem:s16], [sflag:$0x7], $0x80, s3, s14, $0xb8;
	[tilespmem:$0x1B800] =	vst v63  }
0x8a: {  	_ =	swait.ge [sflag:s12], $0x3C00  }
0x8b: {  	s22 =	rddreg [dreg:$0x9];
	[sflag:s12] =	ssyncset.done $0x0  }
0x8c: {  	s24 =	rddreg [dreg:$0x8];
	[sflag:s12] =	ssyncadd.s32 $0xFFFFC400;
	s21 =	sadd.s32 $0x0, s22  }
0x8d: {  	[tilespmem:s0], [sflag:$0x4] =	stream.linear.gather [hbm4b:s21+s4], $0x78, $0x38;
	[tilespmem:$0x1B800] =	vst v63  }
0x8e: {  	s25 =	sadd.s32 $0x0, s24  }
0x8f: {  	[tilespmem:s3], [sflag:$0x4] =	stream.linear.gather [hbm4b:s25+s4], $0x78, $0x38;
	[tilespmem:$0x1B800] =	vst v63  }
0x90: {  	_ =	swait.ge [sflag:s20], $0x78  }
0x91: {  	[sflag:s20] =	ssyncset.done $0x0  }
0x92: {  	[sflag:s20] =	ssyncadd.s32 $0xFFFFFF88  }
0x93: {  	_ =	swait.ge [sflag:s20], $0x78  }
0x94: {  	[sflag:s20] =	ssyncset.done $0x0  }
0x95: {  	[sflag:s20] =	ssyncadd.s32 $0xFFFFFF88  }
0x96: {  	[tilespmem:s16], [sflag:$0x2] =	stream.indirect.gather [hbm4b:s1+s14], $0x80, s9, s14, $0xb8;
	[tilespmem:$0x1B800] =	vst v63  }
0x97: {  	_ =	swait.ge [sflag:s17], $0x3C00  }
0x98: {  	[sflag:s17] =	ssyncset.done $0x0  }
0x99: {  	[sflag:s17] =	ssyncadd.s32 $0xFFFFC400  }
0x9a: {  	[spmem:s2] =	stream.indirect.scatter.add.f32 [tilespmem:s11], [sflag:$0x7], $0x80, s8, s14, $0xb8;
	[tilespmem:$0x1B800] =	vst v63  }
0x9b: {  	_ =	swait.ge [sflag:s12], $0x3C00  }
0x9c: {  	s22 =	rddreg [dreg:$0x7];
	[sflag:s12] =	ssyncset.done $0x0  }
0x9d: {  	s24 =	rddreg [dreg:$0x6];
	[sflag:s12] =	ssyncadd.s32 $0xFFFFC400;
	s21 =	sadd.s32 $0x0, s22  }
0x9e: {  	[tilespmem:s7], [sflag:$0x5] =	stream.linear.gather [hbm4b:s21+s4], $0x78, $0x38;
	[tilespmem:$0x1B800] =	vst v63  }
0x9f: {  	s25 =	sadd.s32 $0x0, s24  }
0xa0: {  	[tilespmem:s8], [sflag:$0x5] =	stream.linear.gather [hbm4b:s25+s4], $0x78, $0x38;
	[tilespmem:$0x1B800] =	vst v63  }
0xa1: {  	_ =	swait.ge [sflag:s13], $0x78  }
0xa2: {  	[sflag:s13] =	ssyncset.done $0x0  }
0xa3: {  	[sflag:s13] =	ssyncadd.s32 $0xFFFFFF88  }
0xa4: {  	_ =	swait.ge [sflag:s13], $0x78  }
0xa5: {  	[sflag:s13] =	ssyncset.done $0x0  }
0xa6: {  	[sflag:s13] =	ssyncadd.s32 $0xFFFFFF88  }
0xa7: {  	[tilespmem:s11], [sflag:$0x1] =	stream.indirect.gather [hbm4b:s1+s14], $0x80, s30, s14, $0xb8;
	[tilespmem:$0x1B800] =	vst v63  }
0xa8: {  	_ =	swait.ge [sflag:s19], $0x3C00  }
0xa9: {  	[sflag:s19] =	ssyncset.done $0x0  }
0xaa: {  	[sflag:s19] =	ssyncadd.s32 $0xFFFFC400  }
0xab: {  	[spmem:s2] =	stream.indirect.scatter.add.f32 [tilespmem:s16], [sflag:$0x7], $0x80, s10, s14, $0xb8;
	[tilespmem:$0x1B800] =	vst v63  }
0xac: {  	_ =	swait.ge [sflag:s12], $0x3C00  }
0xad: {  	s22 =	rddreg [dreg:$0x5];
	[sflag:s12] =	ssyncset.done $0x0  }
0xae: {  	s24 =	rddreg [dreg:$0x4];
	[sflag:s12] =	ssyncadd.s32 $0xFFFFC400;
	s21 =	sadd.s32 $0x0, s22  }
0xaf: {  	[tilespmem:s9], [sflag:$0x6] =	stream.linear.gather [hbm4b:s21+s4], $0x78, $0x38;
	[tilespmem:$0x1B800] =	vst v63  }
0xb0: {  	s25 =	sadd.s32 $0x0, s24  }
0xb1: {  	[tilespmem:s10], [sflag:$0x6] =	stream.linear.gather [hbm4b:s25+s4], $0x78, $0x38;
	[tilespmem:$0x1B800] =	vst v63  }
0xb2: {  	_ =	swait.ge [sflag:s15], $0x78  }
0xb3: {  	[sflag:s15] =	ssyncset.done $0x0  }
0xb4: {  	[sflag:s15] =	ssyncadd.s32 $0xFFFFFF88  }
0xb5: {  	_ =	swait.ge [sflag:s15], $0x78  }
0xb6: {  	[sflag:s15] =	ssyncset.done $0x0  }
0xb7: {  	s22 =	sadd.s32 $0x1E0, s23;
	s21 =	simm.s32 $0x3C;
	[sflag:s15] =	ssyncadd.s32 $0xFFFFFF88  }
.LBB2_4:
0xb8: {  	[tilespmem:s16], [sflag:$0x2] =	stream.indirect.gather [hbm4b:s1+s14], $0x80, s0, s14, $0xb8;
	[tilespmem:$0x1B800] =	vst v63  }
0xb9: {  	_ =	swait.ge [sflag:s17], $0x3C00  }
0xba: {  	[sflag:s17] =	ssyncset.done $0x0  }
0xbb: {  	[sflag:s17] =	ssyncadd.s32 $0xFFFFC400  }
0xbc: {  	[spmem:s2] =	stream.indirect.scatter.add.f32 [tilespmem:s11], [sflag:$0x7], $0x80, s31, s14, $0xb8;
	[tilespmem:$0x1B800] =	vst v63  }
0xbd: {  	_ =	swait.ge [sflag:s12], $0x3C00  }
0xbe: {  	s24 =	sshrl.u32 s22, $0x3;
	[sflag:s12] =	ssyncset.done $0x0  }
0xbf: {  	s25 =	sadd.s32 s5, s24;
	[sflag:s12] =	ssyncadd.s32 $0xFFFFC400  }
0xc0: {  	[tilespmem:s30], [sflag:$0x3] =	stream.linear.gather [hbm4b:s25+s4], $0x78, $0x38;
	[tilespmem:$0x1B800] =	vst v63  }
0xc1: {  	s24 =	sadd.s32 s6, s24  }
0xc2: {  	[tilespmem:s31], [sflag:$0x3] =	stream.linear.gather [hbm4b:s24+s4], $0x78, $0x38;
	[tilespmem:$0x1B800] =	vst v63  }
0xc3: {  	_ =	swait.ge [sflag:s18], $0x78  }
0xc4: {  	[sflag:s18] =	ssyncset.done $0x0  }
0xc5: {  	[sflag:s18] =	ssyncadd.s32 $0xFFFFFF88  }
0xc6: {  	_ =	swait.ge [sflag:s18], $0x78  }
0xc7: {  	[sflag:s18] =	ssyncset.done $0x0  }
0xc8: {  	[sflag:s18] =	ssyncadd.s32 $0xFFFFFF88  }
0xc9: {  	[tilespmem:s11], [sflag:$0x1] =	stream.indirect.gather [hbm4b:s1+s14], $0x80, s7, s14, $0xb8;
	[tilespmem:$0x1B800] =	vst v63  }
0xca: {  	_ =	swait.ge [sflag:s19], $0x3C00  }
0xcb: {  	[sflag:s19] =	ssyncset.done $0x0  }
0xcc: {  	[sflag:s19] =	ssyncadd.s32 $0xFFFFC400  }
0xcd: {  	[spmem:s2] =	stream.indirect.scatter.add.f32 [tilespmem:s16], [sflag:$0x7], $0x80, s3, s14, $0xb8;
	[tilespmem:$0x1B800] =	vst v63  }
0xce: {  	_ =	swait.ge [sflag:s12], $0x3C00  }
0xcf: {  	s23 =	smov.u32 s21;
	s24 =	rddreg [dreg:$0x9];
	[sflag:s12] =	ssyncset.done $0x0  }
0xd0: {  	s25 =	rddreg [dreg:$0x8];
	[sflag:s12] =	ssyncadd.s32 $0xFFFFC400;
	s24 =	sadd.s32 s23, s24  }
0xd1: {  	[tilespmem:s0], [sflag:$0x4] =	stream.linear.gather [hbm4b:s24+s4], $0x78, $0x38;
	[tilespmem:$0x1B800] =	vst v63  }
0xd2: {  	s25 =	sadd.s32 s23, s25  }
0xd3: {  	[tilespmem:s3], [sflag:$0x4] =	stream.linear.gather [hbm4b:s25+s4], $0x78, $0x38;
	[tilespmem:$0x1B800] =	vst v63  }
0xd4: {  	_ =	swait.ge [sflag:s20], $0x78  }
0xd5: {  	[sflag:s20] =	ssyncset.done $0x0  }
0xd6: {  	[sflag:s20] =	ssyncadd.s32 $0xFFFFFF88  }
0xd7: {  	_ =	swait.ge [sflag:s20], $0x78  }
0xd8: {  	[sflag:s20] =	ssyncset.done $0x0  }
0xd9: {  	[sflag:s20] =	ssyncadd.s32 $0xFFFFFF88  }
0xda: {  	[tilespmem:s16], [sflag:$0x2] =	stream.indirect.gather [hbm4b:s1+s14], $0x80, s9, s14, $0xb8;
	[tilespmem:$0x1B800] =	vst v63  }
0xdb: {  	_ =	swait.ge [sflag:s17], $0x3C00  }
0xdc: {  	[sflag:s17] =	ssyncset.done $0x0  }
0xdd: {  	[sflag:s17] =	ssyncadd.s32 $0xFFFFC400  }
0xde: {  	[spmem:s2] =	stream.indirect.scatter.add.f32 [tilespmem:s11], [sflag:$0x7], $0x80, s8, s14, $0xb8;
	[tilespmem:$0x1B800] =	vst v63  }
0xdf: {  	_ =	swait.ge [sflag:s12], $0x3C00  }
0xe0: {  	s24 =	rddreg [dreg:$0x7];
	[sflag:s12] =	ssyncset.done $0x0  }
0xe1: {  	s25 =	rddreg [dreg:$0x6];
	[sflag:s12] =	ssyncadd.s32 $0xFFFFC400;
	s24 =	sadd.s32 s23, s24  }
0xe2: {  	[tilespmem:s7], [sflag:$0x5] =	stream.linear.gather [hbm4b:s24+s4], $0x78, $0x38;
	[tilespmem:$0x1B800] =	vst v63  }
0xe3: {  	s25 =	sadd.s32 s23, s25  }
0xe4: {  	[tilespmem:s8], [sflag:$0x5] =	stream.linear.gather [hbm4b:s25+s4], $0x78, $0x38;
	[tilespmem:$0x1B800] =	vst v63  }
0xe5: {  	_ =	swait.ge [sflag:s13], $0x78  }
0xe6: {  	[sflag:s13] =	ssyncset.done $0x0  }
0xe7: {  	[sflag:s13] =	ssyncadd.s32 $0xFFFFFF88  }
0xe8: {  	_ =	swait.ge [sflag:s13], $0x78  }
0xe9: {  	[sflag:s13] =	ssyncset.done $0x0  }
0xea: {  	[sflag:s13] =	ssyncadd.s32 $0xFFFFFF88  }
0xeb: {  	[tilespmem:s11], [sflag:$0x1] =	stream.indirect.gather [hbm4b:s1+s14], $0x80, s30, s14, $0xb8;
	[tilespmem:$0x1B800] =	vst v63  }
0xec: {  	_ =	swait.ge [sflag:s19], $0x3C00  }
0xed: {  	[sflag:s19] =	ssyncset.done $0x0  }
0xee: {  	[sflag:s19] =	ssyncadd.s32 $0xFFFFC400  }
0xef: {  	[spmem:s2] =	stream.indirect.scatter.add.f32 [tilespmem:s16], [sflag:$0x7], $0x80, s10, s14, $0xb8;
	[tilespmem:$0x1B800] =	vst v63  }
0xf0: {  	_ =	swait.ge [sflag:s12], $0x3C00  }
0xf1: {  	s24 =	rddreg [dreg:$0x5];
	[sflag:s12] =	ssyncset.done $0x0  }
0xf2: {  	s25 =	rddreg [dreg:$0x4];
	[sflag:s12] =	ssyncadd.s32 $0xFFFFC400;
	s24 =	sadd.s32 s23, s24  }
0xf3: {  	[tilespmem:s9], [sflag:$0x6] =	stream.linear.gather [hbm4b:s24+s4], $0x78, $0x38;
	[tilespmem:$0x1B800] =	vst v63  }
0xf4: {  	s23 =	sadd.s32 s23, s25  }
0xf5: {  	[tilespmem:s10], [sflag:$0x6] =	stream.linear.gather [hbm4b:s23+s4], $0x78, $0x38;
	[tilespmem:$0x1B800] =	vst v63  }
0xf6: {  	p0 =	sne.s32 s21, $0x474;
	_ =	swait.ge [sflag:s15], $0x78  }
.Ltmp1:
0xf7: {  	[sflag:s15] =	ssyncset.done $0x0;
	(pc) =	sbr.rel @p0 .LBB2_4-.Ltmp1, $4  }
0xf8: {  	[sflag:s15] =	ssyncadd.s32 $0xFFFFFF88  }
0xf9: {  	_ =	swait.ge [sflag:s15], $0x78  }
0xfa: {  	[sflag:s15] =	ssyncset.done $0x0  }
0xfb: {  	s21 =	sadd.s32 $0x3C, s21;
	s22 =	sadd.s32 $0x1E0, s22;
	[sflag:s15] =	ssyncadd.s32 $0xFFFFFF88  }
0xfc: {  	[tilespmem:s16], [sflag:$0x2] =	stream.indirect.gather [hbm4b:s1+s14], $0x80, s0, s14, $0xb8;
	[tilespmem:$0x1B800] =	vst v63  }
0xfd: {  	_ =	swait.ge [sflag:s17], $0x3C00  }
0xfe: {  	[sflag:s17] =	ssyncset.done $0x0  }
0xff: {  	[sflag:s17] =	ssyncadd.s32 $0xFFFFC400  }
0x100: {  	[spmem:s2] =	stream.indirect.scatter.add.f32 [tilespmem:s11], [sflag:$0x7], $0x80, s31, s14, $0xb8;
	[tilespmem:$0x1B800] =	vst v63  }
0x101: {  	_ =	swait.ge [sflag:s12], $0x3C00  }
0x102: {  	[sflag:s12] =	ssyncset.done $0x0  }
0x103: {  	[sflag:s12] =	ssyncadd.s32 $0xFFFFC400  }
0x104: {  	_ =	swait.ge [sflag:s18], $0x78  }
0x105: {  	[sflag:s18] =	ssyncset.done $0x0  }
0x106: {  	[sflag:s18] =	ssyncadd.s32 $0xFFFFFF88  }
0x107: {  	_ =	swait.ge [sflag:s18], $0x78  }
0x108: {  	[sflag:s18] =	ssyncset.done $0x0  }
0x109: {  	[sflag:s18] =	ssyncadd.s32 $0xFFFFFF88  }
0x10a: {  	[tilespmem:s11], [sflag:$0x1] =	stream.indirect.gather [hbm4b:s1+s14], $0x80, s7, s14, $0xb8;
	[tilespmem:$0x1B800] =	vst v63  }
0x10b: {  	_ =	swait.ge [sflag:s19], $0x3C00  }
0x10c: {  	[sflag:s19] =	ssyncset.done $0x0  }
0x10d: {  	[sflag:s19] =	ssyncadd.s32 $0xFFFFC400  }
0x10e: {  	[spmem:s2] =	stream.indirect.scatter.add.f32 [tilespmem:s16], [sflag:$0x7], $0x80, s3, s14, $0xb8;
	[tilespmem:$0x1B800] =	vst v63  }
0x10f: {  	_ =	swait.ge [sflag:s12], $0x3C00  }
0x110: {  	[sflag:s12] =	ssyncset.done $0x0  }
0x111: {  	[sflag:s12] =	ssyncadd.s32 $0xFFFFC400  }
0x112: {  	_ =	swait.ge [sflag:s20], $0x78  }
0x113: {  	[sflag:s20] =	ssyncset.done $0x0  }
0x114: {  	[sflag:s20] =	ssyncadd.s32 $0xFFFFFF88  }
0x115: {  	_ =	swait.ge [sflag:s20], $0x78  }
0x116: {  	[sflag:s20] =	ssyncset.done $0x0  }
0x117: {  	[sflag:s20] =	ssyncadd.s32 $0xFFFFFF88  }
0x118: {  	[tilespmem:s16], [sflag:$0x2] =	stream.indirect.gather [hbm4b:s1+s14], $0x80, s9, s14, $0xb8;
	[tilespmem:$0x1B800] =	vst v63  }
0x119: {  	_ =	swait.ge [sflag:s17], $0x3C00  }
0x11a: {  	[sflag:s17] =	ssyncset.done $0x0  }
0x11b: {  	[sflag:s17] =	ssyncadd.s32 $0xFFFFC400  }
0x11c: {  	[spmem:s2] =	stream.indirect.scatter.add.f32 [tilespmem:s11], [sflag:$0x7], $0x80, s8, s14, $0xb8;
	[tilespmem:$0x1B800] =	vst v63  }
0x11d: {  	_ =	swait.ge [sflag:s12], $0x3C00  }
0x11e: {  	[sflag:s12] =	ssyncset.done $0x0  }
0x11f: {  	[sflag:s12] =	ssyncadd.s32 $0xFFFFC400  }
0x120: {  	_ =	swait.ge [sflag:s19], $0x3C00  }
0x121: {  	[sflag:s19] =	ssyncset.done $0x0  }
0x122: {  	[sflag:s19] =	ssyncadd.s32 $0xFFFFC400  }
0x123: {  	[spmem:s2] =	stream.indirect.scatter.add.f32 [tilespmem:s16], [sflag:$0x7], $0x80, s10, s14, $0xb8;
	[tilespmem:$0x1B800] =	vst v63  }
0x124: {  	_ =	swait.ge [sflag:s12], $0x3C00  }
0x125: {  	[sflag:s12] =	ssyncset.done $0x0  }
0x126: {  	[sflag:s12] =	ssyncadd.s32 $0xFFFFC400  }
0x127: {  	[bflag:$0x0] =	sbarrier.arrive $0xFFFF  }
0x128: {  	[tilespmem:s11], [sflag:$0x7] =	stream.linear.gather [spmem:s26], $0x3C00, $0x38;
	[tilespmem:$0x1B800] =	vst v63  }
0x129: {  	_ =	swait.ge [sflag:s12], $0x3C00  }
0x12a: {  	[sflag:s12] =	ssyncset.done $0x0  }
0x12b: {  	s21 =	rddreg [dreg:$0xb];
	[sflag:s12] =	ssyncadd.s32 $0xFFFFC400  }
0x12c: {  	[hbm4b:s21+s4] =	stream.linear.scatter [tilespmem:s11], [sflag:$0x7], $0x3C00, $0x38;
	[tilespmem:$0x1B800] =	vst v63  }
0x12d: {  	_ =	swait.ge [sflag:s12], $0x3C00  }
0x12e: {  	[sflag:s12] =	ssyncset.done $0x0  }
0x12f: {  	[sflag:s12] =	ssyncadd.s32 $0xFFFFC400  }
0x130: {  	[tilespmem:s11], [sflag:$0x7] =	stream.linear.gather [spmem:s29], $0x3C00, $0x38;
	[tilespmem:$0x1B800] =	vst v63  }
0x131: {  	_ =	swait.ge [sflag:s12], $0x3C00  }
0x132: {  	[sflag:s12] =	ssyncset.done $0x0  }
0x133: {  	s25 =	rddreg [dreg:$0xc];
	[sflag:s12] =	ssyncadd.s32 $0xFFFFC400  }
0x134: {  	[hbm4b:s25+s4] =	stream.linear.scatter [tilespmem:s11], [sflag:$0x7], $0x3C00, $0x38;
	[tilespmem:$0x1B800] =	vst v63  }
0x135: {  	_ =	swait.ge [sflag:s12], $0x3C00  }
0x136: {  	[sflag:s12] =	ssyncset.done $0x0  }
0x137: {  	s25 =	rddreg [dreg:$0x18];
	[sflag:s12] =	ssyncadd.s32 $0xFFFFC400  }
0x138: {  	[tilespmem:s11], [sflag:$0x7] =	stream.linear.gather [spmem:s25], $0x3C00, $0x38;
	[tilespmem:$0x1B800] =	vst v63  }
0x139: {  	_ =	swait.ge [sflag:s12], $0x3C00  }
0x13a: {  	[sflag:s12] =	ssyncset.done $0x0  }
0x13b: {  	s23 =	smov.u32 s26;
	s26 =	rddreg [dreg:$0xd];
	[sflag:s12] =	ssyncadd.s32 $0xFFFFC400  }
0x13c: {  	[hbm4b:s26+s4] =	stream.linear.scatter [tilespmem:s11], [sflag:$0x7], $0x3C00, $0x38;
	[tilespmem:$0x1B800] =	vst v63  }
0x13d: {  	_ =	swait.ge [sflag:s12], $0x3C00  }
0x13e: {  	[sflag:s12] =	ssyncset.done $0x0  }
0x13f: {  	s24 =	smov.u32 s29;
	s29 =	rddreg [dreg:$0x19];
	[sflag:s12] =	ssyncadd.s32 $0xFFFFC400  }
0x140: {  	[tilespmem:s11], [sflag:$0x7] =	stream.linear.gather [spmem:s29], $0x3C00, $0x38;
	[tilespmem:$0x1B800] =	vst v63  }
0x141: {  	_ =	swait.ge [sflag:s12], $0x3C00  }
0x142: {  	[sflag:s12] =	ssyncset.done $0x0  }
0x143: {  	s22 =	rddreg [dreg:$0xe];
	[sflag:s12] =	ssyncadd.s32 $0xFFFFC400  }
0x144: {  	[hbm4b:s22+s4] =	stream.linear.scatter [tilespmem:s11], [sflag:$0x7], $0x3C00, $0x38;
	[tilespmem:$0x1B800] =	vst v63  }
0x145: {  	_ =	swait.ge [sflag:s12], $0x3C00  }
0x146: {  	[sflag:s12] =	ssyncset.done $0x0  }
0x147: {  	s26 =	rddreg [dreg:$0x1a];
	[sflag:s12] =	ssyncadd.s32 $0xFFFFC400  }
0x148: {  	[tilespmem:s11], [sflag:$0x7] =	stream.linear.gather [spmem:s26], $0x3C00, $0x38;
	[tilespmem:$0x1B800] =	vst v63  }
0x149: {  	_ =	swait.ge [sflag:s12], $0x3C00  }
0x14a: {  	[sflag:s12] =	ssyncset.done $0x0  }
0x14b: {  	s29 =	rddreg [dreg:$0xf];
	[sflag:s12] =	ssyncadd.s32 $0xFFFFC400  }
0x14c: {  	[hbm4b:s29+s4] =	stream.linear.scatter [tilespmem:s11], [sflag:$0x7], $0x3C00, $0x38;
	[tilespmem:$0x1B800] =	vst v63  }
0x14d: {  	_ =	swait.ge [sflag:s12], $0x3C00  }
0x14e: {  	[sflag:s12] =	ssyncset.done $0x0  }
0x14f: {  	s22 =	rddreg [dreg:$0x1b];
	[sflag:s12] =	ssyncadd.s32 $0xFFFFC400  }
0x150: {  	[tilespmem:s11], [sflag:$0x7] =	stream.linear.gather [spmem:s22], $0x1000, $0x38;
	[tilespmem:$0x1B800] =	vst v63  }
0x151: {  	_ =	swait.ge [sflag:s12], $0x1000  }
0x152: {  	[sflag:s12] =	ssyncset.done $0x0  }
0x153: {  	s26 =	rddreg [dreg:$0x10];
	[sflag:s12] =	ssyncadd.s32 $0xFFFFF000  }
0x154: {  	[hbm4b:s26+s4] =	stream.linear.scatter [tilespmem:s11], [sflag:$0x7], $0x1000, $0x38;
	[tilespmem:$0x1B800] =	vst v63  }
0x155: {  	_ =	swait.ge [sflag:s12], $0x1000  }
0x156: {  	s28 =	sadd.s32 $0x1, s28;
	s29 =	rddreg [dreg:$0x1c]  }
0x157: {  	p0 =	sne.s32 s28, s29  }
.Ltmp2:
0x158: {  	_ = 	snop;
	(pc) =	sbr.rel @p0 .LBB2_1-.Ltmp2, $3  }
0x159: {  	_ =	sdelay $0x1  }
0x15a: {  	[sflag:s12] =	ssyncset.done $0x0  }
0x15b: {  	[sflag:s12] =	ssyncadd.s32 $0xFFFFF000  }
0x15c: {  	_ =	sfence.sel $0x180000  }
0x15d: {  	[bflag:$0x0] =	sbarrier.arrive $0xFFFF  }
0x15e: {  	_ =	strace $0x9000004A  }
0x15f: {  	s0 =	stileid.u32;
	[bflag:$0x2] =	sbarrier.arrive $0xFFFF  }
0x160: {  	p0 =	sne.s32 s0, $0x0;
	s0 =	rddreg [dreg:$0x3]  }
0x161: {  	s0 =	sadd.s32 @!p0 $0x100000, s0  }
0x162: {  	[sflag:s0] =	ssyncadd.tile.s32 @!p0 $0x1;
	_ =	shalt  }
.Lfunc_end2:
_tile_overlayer_lowered:
.L_overlay_start_2:
0x163: {  	(tag) =	ssettag $0x2  }
0x164: {  	s0 =	rddreg [dreg:$0x0];
	s2 =	stileid.u32  }
0x165: {  	s1 =	rddreg [dreg:$0x1];
	p0 =	sne.s32 s2, $0x0  }
0x166: {  	s3 =	rddreg [dreg:$0x2];
	[bflag:$0x3] =	sbarrier.arrive $0xFFFF;
	s2 =	simm.s32 @!p0 $0x1C07  }
0x167: {  	[timem:s3], [sflag:s2] =	dma.local @!p0 [hbm:s0], s1  }
0x168: {  	s0 =	simm.s32 @!p0 $0x7  }
0x169: {  	_ =	swait.ge @!p0 [sflag:s0], s1  }
0x16a: {  	s1 =	ssub.s32 @!p0 $0x0, s1;
	[sflag:s0] =	ssyncset.done @!p0 $0x0  }
0x16b: {  	[sflag:s0] =	ssyncadd.s32 @!p0 s1  }
0x16c: {  	[bflag:$0x3] =	sbarrier.arrive $0xFFFF  }
0x16d: {  	_ =	shalt  }

// kernel: sage_agg_deg.3.cloned.1.call-start
scs
__scs_entry_jumppad:
0x0: {  	(pc) =	sbr.rel $0x88, $3  }
0x1: {  	(tag) =	ssettag $0x0;
	lr =	simm.s32 $0x1  }
0x2: {  	[smem:$0x3F99] =	sst lr;
	_ =	strace $0xD0000000  }
0x3: {  	_ = 	snop  }
0x4: {  	_ = 	snop  }
0x5: {  	_ = 	snop  }
0x6: {  	_ = 	snop  }
0x7: {  	_ = 	snop  }
__scs_overlays_trampoline_lowered:
0x8: {  	[smem:$0x3FA8] =	sst s0  }
0x9: {  	[smem:$0x3FA9] =	sst s1  }
0xa: {  	[smem:$0x3FAA] =	sst s2  }
0xb: {  	[smem:$0x3FAB] =	sst s3  }
0xc: {  	[smem:$0x3FAC] =	sst s4  }
0xd: {  	[smem:$0x3FAD] =	sst s5  }
0xe: {  	[smem:$0x3FAE] =	sst s6  }
0xf: {  	[smem:$0x3FAF] =	sst s7  }
0x10: {  	[smem:$0x3FB0] =	sst s8  }
0x11: {  	[smem:$0x3FB1] =	sst s9;
	s0 =	simm.s32 @!p0 $0x0  }
0x12: {  	s1 =	sld [smem:$0x3F97];
	s0 =	simm.s32 @p0 $0x1  }
0x13: {  	[smem:$0x3FB2] =	sst s0;
	s0 =	simm.s32 @!p1 $0x0  }
0x14: {  	s2 =	sld [smem:$0x3F96];
	s0 =	simm.s32 @p1 $0x1  }
0x15: {  	[smem:$0x3FB3] =	sst s0;
	s0 =	simm.s32 @!p2 $0x0  }
0x16: {  	s3 =	sld [smem:$0x3FDB];
	s0 =	simm.s32 @p2 $0x1  }
0x17: {  	s4 =	simm.s32 $0x1BF5;
	[smem:$0x3FB5] =	sst s0  }
0x18: {  	s0 =	sld [smem:$0x3F98];
	_ =	swait.ge [sflag:s4], $0x0  }
0x19: {  	s7 =	sld [smem:$0x3F99]  }
0x1a: {  	s8 =	sadd.s32 $0xFFFFE003, lr  }
0x1b: {  	s9 =	sadd.s32 $0xFFFFFEF7, lr;
	s5 =	simm.s32 $0xFFFFFFFF;
	p2 =	slt.u32 s8, $0xFFFFF086  }
0x1c: {  	p1 =	slt.u32 s9, $0xF7A;
	s5 =	simm.s32 @!p2 $0x0  }
0x1d: {  	s5 =	simm.s32 @p1 $0x1;
	p0 =	seq.s32 s7, s2  }
0x1e: {  	s7 =	smul.u32 @!p0 $0xF7A, s2;
	p2 =	seq.s32 @!p0 s5, $0x0  }
0x1f: {  	s9 =	smul.u32 $0xF7A, s1;
	s8 =	simm.s32 @!p0 $0x1BF5;
	p2 =	por !p2, p0  }
0x20: {  	[sflag:s8] =	ssyncset.s32 @!p0 $0xFFFFF086;
	s6 =	sadd.s32 @!p0 s3, s7;
	s7 =	simm.s32 @!p0 $0x108  }
0x21: {  	s3 =	sadd.s32 s3, s9;
	s6 =	sadd.s32 @!p0 $0x88, s6;
	s7 =	simm.s32 @p2 $0x1082  }
0x22: {  	[simem:s7], [sflag:s8] =	dma.local @!p0 [hbm:s6], $0xF7A  }
0x23: {  	s9 =	sor.u32 $0xD0000000, s2;
	s6 =	simm.s32 $0x108;
	_ =	swait.ge @!p0 [sflag:s8], $0x0  }
0x24: {  	s3 =	sadd.s32 $0x88, s3;
	s6 =	simm.s32 @!p1 $0x1082;
	[sflag:s4] =	ssyncset.s32 $0xFFFFF086  }
0x25: {  	[simem:s6], [sflag:s4] =	dma.local [hbm:s3], $0xF7A  }
0x26: {  	[smem:$0x3F99] =	sst s1;
	(tag) =	ssettag s2;
	_ =	strace s9  }
0x27: {  	s1 =	sld [smem:$0x3FA9]  }
0x28: {  	s2 =	sld [smem:$0x3FAA]  }
0x29: {  	s4 =	sld [smem:$0x3FAC]  }
0x2a: {  	p0 =	seq.s32 s5, $0x0;
	s5 =	sld [smem:$0x3FAD]  }
0x2b: {  	s6 =	sld [smem:$0x3FAE]  }
0x2c: {  	s7 =	sld [smem:$0x3FAF]  }
0x2d: {  	s3 =	simm.s32 $0x108;
	s8 =	sld [smem:$0x3FB0]  }
0x2e: {  	s3 =	simm.s32 @!p0 $0x1082;
	s9 =	sld [smem:$0x3FB1]  }
0x2f: {  	lr =	sadd.s32 s0, s3;
	s0 =	sld [smem:$0x3FA8]  }
0x30: {  	s3 =	sld [smem:$0x3FAB]  }
0x31: {  	[smem:$0x3FB4] =	sst s10  }
0x32: {  	s10 =	sld [smem:$0x3FB2];
	_ =	sdelay $0x3  }
0x33: {  	p0 =	seq.s32 s10, $0x1;
	s10 =	sld [smem:$0x3FB4];
	_ =	sdelay $0x3  }
0x34: {  	[smem:$0x3FB4] =	sst s10  }
0x35: {  	s10 =	sld [smem:$0x3FB3];
	_ =	sdelay $0x3  }
0x36: {  	p1 =	seq.s32 s10, $0x1;
	s10 =	sld [smem:$0x3FB4];
	_ =	sdelay $0x3  }
0x37: {  	[smem:$0x3FB4] =	sst s10  }
0x38: {  	s10 =	sld [smem:$0x3FB5]  }
0x39: {  	_ = 	snop;
	(pc) =	sbr.ind lr, $3  }
0x3a: {  	_ = 	snop  }
0x3b: {  	_ = 	snop  }
0x3c: {  	p2 =	seq.s32 s10, $0x1;
	s10 =	sld [smem:$0x3FB4]  }
0x3d: {  	_ =	shalt  }
0x3e: {  	_ =	shalt  }
0x3f: {  	_ =	shalt  }
0x40: {  	_ =	shalt  }
0x41: {  	_ =	shalt  }
0x42: {  	_ =	shalt  }
0x43: {  	_ =	shalt  }
0x44: {  	_ =	shalt  }
0x45: {  	_ =	shalt  }
0x46: {  	_ =	shalt  }
0x47: {  	_ =	shalt  }
0x48: {  	_ =	shalt  }
0x49: {  	_ =	shalt  }
0x4a: {  	_ =	shalt  }
0x4b: {  	_ =	shalt  }
0x4c: {  	_ =	shalt  }
0x4d: {  	_ =	shalt  }
0x4e: {  	_ =	shalt  }
0x4f: {  	_ =	shalt  }
0x50: {  	_ =	shalt  }
0x51: {  	_ =	shalt  }
0x52: {  	_ =	shalt  }
0x53: {  	_ =	shalt  }
0x54: {  	_ =	shalt  }
0x55: {  	_ =	shalt  }
0x56: {  	_ =	shalt  }
0x57: {  	_ =	shalt  }
0x58: {  	_ =	shalt  }
0x59: {  	_ =	shalt  }
0x5a: {  	_ =	shalt  }
0x5b: {  	_ =	shalt  }
0x5c: {  	_ =	shalt  }
0x5d: {  	_ =	shalt  }
0x5e: {  	_ =	shalt  }
0x5f: {  	_ =	shalt  }
0x60: {  	_ =	shalt  }
0x61: {  	_ =	shalt  }
0x62: {  	_ =	shalt  }
0x63: {  	_ =	shalt  }
0x64: {  	_ =	shalt  }
0x65: {  	_ =	shalt  }
0x66: {  	_ =	shalt  }
0x67: {  	_ =	shalt  }
0x68: {  	_ =	shalt  }
0x69: {  	_ =	shalt  }
0x6a: {  	_ =	shalt  }
0x6b: {  	_ =	shalt  }
0x6c: {  	_ =	shalt  }
0x6d: {  	_ =	shalt  }
0x6e: {  	_ =	shalt  }
0x6f: {  	_ =	shalt  }
0x70: {  	_ =	shalt  }
0x71: {  	_ =	shalt  }
0x72: {  	_ =	shalt  }
0x73: {  	_ =	shalt  }
0x74: {  	_ =	shalt  }
0x75: {  	_ =	shalt  }
0x76: {  	_ =	shalt  }
0x77: {  	_ =	shalt  }
0x78: {  	_ =	shalt  }
0x79: {  	_ =	shalt  }
0x7a: {  	_ =	shalt  }
0x7b: {  	_ =	shalt  }
0x7c: {  	_ =	shalt  }
0x7d: {  	_ =	shalt  }
0x7e: {  	_ =	shalt  }
0x7f: {  	_ =	shalt  }
0x80: {  	_ =	shalt  }
0x81: {  	_ =	shalt  }
0x82: {  	_ =	shalt  }
0x83: {  	_ =	shalt  }
0x84: {  	_ =	shalt  }
0x85: {  	_ =	shalt  }
0x86: {  	_ =	shalt  }
0x87: {  	_ =	shalt  }
.Lfunc_end0:
.L_simem_size_0:
called_computation_lowered:
.L_overlay_start_0:
0x88: {  	s2 =	sld [smem:$0x3FD9]  }
0x89: {  	s3 =	sld [smem:$0x3FFE];
	_ =	sdelay $0x1  }
0x8a: {  	s1 =	srdreg.scid  }
0x8b: {  	s0 =	sand.u32 $0x1, s1  }
0x8c: {  	s17 =	sshll.u32 s0, $0xA;
	s2 =	sadd.s32 s3, s2  }
0x8d: {  	s2 =	sadd.s32 s2, s17  }
0x8e: {  	[smem:$0x3FC0] =	sst s2  }
0x8f: {  	_ = 	snop  }
0x90: {  	s2 =	sld [smem:$0x3FC9];
	(tm) =	ssettm $0x1  }
0x91: {  	s18 =	sld [smem:$0x3FFB];
	_ =	sdelay $0x3  }
0x92: {  	_ =	strace s18  }
0x93: {  	s3 =	sld [smem:$0x3FFC];
	_ =	sdelay $0x3  }
0x94: {  	_ =	strace s3  }
0x95: {  	s3 =	sld [smem:$0x3FFD];
	_ =	sdelay $0x3  }
0x96: {  	_ =	strace s3  }
0x97: {  	_ =	strace $0x8FFFFFFF  }
0x98: {  	s19 =	sld [smem:$0x3FDB];
	_ =	sdelay $0x1  }
0x99: {  	s4 =	simm.s32 $_scs_section_size  }
0x9a: {  	s5 =	simm.s32 $_size__tile_overlayer_lowered;
	s6 =	simm.s32 $_tile_overlayer_lowered  }
0x9b: {  	s22 =	simm.s32 $0x1BFF;
	s21 =	sshll.u32 s6, $0x1;
	s3 =	sadd.s32 s4, s19  }
0x9c: {  	s7 =	simm.s32 $0x0;
	s20 =	sshll.u32 s5, $0x1;
	s5 =	sadd.s32 s21, s3  }
0x9d: {  	[timem:s7], [sflag:s22] =	dma.local [hbm:s5], s20  }
0x9e: {  	_ =	swait.ge [sflag:s22], s20  }
0x9f: {  	s4 =	ssub.s32 $0x0, s20;
	[sflag:s22] =	ssyncset.done $0x0  }
0xa0: {  	[sflag:s22] =	ssyncadd.s32 s4;
	_ =	sdelay $0x1  }
0xa1: {  	s23 =	simm.s32 $0x1B8B  }
0xa2: {  	_ =	swait.ge [sflag:s23], $0x1  }
0xa3: {  	[sflag:s23] =	ssyncset.done $0x0  }
0xa4: {  	s25 =	simm.s32 $0x1B8E;
	s24 =	sld [smem:$0x3FFE];
	[sflag:s23] =	ssyncadd.s32 $0xFFFFFFFF  }
0xa5: {  	s26 =	simm.s32 $execute0_lowered;
	[smem:$0x3FD2] =	sst s25  }
0xa6: {  	s5 =	sshll.u32 s26, $0x1;
	_ =	strace $0x80000046;
	[dreg:$0x1] =	wrdreg $0xFFFFFFFF  }
0xa7: {  	s28 =	simm.s32 $_size_execute0_lowered;
	s3 =	sadd.s32 s3, s5;
	[dreg:$0x0] =	wrdreg $0x0  }
0xa8: {  	s5 =	sshll.u32 s28, $0x1;
	[dreg:$0x2] =	wrdreg s3  }
0xa9: {  	[dreg:$0x3] =	wrdreg s5  }
0xaa: {  	[dreg:$0x4] =	wrdreg $0xC0  }
0xab: {  	_ =	task [dreg:s7], $0x5FFFF  }
0xac: {  	[dreg:$0x1] =	wrdreg $0xFFFFFFFF  }
0xad: {  	[dreg:$0x0] =	wrdreg $0x60  }
0xae: {  	[dreg:$0x2] =	wrdreg s2  }
0xaf: {  	[dreg:$0x3] =	wrdreg s24  }
0xb0: {  	[dreg:$0x4] =	wrdreg $0x0  }
0xb1: {  	[dreg:$0x5] =	wrdreg $0x9  }
0xb2: {  	_ =	task.clear_ibuf [dreg:s7], $0x6FFFF;
	_ =	strace $0x90000046  }
0xb3: {  	s29 =	simm.s32 $0x9;
	_ =	strace $0x80000048  }
0xb4: {  	_ =	swait.ge [sflag:s29], $0x1  }
0xb5: {  	[sflag:s29] =	ssyncadd.s32 $0xFFFFFFFF  }
0xb6: {  	_ =	strace $0x90000048  }
0xb7: {  	_ =	sfence  }
0xb8: {  	s30 =	sld [smem:$0x0];
	_ =	sdelay $0x2  }
0xb9: {  	s31 =	sshll.u32 s1, $0xD;
	s1 =	sshrl.u32 s1, $0x2  }
0xba: {  	s3 =	sand.u32 $0x4000, s31;
	s1 =	sadd.s32 s1, s30  }
0xbb: {  	s0 =	sor.u32 s3, s0;
	s1 =	sshll.u32 s1, $0x11  }
0xbc: {  	s0 =	sor.u32 s1, s0  }
0xbd: {  	s0 =	sadd.s32 $0x8F2B, s0  }
0xbe: {  	[sflag:s0] =	ssyncadd.remote.s32 $0x1  }
0xbf: {  	_ =	sfence.sel $0xFFFF  }
0xc0: {  	[dreg:$0x0] =	wrdreg $0xFFFFFFFF;
	(pc) =	sbr.abs _section_cstart, $3  }
0xc1: {  	[dreg:$0x1] =	wrdreg $0xFFFFFFFF  }
0xc2: {  	_ =	task.clear_ibuf [dreg:s7], $0x2FFFF;
	_ =	strace $0x9FFFFFFF  }
0xc3: {  	(tm) =	ssettm $0x7FFFFFFF  }
tec
execute0_lowered:
.L_overlay_start_1:
0x0: {  	(tag) =	ssettag $0x1  }
0x1: {  	s1 =	rddreg [dreg:$0x0]  }
0x2: {  	s3 =	rddreg [dreg:$0x1]  }
0x3: {  	s2 =	rddreg [dreg:$0x2];
	s0 =	srdreg.scid;
	s4 =	simm.s32 $0x0  }
0x4: {  	s22 =	stileid.u32;
	s8 =	sand.u32 $0x1, s0;
	[smem:$0x7FF] =	sst s4  }
0x5: {  	s5 =	sadd.s32 $0x2200, s3;
	s6 =	sadd.s32 $0xC000, s3;
	s9 =	smul.u32 $0x13C00, s22  }
0x6: {  	s13 =	sadd.s32 $0x15E00, s3;
	s15 =	sadd.s32 $0x64E00, s3;
	s17 =	smul.u32 $0x2760, s22  }
0x7: {  	s0 =	sshll.u32 s8, $0x4;
	_ =	strace $0x80000047;
	s14 =	smul.u32 $0x13C000, s8  }
0x8: {  	s7 =	ssub.s32 $0x2, s8;
	s16 =	smul.u32 $0x27600, s8;
	s0 =	sor.u32 s22, s0  }
0x9: {  	s10 =	sshrl.u32 s7, $0x1;
	s8 =	sadd.s32 $0x3C00, s9;
	s11 =	sadd.s32 $0xB400, s9  }
0xa: {  	s12 =	sadd.s32 $0xF000, s9;
	s3 =	sadd.s32 $0x12C00, s9;
	s0 =	smul.u32 $0x2760, s0  }
0xb: {  	s7 =	ssub.s32 s7, s10;
	s10 =	sadd.s32 $0x7800, s9;
	s18 =	sadd.s32 s9, s14  }
0xc: {  	s19 =	sadd.s32 s14, s8;
	s9 =	sadd.s32 s17, s16;
	s16 =	sshrl.u32 s18, $0x3  }
0xd: {  	s17 =	sshrl.u32 s19, $0x3;
	s21 =	sadd.s32 $0x348, s9;
	s25 =	sadd.s32 s14, s10  }
0xe: {  	s23 =	sadd.s32 s13, s16;
	s24 =	sadd.s32 s13, s17;
	s18 =	sshrl.u32 s21, $0x3  }
0xf: {  	s21 =	sadd.s32 $0x2D0, s9;
	s19 =	sshrl.u32 s25, $0x3;
	[dreg:$0xa] =	wrdreg s23  }
0x10: {  	s17 =	sadd.s32 s15, s17;
	[dreg:$0xb] =	wrdreg s24;
	s20 =	sadd.s32 s18, s6  }
0x11: {  	s18 =	sadd.s32 s18, s5;
	s26 =	sshrl.u32 s21, $0x3;
	[dreg:$0x11] =	wrdreg s17  }
0x12: {  	s29 =	sadd.s32 s13, s19;
	s23 =	sadd.s32 s14, s11;
	[dreg:$0x4] =	wrdreg s20  }
0x13: {  	s24 =	sadd.s32 s14, s12;
	s14 =	sadd.s32 s14, s3;
	[dreg:$0x5] =	wrdreg s18  }
0x14: {  	s17 =	smul.u32 $0x4F000, s22;
	s22 =	sadd.s32 s10, s2;
	[dreg:$0xc] =	wrdreg s29  }
0x15: {  	s3 =	sadd.s32 s3, s2;
	s28 =	sadd.s32 s26, s6;
	[smem:$0x7F8] =	sst s22  }
0x16: {  	s21 =	sadd.s32 s26, s5;
	s20 =	sshrl.u32 s23, $0x3;
	[dreg:$0x6] =	wrdreg s28  }
0x17: {  	s18 =	sshrl.u32 s24, $0x3;
	[dreg:$0x7] =	wrdreg s21;
	s25 =	sadd.s32 s13, s20  }
0x18: {  	s14 =	sshrl.u32 s14, $0x3;
	s26 =	sadd.s32 s13, s18;
	[dreg:$0xd] =	wrdreg s25  }
0x19: {  	s10 =	simm.s32 $0x0;
	s13 =	sadd.s32 s13, s14;
	[dreg:$0xe] =	wrdreg s26  }
0x1a: {  	s29 =	sadd.s32 $0x258, s9;
	s28 =	sadd.s32 s15, s16;
	[dreg:$0xf] =	wrdreg s13  }
0x1b: {  	s22 =	simm.s32 $0x2;
	s21 =	sadd.s32 s15, s19;
	[dreg:$0x10] =	wrdreg s28  }
0x1c: {  	s23 =	sadd.s32 s15, s20;
	s24 =	sadd.s32 s15, s18;
	[dreg:$0x12] =	wrdreg s21  }
0x1d: {  	s14 =	sadd.s32 s15, s14;
	s19 =	sshrl.u32 s17, $0x2;
	[dreg:$0x13] =	wrdreg s23  }
0x1e: {  	s15 =	simm.s32 $0x1B600;
	s17 =	simm.s32 $0x1B700;
	[dreg:$0x14] =	wrdreg s24  }
0x1f: {  	s13 =	sshrl.u32 s29, $0x3;
	[dreg:$0x15] =	wrdreg s14;
	s26 =	sshrl.u32 s0, $0x3  }
0x20: {  	s28 =	sadd.s32 $0x78, s0;
	s0 =	sadd.s32 $0x168, s0;
	s21 =	sadd.s32 s8, s2  }
0x21: {  	s30 =	sadd.s32 s19, s2;
	s24 =	sadd.s32 s11, s2;
	[dreg:$0x1f] =	wrdreg s21  }
0x22: {  	s23 =	sadd.s32 $0x168, s9;
	s11 =	simm.s32 $0x1B400;
	[smem:$0x7F9] =	sst s24  }
0x23: {  	s19 =	simm.s32 $0x13C00;
	s25 =	sadd.s32 s13, s6;
	[dreg:$0x1e] =	wrdreg s30  }
0x24: {  	s13 =	sadd.s32 s13, s5;
	s14 =	sshrl.u32 s28, $0x3;
	[dreg:$0x8] =	wrdreg s25  }
0x25: {  	s29 =	sadd.s32 s5, s26;
	s31 =	sadd.s32 s6, s26;
	[dreg:$0x9] =	wrdreg s13  }
0x26: {  	s0 =	sshrl.u32 s0, $0x3;
	s28 =	sadd.s32 $0x1E0, s9;
	[dreg:$0x16] =	wrdreg s29  }
0x27: {  	s8 =	sshrl.u32 s23, $0x3;
	s21 =	simm.s32 $0x7;
	[smem:$0x7FC] =	sst s28  }
0x28: {  	s23 =	simm.s32 $0x3;
	s16 =	sadd.s32 s5, s14;
	[dreg:$0x17] =	wrdreg s31  }
0x29: {  	s24 =	simm.s32 $0x78;
	s14 =	sadd.s32 s6, s14;
	[dreg:$0x18] =	wrdreg s16  }
0x2a: {  	s13 =	sadd.s32 $0x1E, s26;
	s20 =	sadd.s32 s5, s0;
	[dreg:$0x19] =	wrdreg s14  }
0x2b: {  	s0 =	sadd.s32 s6, s0;
	s25 =	sadd.s32 s12, s2;
	[dreg:$0x1c] =	wrdreg s20  }
0x2c: {  	s26 =	smax.u32 s7, $0x1;
	s8 =	sadd.s32 s8, s6;
	[dreg:$0x1d] =	wrdreg s0  }
0x2d: {  	s29 =	sadd.s32 $0xF0, s9;
	s12 =	simm.s32 $0x1B480;
	[smem:$0x7FA] =	sst s25  }
0x2e: {  	s7 =	simm.s32 $0x1;
	s9 =	simm.s32 $0x6;
	[smem:$0x7FB] =	sst s26  }
0x2f: {  	s18 =	sadd.s32 s5, s13;
	s13 =	sadd.s32 s6, s13;
	[smem:$0x7FD] =	sst s29  }
0x30: {  	s14 =	simm.s32 $0x1B580;
	s16 =	simm.s32 $0x1B680;
	s25 =	simm.s32 $0x4  }
0x31: {  	s26 =	simm.s32 $0x17800;
	s20 =	simm.s32 $0x5;
	[dreg:$0x1a] =	wrdreg s18  }
0x32: {  	v0 =	vimm.f32 $0.0e+00;
	v1 =	vimm.f32 $1.000000000e+00;
	[dreg:$0x1b] =	wrdreg s13;
	s13 =	simm.s32 $0x1B500;
	s18 =	simm.s32 $0x1B780  }
.LBB2_1:
0x33: {  	s0 =	rddreg [dreg:$0x16]  }
0x34: {  	[tilespmem:s11], [sflag:$0x3] =	stream.linear.gather [hbm4b:s0+s4], $0x78, $0x38;
	[tilespmem:$0x1B800] =	vst v63  }
0x35: {  	_ = 	snop  }
0x36: {  	[tilespmem:s12], [sflag:$0x3] =	stream.linear.gather [hbm4b:s31+s4], $0x78, $0x38;
	[tilespmem:$0x1B800] =	vst v63  }
0x37: {  	s31 =	rddreg [dreg:$0x18]  }
0x38: {  	[tilespmem:s13], [sflag:$0x4] =	stream.linear.gather [hbm4b:s31+s4], $0x78, $0x38;
	[tilespmem:$0x1B800] =	vst v63  }
0x39: {  	s31 =	rddreg [dreg:$0x19]  }
0x3a: {  	[tilespmem:s14], [sflag:$0x4] =	stream.linear.gather [hbm4b:s31+s4], $0x78, $0x38;
	[tilespmem:$0x1B800] =	vst v63  }
0x3b: {  	s31 =	rddreg [dreg:$0x1a]  }
0x3c: {  	[tilespmem:s15], [sflag:$0x5] =	stream.linear.gather [hbm4b:s31+s4], $0x78, $0x38;
	[tilespmem:$0x1B800] =	vst v63  }
0x3d: {  	s31 =	rddreg [dreg:$0x1b]  }
0x3e: {  	[tilespmem:s16], [sflag:$0x5] =	stream.linear.gather [hbm4b:s31+s4], $0x78, $0x38;
	[tilespmem:$0x1B800] =	vst v63  }
0x3f: {  	s31 =	rddreg [dreg:$0x1c]  }
0x40: {  	[tilespmem:s17], [sflag:$0x6] =	stream.linear.gather [hbm4b:s31+s4], $0x78, $0x38;
	[tilespmem:$0x1B800] =	vst v63  }
0x41: {  	s28 =	simm.s32 $0x0;
	s29 =	simm.s32 $0x200;
	s31 =	rddreg [dreg:$0x1d]  }
0x42: {  	[tilespmem:s18], [sflag:$0x6] =	stream.linear.gather [hbm4b:s31+s4], $0x78, $0x38;
	[tilespmem:$0x1B800] =	vst v63  }
.LBB2_2:
0x43: {  	p0 =	sne.s32 s29, $0xEE00;
	[tilespmem:s28+$0x13C70] =	vst v0  }
0x44: {  	[tilespmem:s28+$0x13C00] =	vst v0  }
0x45: {  	[tilespmem:s28+$0x13C10] =	vst v0  }
.Ltmp0:
0x46: {  	[tilespmem:s28+$0x13C20] =	vst v0;
	(pc) =	sbr.rel @p0 .LBB2_2-.Ltmp0, $4  }
0x47: {  	[tilespmem:s28+$0x13C30] =	vst v0  }
0x48: {  	[tilespmem:s28+$0x13C40] =	vst v0  }
0x49: {  	[tilespmem:s28+$0x13C50] =	vst v0  }
0x4a: {  	[tilespmem:s28+$0x13C60] =	vst v0;
	s28 =	sshra.s32 s29, $0x2;
	s29 =	sadd.s32 $0x200, s29  }
0x4b: {  	[tilespmem:s28+$0x13C70] =	vst v0  }
0x4c: {  	[tilespmem:s28+$0x13C00] =	vst v0  }
0x4d: {  	[tilespmem:s28+$0x13C10] =	vst v0  }
0x4e: {  	[tilespmem:s28+$0x13C20] =	vst v0  }
0x4f: {  	[tilespmem:s28+$0x13C30] =	vst v0  }
0x50: {  	[tilespmem:s28+$0x13C40] =	vst v0  }
0x51: {  	[tilespmem:s28+$0x13C50] =	vst v0  }
0x52: {  	[tilespmem:s28+$0x13C60] =	vst v0  }
0x53: {  	[spmem:s30] =	stream.linear.scatter [tilespmem:s19], [sflag:$0x7], $0x3C00, $0x38;
	[tilespmem:$0x1B800] =	vst v63  }
0x54: {  	_ =	swait.ge [sflag:s21], $0x3C00  }
0x55: {  	[sflag:s21] =	ssyncset.done $0x0  }
0x56: {  	s0 =	rddreg [dreg:$0x1f];
	[sflag:s21] =	ssyncadd.s32 $0xFFFFC400  }
0x57: {  	[spmem:s0] =	stream.linear.scatter [tilespmem:s19], [sflag:$0x7], $0x3C00, $0x38;
	[tilespmem:$0x1B800] =	vst v63  }
0x58: {  	_ =	swait.ge [sflag:s21], $0x3C00  }
0x59: {  	s30 =	sld [smem:$0x7F8]  }
0x5a: {  	[sflag:s21] =	ssyncset.done $0x0  }
0x5b: {  	[sflag:s21] =	ssyncadd.s32 $0xFFFFC400  }
0x5c: {  	[spmem:s30] =	stream.linear.scatter [tilespmem:s19], [sflag:$0x7], $0x3C00, $0x38;
	[tilespmem:$0x1B800] =	vst v63  }
0x5d: {  	_ =	swait.ge [sflag:s21], $0x3C00  }
0x5e: {  	s31 =	sld [smem:$0x7F9]  }
0x5f: {  	[sflag:s21] =	ssyncset.done $0x0  }
0x60: {  	[sflag:s21] =	ssyncadd.s32 $0xFFFFC400  }
0x61: {  	[spmem:s31] =	stream.linear.scatter [tilespmem:s19], [sflag:$0x7], $0x3C00, $0x38;
	[tilespmem:$0x1B800] =	vst v63  }
0x62: {  	_ =	swait.ge [sflag:s21], $0x3C00  }
0x63: {  	s30 =	sld [smem:$0x7FA]  }
0x64: {  	[sflag:s21] =	ssyncset.done $0x0  }
0x65: {  	[sflag:s21] =	ssyncadd.s32 $0xFFFFC400  }
0x66: {  	[spmem:s30] =	stream.linear.scatter [tilespmem:s19], [sflag:$0x7], $0x3C00, $0x38;
	[tilespmem:$0x1B800] =	vst v63  }
0x67: {  	_ =	swait.ge [sflag:s21], $0x3C00  }
0x68: {  	[sflag:s21] =	ssyncset.done $0x0  }
0x69: {  	[sflag:s21] =	ssyncadd.s32 $0xFFFFC400  }
0x6a: {  	[spmem:s3] =	stream.linear.scatter [tilespmem:s19], [sflag:$0x7], $0x1000, $0x38;
	[tilespmem:$0x1B800] =	vst v63  }
0x6b: {  	_ =	swait.ge [sflag:s21], $0x1000  }
0x6c: {  	[sflag:s21] =	ssyncset.done $0x0  }
0x6d: {  	[sflag:s21] =	ssyncadd.s32 $0xFFFFF000  }
0x6e: {  	_ =	swait.ge [sflag:s23], $0x78  }
0x6f: {  	[sflag:s23] =	ssyncset.done $0x0  }
0x70: {  	[sflag:s23] =	ssyncadd.s32 $0xFFFFFF88  }
0x71: {  	_ =	swait.ge [sflag:s23], $0x78  }
0x72: {  	[sflag:s23] =	ssyncset.done $0x0  }
0x73: {  	[sflag:s23] =	ssyncadd.s32 $0xFFFFFF88  }
0x74: {  	[tilespmem:s19], [sflag:$0x1] =	stream.indirect.gather [hbm4b:s1+s24], $0x80, s11, s24, $0xb8;
	[tilespmem:$0x1B800] =	vst v63  }
0x75: {  	_ =	swait.ge [sflag:s25], $0x78  }
0x76: {  	[sflag:s25] =	ssyncset.done $0x0  }
0x77: {  	[sflag:s25] =	ssyncadd.s32 $0xFFFFFF88  }
0x78: {  	_ =	swait.ge [sflag:s25], $0x78  }
0x79: {  	[sflag:s25] =	ssyncset.done $0x0  }
0x7a: {  	[sflag:s25] =	ssyncadd.s32 $0xFFFFFF88  }
0x7b: {  	[tilespmem:s26], [sflag:$0x2] =	stream.indirect.gather [hbm4b:s1+s24], $0x80, s13, s24, $0xb8;
	[tilespmem:$0x1B800] =	vst v63  }
0x7c: {  	[bflag:$0x0] =	sbarrier.arrive $0xFFFF  }
0x7d: {  	_ =	swait.ge [sflag:s7], $0x3C00  }
0x7e: {  	[sflag:s7] =	ssyncset.done $0x0  }
0x7f: {  	[sflag:s7] =	ssyncadd.s32 $0xFFFFC400  }
0x80: {  	[spmem:s2] =	stream.indirect.scatter.add.f32 [tilespmem:s19], [sflag:$0x7], $0x80, s12, s24, $0xb8;
	[tilespmem:$0x1B800] =	vst v63  }
0x81: {  	_ =	swait.ge [sflag:s21], $0x3C00  }
0x82: {  	s31 =	sld [smem:$0x7FC];
	_ =	sdelay $0x2  }
0x83: {  	[sflag:s21] =	ssyncset.done $0x0;
	s28 =	sshrl.u32 s31, $0x3  }
0x84: {  	[sflag:s21] =	ssyncadd.s32 $0xFFFFC400;
	s29 =	sadd.s32 s5, s28  }
0x85: {  	[tilespmem:s11], [sflag:$0x3] =	stream.linear.gather [hbm4b:s29+s4], $0x78, $0x38;
	[tilespmem:$0x1B800] =	vst v63  }
0x86: {  	s28 =	sadd.s32 s6, s28  }
0x87: {  	[tilespmem:s12], [sflag:$0x3] =	stream.linear.gather [hbm4b:s28+s4], $0x78, $0x38;
	[tilespmem:$0x1B800] =	vst v63  }
0x88: {  	_ =	swait.ge [sflag:s20], $0x78  }
0x89: {  	[sflag:s20] =	ssyncset.done $0x0  }
0x8a: {  	[sflag:s20] =	ssyncadd.s32 $0xFFFFFF88  }
0x8b: {  	_ =	swait.ge [sflag:s20], $0x78  }
0x8c: {  	[sflag:s20] =	ssyncset.done $0x0  }
0x8d: {  	[sflag:s20] =	ssyncadd.s32 $0xFFFFFF88  }
0x8e: {  	[tilespmem:s19], [sflag:$0x1] =	stream.indirect.gather [hbm4b:s1+s24], $0x80, s15, s24, $0xb8;
	[tilespmem:$0x1B800] =	vst v63  }
0x8f: {  	_ =	swait.ge [sflag:s22], $0x3C00  }
0x90: {  	[sflag:s22] =	ssyncset.done $0x0  }
0x91: {  	[sflag:s22] =	ssyncadd.s32 $0xFFFFC400  }
0x92: {  	[spmem:s2] =	stream.indirect.scatter.add.f32 [tilespmem:s26], [sflag:$0x7], $0x80, s14, s24, $0xb8;
	[tilespmem:$0x1B800] =	vst v63  }
0x93: {  	_ =	swait.ge [sflag:s21], $0x3C00  }
0x94: {  	s28 =	rddreg [dreg:$0x9];
	[sflag:s21] =	ssyncset.done $0x0  }
0x95: {  	s29 =	rddreg [dreg:$0x8];
	[sflag:s21] =	ssyncadd.s32 $0xFFFFC400;
	s28 =	sadd.s32 $0x0, s28  }
0x96: {  	[tilespmem:s13], [sflag:$0x4] =	stream.linear.gather [hbm4b:s28+s4], $0x78, $0x38;
	[tilespmem:$0x1B800] =	vst v63  }
0x97: {  	s28 =	sadd.s32 $0x0, s29  }
0x98: {  	[tilespmem:s14], [sflag:$0x4] =	stream.linear.gather [hbm4b:s28+s4], $0x78, $0x38;
	[tilespmem:$0x1B800] =	vst v63  }
0x99: {  	_ =	swait.ge [sflag:s9], $0x78  }
0x9a: {  	[sflag:s9] =	ssyncset.done $0x0  }
0x9b: {  	[sflag:s9] =	ssyncadd.s32 $0xFFFFFF88  }
0x9c: {  	_ =	swait.ge [sflag:s9], $0x78  }
0x9d: {  	[sflag:s9] =	ssyncset.done $0x0  }
0x9e: {  	[sflag:s9] =	ssyncadd.s32 $0xFFFFFF88  }
0x9f: {  	[tilespmem:s26], [sflag:$0x2] =	stream.indirect.gather [hbm4b:s1+s24], $0x80, s17, s24, $0xb8;
	[tilespmem:$0x1B800] =	vst v63  }
0xa0: {  	_ =	swait.ge [sflag:s7], $0x3C00  }
0xa1: {  	[sflag:s7] =	ssyncset.done $0x0  }
0xa2: {  	[sflag:s7] =	ssyncadd.s32 $0xFFFFC400  }
0xa3: {  	[spmem:s2] =	stream.indirect.scatter.add.f32 [tilespmem:s19], [sflag:$0x7], $0x80, s16, s24, $0xb8;
	[tilespmem:$0x1B800] =	vst v63  }
0xa4: {  	_ =	swait.ge [sflag:s21], $0x3C00  }
0xa5: {  	s28 =	rddreg [dreg:$0x7];
	[sflag:s21] =	ssyncset.done $0x0  }
0xa6: {  	s29 =	rddreg [dreg:$0x6];
	[sflag:s21] =	ssyncadd.s32 $0xFFFFC400;
	s28 =	sadd.s32 $0x0, s28  }
0xa7: {  	[tilespmem:s15], [sflag:$0x5] =	stream.linear.gather [hbm4b:s28+s4], $0x78, $0x38;
	[tilespmem:$0x1B800] =	vst v63  }
0xa8: {  	s28 =	sadd.s32 $0x0, s29  }
0xa9: {  	[tilespmem:s16], [sflag:$0x5] =	stream.linear.gather [hbm4b:s28+s4], $0x78, $0x38;
	[tilespmem:$0x1B800] =	vst v63  }
0xaa: {  	_ =	swait.ge [sflag:s23], $0x78  }
0xab: {  	[sflag:s23] =	ssyncset.done $0x0  }
0xac: {  	[sflag:s23] =	ssyncadd.s32 $0xFFFFFF88  }
0xad: {  	_ =	swait.ge [sflag:s23], $0x78  }
0xae: {  	[sflag:s23] =	ssyncset.done $0x0  }
0xaf: {  	[sflag:s23] =	ssyncadd.s32 $0xFFFFFF88  }
0xb0: {  	[tilespmem:s19], [sflag:$0x1] =	stream.indirect.gather [hbm4b:s1+s24], $0x80, s11, s24, $0xb8;
	[tilespmem:$0x1B800] =	vst v63  }
0xb1: {  	_ =	swait.ge [sflag:s22], $0x3C00  }
0xb2: {  	[sflag:s22] =	ssyncset.done $0x0  }
0xb3: {  	[sflag:s22] =	ssyncadd.s32 $0xFFFFC400  }
0xb4: {  	[spmem:s2] =	stream.indirect.scatter.add.f32 [tilespmem:s26], [sflag:$0x7], $0x80, s18, s24, $0xb8;
	[tilespmem:$0x1B800] =	vst v63  }
0xb5: {  	_ =	swait.ge [sflag:s21], $0x3C00  }
0xb6: {  	s28 =	rddreg [dreg:$0x5];
	[sflag:s21] =	ssyncset.done $0x0  }
0xb7: {  	s29 =	rddreg [dreg:$0x4];
	[sflag:s21] =	ssyncadd.s32 $0xFFFFC400;
	s28 =	sadd.s32 $0x0, s28  }
0xb8: {  	[tilespmem:s17], [sflag:$0x6] =	stream.linear.gather [hbm4b:s28+s4], $0x78, $0x38;
	[tilespmem:$0x1B800] =	vst v63  }
0xb9: {  	s28 =	sadd.s32 $0x0, s29  }
0xba: {  	[tilespmem:s18], [sflag:$0x6] =	stream.linear.gather [hbm4b:s28+s4], $0x78, $0x38;
	[tilespmem:$0x1B800] =	vst v63  }
0xbb: {  	_ =	swait.ge [sflag:s25], $0x78  }
0xbc: {  	[sflag:s25] =	ssyncset.done $0x0  }
0xbd: {  	[sflag:s25] =	ssyncadd.s32 $0xFFFFFF88  }
0xbe: {  	_ =	swait.ge [sflag:s25], $0x78  }
0xbf: {  	[sflag:s25] =	ssyncset.done $0x0  }
0xc0: {  	s29 =	sadd.s32 $0x1E0, s31;
	s28 =	simm.s32 $0x3C;
	[sflag:s25] =	ssyncadd.s32 $0xFFFFFF88  }
.LBB2_4:
0xc1: {  	[tilespmem:s26], [sflag:$0x2] =	stream.indirect.gather [hbm4b:s1+s24], $0x80, s13, s24, $0xb8;
	[tilespmem:$0x1B800] =	vst v63  }
0xc2: {  	_ =	swait.ge [sflag:s7], $0x3C00  }
0xc3: {  	[sflag:s7] =	ssyncset.done $0x0  }
0xc4: {  	[sflag:s7] =	ssyncadd.s32 $0xFFFFC400  }
0xc5: {  	[spmem:s2] =	stream.indirect.scatter.add.f32 [tilespmem:s19], [sflag:$0x7], $0x80, s12, s24, $0xb8;
	[tilespmem:$0x1B800] =	vst v63  }
0xc6: {  	_ =	swait.ge [sflag:s21], $0x3C00  }
0xc7: {  	s31 =	sshrl.u32 s29, $0x3;
	[sflag:s21] =	ssyncset.done $0x0  }
0xc8: {  	s0 =	sadd.s32 s5, s31;
	[sflag:s21] =	ssyncadd.s32 $0xFFFFC400  }
0xc9: {  	[tilespmem:s11], [sflag:$0x3] =	stream.linear.gather [hbm4b:s0+s4], $0x78, $0x38;
	[tilespmem:$0x1B800] =	vst v63  }
0xca: {  	s31 =	sadd.s32 s6, s31  }
0xcb: {  	[tilespmem:s12], [sflag:$0x3] =	stream.linear.gather [hbm4b:s31+s4], $0x78, $0x38;
	[tilespmem:$0x1B800] =	vst v63  }
0xcc: {  	_ =	swait.ge [sflag:s20], $0x78  }
0xcd: {  	[sflag:s20] =	ssyncset.done $0x0  }
0xce: {  	[sflag:s20] =	ssyncadd.s32 $0xFFFFFF88  }
0xcf: {  	_ =	swait.ge [sflag:s20], $0x78  }
0xd0: {  	[sflag:s20] =	ssyncset.done $0x0  }
0xd1: {  	[sflag:s20] =	ssyncadd.s32 $0xFFFFFF88  }
0xd2: {  	[tilespmem:s19], [sflag:$0x1] =	stream.indirect.gather [hbm4b:s1+s24], $0x80, s15, s24, $0xb8;
	[tilespmem:$0x1B800] =	vst v63  }
0xd3: {  	_ =	swait.ge [sflag:s22], $0x3C00  }
0xd4: {  	[sflag:s22] =	ssyncset.done $0x0  }
0xd5: {  	[sflag:s22] =	ssyncadd.s32 $0xFFFFC400  }
0xd6: {  	[spmem:s2] =	stream.indirect.scatter.add.f32 [tilespmem:s26], [sflag:$0x7], $0x80, s14, s24, $0xb8;
	[tilespmem:$0x1B800] =	vst v63  }
0xd7: {  	_ =	swait.ge [sflag:s21], $0x3C00  }
0xd8: {  	s30 =	smov.u32 s28;
	s0 =	rddreg [dreg:$0x9];
	[sflag:s21] =	ssyncset.done $0x0  }
0xd9: {  	s31 =	rddreg [dreg:$0x8];
	[sflag:s21] =	ssyncadd.s32 $0xFFFFC400;
	s0 =	sadd.s32 s30, s0  }
0xda: {  	[tilespmem:s13], [sflag:$0x4] =	stream.linear.gather [hbm4b:s0+s4], $0x78, $0x38;
	[tilespmem:$0x1B800] =	vst v63  }
0xdb: {  	s31 =	sadd.s32 s30, s31  }
0xdc: {  	[tilespmem:s14], [sflag:$0x4] =	stream.linear.gather [hbm4b:s31+s4], $0x78, $0x38;
	[tilespmem:$0x1B800] =	vst v63  }
0xdd: {  	_ =	swait.ge [sflag:s9], $0x78  }
0xde: {  	[sflag:s9] =	ssyncset.done $0x0  }
0xdf: {  	[sflag:s9] =	ssyncadd.s32 $0xFFFFFF88  }
0xe0: {  	_ =	swait.ge [sflag:s9], $0x78  }
0xe1: {  	[sflag:s9] =	ssyncset.done $0x0  }
0xe2: {  	[sflag:s9] =	ssyncadd.s32 $0xFFFFFF88  }
0xe3: {  	[tilespmem:s26], [sflag:$0x2] =	stream.indirect.gather [hbm4b:s1+s24], $0x80, s17, s24, $0xb8;
	[tilespmem:$0x1B800] =	vst v63  }
0xe4: {  	_ =	swait.ge [sflag:s7], $0x3C00  }
0xe5: {  	[sflag:s7] =	ssyncset.done $0x0  }
0xe6: {  	[sflag:s7] =	ssyncadd.s32 $0xFFFFC400  }
0xe7: {  	[spmem:s2] =	stream.indirect.scatter.add.f32 [tilespmem:s19], [sflag:$0x7], $0x80, s16, s24, $0xb8;
	[tilespmem:$0x1B800] =	vst v63  }
0xe8: {  	_ =	swait.ge [sflag:s21], $0x3C00  }
0xe9: {  	s0 =	rddreg [dreg:$0x7];
	[sflag:s21] =	ssyncset.done $0x0  }
0xea: {  	s31 =	rddreg [dreg:$0x6];
	[sflag:s21] =	ssyncadd.s32 $0xFFFFC400;
	s0 =	sadd.s32 s30, s0  }
0xeb: {  	[tilespmem:s15], [sflag:$0x5] =	stream.linear.gather [hbm4b:s0+s4], $0x78, $0x38;
	[tilespmem:$0x1B800] =	vst v63  }
0xec: {  	s31 =	sadd.s32 s30, s31  }
0xed: {  	[tilespmem:s16], [sflag:$0x5] =	stream.linear.gather [hbm4b:s31+s4], $0x78, $0x38;
	[tilespmem:$0x1B800] =	vst v63  }
0xee: {  	_ =	swait.ge [sflag:s23], $0x78  }
0xef: {  	[sflag:s23] =	ssyncset.done $0x0  }
0xf0: {  	[sflag:s23] =	ssyncadd.s32 $0xFFFFFF88  }
0xf1: {  	_ =	swait.ge [sflag:s23], $0x78  }
0xf2: {  	[sflag:s23] =	ssyncset.done $0x0  }
0xf3: {  	[sflag:s23] =	ssyncadd.s32 $0xFFFFFF88  }
0xf4: {  	[tilespmem:s19], [sflag:$0x1] =	stream.indirect.gather [hbm4b:s1+s24], $0x80, s11, s24, $0xb8;
	[tilespmem:$0x1B800] =	vst v63  }
0xf5: {  	_ =	swait.ge [sflag:s22], $0x3C00  }
0xf6: {  	[sflag:s22] =	ssyncset.done $0x0  }
0xf7: {  	[sflag:s22] =	ssyncadd.s32 $0xFFFFC400  }
0xf8: {  	[spmem:s2] =	stream.indirect.scatter.add.f32 [tilespmem:s26], [sflag:$0x7], $0x80, s18, s24, $0xb8;
	[tilespmem:$0x1B800] =	vst v63  }
0xf9: {  	_ =	swait.ge [sflag:s21], $0x3C00  }
0xfa: {  	s0 =	rddreg [dreg:$0x5];
	[sflag:s21] =	ssyncset.done $0x0  }
0xfb: {  	s31 =	rddreg [dreg:$0x4];
	[sflag:s21] =	ssyncadd.s32 $0xFFFFC400;
	s0 =	sadd.s32 s30, s0  }
0xfc: {  	[tilespmem:s17], [sflag:$0x6] =	stream.linear.gather [hbm4b:s0+s4], $0x78, $0x38;
	[tilespmem:$0x1B800] =	vst v63  }
0xfd: {  	s31 =	sadd.s32 s30, s31  }
0xfe: {  	[tilespmem:s18], [sflag:$0x6] =	stream.linear.gather [hbm4b:s31+s4], $0x78, $0x38;
	[tilespmem:$0x1B800] =	vst v63  }
0xff: {  	p0 =	sne.s32 s28, $0x474;
	_ =	swait.ge [sflag:s25], $0x78  }
.Ltmp1:
0x100: {  	[sflag:s25] =	ssyncset.done $0x0;
	(pc) =	sbr.rel @p0 .LBB2_4-.Ltmp1, $4  }
0x101: {  	[sflag:s25] =	ssyncadd.s32 $0xFFFFFF88  }
0x102: {  	_ =	swait.ge [sflag:s25], $0x78  }
0x103: {  	[sflag:s25] =	ssyncset.done $0x0  }
0x104: {  	s28 =	sadd.s32 $0x3C, s28;
	s29 =	sadd.s32 $0x1E0, s29;
	[sflag:s25] =	ssyncadd.s32 $0xFFFFFF88  }
0x105: {  	[tilespmem:s26], [sflag:$0x2] =	stream.indirect.gather [hbm4b:s1+s24], $0x80, s13, s24, $0xb8;
	[tilespmem:$0x1B800] =	vst v63  }
0x106: {  	_ =	swait.ge [sflag:s7], $0x3C00  }
0x107: {  	[sflag:s7] =	ssyncset.done $0x0  }
0x108: {  	[sflag:s7] =	ssyncadd.s32 $0xFFFFC400  }
0x109: {  	[spmem:s2] =	stream.indirect.scatter.add.f32 [tilespmem:s19], [sflag:$0x7], $0x80, s12, s24, $0xb8;
	[tilespmem:$0x1B800] =	vst v63  }
0x10a: {  	_ =	swait.ge [sflag:s21], $0x3C00  }
0x10b: {  	[sflag:s21] =	ssyncset.done $0x0  }
0x10c: {  	[sflag:s21] =	ssyncadd.s32 $0xFFFFC400  }
0x10d: {  	_ =	swait.ge [sflag:s20], $0x78  }
0x10e: {  	[sflag:s20] =	ssyncset.done $0x0  }
0x10f: {  	[sflag:s20] =	ssyncadd.s32 $0xFFFFFF88  }
0x110: {  	_ =	swait.ge [sflag:s20], $0x78  }
0x111: {  	[sflag:s20] =	ssyncset.done $0x0  }
0x112: {  	[sflag:s20] =	ssyncadd.s32 $0xFFFFFF88  }
0x113: {  	[tilespmem:s19], [sflag:$0x1] =	stream.indirect.gather [hbm4b:s1+s24], $0x80, s15, s24, $0xb8;
	[tilespmem:$0x1B800] =	vst v63  }
0x114: {  	_ =	swait.ge [sflag:s22], $0x3C00  }
0x115: {  	[sflag:s22] =	ssyncset.done $0x0  }
0x116: {  	[sflag:s22] =	ssyncadd.s32 $0xFFFFC400  }
0x117: {  	[spmem:s2] =	stream.indirect.scatter.add.f32 [tilespmem:s26], [sflag:$0x7], $0x80, s14, s24, $0xb8;
	[tilespmem:$0x1B800] =	vst v63  }
0x118: {  	_ =	swait.ge [sflag:s21], $0x3C00  }
0x119: {  	[sflag:s21] =	ssyncset.done $0x0  }
0x11a: {  	[sflag:s21] =	ssyncadd.s32 $0xFFFFC400  }
0x11b: {  	_ =	swait.ge [sflag:s9], $0x78  }
0x11c: {  	[sflag:s9] =	ssyncset.done $0x0  }
0x11d: {  	[sflag:s9] =	ssyncadd.s32 $0xFFFFFF88  }
0x11e: {  	_ =	swait.ge [sflag:s9], $0x78  }
0x11f: {  	[sflag:s9] =	ssyncset.done $0x0  }
0x120: {  	[sflag:s9] =	ssyncadd.s32 $0xFFFFFF88  }
0x121: {  	[tilespmem:s26], [sflag:$0x2] =	stream.indirect.gather [hbm4b:s1+s24], $0x80, s17, s24, $0xb8;
	[tilespmem:$0x1B800] =	vst v63  }
0x122: {  	_ =	swait.ge [sflag:s7], $0x3C00  }
0x123: {  	[sflag:s7] =	ssyncset.done $0x0  }
0x124: {  	[sflag:s7] =	ssyncadd.s32 $0xFFFFC400  }
0x125: {  	[spmem:s2] =	stream.indirect.scatter.add.f32 [tilespmem:s19], [sflag:$0x7], $0x80, s16, s24, $0xb8;
	[tilespmem:$0x1B800] =	vst v63  }
0x126: {  	_ =	swait.ge [sflag:s21], $0x3C00  }
0x127: {  	[sflag:s21] =	ssyncset.done $0x0  }
0x128: {  	[sflag:s21] =	ssyncadd.s32 $0xFFFFC400  }
0x129: {  	_ =	swait.ge [sflag:s22], $0x3C00  }
0x12a: {  	[sflag:s22] =	ssyncset.done $0x0  }
0x12b: {  	[sflag:s22] =	ssyncadd.s32 $0xFFFFC400  }
0x12c: {  	[spmem:s2] =	stream.indirect.scatter.add.f32 [tilespmem:s26], [sflag:$0x7], $0x80, s18, s24, $0xb8;
	[tilespmem:$0x1B800] =	vst v63  }
0x12d: {  	_ =	swait.ge [sflag:s21], $0x3C00  }
0x12e: {  	[sflag:s21] =	ssyncset.done $0x0  }
0x12f: {  	[sflag:s21] =	ssyncadd.s32 $0xFFFFC400  }
0x130: {  	[bflag:$0x0] =	sbarrier.arrive $0xFFFF  }
0x131: {  	s30 =	rddreg [dreg:$0x1e]  }
0x132: {  	[tilespmem:s19], [sflag:$0x7] =	stream.linear.gather [spmem:s30], $0x3C00, $0x38;
	[tilespmem:$0x1B800] =	vst v63  }
0x133: {  	_ =	swait.ge [sflag:s21], $0x3C00  }
0x134: {  	[sflag:s21] =	ssyncset.done $0x0  }
0x135: {  	s0 =	simm.s32 $0x0;
	s28 =	rddreg [dreg:$0xa];
	[sflag:s21] =	ssyncadd.s32 $0xFFFFC400  }
0x136: {  	[hbm4b:s28+s0] =	stream.linear.scatter [tilespmem:s19], [sflag:$0x7], $0x3C00, $0x38;
	[tilespmem:$0x1B800] =	vst v63  }
0x137: {  	_ =	swait.ge [sflag:s21], $0x3C00  }
0x138: {  	[sflag:s21] =	ssyncset.done $0x0  }
0x139: {  	s28 =	rddreg [dreg:$0x1f];
	[sflag:s21] =	ssyncadd.s32 $0xFFFFC400  }
0x13a: {  	[tilespmem:s19], [sflag:$0x7] =	stream.linear.gather [spmem:s28], $0x3C00, $0x38;
	[tilespmem:$0x1B800] =	vst v63  }
0x13b: {  	_ =	swait.ge [sflag:s21], $0x3C00  }
0x13c: {  	[sflag:s21] =	ssyncset.done $0x0  }
0x13d: {  	s28 =	rddreg [dreg:$0xb];
	[sflag:s21] =	ssyncadd.s32 $0xFFFFC400  }
0x13e: {  	[hbm4b:s28+s0] =	stream.linear.scatter [tilespmem:s19], [sflag:$0x7], $0x3C00, $0x38;
	[tilespmem:$0x1B800] =	vst v63  }
0x13f: {  	_ =	swait.ge [sflag:s21], $0x3C00  }
0x140: {  	s28 =	sld [smem:$0x7F8]  }
0x141: {  	[sflag:s21] =	ssyncset.done $0x0  }
0x142: {  	[sflag:s21] =	ssyncadd.s32 $0xFFFFC400  }
0x143: {  	[tilespmem:s19], [sflag:$0x7] =	stream.linear.gather [spmem:s28], $0x3C00, $0x38;
	[tilespmem:$0x1B800] =	vst v63  }
0x144: {  	_ =	swait.ge [sflag:s21], $0x3C00  }
0x145: {  	[sflag:s21] =	ssyncset.done $0x0  }
0x146: {  	s28 =	rddreg [dreg:$0xc];
	[sflag:s21] =	ssyncadd.s32 $0xFFFFC400  }
0x147: {  	[hbm4b:s28+s0] =	stream.linear.scatter [tilespmem:s19], [sflag:$0x7], $0x3C00, $0x38;
	[tilespmem:$0x1B800] =	vst v63  }
0x148: {  	_ =	swait.ge [sflag:s21], $0x3C00  }
0x149: {  	s28 =	sld [smem:$0x7F9]  }
0x14a: {  	[sflag:s21] =	ssyncset.done $0x0  }
0x14b: {  	[sflag:s21] =	ssyncadd.s32 $0xFFFFC400  }
0x14c: {  	[tilespmem:s19], [sflag:$0x7] =	stream.linear.gather [spmem:s28], $0x3C00, $0x38;
	[tilespmem:$0x1B800] =	vst v63  }
0x14d: {  	_ =	swait.ge [sflag:s21], $0x3C00  }
0x14e: {  	[sflag:s21] =	ssyncset.done $0x0  }
0x14f: {  	s28 =	rddreg [dreg:$0xd];
	[sflag:s21] =	ssyncadd.s32 $0xFFFFC400  }
0x150: {  	[hbm4b:s28+s0] =	stream.linear.scatter [tilespmem:s19], [sflag:$0x7], $0x3C00, $0x38;
	[tilespmem:$0x1B800] =	vst v63  }
0x151: {  	_ =	swait.ge [sflag:s21], $0x3C00  }
0x152: {  	s28 =	sld [smem:$0x7FA]  }
0x153: {  	[sflag:s21] =	ssyncset.done $0x0  }
0x154: {  	[sflag:s21] =	ssyncadd.s32 $0xFFFFC400  }
0x155: {  	[tilespmem:s19], [sflag:$0x7] =	stream.linear.gather [spmem:s28], $0x3C00, $0x38;
	[tilespmem:$0x1B800] =	vst v63  }
0x156: {  	_ =	swait.ge [sflag:s21], $0x3C00  }
0x157: {  	[sflag:s21] =	ssyncset.done $0x0  }
0x158: {  	s28 =	rddreg [dreg:$0xe];
	[sflag:s21] =	ssyncadd.s32 $0xFFFFC400  }
0x159: {  	[hbm4b:s28+s0] =	stream.linear.scatter [tilespmem:s19], [sflag:$0x7], $0x3C00, $0x38;
	[tilespmem:$0x1B800] =	vst v63  }
0x15a: {  	_ =	swait.ge [sflag:s21], $0x3C00  }
0x15b: {  	[sflag:s21] =	ssyncset.done $0x0  }
0x15c: {  	[sflag:s21] =	ssyncadd.s32 $0xFFFFC400  }
0x15d: {  	[tilespmem:s19], [sflag:$0x7] =	stream.linear.gather [spmem:s3], $0x1000, $0x38;
	[tilespmem:$0x1B800] =	vst v63  }
0x15e: {  	_ =	swait.ge [sflag:s21], $0x1000  }
0x15f: {  	[sflag:s21] =	ssyncset.done $0x0  }
0x160: {  	s28 =	rddreg [dreg:$0xf];
	[sflag:s21] =	ssyncadd.s32 $0xFFFFF000  }
0x161: {  	[hbm4b:s28+s0] =	stream.linear.scatter [tilespmem:s19], [sflag:$0x7], $0x1000, $0x38;
	[tilespmem:$0x1B800] =	vst v63  }
0x162: {  	_ =	swait.ge [sflag:s21], $0x1000  }
0x163: {  	[sflag:s21] =	ssyncset.done $0x0  }
0x164: {  	s29 =	simm.s32 $0x200;
	s28 =	simm.s32 $0x0;
	[sflag:s21] =	ssyncadd.s32 $0xFFFFF000  }
.LBB2_6:
0x165: {  	p0 =	sne.s32 s29, $0xEE00;
	[tilespmem:s28+$0x17870] =	vst v1  }
0x166: {  	[tilespmem:s28+$0x13C00] =	vst v0  }
0x167: {  	[tilespmem:s28+$0x17800] =	vst v1  }
0x168: {  	[tilespmem:s28+$0x13C10] =	vst v0  }
0x169: {  	[tilespmem:s28+$0x17810] =	vst v1  }
0x16a: {  	[tilespmem:s28+$0x13C20] =	vst v0  }
0x16b: {  	[tilespmem:s28+$0x17820] =	vst v1  }
0x16c: {  	[tilespmem:s28+$0x13C30] =	vst v0  }
0x16d: {  	[tilespmem:s28+$0x17830] =	vst v1  }
0x16e: {  	[tilespmem:s28+$0x13C40] =	vst v0  }
0x16f: {  	[tilespmem:s28+$0x17840] =	vst v1  }
.Ltmp2:
0x170: {  	[tilespmem:s28+$0x13C50] =	vst v0;
	(pc) =	sbr.rel @p0 .LBB2_6-.Ltmp2, $4  }
0x171: {  	[tilespmem:s28+$0x17850] =	vst v1  }
0x172: {  	[tilespmem:s28+$0x13C60] =	vst v0  }
0x173: {  	[tilespmem:s28+$0x17860] =	vst v1  }
0x174: {  	[tilespmem:s28+$0x13C70] =	vst v0;
	s28 =	sshra.s32 s29, $0x2;
	s29 =	sadd.s32 $0x200, s29  }
0x175: {  	[tilespmem:s28+$0x17870] =	vst v1  }
0x176: {  	[tilespmem:s28+$0x13C00] =	vst v0  }
0x177: {  	[tilespmem:s28+$0x17800] =	vst v1  }
0x178: {  	[tilespmem:s28+$0x13C10] =	vst v0  }
0x179: {  	[tilespmem:s28+$0x17810] =	vst v1  }
0x17a: {  	[tilespmem:s28+$0x13C20] =	vst v0  }
0x17b: {  	[tilespmem:s28+$0x17820] =	vst v1  }
0x17c: {  	[tilespmem:s28+$0x13C30] =	vst v0  }
0x17d: {  	[tilespmem:s28+$0x17830] =	vst v1  }
0x17e: {  	[tilespmem:s28+$0x13C40] =	vst v0  }
0x17f: {  	[tilespmem:s28+$0x17840] =	vst v1  }
0x180: {  	[tilespmem:s28+$0x13C50] =	vst v0  }
0x181: {  	[tilespmem:s28+$0x17850] =	vst v1  }
0x182: {  	[tilespmem:s28+$0x13C60] =	vst v0  }
0x183: {  	[tilespmem:s28+$0x17860] =	vst v1  }
0x184: {  	[tilespmem:s28+$0x13C70] =	vst v0;
	s0 =	simm.s32 $0x0;
	s31 =	rddreg [dreg:$0x17]  }
0x185: {  	[tilespmem:s12], [sflag:$0x3] =	stream.linear.gather [hbm4b:s31+s0], $0x78, $0x38;
	[tilespmem:$0x1B800] =	vst v63  }
0x186: {  	s28 =	rddreg [dreg:$0x19]  }
0x187: {  	[tilespmem:s14], [sflag:$0x4] =	stream.linear.gather [hbm4b:s28+s0], $0x78, $0x38;
	[tilespmem:$0x1B800] =	vst v63  }
0x188: {  	_ = 	snop  }
0x189: {  	[spmem:s30] =	stream.linear.scatter [tilespmem:s19], [sflag:$0x7], $0x3C00, $0x38;
	[tilespmem:$0x1B800] =	vst v63  }
0x18a: {  	_ =	swait.ge [sflag:s21], $0x3C00  }
0x18b: {  	[sflag:s21] =	ssyncset.done $0x0  }
0x18c: {  	s0 =	rddreg [dreg:$0x1f];
	[sflag:s21] =	ssyncadd.s32 $0xFFFFC400  }
0x18d: {  	[spmem:s0] =	stream.linear.scatter [tilespmem:s19], [sflag:$0x7], $0x3C00, $0x38;
	[tilespmem:$0x1B800] =	vst v63  }
0x18e: {  	_ =	swait.ge [sflag:s21], $0x3C00  }
0x18f: {  	s0 =	sld [smem:$0x7F8]  }
0x190: {  	[sflag:s21] =	ssyncset.done $0x0  }
0x191: {  	[sflag:s21] =	ssyncadd.s32 $0xFFFFC400  }
0x192: {  	[spmem:s0] =	stream.linear.scatter [tilespmem:s19], [sflag:$0x7], $0x3C00, $0x38;
	[tilespmem:$0x1B800] =	vst v63  }
0x193: {  	_ =	swait.ge [sflag:s21], $0x3C00  }
0x194: {  	s0 =	sld [smem:$0x7F9]  }
0x195: {  	[sflag:s21] =	ssyncset.done $0x0  }
0x196: {  	[sflag:s21] =	ssyncadd.s32 $0xFFFFC400  }
0x197: {  	[spmem:s0] =	stream.linear.scatter [tilespmem:s19], [sflag:$0x7], $0x3C00, $0x38;
	[tilespmem:$0x1B800] =	vst v63  }
0x198: {  	_ =	swait.ge [sflag:s21], $0x3C00  }
0x199: {  	s0 =	sld [smem:$0x7FA]  }
0x19a: {  	[sflag:s21] =	ssyncset.done $0x0  }
0x19b: {  	[sflag:s21] =	ssyncadd.s32 $0xFFFFC400  }
0x19c: {  	[spmem:s0] =	stream.linear.scatter [tilespmem:s19], [sflag:$0x7], $0x3C00, $0x38;
	[tilespmem:$0x1B800] =	vst v63  }
0x19d: {  	_ =	swait.ge [sflag:s21], $0x3C00  }
0x19e: {  	[sflag:s21] =	ssyncset.done $0x0  }
0x19f: {  	[sflag:s21] =	ssyncadd.s32 $0xFFFFC400  }
0x1a0: {  	[spmem:s3] =	stream.linear.scatter [tilespmem:s19], [sflag:$0x7], $0x1000, $0x38;
	[tilespmem:$0x1B800] =	vst v63  }
0x1a1: {  	_ =	swait.ge [sflag:s21], $0x1000  }
0x1a2: {  	[sflag:s21] =	ssyncset.done $0x0  }
0x1a3: {  	[sflag:s21] =	ssyncadd.s32 $0xFFFFF000  }
0x1a4: {  	[bflag:$0x0] =	sbarrier.arrive $0xFFFF  }
0x1a5: {  	_ =	swait.ge [sflag:s23], $0x78  }
0x1a6: {  	[sflag:s23] =	ssyncset.done $0x0  }
0x1a7: {  	[sflag:s23] =	ssyncadd.s32 $0xFFFFFF88  }
0x1a8: {  	[spmem:s2] =	stream.indirect.scatter.add.f32 [tilespmem:s26], [sflag:$0x7], $0x80, s12, s24, $0xb8;
	[tilespmem:$0x1B800] =	vst v63  }
0x1a9: {  	_ =	swait.ge [sflag:s21], $0x3C00  }
0x1aa: {  	s29 =	sld [smem:$0x7FD];
	_ =	sdelay $0x2  }
0x1ab: {  	[sflag:s21] =	ssyncset.done $0x0;
	s0 =	sshrl.u32 s29, $0x3  }
0x1ac: {  	[sflag:s21] =	ssyncadd.s32 $0xFFFFC400;
	s0 =	sadd.s32 s6, s0  }
0x1ad: {  	[tilespmem:s12], [sflag:$0x3] =	stream.linear.gather [hbm4b:s0+s4], $0x78, $0x38;
	[tilespmem:$0x1B800] =	vst v63  }
0x1ae: {  	_ =	swait.ge [sflag:s25], $0x78  }
0x1af: {  	[sflag:s25] =	ssyncset.done $0x0  }
0x1b0: {  	[sflag:s25] =	ssyncadd.s32 $0xFFFFFF88  }
0x1b1: {  	[spmem:s2] =	stream.indirect.scatter.add.f32 [tilespmem:s26], [sflag:$0x7], $0x80, s14, s24, $0xb8;
	[tilespmem:$0x1B800] =	vst v63  }
0x1b2: {  	_ =	swait.ge [sflag:s21], $0x3C00  }
0x1b3: {  	s28 =	simm.s32 $0x1E;
	[sflag:s21] =	ssyncset.done $0x0  }
0x1b4: {  	s30 =	sadd.s32 $0x0, s8;
	s29 =	sadd.s32 $0xF0, s29;
	[sflag:s21] =	ssyncadd.s32 $0xFFFFC400  }
.LBB2_8:
0x1b5: {  	[tilespmem:s14], [sflag:$0x4] =	stream.linear.gather [hbm4b:s30+s4], $0x78, $0x38;
	[tilespmem:$0x1B800] =	vst v63  }
0x1b6: {  	s0 =	smov.u32 s28  }
0x1b7: {  	p0 =	sne.s32 s28, $0x4B0;
	s28 =	sadd.s32 $0x1E, s28;
	_ =	swait.ge [sflag:s23], $0x78  }
0x1b8: {  	[sflag:s23] =	ssyncset.done $0x0  }
0x1b9: {  	[sflag:s23] =	ssyncadd.s32 $0xFFFFFF88  }
0x1ba: {  	[spmem:s2] =	stream.indirect.scatter.add.f32 [tilespmem:s26], [sflag:$0x7], $0x80, s12, s24, $0xb8;
	[tilespmem:$0x1B800] =	vst v63  }
0x1bb: {  	_ =	swait.ge [sflag:s21], $0x3C00  }
0x1bc: {  	s30 =	sshrl.u32 s29, $0x3;
	[sflag:s21] =	ssyncset.done $0x0  }
0x1bd: {  	s30 =	sadd.s32 s6, s30;
	[sflag:s21] =	ssyncadd.s32 $0xFFFFC400  }
0x1be: {  	[tilespmem:s12], [sflag:$0x3] =	stream.linear.gather [hbm4b:s30+s4], $0x78, $0x38;
	[tilespmem:$0x1B800] =	vst v63  }
0x1bf: {  	_ =	swait.ge [sflag:s25], $0x78  }
0x1c0: {  	[sflag:s25] =	ssyncset.done $0x0  }
.Ltmp3:
0x1c1: {  	[sflag:s25] =	ssyncadd.s32 $0xFFFFFF88;
	(pc) =	sbr.rel @p0 .LBB2_8-.Ltmp3, $4  }
0x1c2: {  	[spmem:s2] =	stream.indirect.scatter.add.f32 [tilespmem:s26], [sflag:$0x7], $0x80, s14, s24, $0xb8;
	[tilespmem:$0x1B800] =	vst v63  }
0x1c3: {  	_ =	swait.ge [sflag:s21], $0x3C00  }
0x1c4: {  	[sflag:s21] =	ssyncset.done $0x0  }
0x1c5: {  	s29 =	sadd.s32 $0xF0, s29;
	s30 =	sadd.s32 s0, s8;
	[sflag:s21] =	ssyncadd.s32 $0xFFFFC400  }
0x1c6: {  	[tilespmem:s14], [sflag:$0x4] =	stream.linear.gather [hbm4b:s30+s4], $0x78, $0x38;
	[tilespmem:$0x1B800] =	vst v63  }
0x1c7: {  	_ =	swait.ge [sflag:s23], $0x78  }
0x1c8: {  	[sflag:s23] =	ssyncset.done $0x0  }
0x1c9: {  	[sflag:s23] =	ssyncadd.s32 $0xFFFFFF88  }
0x1ca: {  	[spmem:s2] =	stream.indirect.scatter.add.f32 [tilespmem:s26], [sflag:$0x7], $0x80, s12, s24, $0xb8;
	[tilespmem:$0x1B800] =	vst v63  }
0x1cb: {  	_ =	swait.ge [sflag:s21], $0x3C00  }
0x1cc: {  	[sflag:s21] =	ssyncset.done $0x0  }
0x1cd: {  	[sflag:s21] =	ssyncadd.s32 $0xFFFFC400  }
0x1ce: {  	_ =	swait.ge [sflag:s25], $0x78  }
0x1cf: {  	[sflag:s25] =	ssyncset.done $0x0  }
0x1d0: {  	[sflag:s25] =	ssyncadd.s32 $0xFFFFFF88  }
0x1d1: {  	[spmem:s2] =	stream.indirect.scatter.add.f32 [tilespmem:s26], [sflag:$0x7], $0x80, s14, s24, $0xb8;
	[tilespmem:$0x1B800] =	vst v63  }
0x1d2: {  	_ =	swait.ge [sflag:s21], $0x3C00  }
0x1d3: {  	[sflag:s21] =	ssyncset.done $0x0  }
0x1d4: {  	[sflag:s21] =	ssyncadd.s32 $0xFFFFC400  }
0x1d5: {  	[bflag:$0x0] =	sbarrier.arrive $0xFFFF  }
0x1d6: {  	s30 =	rddreg [dreg:$0x1e]  }
0x1d7: {  	[tilespmem:s19], [sflag:$0x7] =	stream.linear.gather [spmem:s30], $0x3C00, $0x38;
	[tilespmem:$0x1B800] =	vst v63  }
0x1d8: {  	_ =	swait.ge [sflag:s21], $0x3C00  }
0x1d9: {  	[sflag:s21] =	ssyncset.done $0x0  }
0x1da: {  	s0 =	rddreg [dreg:$0x10];
	[sflag:s21] =	ssyncadd.s32 $0xFFFFC400  }
0x1db: {  	[hbm4b:s0+s4] =	stream.linear.scatter [tilespmem:s19], [sflag:$0x7], $0x3C00, $0x38;
	[tilespmem:$0x1B800] =	vst v63  }
0x1dc: {  	_ =	swait.ge [sflag:s21], $0x3C00  }
0x1dd: {  	[sflag:s21] =	ssyncset.done $0x0  }
0x1de: {  	s28 =	rddreg [dreg:$0x1f];
	[sflag:s21] =	ssyncadd.s32 $0xFFFFC400  }
0x1df: {  	[tilespmem:s19], [sflag:$0x7] =	stream.linear.gather [spmem:s28], $0x3C00, $0x38;
	[tilespmem:$0x1B800] =	vst v63  }
0x1e0: {  	_ =	swait.ge [sflag:s21], $0x3C00  }
0x1e1: {  	[sflag:s21] =	ssyncset.done $0x0  }
0x1e2: {  	s29 =	rddreg [dreg:$0x11];
	[sflag:s21] =	ssyncadd.s32 $0xFFFFC400  }
0x1e3: {  	[hbm4b:s29+s4] =	stream.linear.scatter [tilespmem:s19], [sflag:$0x7], $0x3C00, $0x38;
	[tilespmem:$0x1B800] =	vst v63  }
0x1e4: {  	_ =	swait.ge [sflag:s21], $0x3C00  }
0x1e5: {  	s28 =	sld [smem:$0x7F8]  }
0x1e6: {  	[sflag:s21] =	ssyncset.done $0x0  }
0x1e7: {  	[sflag:s21] =	ssyncadd.s32 $0xFFFFC400  }
0x1e8: {  	[tilespmem:s19], [sflag:$0x7] =	stream.linear.gather [spmem:s28], $0x3C00, $0x38;
	[tilespmem:$0x1B800] =	vst v63  }
0x1e9: {  	_ =	swait.ge [sflag:s21], $0x3C00  }
0x1ea: {  	[sflag:s21] =	ssyncset.done $0x0  }
0x1eb: {  	s29 =	rddreg [dreg:$0x12];
	[sflag:s21] =	ssyncadd.s32 $0xFFFFC400  }
0x1ec: {  	[hbm4b:s29+s4] =	stream.linear.scatter [tilespmem:s19], [sflag:$0x7], $0x3C00, $0x38;
	[tilespmem:$0x1B800] =	vst v63  }
0x1ed: {  	_ =	swait.ge [sflag:s21], $0x3C00  }
0x1ee: {  	s28 =	sld [smem:$0x7F9]  }
0x1ef: {  	[sflag:s21] =	ssyncset.done $0x0  }
0x1f0: {  	[sflag:s21] =	ssyncadd.s32 $0xFFFFC400  }
0x1f1: {  	[tilespmem:s19], [sflag:$0x7] =	stream.linear.gather [spmem:s28], $0x3C00, $0x38;
	[tilespmem:$0x1B800] =	vst v63  }
0x1f2: {  	_ =	swait.ge [sflag:s21], $0x3C00  }
0x1f3: {  	[sflag:s21] =	ssyncset.done $0x0  }
0x1f4: {  	s29 =	rddreg [dreg:$0x13];
	[sflag:s21] =	ssyncadd.s32 $0xFFFFC400  }
0x1f5: {  	[hbm4b:s29+s4] =	stream.linear.scatter [tilespmem:s19], [sflag:$0x7], $0x3C00, $0x38;
	[tilespmem:$0x1B800] =	vst v63  }
0x1f6: {  	_ =	swait.ge [sflag:s21], $0x3C00  }
0x1f7: {  	s28 =	sld [smem:$0x7FA]  }
0x1f8: {  	[sflag:s21] =	ssyncset.done $0x0  }
0x1f9: {  	[sflag:s21] =	ssyncadd.s32 $0xFFFFC400  }
0x1fa: {  	[tilespmem:s19], [sflag:$0x7] =	stream.linear.gather [spmem:s28], $0x3C00, $0x38;
	[tilespmem:$0x1B800] =	vst v63  }
0x1fb: {  	_ =	swait.ge [sflag:s21], $0x3C00  }
0x1fc: {  	[sflag:s21] =	ssyncset.done $0x0  }
0x1fd: {  	s29 =	rddreg [dreg:$0x14];
	[sflag:s21] =	ssyncadd.s32 $0xFFFFC400  }
0x1fe: {  	[hbm4b:s29+s4] =	stream.linear.scatter [tilespmem:s19], [sflag:$0x7], $0x3C00, $0x38;
	[tilespmem:$0x1B800] =	vst v63  }
0x1ff: {  	_ =	swait.ge [sflag:s21], $0x3C00  }
0x200: {  	[sflag:s21] =	ssyncset.done $0x0  }
0x201: {  	[sflag:s21] =	ssyncadd.s32 $0xFFFFC400  }
0x202: {  	[tilespmem:s19], [sflag:$0x7] =	stream.linear.gather [spmem:s3], $0x1000, $0x38;
	[tilespmem:$0x1B800] =	vst v63  }
0x203: {  	_ =	swait.ge [sflag:s21], $0x1000  }
0x204: {  	[sflag:s21] =	ssyncset.done $0x0  }
0x205: {  	s28 =	rddreg [dreg:$0x15];
	[sflag:s21] =	ssyncadd.s32 $0xFFFFF000  }
0x206: {  	[hbm4b:s28+s4] =	stream.linear.scatter [tilespmem:s19], [sflag:$0x7], $0x1000, $0x38;
	[tilespmem:$0x1B800] =	vst v63  }
0x207: {  	_ =	swait.ge [sflag:s21], $0x1000  }
0x208: {  	s29 =	sld [smem:$0x7FB];
	_ =	sdelay $0x1  }
0x209: {  	s10 =	sadd.s32 $0x1, s10  }
0x20a: {  	p0 =	sne.s32 s10, s29  }
.Ltmp4:
0x20b: {  	_ = 	snop;
	(pc) =	sbr.rel @p0 .LBB2_1-.Ltmp4, $3  }
0x20c: {  	_ =	sdelay $0x1  }
0x20d: {  	[sflag:s21] =	ssyncset.done $0x0  }
0x20e: {  	[sflag:s21] =	ssyncadd.s32 $0xFFFFF000  }
0x20f: {  	_ =	sfence.sel $0x180000  }
0x210: {  	[bflag:$0x0] =	sbarrier.arrive $0xFFFF  }
0x211: {  	_ =	strace $0x90000047  }
0x212: {  	s0 =	stileid.u32;
	[bflag:$0x2] =	sbarrier.arrive $0xFFFF  }
0x213: {  	p0 =	sne.s32 s0, $0x0;
	s0 =	rddreg [dreg:$0x3]  }
0x214: {  	s0 =	sadd.s32 @!p0 $0x100000, s0  }
0x215: {  	[sflag:s0] =	ssyncadd.tile.s32 @!p0 $0x1;
	_ =	shalt  }
.Lfunc_end2:
_tile_overlayer_lowered:
.L_overlay_start_2:
0x216: {  	(tag) =	ssettag $0x2  }
0x217: {  	s0 =	rddreg [dreg:$0x0];
	s2 =	stileid.u32  }
0x218: {  	s1 =	rddreg [dreg:$0x1];
	p0 =	sne.s32 s2, $0x0  }
0x219: {  	s3 =	rddreg [dreg:$0x2];
	[bflag:$0x3] =	sbarrier.arrive $0xFFFF;
	s2 =	simm.s32 @!p0 $0x1C07  }
0x21a: {  	[timem:s3], [sflag:s2] =	dma.local @!p0 [hbm:s0], s1  }
0x21b: {  	s0 =	simm.s32 @!p0 $0x7  }
0x21c: {  	_ =	swait.ge @!p0 [sflag:s0], s1  }
0x21d: {  	s1 =	ssub.s32 @!p0 $0x0, s1;
	[sflag:s0] =	ssyncset.done @!p0 $0x0  }
0x21e: {  	[sflag:s0] =	ssyncadd.s32 @!p0 s1  }
0x21f: {  	[bflag:$0x3] =	sbarrier.arrive $0xFFFF  }
0x220: {  	_ =	shalt  }

</sc_bundles>
